<compile_context>
chip_gen: v7x
topology: tpu7x:2x2x1
jax: 0.10.2.dev20260603
libtpu: 0.0.44.dev20260713+nightly
codegen_flags: <defaults>
</compile_context>

<pallas_src>
import functools

import jax
import jax.numpy as jnp
from jax import lax
from jax.experimental import pallas as pl
from jax.experimental.pallas import tpu as pltpu
from jax.experimental.pallas import tpu_sc as plsc

N = 10000
NP = 10112
D = 128
E = 320000

NC = 2
NS = 16
L = 16
NW = NC * NS

CHUNK = 64
EPW = 10240
E_PAD = NW * EPW
NCHUNK = EPW // CHUNK
IDX_BLK = 16
NBLK = NCHUNK // IDX_BLK
RPT = NP // NS
NPD = 10240
RPTD = NPD // NS

ROW_BLK = 1264
GRID = NP // ROW_BLK



def _sc_edge_body(ft_hbm, src_hbm, dst_hbm, a_hbm, z2_hbm, z1_hbm,
                  u_out, den_out,
                  src_idx, dst_idx, rows_s, rows_d, ex_v, a_v,
                  u_sh, den_sh,
                  sem_gs, sem_gd, sem_u, sem_den, sem_is, sem_id):
    c = lax.axis_index("c")
    s = lax.axis_index("s")
    w = c * NS + s

    pltpu.sync_copy(z2_hbm.at[pl.ds(s * RPT, RPT)],
                    u_sh.at[pl.ds(s * RPT, RPT)])
    pltpu.sync_copy(z1_hbm.at[pl.ds(s * RPTD, RPTD)],
                    den_sh.at[pl.ds(s * RPTD, RPTD)])
    pltpu.sync_copy(a_hbm, a_v)
    avs = [a_v[pl.ds(jd * L, L)] for jd in range(D // L)]
    lane = lax.iota(jnp.int32, L)
    lane0 = lane == 0
    splat15 = jnp.full((L,), L - 1, jnp.int32)
    plsc.subcore_barrier()

    def idx_row(buf, jg):
        b = jg // IDX_BLK
        return buf.at[lax.rem(b, 2), jg - b * IDX_BLK]

    def issue_gathers(jn):
        pltpu.async_copy(ft_hbm.at[idx_row(src_idx, jn)],
                         rows_s.at[lax.rem(jn, 2)],
                         sem_gs.at[lax.rem(jn, 2)])
        pltpu.async_copy(ft_hbm.at[idx_row(dst_idx, jn)],
                         rows_d.at[lax.rem(jn, 3)],
                         sem_gd.at[lax.rem(jn, 3)])

    pltpu.sync_copy(src_hbm.at[pl.ds(w * NCHUNK, IDX_BLK)], src_idx.at[0])
    pltpu.sync_copy(dst_hbm.at[pl.ds(w * NCHUNK, IDX_BLK)], dst_idx.at[0])
    pltpu.async_copy(src_hbm.at[pl.ds(w * NCHUNK + IDX_BLK, IDX_BLK)],
                     src_idx.at[1], sem_is)
    pltpu.async_copy(dst_hbm.at[pl.ds(w * NCHUNK + IDX_BLK, IDX_BLK)],
                     dst_idx.at[1], sem_id)
    issue_gathers(0)
    issue_gathers(1)

    def chunk_body(j, carry):
        slot2 = lax.rem(j, 2)
        slot3 = lax.rem(j, 3)
        b = j // IDX_BLK
        jj = j - b * IDX_BLK

        @pl.when(jnp.logical_and(jj == 0,
                                 jnp.logical_and(b >= 1, b < NBLK - 1)))
        def _():
            off = w * NCHUNK + (b + 1) * IDX_BLK
            sl = lax.rem(b + 1, 2)
            pltpu.async_copy(src_hbm.at[pl.ds(off, IDX_BLK)],
                             src_idx.at[sl], sem_is)
            pltpu.async_copy(dst_hbm.at[pl.ds(off, IDX_BLK)],
                             dst_idx.at[sl], sem_id)

        @pl.when(jnp.logical_and(jj == IDX_BLK - 2, b < NBLK - 1))
        def _():
            pltpu.make_async_copy(src_hbm.at[pl.ds(0, IDX_BLK)],
                                  src_idx.at[0], sem_is).wait()
            pltpu.make_async_copy(dst_hbm.at[pl.ds(0, IDX_BLK)],
                                  dst_idx.at[0], sem_id).wait()

        ebase = w * EPW + j * CHUNK
        real_j = ebase < E

        @pl.when(real_j)
        def _():
            pltpu.make_async_copy(ft_hbm.at[pl.ds(0, CHUNK)],
                                  rows_s.at[slot2], sem_gs.at[slot2]).wait()
            pltpu.make_async_copy(ft_hbm.at[pl.ds(0, CHUNK)],
                                  rows_d.at[slot3], sem_gd.at[slot3]).wait()
            @pl.when(j >= 2)
            def _():
                pltpu.make_async_copy(ex_v.at[slot2],
                                      den_sh.at[pl.ds(0, CHUNK)],
                                      sem_den.at[slot2]).wait()

            def edge_body(e, carry_e):
                srow = [rows_s[slot2, e, pl.ds(jd * L, L)]
                        for jd in range(D // L)]
                drow = [rows_d[slot3, e, pl.ds(jd * L, L)]
                        for jd in range(D // L)]
                acc = jnp.zeros((L,), jnp.float32)
                for jd in range(D // L):
                    t = srow[jd] + drow[jd]
                    lr = jnp.maximum(t, 0.2 * t)
                    acc = acc + avs[jd] * lr
                cum = plsc.cumsum(acc)
                tot = cum.at[splat15].get(mode="promise_in_bounds")
                ex = jnp.exp(tot)
                plsc.store_scatter(ex_v,
                                   [jnp.full((L,), slot2, jnp.int32),
                                    jnp.full((L,), e, jnp.int32)], ex,
                                   mask=lane0)
                for jd in range(D // L):
                    rows_d[slot3, e, pl.ds(jd * L, L)] = srow[jd] * ex
                return carry_e

            lax.fori_loop(0, CHUNK, edge_body, 0, unroll=2)

            pltpu.async_copy(rows_d.at[slot3], u_sh.at[idx_row(dst_idx, j)],
                             sem_u.at[slot3], add=True)
            pltpu.async_copy(ex_v.at[slot2], den_sh.at[idx_row(dst_idx, j)],
                             sem_den.at[slot2], add=True)

        jn = j + 2

        @pl.when(jnp.logical_and(jn < NCHUNK, w * EPW + jn * CHUNK < E))
        def _():
            pltpu.async_copy(ft_hbm.at[idx_row(src_idx, jn)],
                             rows_s.at[lax.rem(jn, 2)],
                             sem_gs.at[lax.rem(jn, 2)])
            @pl.when(j >= 1)
            def _():
                pltpu.make_async_copy(rows_d.at[lax.rem(jn, 3)],
                                      u_sh.at[pl.ds(0, CHUNK)],
                                      sem_u.at[lax.rem(jn, 3)]).wait()
            pltpu.async_copy(ft_hbm.at[idx_row(dst_idx, jn)],
                             rows_d.at[lax.rem(jn, 3)],
                             sem_gd.at[lax.rem(jn, 3)])

        return carry

    lax.fori_loop(0, NCHUNK, chunk_body, 0)

    for t in range(3):
        sl = (NCHUNK - 3 + t) % 3
        pltpu.make_async_copy(rows_d.at[sl], u_sh.at[pl.ds(0, CHUNK)],
                              sem_u.at[sl]).wait()
    for t in range(2):
        sl = (NCHUNK - 2 + t) % 2
        pltpu.make_async_copy(ex_v.at[sl], den_sh.at[pl.ds(0, CHUNK)],
                              sem_den.at[sl]).wait()

    plsc.subcore_barrier()
    pltpu.sync_copy(u_sh.at[pl.ds(s * RPT, RPT)],
                    u_out.at[pl.ds(c * NP + s * RPT, RPT)])
    pltpu.sync_copy(den_sh.at[pl.ds(s * RPTD, RPTD)],
                    den_out.at[pl.ds(c * NPD + s * RPTD, RPTD)])


_sc_edge = pl.kernel(
    _sc_edge_body,
    out_type=[
        jax.ShapeDtypeStruct((NC * NP, D), jnp.float32),
        jax.ShapeDtypeStruct((NC * NPD,), jnp.float32),
    ],
    mesh=plsc.VectorSubcoreMesh(core_axis_name="c", subcore_axis_name="s"),
    compiler_params=pltpu.CompilerParams(needs_layout_passes=False),
    scratch_types=[
        pltpu.VMEM((2, IDX_BLK, CHUNK), jnp.int32),
        pltpu.VMEM((2, IDX_BLK, CHUNK), jnp.int32),
        pltpu.VMEM((2, CHUNK, D), jnp.float32),
        pltpu.VMEM((3, CHUNK, D), jnp.float32),
        pltpu.VMEM((2, CHUNK), jnp.float32),
        pltpu.VMEM((D,), jnp.float32),
        pltpu.VMEM_SHARED((NP, D), jnp.float32),
        pltpu.VMEM_SHARED((NPD,), jnp.float32),
        pltpu.SemaphoreType.DMA((2,)),
        pltpu.SemaphoreType.DMA((3,)),
        pltpu.SemaphoreType.DMA((3,)),
        pltpu.SemaphoreType.DMA((2,)),
        pltpu.SemaphoreType.DMA,
        pltpu.SemaphoreType.DMA,
    ],
)



def _mm_body(x_ref, w_ref, o_ref):
    o_ref[...] = jnp.dot(x_ref[...], w_ref[...],
                         preferred_element_type=jnp.float32)


_mm = pl.pallas_call(
    _mm_body,
    grid=(GRID,),
    in_specs=[
        pl.BlockSpec((ROW_BLK, D), lambda i: (i, 0)),
        pl.BlockSpec((D, D), lambda i: (0, 0)),
    ],
    out_specs=pl.BlockSpec((ROW_BLK, D), lambda i: (i, 0)),
    out_shape=jax.ShapeDtypeStruct((NP, D), jnp.float32),
)


def _combine_body(u_ref, den_ref, res_ref, w_ref, h_ref, ft_ref):
    u = u_ref[0] + u_ref[1]
    dsum = den_ref[:, 0:1] + den_ref[:, 1:2]
    dsafe = jnp.where(dsum == 0.0, 1.0, dsum)
    v = u / dsafe + res_ref[...]
    h = jnp.where(v > 0, v, jnp.exp(v) - 1.0)
    h_ref[...] = h
    ft_ref[...] = jnp.dot(h, w_ref[...], preferred_element_type=jnp.float32)


_combine = pl.pallas_call(
    _combine_body,
    grid=(GRID,),
    in_specs=[
        pl.BlockSpec((NC, ROW_BLK, D), lambda i: (0, i, 0)),
        pl.BlockSpec((ROW_BLK, NC), lambda i: (i, 0)),
        pl.BlockSpec((ROW_BLK, D), lambda i: (i, 0)),
        pl.BlockSpec((D, D), lambda i: (0, 0)),
    ],
    out_specs=[
        pl.BlockSpec((ROW_BLK, D), lambda i: (i, 0)),
        pl.BlockSpec((ROW_BLK, D), lambda i: (i, 0)),
    ],
    out_shape=[
        jax.ShapeDtypeStruct((NP, D), jnp.float32),
        jax.ShapeDtypeStruct((NP, D), jnp.float32),
    ],
)


def _final_body(u_ref, den_ref, res_ref, o_ref):
    i = pl.program_id(0)
    u = u_ref[0] + u_ref[1]
    dsum = den_ref[:, 0:1] + den_ref[:, 1:2]
    dsafe = jnp.where(dsum == 0.0, 1.0, dsum)
    v = u / dsafe + res_ref[...]
    h = jnp.where(v > 0, v, jnp.exp(v) - 1.0)
    part = jnp.sum(h, axis=0, keepdims=True) * (1.0 / N)

    @pl.when(i == 0)
    def _():
        o_ref[...] = jnp.zeros_like(o_ref)

    o_ref[...] += part


_final = pl.pallas_call(
    _final_body,
    grid=(GRID,),
    in_specs=[
        pl.BlockSpec((NC, ROW_BLK, D), lambda i: (0, i, 0)),
        pl.BlockSpec((ROW_BLK, NC), lambda i: (i, 0)),
        pl.BlockSpec((ROW_BLK, D), lambda i: (i, 0)),
    ],
    out_specs=pl.BlockSpec((1, D), lambda i: (0, 0)),
    out_shape=jax.ShapeDtypeStruct((1, D), jnp.float32),
)



def kernel(x, edge_index, W0, a0, W1, a1, W2, a2):
    src = edge_index[0].astype(jnp.int32)
    dst = edge_index[1].astype(jnp.int32)
    pad_src = jnp.zeros((E_PAD - E,), jnp.int32)
    pad_dst = N + (jnp.arange(E_PAD - E, dtype=jnp.int32) % (NP - N))
    src2d = jnp.concatenate([src, pad_src]).reshape(NW * NCHUNK, CHUNK)
    dst2d = jnp.concatenate([dst, pad_dst]).reshape(NW * NCHUNK, CHUNK)
    z2 = jnp.zeros((NP, D), jnp.float32)
    z1 = jnp.zeros((NPD,), jnp.float32)
    zres = jnp.zeros((NP, D), jnp.float32)
    xp = jnp.concatenate([x, jnp.zeros((NP - N, D), jnp.float32)])

    ft = _mm(xp, W0)
    u, den = _sc_edge(ft, src2d, dst2d, a0.reshape(D), z2, z1)
    h1, ft = _combine(u.reshape(NC, NP, D), den.reshape(NC, NPD)[:, :NP].T, zres, W1)
    u, den = _sc_edge(ft, src2d, dst2d, a1.reshape(D), z2, z1)
    h2, ft = _combine(u.reshape(NC, NP, D), den.reshape(NC, NPD)[:, :NP].T, h1, W2)
    u, den = _sc_edge(ft, src2d, dst2d, a2.reshape(D), z2, z1)
    return _final(u.reshape(NC, NP, D), den.reshape(NC, NPD)[:, :NP].T, h2)

# --- scband reference (transcript-rebuilt; emitter-appended) ---
"""Pipeline reference for scband-gat-43782896615721 (READ-ONLY COPY).

The authoritative reference and input builder live on the scoring server;
editing this copy changes nothing except your own understanding.
"""

import jax, jax.numpy as jnp
import numpy as np

N = 10000
E = 320000
D_IN = 128
H = 1
D_HID = 128


def _gatv2_layer(h, src, dst, W, a, residual):
    n = h.shape[0]
    ft = (h @ W).reshape(n, H, D_HID)
    el = ft[src]
    er = ft[dst]
    e = jax.nn.leaky_relu(el + er, negative_slope=0.2)
    logits = (e * a[None, :, :]).sum(-1)  # [E, H]
    m = jax.ops.segment_max(logits, dst, num_segments=n)
    m = jnp.where(jnp.isfinite(m), m, 0.0)
    ex = jnp.exp(logits - m[dst])
    denom = jax.ops.segment_sum(ex, dst, num_segments=n)
    denom = jnp.where(denom == 0.0, 1.0, denom)
    alpha = ex / denom[dst]
    out = jax.ops.segment_sum(alpha[:, :, None] * ft[src], dst, num_segments=n)
    if residual:
        out = out + h.reshape(n, H, D_HID)
    out = jax.nn.elu(out)
    return out.reshape(n, H * D_HID)


def setup_inputs(seed: int = 0) -> dict:
    key = jax.random.key(seed)
    ks = jax.random.split(key, 8)
    x = jax.random.normal(ks[0], (N, D_IN), dtype=jnp.float32)
    edge_index = jax.random.randint(ks[1], (2, E), 0, N, dtype=jnp.int64)
    s0 = 1.0 / np.sqrt(D_IN)
    s1 = 1.0 / np.sqrt(H * D_HID)
    W0 = jax.random.uniform(ks[2], (D_IN, H * D_HID), jnp.float32, -s0, s0)
    a0 = jax.random.uniform(ks[3], (H, D_HID), jnp.float32, -s1, s1)
    W1 = jax.random.uniform(ks[4], (H * D_HID, H * D_HID), jnp.float32, -s1, s1)
    a1 = jax.random.uniform(ks[5], (H, D_HID), jnp.float32, -s1, s1)
    W2 = jax.random.uniform(ks[6], (H * D_HID, H * D_HID), jnp.float32, -s1, s1)
    a2 = jax.random.uniform(ks[7], (H, D_HID), jnp.float32, -s1, s1)
    return {"x": x, "edge_index": edge_index, "W0": W0, "a0": a0, "W1": W1, "a1": a1, "W2": W2, "a2": a2}


def reference(x, edge_index, W0, a0, W1, a1, W2, a2):
    src = edge_index[0]
    dst = edge_index[1]
    h = _gatv2_layer(x, src, dst, W0, a0, residual=False)
    h = _gatv2_layer(h, src, dst, W1, a1, residual=True)
    h = _gatv2_layer(h, src, dst, W2, a2, residual=True)
    return jnp.mean(h, axis=0, keepdims=True)

if __name__ == "__main__":
    import jax
    _d = setup_inputs()
    print(jax.jit(kernel)(*tuple(_d.values())))

</pallas_src>

<mosaic_0001>
#map = affine_map<(d0, d1) -> (0, 0)>
#map1 = affine_map<(d0, d1) -> (0)>
module attributes {stable_mosaic.version = 14 : i64} {
  func.func @_sc_edge_body(%arg0: i32, %arg1: i32, %arg2: memref<10112x128xf32, #tpu.memory_space<hbm>>, %arg3: memref<5120x64xi32, #tpu.memory_space<hbm>>, %arg4: memref<5120x64xi32, #tpu.memory_space<hbm>>, %arg5: memref<128xf32, #tpu.memory_space<hbm>>, %arg6: memref<10112x128xf32, #tpu.memory_space<hbm>>, %arg7: memref<10240xf32, #tpu.memory_space<hbm>>, %arg8: memref<20224x128xf32, #tpu.memory_space<hbm>>, %arg9: memref<20480xf32, #tpu.memory_space<hbm>>, %arg10: memref<2x16x64xi32, #tpu.memory_space<vmem>>, %arg11: memref<2x16x64xi32, #tpu.memory_space<vmem>>, %arg12: memref<2x64x128xf32, #tpu.memory_space<vmem>>, %arg13: memref<3x64x128xf32, #tpu.memory_space<vmem>>, %arg14: memref<2x64xf32, #tpu.memory_space<vmem>>, %arg15: memref<128xf32, #tpu.memory_space<vmem>>, %arg16: memref<10112x128xf32, #tpu.memory_space<vmem_shared>>, %arg17: memref<10240xf32, #tpu.memory_space<vmem_shared>>, %arg18: memref<2x!tpu.dma_semaphore, #tpu.memory_space<semaphore_mem>>, %arg19: memref<3x!tpu.dma_semaphore, #tpu.memory_space<semaphore_mem>>, %arg20: memref<3x!tpu.dma_semaphore, #tpu.memory_space<semaphore_mem>>, %arg21: memref<2x!tpu.dma_semaphore, #tpu.memory_space<semaphore_mem>>, %arg22: memref<!tpu.dma_semaphore, #tpu.memory_space<semaphore_mem>>, %arg23: memref<!tpu.dma_semaphore, #tpu.memory_space<semaphore_mem>>) attributes {dimension_semantics = [#tpu.dimension_semantics<core_parallel>, #tpu.dimension_semantics<subcore_parallel>], iteration_bounds = array<i64: 2, 16>, scalar_prefetch = 0 : i64, scratch_operands = 14 : i64, tpu.core_type = #tpu.core_type<sc_vector_subcore>, window_params = [{transform_indices = #map}, {transform_indices = #map}, {transform_indices = #map}, {transform_indices = #map1}, {transform_indices = #map}, {transform_indices = #map1}, {transform_indices = #map}, {transform_indices = #map1}]} {
    %mul3A = arith.constant 16 : i32
    %mul3A_0 = arith.muli %arg0, %mul3A : i32
    %add3A = arith.addi %mul3A_0, %arg1 : i32
    %mul3A_1 = arith.constant 632 : i32
    %mul3A_2 = arith.muli %arg1, %mul3A_1 : i32
    %mul3A_3 = arith.constant 632 : i32
    %mul3A_4 = arith.muli %arg1, %mul3A_3 : i32
    "tpu.region"() ({
      %run_scoped3A_253 = tpu.sem_alloc : memref<!tpu.dma_semaphore, #tpu.memory_space<semaphore_mem>>
      %dma_start3A_254 = arith.constant 0 : i32
      %dma_start3A_255 = tpu.memref_slice %arg16[%mul3A_4, %dma_start3A_254] : memref<10112x128xf32, #tpu.memory_space<vmem_shared>> -> memref<632x128xf32, #tpu.memory_space<vmem_shared>>
      %dma_start3A_256 = arith.constant 0 : i32
      %dma_start3A_257 = tpu.memref_slice %arg6[%mul3A_2, %dma_start3A_256] : memref<10112x128xf32, #tpu.memory_space<hbm>> -> memref<632x128xf32, #tpu.memory_space<hbm>>
      tpu.enqueue_dma source(%dma_start3A_257 : memref<632x128xf32, #tpu.memory_space<hbm>>) target(%dma_start3A_255 : memref<632x128xf32, #tpu.memory_space<vmem_shared>>) target_semaphore(%run_scoped3A_253 : memref<!tpu.dma_semaphore, #tpu.memory_space<semaphore_mem>>)
      %dma_wait3A_258 = arith.constant 0 : i32
      %dma_wait3A_259 = tpu.memref_slice %arg16[%mul3A_4, %dma_wait3A_258] : memref<10112x128xf32, #tpu.memory_space<vmem_shared>> -> memref<632x128xf32, #tpu.memory_space<vmem_shared>>
      %dma_wait3A_260 = arith.constant 0 : i32
      %dma_wait3A_261 = tpu.memref_slice %arg6[%mul3A_2, %dma_wait3A_260] : memref<10112x128xf32, #tpu.memory_space<hbm>> -> memref<632x128xf32, #tpu.memory_space<hbm>>
      tpu.wait_dma2 semaphore(%run_scoped3A_253 : memref<!tpu.dma_semaphore, #tpu.memory_space<semaphore_mem>>) src(%dma_wait3A_261 : memref<632x128xf32, #tpu.memory_space<hbm>>) dst(%dma_wait3A_259 : memref<632x128xf32, #tpu.memory_space<vmem_shared>>)
      tpu.yield
    }) : () -> ()
    %mul3A_5 = arith.constant 640 : i32
    %mul3A_6 = arith.muli %arg1, %mul3A_5 : i32
    %mul3A_7 = arith.constant 640 : i32
    %mul3A_8 = arith.muli %arg1, %mul3A_7 : i32
    "tpu.region"() ({
      %run_scoped3A_253 = tpu.sem_alloc : memref<!tpu.dma_semaphore, #tpu.memory_space<semaphore_mem>>
      %dma_start3A_254 = tpu.memref_slice %arg17[%mul3A_8] : memref<10240xf32, #tpu.memory_space<vmem_shared>> -> memref<640xf32, #tpu.memory_space<vmem_shared>>
      %dma_start3A_255 = tpu.memref_slice %arg7[%mul3A_6] : memref<10240xf32, #tpu.memory_space<hbm>> -> memref<640xf32, #tpu.memory_space<hbm>>
      tpu.enqueue_dma source(%dma_start3A_255 : memref<640xf32, #tpu.memory_space<hbm>>) target(%dma_start3A_254 : memref<640xf32, #tpu.memory_space<vmem_shared>>) target_semaphore(%run_scoped3A_253 : memref<!tpu.dma_semaphore, #tpu.memory_space<semaphore_mem>>)
      %dma_wait3A_256 = tpu.memref_slice %arg17[%mul3A_8] : memref<10240xf32, #tpu.memory_space<vmem_shared>> -> memref<640xf32, #tpu.memory_space<vmem_shared>>
      %dma_wait3A_257 = tpu.memref_slice %arg7[%mul3A_6] : memref<10240xf32, #tpu.memory_space<hbm>> -> memref<640xf32, #tpu.memory_space<hbm>>
      tpu.wait_dma2 semaphore(%run_scoped3A_253 : memref<!tpu.dma_semaphore, #tpu.memory_space<semaphore_mem>>) src(%dma_wait3A_257 : memref<640xf32, #tpu.memory_space<hbm>>) dst(%dma_wait3A_256 : memref<640xf32, #tpu.memory_space<vmem_shared>>)
      tpu.yield
    }) : () -> ()
    "tpu.region"() ({
      %run_scoped3A_253 = tpu.sem_alloc : memref<!tpu.dma_semaphore, #tpu.memory_space<semaphore_mem>>
      tpu.enqueue_dma source(%arg5 : memref<128xf32, #tpu.memory_space<hbm>>) target(%arg15 : memref<128xf32, #tpu.memory_space<vmem>>) target_semaphore(%run_scoped3A_253 : memref<!tpu.dma_semaphore, #tpu.memory_space<semaphore_mem>>)
      tpu.wait_dma2 semaphore(%run_scoped3A_253 : memref<!tpu.dma_semaphore, #tpu.memory_space<semaphore_mem>>) src(%arg5 : memref<128xf32, #tpu.memory_space<hbm>>) dst(%arg15 : memref<128xf32, #tpu.memory_space<vmem>>)
      tpu.yield
    }) : () -> ()
    %get3A = arith.constant 0 : index
    %get3A_9 = tpu.vector_load %arg15[%get3A] {strides = array<i32>} : memref<128xf32, #tpu.memory_space<vmem>>, vector<16xf32>,
    %get3A_10 = arith.constant 16 : index
    %get3A_11 = tpu.vector_load %arg15[%get3A_10] {strides = array<i32>} : memref<128xf32, #tpu.memory_space<vmem>>, vector<16xf32>,
    %get3A_12 = arith.constant 32 : index
    %get3A_13 = tpu.vector_load %arg15[%get3A_12] {strides = array<i32>} : memref<128xf32, #tpu.memory_space<vmem>>, vector<16xf32>,
    %get3A_14 = arith.constant 48 : index
    %get3A_15 = tpu.vector_load %arg15[%get3A_14] {strides = array<i32>} : memref<128xf32, #tpu.memory_space<vmem>>, vector<16xf32>,
    %get3A_16 = arith.constant 64 : index
    %get3A_17 = tpu.vector_load %arg15[%get3A_16] {strides = array<i32>} : memref<128xf32, #tpu.memory_space<vmem>>, vector<16xf32>,
    %get3A_18 = arith.constant 80 : index
    %get3A_19 = tpu.vector_load %arg15[%get3A_18] {strides = array<i32>} : memref<128xf32, #tpu.memory_space<vmem>>, vector<16xf32>,
    %get3A_20 = arith.constant 96 : index
    %get3A_21 = tpu.vector_load %arg15[%get3A_20] {strides = array<i32>} : memref<128xf32, #tpu.memory_space<vmem>>, vector<16xf32>,
    %get3A_22 = arith.constant 112 : index
    %get3A_23 = tpu.vector_load %arg15[%get3A_22] {strides = array<i32>} : memref<128xf32, #tpu.memory_space<vmem>>, vector<16xf32>,
    %iota3A = tpu.iota {dimensions = array<i32: 0>} : vector<16xi32>
    %eq3A = arith.constant 0 : i32
    %eq3A_24 = vector.broadcast %eq3A : i32 to vector<16xi32>
    %eq3A_25 = arith.cmpi eq, %iota3A, %eq3A_24 : vector<16xi32>
    %broadcast_in_dim3A = arith.constant 15 : i32
    %broadcast_in_dim3A_26 = vector.broadcast %broadcast_in_dim3A : i32 to vector<16xi32>
    %barrier3A = arith.constant 0 : index
    tpu.barrier barrier_id(%barrier3A)
    %mul3A_27 = arith.constant 160 : i32
    %mul3A_28 = arith.muli %add3A, %mul3A_27 : i32
    %run_scoped3A = arith.constant 0 : i32
    "tpu.region"() ({
      %run_scoped3A_253 = tpu.sem_alloc : memref<!tpu.dma_semaphore, #tpu.memory_space<semaphore_mem>>
      %dma_start3A_254 = arith.constant 0 : i32
      %dma_start3A_255 = arith.constant 0 : i32
      %dma_start3A_256 = tpu.memref_slice %arg10[%run_scoped3A, %dma_start3A_254, %dma_start3A_255] : memref<2x16x64xi32, #tpu.memory_space<vmem>> -> memref<1x16x64xi32, #tpu.memory_space<vmem>>
      %dma_start3A_257 = tpu.memref_squeeze %dma_start3A_256 : memref<1x16x64xi32, #tpu.memory_space<vmem>> -> memref<16x64xi32, #tpu.memory_space<vmem>>
      %dma_start3A_258 = arith.constant 0 : i32
      %dma_start3A_259 = tpu.memref_slice %arg3[%mul3A_28, %dma_start3A_258] : memref<5120x64xi32, #tpu.memory_space<hbm>> -> memref<16x64xi32, #tpu.memory_space<hbm>>
      %dma_start3A_260 = arith.constant 0 : i32
      %dma_start3A_261 = arith.constant 0 : i32
      %dma_start3A_262 = tpu.memref_slice %arg10[%run_scoped3A, %dma_start3A_260, %dma_start3A_261] : memref<2x16x64xi32, #tpu.memory_space<vmem>> -> memref<1x16x64xi32, #tpu.memory_space<vmem>>
      %dma_start3A_263 = tpu.memref_squeeze %dma_start3A_262 : memref<1x16x64xi32, #tpu.memory_space<vmem>> -> memref<16x64xi32, #tpu.memory_space<vmem>>
      %dma_start3A_264 = arith.constant 0 : i32
      %dma_start3A_265 = tpu.memref_slice %arg3[%mul3A_28, %dma_start3A_264] : memref<5120x64xi32, #tpu.memory_space<hbm>> -> memref<16x64xi32, #tpu.memory_space<hbm>>
      tpu.enqueue_dma source(%dma_start3A_265 : memref<16x64xi32, #tpu.memory_space<hbm>>) target(%dma_start3A_263 : memref<16x64xi32, #tpu.memory_space<vmem>>) target_semaphore(%run_scoped3A_253 : memref<!tpu.dma_semaphore, #tpu.memory_space<semaphore_mem>>)
      %dma_wait3A_266 = arith.constant 0 : i32
      %dma_wait3A_267 = arith.constant 0 : i32
      %dma_wait3A_268 = tpu.memref_slice %arg10[%run_scoped3A, %dma_wait3A_266, %dma_wait3A_267] : memref<2x16x64xi32, #tpu.memory_space<vmem>> -> memref<1x16x64xi32, #tpu.memory_space<vmem>>
      %dma_wait3A_269 = tpu.memref_squeeze %dma_wait3A_268 : memref<1x16x64xi32, #tpu.memory_space<vmem>> -> memref<16x64xi32, #tpu.memory_space<vmem>>
      %dma_wait3A_270 = arith.constant 0 : i32
      %dma_wait3A_271 = tpu.memref_slice %arg3[%mul3A_28, %dma_wait3A_270] : memref<5120x64xi32, #tpu.memory_space<hbm>> -> memref<16x64xi32, #tpu.memory_space<hbm>>
      %dma_wait3A_272 = arith.constant 0 : i32
      %dma_wait3A_273 = arith.constant 0 : i32
      %dma_wait3A_274 = tpu.memref_slice %arg10[%run_scoped3A, %dma_wait3A_272, %dma_wait3A_273] : memref<2x16x64xi32, #tpu.memory_space<vmem>> -> memref<1x16x64xi32, #tpu.memory_space<vmem>>
      %dma_wait3A_275 = tpu.memref_squeeze %dma_wait3A_274 : memref<1x16x64xi32, #tpu.memory_space<vmem>> -> memref<16x64xi32, #tpu.memory_space<vmem>>
      %dma_wait3A_276 = arith.constant 0 : i32
      %dma_wait3A_277 = tpu.memref_slice %arg3[%mul3A_28, %dma_wait3A_276] : memref<5120x64xi32, #tpu.memory_space<hbm>> -> memref<16x64xi32, #tpu.memory_space<hbm>>
      tpu.wait_dma2 semaphore(%run_scoped3A_253 : memref<!tpu.dma_semaphore, #tpu.memory_space<semaphore_mem>>) src(%dma_wait3A_277 : memref<16x64xi32, #tpu.memory_space<hbm>>) dst(%dma_wait3A_275 : memref<16x64xi32, #tpu.memory_space<vmem>>)
      tpu.yield
    }) : () -> ()
    %mul3A_29 = arith.constant 160 : i32
    %mul3A_30 = arith.muli %add3A, %mul3A_29 : i32
    %run_scoped3A_31 = arith.constant 0 : i32
    "tpu.region"() ({
      %run_scoped3A_253 = tpu.sem_alloc : memref<!tpu.dma_semaphore, #tpu.memory_space<semaphore_mem>>
      %dma_start3A_254 = arith.constant 0 : i32
      %dma_start3A_255 = arith.constant 0 : i32
      %dma_start3A_256 = tpu.memref_slice %arg11[%run_scoped3A_31, %dma_start3A_254, %dma_start3A_255] : memref<2x16x64xi32, #tpu.memory_space<vmem>> -> memref<1x16x64xi32, #tpu.memory_space<vmem>>
      %dma_start3A_257 = tpu.memref_squeeze %dma_start3A_256 : memref<1x16x64xi32, #tpu.memory_space<vmem>> -> memref<16x64xi32, #tpu.memory_space<vmem>>
      %dma_start3A_258 = arith.constant 0 : i32
      %dma_start3A_259 = tpu.memref_slice %arg4[%mul3A_30, %dma_start3A_258] : memref<5120x64xi32, #tpu.memory_space<hbm>> -> memref<16x64xi32, #tpu.memory_space<hbm>>
      %dma_start3A_260 = arith.constant 0 : i32
      %dma_start3A_261 = arith.constant 0 : i32
      %dma_start3A_262 = tpu.memref_slice %arg11[%run_scoped3A_31, %dma_start3A_260, %dma_start3A_261] : memref<2x16x64xi32, #tpu.memory_space<vmem>> -> memref<1x16x64xi32, #tpu.memory_space<vmem>>
      %dma_start3A_263 = tpu.memref_squeeze %dma_start3A_262 : memref<1x16x64xi32, #tpu.memory_space<vmem>> -> memref<16x64xi32, #tpu.memory_space<vmem>>
      %dma_start3A_264 = arith.constant 0 : i32
      %dma_start3A_265 = tpu.memref_slice %arg4[%mul3A_30, %dma_start3A_264] : memref<5120x64xi32, #tpu.memory_space<hbm>> -> memref<16x64xi32, #tpu.memory_space<hbm>>
      tpu.enqueue_dma source(%dma_start3A_265 : memref<16x64xi32, #tpu.memory_space<hbm>>) target(%dma_start3A_263 : memref<16x64xi32, #tpu.memory_space<vmem>>) target_semaphore(%run_scoped3A_253 : memref<!tpu.dma_semaphore, #tpu.memory_space<semaphore_mem>>)
      %dma_wait3A_266 = arith.constant 0 : i32
      %dma_wait3A_267 = arith.constant 0 : i32
      %dma_wait3A_268 = tpu.memref_slice %arg11[%run_scoped3A_31, %dma_wait3A_266, %dma_wait3A_267] : memref<2x16x64xi32, #tpu.memory_space<vmem>> -> memref<1x16x64xi32, #tpu.memory_space<vmem>>
      %dma_wait3A_269 = tpu.memref_squeeze %dma_wait3A_268 : memref<1x16x64xi32, #tpu.memory_space<vmem>> -> memref<16x64xi32, #tpu.memory_space<vmem>>
      %dma_wait3A_270 = arith.constant 0 : i32
      %dma_wait3A_271 = tpu.memref_slice %arg4[%mul3A_30, %dma_wait3A_270] : memref<5120x64xi32, #tpu.memory_space<hbm>> -> memref<16x64xi32, #tpu.memory_space<hbm>>
      %dma_wait3A_272 = arith.constant 0 : i32
      %dma_wait3A_273 = arith.constant 0 : i32
      %dma_wait3A_274 = tpu.memref_slice %arg11[%run_scoped3A_31, %dma_wait3A_272, %dma_wait3A_273] : memref<2x16x64xi32, #tpu.memory_space<vmem>> -> memref<1x16x64xi32, #tpu.memory_space<vmem>>
      %dma_wait3A_275 = tpu.memref_squeeze %dma_wait3A_274 : memref<1x16x64xi32, #tpu.memory_space<vmem>> -> memref<16x64xi32, #tpu.memory_space<vmem>>
      %dma_wait3A_276 = arith.constant 0 : i32
      %dma_wait3A_277 = tpu.memref_slice %arg4[%mul3A_30, %dma_wait3A_276] : memref<5120x64xi32, #tpu.memory_space<hbm>> -> memref<16x64xi32, #tpu.memory_space<hbm>>
      tpu.wait_dma2 semaphore(%run_scoped3A_253 : memref<!tpu.dma_semaphore, #tpu.memory_space<semaphore_mem>>) src(%dma_wait3A_277 : memref<16x64xi32, #tpu.memory_space<hbm>>) dst(%dma_wait3A_275 : memref<16x64xi32, #tpu.memory_space<vmem>>)
      tpu.yield
    }) : () -> ()
    %mul3A_32 = arith.constant 160 : i32
    %mul3A_33 = arith.muli %add3A, %mul3A_32 : i32
    %add3A_34 = arith.constant 16 : i32
    %add3A_35 = arith.addi %mul3A_33, %add3A_34 : i32
    %dma_start3A = arith.constant 1 : i32
    %dma_start3A_36 = arith.constant 0 : i32
    %dma_start3A_37 = arith.constant 0 : i32
    %dma_start3A_38 = tpu.memref_slice %arg10[%dma_start3A, %dma_start3A_36, %dma_start3A_37] : memref<2x16x64xi32, #tpu.memory_space<vmem>> -> memref<1x16x64xi32, #tpu.memory_space<vmem>>
    %dma_start3A_39 = tpu.memref_squeeze %dma_start3A_38 : memref<1x16x64xi32, #tpu.memory_space<vmem>> -> memref<16x64xi32, #tpu.memory_space<vmem>>
    %dma_start3A_40 = arith.constant 0 : i32
    %dma_start3A_41 = tpu.memref_slice %arg3[%add3A_35, %dma_start3A_40] : memref<5120x64xi32, #tpu.memory_space<hbm>> -> memref<16x64xi32, #tpu.memory_space<hbm>>
    %dma_start3A_42 = arith.constant 0 : i32
    %dma_start3A_43 = arith.constant 0 : i32
    %dma_start3A_44 = tpu.memref_slice %arg10[%dma_start3A, %dma_start3A_42, %dma_start3A_43] : memref<2x16x64xi32, #tpu.memory_space<vmem>> -> memref<1x16x64xi32, #tpu.memory_space<vmem>>
    %dma_start3A_45 = tpu.memref_squeeze %dma_start3A_44 : memref<1x16x64xi32, #tpu.memory_space<vmem>> -> memref<16x64xi32, #tpu.memory_space<vmem>>
    %dma_start3A_46 = arith.constant 0 : i32
    %dma_start3A_47 = tpu.memref_slice %arg3[%add3A_35, %dma_start3A_46] : memref<5120x64xi32, #tpu.memory_space<hbm>> -> memref<16x64xi32, #tpu.memory_space<hbm>>
    tpu.enqueue_dma source(%dma_start3A_47 : memref<16x64xi32, #tpu.memory_space<hbm>>) target(%dma_start3A_45 : memref<16x64xi32, #tpu.memory_space<vmem>>) target_semaphore(%arg22 : memref<!tpu.dma_semaphore, #tpu.memory_space<semaphore_mem>>)
    %mul3A_48 = arith.constant 160 : i32
    %mul3A_49 = arith.muli %add3A, %mul3A_48 : i32
    %add3A_50 = arith.constant 16 : i32
    %add3A_51 = arith.addi %mul3A_49, %add3A_50 : i32
    %dma_start3A_52 = arith.constant 1 : i32
    %dma_start3A_53 = arith.constant 0 : i32
    %dma_start3A_54 = arith.constant 0 : i32
    %dma_start3A_55 = tpu.memref_slice %arg11[%dma_start3A_52, %dma_start3A_53, %dma_start3A_54] : memref<2x16x64xi32, #tpu.memory_space<vmem>> -> memref<1x16x64xi32, #tpu.memory_space<vmem>>
    %dma_start3A_56 = tpu.memref_squeeze %dma_start3A_55 : memref<1x16x64xi32, #tpu.memory_space<vmem>> -> memref<16x64xi32, #tpu.memory_space<vmem>>
    %dma_start3A_57 = arith.constant 0 : i32
    %dma_start3A_58 = tpu.memref_slice %arg4[%add3A_51, %dma_start3A_57] : memref<5120x64xi32, #tpu.memory_space<hbm>> -> memref<16x64xi32, #tpu.memory_space<hbm>>
    %dma_start3A_59 = arith.constant 0 : i32
    %dma_start3A_60 = arith.constant 0 : i32
    %dma_start3A_61 = tpu.memref_slice %arg11[%dma_start3A_52, %dma_start3A_59, %dma_start3A_60] : memref<2x16x64xi32, #tpu.memory_space<vmem>> -> memref<1x16x64xi32, #tpu.memory_space<vmem>>
    %dma_start3A_62 = tpu.memref_squeeze %dma_start3A_61 : memref<1x16x64xi32, #tpu.memory_space<vmem>> -> memref<16x64xi32, #tpu.memory_space<vmem>>
    %dma_start3A_63 = arith.constant 0 : i32
    %dma_start3A_64 = tpu.memref_slice %arg4[%add3A_51, %dma_start3A_63] : memref<5120x64xi32, #tpu.memory_space<hbm>> -> memref<16x64xi32, #tpu.memory_space<hbm>>
    tpu.enqueue_dma source(%dma_start3A_64 : memref<16x64xi32, #tpu.memory_space<hbm>>) target(%dma_start3A_62 : memref<16x64xi32, #tpu.memory_space<vmem>>) target_semaphore(%arg23 : memref<!tpu.dma_semaphore, #tpu.memory_space<semaphore_mem>>)
    %rem3A = arith.constant 0 : i32
    %rem3A_65 = arith.constant 2 : i32
    %rem3A_66 = arith.remsi %rem3A, %rem3A_65 : i32
    %rem3A_67 = arith.constant 0 : i32
    %rem3A_68 = arith.constant 2 : i32
    %rem3A_69 = arith.remsi %rem3A_67, %rem3A_68 : i32
    %rem3A_70 = arith.constant 0 : i32
    %rem3A_71 = arith.constant 2 : i32
    %rem3A_72 = arith.remsi %rem3A_70, %rem3A_71 : i32
    %dma_start3A_73 = arith.constant 0 : i32
    %dma_start3A_74 = arith.constant 0 : i32
    %dma_start3A_75 = arith.constant 0 : i32
    %dma_start3A_76 = tpu.memref_slice %arg12[%rem3A_69, %dma_start3A_74, %dma_start3A_75] : memref<2x64x128xf32, #tpu.memory_space<vmem>> -> memref<1x64x128xf32, #tpu.memory_space<vmem>>
    %dma_start3A_77 = tpu.memref_squeeze %dma_start3A_76 : memref<1x64x128xf32, #tpu.memory_space<vmem>> -> memref<64x128xf32, #tpu.memory_space<vmem>>
    %dma_start3A_78 = arith.constant 0 : i32
    %dma_start3A_79 = tpu.memref_slice %arg10[%rem3A_66, %dma_start3A_73, %dma_start3A_78] : memref<2x16x64xi32, #tpu.memory_space<vmem>> -> memref<1x1x64xi32, #tpu.memory_space<vmem>>
    %dma_start3A_80 = tpu.memref_squeeze %dma_start3A_79 : memref<1x1x64xi32, #tpu.memory_space<vmem>> -> memref<64xi32, #tpu.memory_space<vmem>>
    %dma_start3A_81 = arith.constant 0 : i32
    %dma_start3A_82 = arith.constant 0 : i32
    %dma_start3A_83 = tpu.memref_slice %arg2[%dma_start3A_81, %dma_start3A_82] : memref<10112x128xf32, #tpu.memory_space<hbm>> -> memref<10112x128xf32, #tpu.memory_space<hbm>>
    %dma_start3A_84 = tpu.memref_slice %arg18[%rem3A_72] : memref<2x!tpu.dma_semaphore, #tpu.memory_space<semaphore_mem>> -> memref<1x!tpu.dma_semaphore, #tpu.memory_space<semaphore_mem>>
    %dma_start3A_85 = tpu.memref_squeeze %dma_start3A_84 : memref<1x!tpu.dma_semaphore, #tpu.memory_space<semaphore_mem>> -> memref<!tpu.dma_semaphore, #tpu.memory_space<semaphore_mem>>
    tpu.enqueue_indirect_dma source(%dma_start3A_83 : memref<10112x128xf32, #tpu.memory_space<hbm>>) target(%dma_start3A_77 : memref<64x128xf32, #tpu.memory_space<vmem>>) offsets(%dma_start3A_80 : memref<64xi32, #tpu.memory_space<vmem>>) semaphore(%dma_start3A_85 : memref<!tpu.dma_semaphore, #tpu.memory_space<semaphore_mem>>)
    %rem3A_86 = arith.constant 0 : i32
    %rem3A_87 = arith.constant 2 : i32
    %rem3A_88 = arith.remsi %rem3A_86, %rem3A_87 : i32
    %rem3A_89 = arith.constant 0 : i32
    %rem3A_90 = arith.constant 3 : i32
    %rem3A_91 = arith.remsi %rem3A_89, %rem3A_90 : i32
    %rem3A_92 = arith.constant 0 : i32
    %rem3A_93 = arith.constant 3 : i32
    %rem3A_94 = arith.remsi %rem3A_92, %rem3A_93 : i32
    %dma_start3A_95 = arith.constant 0 : i32
    %dma_start3A_96 = arith.constant 0 : i32
    %dma_start3A_97 = arith.constant 0 : i32
    %dma_start3A_98 = tpu.memref_slice %arg13[%rem3A_91, %dma_start3A_96, %dma_start3A_97] : memref<3x64x128xf32, #tpu.memory_space<vmem>> -> memref<1x64x128xf32, #tpu.memory_space<vmem>>
    %dma_start3A_99 = tpu.memref_squeeze %dma_start3A_98 : memref<1x64x128xf32, #tpu.memory_space<vmem>> -> memref<64x128xf32, #tpu.memory_space<vmem>>
    %dma_start3A_100 = arith.constant 0 : i32
    %dma_start3A_101 = tpu.memref_slice %arg11[%rem3A_88, %dma_start3A_95, %dma_start3A_100] : memref<2x16x64xi32, #tpu.memory_space<vmem>> -> memref<1x1x64xi32, #tpu.memory_space<vmem>>
    %dma_start3A_102 = tpu.memref_squeeze %dma_start3A_101 : memref<1x1x64xi32, #tpu.memory_space<vmem>> -> memref<64xi32, #tpu.memory_space<vmem>>
    %dma_start3A_103 = arith.constant 0 : i32
    %dma_start3A_104 = arith.constant 0 : i32
    %dma_start3A_105 = tpu.memref_slice %arg2[%dma_start3A_103, %dma_start3A_104] : memref<10112x128xf32, #tpu.memory_space<hbm>> -> memref<10112x128xf32, #tpu.memory_space<hbm>>
    %dma_start3A_106 = tpu.memref_slice %arg19[%rem3A_94] : memref<3x!tpu.dma_semaphore, #tpu.memory_space<semaphore_mem>> -> memref<1x!tpu.dma_semaphore, #tpu.memory_space<semaphore_mem>>
    %dma_start3A_107 = tpu.memref_squeeze %dma_start3A_106 : memref<1x!tpu.dma_semaphore, #tpu.memory_space<semaphore_mem>> -> memref<!tpu.dma_semaphore, #tpu.memory_space<semaphore_mem>>
    tpu.enqueue_indirect_dma source(%dma_start3A_105 : memref<10112x128xf32, #tpu.memory_space<hbm>>) target(%dma_start3A_99 : memref<64x128xf32, #tpu.memory_space<vmem>>) offsets(%dma_start3A_102 : memref<64xi32, #tpu.memory_space<vmem>>) semaphore(%dma_start3A_107 : memref<!tpu.dma_semaphore, #tpu.memory_space<semaphore_mem>>)
    %rem3A_108 = arith.constant 0 : i32
    %rem3A_109 = arith.constant 2 : i32
    %rem3A_110 = arith.remsi %rem3A_108, %rem3A_109 : i32
    %rem3A_111 = arith.constant 1 : i32
    %rem3A_112 = arith.constant 2 : i32
    %rem3A_113 = arith.remsi %rem3A_111, %rem3A_112 : i32
    %rem3A_114 = arith.constant 1 : i32
    %rem3A_115 = arith.constant 2 : i32
    %rem3A_116 = arith.remsi %rem3A_114, %rem3A_115 : i32
    %dma_start3A_117 = arith.constant 1 : i32
    %dma_start3A_118 = arith.constant 0 : i32
    %dma_start3A_119 = arith.constant 0 : i32
    %dma_start3A_120 = tpu.memref_slice %arg12[%rem3A_113, %dma_start3A_118, %dma_start3A_119] : memref<2x64x128xf32, #tpu.memory_space<vmem>> -> memref<1x64x128xf32, #tpu.memory_space<vmem>>
    %dma_start3A_121 = tpu.memref_squeeze %dma_start3A_120 : memref<1x64x128xf32, #tpu.memory_space<vmem>> -> memref<64x128xf32, #tpu.memory_space<vmem>>
    %dma_start3A_122 = arith.constant 0 : i32
    %dma_start3A_123 = tpu.memref_slice %arg10[%rem3A_110, %dma_start3A_117, %dma_start3A_122] : memref<2x16x64xi32, #tpu.memory_space<vmem>> -> memref<1x1x64xi32, #tpu.memory_space<vmem>>
    %dma_start3A_124 = tpu.memref_squeeze %dma_start3A_123 : memref<1x1x64xi32, #tpu.memory_space<vmem>> -> memref<64xi32, #tpu.memory_space<vmem>>
    %dma_start3A_125 = arith.constant 0 : i32
    %dma_start3A_126 = arith.constant 0 : i32
    %dma_start3A_127 = tpu.memref_slice %arg2[%dma_start3A_125, %dma_start3A_126] : memref<10112x128xf32, #tpu.memory_space<hbm>> -> memref<10112x128xf32, #tpu.memory_space<hbm>>
    %dma_start3A_128 = tpu.memref_slice %arg18[%rem3A_116] : memref<2x!tpu.dma_semaphore, #tpu.memory_space<semaphore_mem>> -> memref<1x!tpu.dma_semaphore, #tpu.memory_space<semaphore_mem>>
    %dma_start3A_129 = tpu.memref_squeeze %dma_start3A_128 : memref<1x!tpu.dma_semaphore, #tpu.memory_space<semaphore_mem>> -> memref<!tpu.dma_semaphore, #tpu.memory_space<semaphore_mem>>
    tpu.enqueue_indirect_dma source(%dma_start3A_127 : memref<10112x128xf32, #tpu.memory_space<hbm>>) target(%dma_start3A_121 : memref<64x128xf32, #tpu.memory_space<vmem>>) offsets(%dma_start3A_124 : memref<64xi32, #tpu.memory_space<vmem>>) semaphore(%dma_start3A_129 : memref<!tpu.dma_semaphore, #tpu.memory_space<semaphore_mem>>)
    %rem3A_130 = arith.constant 0 : i32
    %rem3A_131 = arith.constant 2 : i32
    %rem3A_132 = arith.remsi %rem3A_130, %rem3A_131 : i32
    %rem3A_133 = arith.constant 1 : i32
    %rem3A_134 = arith.constant 3 : i32
    %rem3A_135 = arith.remsi %rem3A_133, %rem3A_134 : i32
    %rem3A_136 = arith.constant 1 : i32
    %rem3A_137 = arith.constant 3 : i32
    %rem3A_138 = arith.remsi %rem3A_136, %rem3A_137 : i32
    %dma_start3A_139 = arith.constant 1 : i32
    %dma_start3A_140 = arith.constant 0 : i32
    %dma_start3A_141 = arith.constant 0 : i32
    %dma_start3A_142 = tpu.memref_slice %arg13[%rem3A_135, %dma_start3A_140, %dma_start3A_141] : memref<3x64x128xf32, #tpu.memory_space<vmem>> -> memref<1x64x128xf32, #tpu.memory_space<vmem>>
    %dma_start3A_143 = tpu.memref_squeeze %dma_start3A_142 : memref<1x64x128xf32, #tpu.memory_space<vmem>> -> memref<64x128xf32, #tpu.memory_space<vmem>>
    %dma_start3A_144 = arith.constant 0 : i32
    %dma_start3A_145 = tpu.memref_slice %arg11[%rem3A_132, %dma_start3A_139, %dma_start3A_144] : memref<2x16x64xi32, #tpu.memory_space<vmem>> -> memref<1x1x64xi32, #tpu.memory_space<vmem>>
    %dma_start3A_146 = tpu.memref_squeeze %dma_start3A_145 : memref<1x1x64xi32, #tpu.memory_space<vmem>> -> memref<64xi32, #tpu.memory_space<vmem>>
    %dma_start3A_147 = arith.constant 0 : i32
    %dma_start3A_148 = arith.constant 0 : i32
    %dma_start3A_149 = tpu.memref_slice %arg2[%dma_start3A_147, %dma_start3A_148] : memref<10112x128xf32, #tpu.memory_space<hbm>> -> memref<10112x128xf32, #tpu.memory_space<hbm>>
    %dma_start3A_150 = tpu.memref_slice %arg19[%rem3A_138] : memref<3x!tpu.dma_semaphore, #tpu.memory_space<semaphore_mem>> -> memref<1x!tpu.dma_semaphore, #tpu.memory_space<semaphore_mem>>
    %dma_start3A_151 = tpu.memref_squeeze %dma_start3A_150 : memref<1x!tpu.dma_semaphore, #tpu.memory_space<semaphore_mem>> -> memref<!tpu.dma_semaphore, #tpu.memory_space<semaphore_mem>>
    tpu.enqueue_indirect_dma source(%dma_start3A_149 : memref<10112x128xf32, #tpu.memory_space<hbm>>) target(%dma_start3A_143 : memref<64x128xf32, #tpu.memory_space<vmem>>) offsets(%dma_start3A_146 : memref<64xi32, #tpu.memory_space<vmem>>) semaphore(%dma_start3A_151 : memref<!tpu.dma_semaphore, #tpu.memory_space<semaphore_mem>>)
    %scan3A = arith.constant 0 : i32
    %scan3A_152 = arith.constant 0 : i32
    %scan3A_153 = arith.constant 160 : i32
    %scan3A_154 = arith.addi %scan3A_152, %scan3A_153 : i32
    %scan3A_155 = arith.constant 1 : i32
    scf.for %scan3A_253 = %scan3A_152 to %scan3A_154 step %scan3A_155  : i32 {
      %rem3A_254 = arith.constant 2 : i32
      %rem3A_255 = arith.remsi %scan3A_253, %rem3A_254 : i32
      %rem3A_256 = arith.constant 3 : i32
      %rem3A_257 = arith.remsi %scan3A_253, %rem3A_256 : i32
      %jit3A = arith.constant 16 : i32
      %div3A = arith.divsi %scan3A_253, %jit3A : i32
      %sign3A = arith.constant 0 : i32
      %sign3A_258 = arith.cmpi sgt, %scan3A_253, %sign3A : i32
      %sign3A_259 = arith.extui %sign3A_258 : i1 to i32
      %sign3A_260 = arith.constant 0 : i32
      %sign3A_261 = arith.cmpi slt, %scan3A_253, %sign3A_260 : i32
      %sign3A_262 = arith.extui %sign3A_261 : i1 to i32
      %sign3A_263 = arith.subi %sign3A_259, %sign3A_262 : i32
      %sign3A_264 = arith.constant 0 : i32
      %sign3A_265 = arith.cmpi sgt, %jit3A, %sign3A_264 : i32
      %sign3A_266 = arith.extui %sign3A_265 : i1 to i32
      %sign3A_267 = arith.constant 0 : i32
      %sign3A_268 = arith.cmpi slt, %jit3A, %sign3A_267 : i32
      %sign3A_269 = arith.extui %sign3A_268 : i1 to i32
      %sign3A_270 = arith.subi %sign3A_266, %sign3A_269 : i32
      %ne3A = arith.cmpi ne, %sign3A_263, %sign3A_270 : i32
      %rem3A_271 = arith.remsi %scan3A_253, %jit3A : i32
      %ne3A_272 = arith.constant 0 : i32
      %ne3A_273 = arith.cmpi ne, %rem3A_271, %ne3A_272 : i32
      %and3A = arith.andi %ne3A, %ne3A_273 : i1
      %sub3A = arith.constant 1 : i32
      %sub3A_274 = arith.subi %div3A, %sub3A : i32
      %select_n3A = arith.select %and3A, %sub3A_274, %div3A : i32
      %mul3A_275 = arith.constant 16 : i32
      %mul3A_276 = arith.muli %select_n3A, %mul3A_275 : i32
      %sub3A_277 = arith.subi %scan3A_253, %mul3A_276 : i32
      %eq3A_278 = arith.constant 0 : i32
      %eq3A_279 = arith.cmpi eq, %sub3A_277, %eq3A_278 : i32
      %ge3A = arith.constant 1 : i32
      %ge3A_280 = arith.cmpi sge, %select_n3A, %ge3A : i32
      %lt3A = arith.constant 9 : i32
      %lt3A_281 = arith.cmpi slt, %select_n3A, %lt3A : i32
      %and3A_282 = arith.andi %ge3A_280, %lt3A_281 : i1
      %and3A_283 = arith.andi %eq3A_279, %and3A_282 : i1
      %convert_element_type3A = arith.extui %and3A_283 : i1 to i32
      %cond3A = arith.constant 0 : i32
      %cond3A_284 = arith.cmpi ne, %convert_element_type3A, %cond3A : i32
      scf.if %cond3A_284 {
        %mul3A_318 = arith.constant 160 : i32
        %mul3A_319 = arith.muli %add3A, %mul3A_318 : i32
        %add3A_320 = arith.constant 1 : i32
        %add3A_321 = arith.addi %select_n3A, %add3A_320 : i32
        %mul3A_322 = arith.constant 16 : i32
        %mul3A_323 = arith.muli %add3A_321, %mul3A_322 : i32
        %add3A_324 = arith.addi %mul3A_319, %mul3A_323 : i32
        %add3A_325 = arith.constant 1 : i32
        %add3A_326 = arith.addi %select_n3A, %add3A_325 : i32
        %rem3A_327 = arith.constant 2 : i32
        %rem3A_328 = arith.remsi %add3A_326, %rem3A_327 : i32
        %dma_start3A_329 = arith.constant 0 : i32
        %dma_start3A_330 = arith.constant 0 : i32
        %dma_start3A_331 = tpu.memref_slice %arg10[%rem3A_328, %dma_start3A_329, %dma_start3A_330] : memref<2x16x64xi32, #tpu.memory_space<vmem>> -> memref<1x16x64xi32, #tpu.memory_space<vmem>>
        %dma_start3A_332 = tpu.memref_squeeze %dma_start3A_331 : memref<1x16x64xi32, #tpu.memory_space<vmem>> -> memref<16x64xi32, #tpu.memory_space<vmem>>
        %dma_start3A_333 = arith.constant 0 : i32
        %dma_start3A_334 = tpu.memref_slice %arg3[%add3A_324, %dma_start3A_333] : memref<5120x64xi32, #tpu.memory_space<hbm>> -> memref<16x64xi32, #tpu.memory_space<hbm>>
        %dma_start3A_335 = arith.constant 0 : i32
        %dma_start3A_336 = arith.constant 0 : i32
        %dma_start3A_337 = tpu.memref_slice %arg10[%rem3A_328, %dma_start3A_335, %dma_start3A_336] : memref<2x16x64xi32, #tpu.memory_space<vmem>> -> memref<1x16x64xi32, #tpu.memory_space<vmem>>
        %dma_start3A_338 = tpu.memref_squeeze %dma_start3A_337 : memref<1x16x64xi32, #tpu.memory_space<vmem>> -> memref<16x64xi32, #tpu.memory_space<vmem>>
        %dma_start3A_339 = arith.constant 0 : i32
        %dma_start3A_340 = tpu.memref_slice %arg3[%add3A_324, %dma_start3A_339] : memref<5120x64xi32, #tpu.memory_space<hbm>> -> memref<16x64xi32, #tpu.memory_space<hbm>>
        tpu.enqueue_dma source(%dma_start3A_340 : memref<16x64xi32, #tpu.memory_space<hbm>>) target(%dma_start3A_338 : memref<16x64xi32, #tpu.memory_space<vmem>>) target_semaphore(%arg22 : memref<!tpu.dma_semaphore, #tpu.memory_space<semaphore_mem>>)
        %dma_start3A_341 = arith.constant 0 : i32
        %dma_start3A_342 = arith.constant 0 : i32
        %dma_start3A_343 = tpu.memref_slice %arg11[%rem3A_328, %dma_start3A_341, %dma_start3A_342] : memref<2x16x64xi32, #tpu.memory_space<vmem>> -> memref<1x16x64xi32, #tpu.memory_space<vmem>>
        %dma_start3A_344 = tpu.memref_squeeze %dma_start3A_343 : memref<1x16x64xi32, #tpu.memory_space<vmem>> -> memref<16x64xi32, #tpu.memory_space<vmem>>
        %dma_start3A_345 = arith.constant 0 : i32
        %dma_start3A_346 = tpu.memref_slice %arg4[%add3A_324, %dma_start3A_345] : memref<5120x64xi32, #tpu.memory_space<hbm>> -> memref<16x64xi32, #tpu.memory_space<hbm>>
        %dma_start3A_347 = arith.constant 0 : i32
        %dma_start3A_348 = arith.constant 0 : i32
        %dma_start3A_349 = tpu.memref_slice %arg11[%rem3A_328, %dma_start3A_347, %dma_start3A_348] : memref<2x16x64xi32, #tpu.memory_space<vmem>> -> memref<1x16x64xi32, #tpu.memory_space<vmem>>
        %dma_start3A_350 = tpu.memref_squeeze %dma_start3A_349 : memref<1x16x64xi32, #tpu.memory_space<vmem>> -> memref<16x64xi32, #tpu.memory_space<vmem>>
        %dma_start3A_351 = arith.constant 0 : i32
        %dma_start3A_352 = tpu.memref_slice %arg4[%add3A_324, %dma_start3A_351] : memref<5120x64xi32, #tpu.memory_space<hbm>> -> memref<16x64xi32, #tpu.memory_space<hbm>>
        tpu.enqueue_dma source(%dma_start3A_352 : memref<16x64xi32, #tpu.memory_space<hbm>>) target(%dma_start3A_350 : memref<16x64xi32, #tpu.memory_space<vmem>>) target_semaphore(%arg23 : memref<!tpu.dma_semaphore, #tpu.memory_space<semaphore_mem>>)
      } else {
      }
      %eq3A_285 = arith.constant 14 : i32
      %eq3A_286 = arith.cmpi eq, %sub3A_277, %eq3A_285 : i32
      %lt3A_287 = arith.constant 9 : i32
      %lt3A_288 = arith.cmpi slt, %select_n3A, %lt3A_287 : i32
      %and3A_289 = arith.andi %eq3A_286, %lt3A_288 : i1
      %convert_element_type3A_290 = arith.extui %and3A_289 : i1 to i32
      %cond3A_291 = arith.constant 0 : i32
      %cond3A_292 = arith.cmpi ne, %convert_element_type3A_290, %cond3A_291 : i32
      scf.if %cond3A_292 {
        %dma_wait3A_318 = arith.constant 0 : i32
        %dma_wait3A_319 = arith.constant 0 : i32
        %dma_wait3A_320 = arith.constant 0 : i32
        %dma_wait3A_321 = tpu.memref_slice %arg10[%dma_wait3A_318, %dma_wait3A_319, %dma_wait3A_320] : memref<2x16x64xi32, #tpu.memory_space<vmem>> -> memref<1x16x64xi32, #tpu.memory_space<vmem>>
        %dma_wait3A_322 = tpu.memref_squeeze %dma_wait3A_321 : memref<1x16x64xi32, #tpu.memory_space<vmem>> -> memref<16x64xi32, #tpu.memory_space<vmem>>
        %dma_wait3A_323 = arith.constant 0 : i32
        %dma_wait3A_324 = arith.constant 0 : i32
        %dma_wait3A_325 = tpu.memref_slice %arg3[%dma_wait3A_323, %dma_wait3A_324] : memref<5120x64xi32, #tpu.memory_space<hbm>> -> memref<16x64xi32, #tpu.memory_space<hbm>>
        %dma_wait3A_326 = arith.constant 0 : i32
        %dma_wait3A_327 = arith.constant 0 : i32
        %dma_wait3A_328 = tpu.memref_slice %arg10[%dma_wait3A_318, %dma_wait3A_326, %dma_wait3A_327] : memref<2x16x64xi32, #tpu.memory_space<vmem>> -> memref<1x16x64xi32, #tpu.memory_space<vmem>>
        %dma_wait3A_329 = tpu.memref_squeeze %dma_wait3A_328 : memref<1x16x64xi32, #tpu.memory_space<vmem>> -> memref<16x64xi32, #tpu.memory_space<vmem>>
        %dma_wait3A_330 = arith.constant 0 : i32
        %dma_wait3A_331 = arith.constant 0 : i32
        %dma_wait3A_332 = tpu.memref_slice %arg3[%dma_wait3A_330, %dma_wait3A_331] : memref<5120x64xi32, #tpu.memory_space<hbm>> -> memref<16x64xi32, #tpu.memory_space<hbm>>
        tpu.wait_dma2 semaphore(%arg22 : memref<!tpu.dma_semaphore, #tpu.memory_space<semaphore_mem>>) src(%dma_wait3A_332 : memref<16x64xi32, #tpu.memory_space<hbm>>) dst(%dma_wait3A_329 : memref<16x64xi32, #tpu.memory_space<vmem>>)
        %dma_wait3A_333 = arith.constant 0 : i32
        %dma_wait3A_334 = arith.constant 0 : i32
        %dma_wait3A_335 = arith.constant 0 : i32
        %dma_wait3A_336 = tpu.memref_slice %arg11[%dma_wait3A_333, %dma_wait3A_334, %dma_wait3A_335] : memref<2x16x64xi32, #tpu.memory_space<vmem>> -> memref<1x16x64xi32, #tpu.memory_space<vmem>>
        %dma_wait3A_337 = tpu.memref_squeeze %dma_wait3A_336 : memref<1x16x64xi32, #tpu.memory_space<vmem>> -> memref<16x64xi32, #tpu.memory_space<vmem>>
        %dma_wait3A_338 = arith.constant 0 : i32
        %dma_wait3A_339 = arith.constant 0 : i32
        %dma_wait3A_340 = tpu.memref_slice %arg4[%dma_wait3A_338, %dma_wait3A_339] : memref<5120x64xi32, #tpu.memory_space<hbm>> -> memref<16x64xi32, #tpu.memory_space<hbm>>
        %dma_wait3A_341 = arith.constant 0 : i32
        %dma_wait3A_342 = arith.constant 0 : i32
        %dma_wait3A_343 = tpu.memref_slice %arg11[%dma_wait3A_333, %dma_wait3A_341, %dma_wait3A_342] : memref<2x16x64xi32, #tpu.memory_space<vmem>> -> memref<1x16x64xi32, #tpu.memory_space<vmem>>
        %dma_wait3A_344 = tpu.memref_squeeze %dma_wait3A_343 : memref<1x16x64xi32, #tpu.memory_space<vmem>> -> memref<16x64xi32, #tpu.memory_space<vmem>>
        %dma_wait3A_345 = arith.constant 0 : i32
        %dma_wait3A_346 = arith.constant 0 : i32
        %dma_wait3A_347 = tpu.memref_slice %arg4[%dma_wait3A_345, %dma_wait3A_346] : memref<5120x64xi32, #tpu.memory_space<hbm>> -> memref<16x64xi32, #tpu.memory_space<hbm>>
        tpu.wait_dma2 semaphore(%arg23 : memref<!tpu.dma_semaphore, #tpu.memory_space<semaphore_mem>>) src(%dma_wait3A_347 : memref<16x64xi32, #tpu.memory_space<hbm>>) dst(%dma_wait3A_344 : memref<16x64xi32, #tpu.memory_space<vmem>>)
      } else {
      }
      %mul3A_293 = arith.constant 10240 : i32
      %mul3A_294 = arith.muli %add3A, %mul3A_293 : i32
      %mul3A_295 = arith.constant 64 : i32
      %mul3A_296 = arith.muli %scan3A_253, %mul3A_295 : i32
      %add3A_297 = arith.addi %mul3A_294, %mul3A_296 : i32
      %lt3A_298 = arith.constant 320000 : i32
      %lt3A_299 = arith.cmpi slt, %add3A_297, %lt3A_298 : i32
      %convert_element_type3A_300 = arith.extui %lt3A_299 : i1 to i32
      %cond3A_301 = arith.constant 0 : i32
      %cond3A_302 = arith.cmpi ne, %convert_element_type3A_300, %cond3A_301 : i32
      scf.if %cond3A_302 {
        %dma_wait3A_318 = arith.constant 0 : i32
        %dma_wait3A_319 = arith.constant 0 : i32
        %dma_wait3A_320 = tpu.memref_slice %arg12[%rem3A_255, %dma_wait3A_318, %dma_wait3A_319] : memref<2x64x128xf32, #tpu.memory_space<vmem>> -> memref<1x64x128xf32, #tpu.memory_space<vmem>>
        %dma_wait3A_321 = tpu.memref_squeeze %dma_wait3A_320 : memref<1x64x128xf32, #tpu.memory_space<vmem>> -> memref<64x128xf32, #tpu.memory_space<vmem>>
        %dma_wait3A_322 = arith.constant 0 : i32
        %dma_wait3A_323 = arith.constant 0 : i32
        %dma_wait3A_324 = tpu.memref_slice %arg2[%dma_wait3A_322, %dma_wait3A_323] : memref<10112x128xf32, #tpu.memory_space<hbm>> -> memref<64x128xf32, #tpu.memory_space<hbm>>
        %dma_wait3A_325 = tpu.memref_slice %arg18[%rem3A_255] : memref<2x!tpu.dma_semaphore, #tpu.memory_space<semaphore_mem>> -> memref<1x!tpu.dma_semaphore, #tpu.memory_space<semaphore_mem>>
        %dma_wait3A_326 = tpu.memref_squeeze %dma_wait3A_325 : memref<1x!tpu.dma_semaphore, #tpu.memory_space<semaphore_mem>> -> memref<!tpu.dma_semaphore, #tpu.memory_space<semaphore_mem>>
        %dma_wait3A_327 = arith.constant 0 : i32
        %dma_wait3A_328 = arith.constant 0 : i32
        %dma_wait3A_329 = tpu.memref_slice %arg12[%rem3A_255, %dma_wait3A_327, %dma_wait3A_328] : memref<2x64x128xf32, #tpu.memory_space<vmem>> -> memref<1x64x128xf32, #tpu.memory_space<vmem>>
        %dma_wait3A_330 = tpu.memref_squeeze %dma_wait3A_329 : memref<1x64x128xf32, #tpu.memory_space<vmem>> -> memref<64x128xf32, #tpu.memory_space<vmem>>
        %dma_wait3A_331 = arith.constant 0 : i32
        %dma_wait3A_332 = arith.constant 0 : i32
        %dma_wait3A_333 = tpu.memref_slice %arg2[%dma_wait3A_331, %dma_wait3A_332] : memref<10112x128xf32, #tpu.memory_space<hbm>> -> memref<64x128xf32, #tpu.memory_space<hbm>>
        tpu.wait_dma2 semaphore(%dma_wait3A_326 : memref<!tpu.dma_semaphore, #tpu.memory_space<semaphore_mem>>) src(%dma_wait3A_333 : memref<64x128xf32, #tpu.memory_space<hbm>>) dst(%dma_wait3A_330 : memref<64x128xf32, #tpu.memory_space<vmem>>)
        %dma_wait3A_334 = arith.constant 0 : i32
        %dma_wait3A_335 = arith.constant 0 : i32
        %dma_wait3A_336 = tpu.memref_slice %arg13[%rem3A_257, %dma_wait3A_334, %dma_wait3A_335] : memref<3x64x128xf32, #tpu.memory_space<vmem>> -> memref<1x64x128xf32, #tpu.memory_space<vmem>>
        %dma_wait3A_337 = tpu.memref_squeeze %dma_wait3A_336 : memref<1x64x128xf32, #tpu.memory_space<vmem>> -> memref<64x128xf32, #tpu.memory_space<vmem>>
        %dma_wait3A_338 = arith.constant 0 : i32
        %dma_wait3A_339 = arith.constant 0 : i32
        %dma_wait3A_340 = tpu.memref_slice %arg2[%dma_wait3A_338, %dma_wait3A_339] : memref<10112x128xf32, #tpu.memory_space<hbm>> -> memref<64x128xf32, #tpu.memory_space<hbm>>
        %dma_wait3A_341 = tpu.memref_slice %arg19[%rem3A_257] : memref<3x!tpu.dma_semaphore, #tpu.memory_space<semaphore_mem>> -> memref<1x!tpu.dma_semaphore, #tpu.memory_space<semaphore_mem>>
        %dma_wait3A_342 = tpu.memref_squeeze %dma_wait3A_341 : memref<1x!tpu.dma_semaphore, #tpu.memory_space<semaphore_mem>> -> memref<!tpu.dma_semaphore, #tpu.memory_space<semaphore_mem>>
        %dma_wait3A_343 = arith.constant 0 : i32
        %dma_wait3A_344 = arith.constant 0 : i32
        %dma_wait3A_345 = tpu.memref_slice %arg13[%rem3A_257, %dma_wait3A_343, %dma_wait3A_344] : memref<3x64x128xf32, #tpu.memory_space<vmem>> -> memref<1x64x128xf32, #tpu.memory_space<vmem>>
        %dma_wait3A_346 = tpu.memref_squeeze %dma_wait3A_345 : memref<1x64x128xf32, #tpu.memory_space<vmem>> -> memref<64x128xf32, #tpu.memory_space<vmem>>
        %dma_wait3A_347 = arith.constant 0 : i32
        %dma_wait3A_348 = arith.constant 0 : i32
        %dma_wait3A_349 = tpu.memref_slice %arg2[%dma_wait3A_347, %dma_wait3A_348] : memref<10112x128xf32, #tpu.memory_space<hbm>> -> memref<64x128xf32, #tpu.memory_space<hbm>>
        tpu.wait_dma2 semaphore(%dma_wait3A_342 : memref<!tpu.dma_semaphore, #tpu.memory_space<semaphore_mem>>) src(%dma_wait3A_349 : memref<64x128xf32, #tpu.memory_space<hbm>>) dst(%dma_wait3A_346 : memref<64x128xf32, #tpu.memory_space<vmem>>)
        %ge3A_350 = arith.constant 2 : i32
        %ge3A_351 = arith.cmpi sge, %scan3A_253, %ge3A_350 : i32
        %convert_element_type3A_352 = arith.extui %ge3A_351 : i1 to i32
        %cond3A_353 = arith.constant 0 : i32
        %cond3A_354 = arith.cmpi ne, %convert_element_type3A_352, %cond3A_353 : i32
        scf.if %cond3A_354 {
          %dma_wait3A_441 = arith.constant 0 : i32
          %dma_wait3A_442 = tpu.memref_slice %arg14[%rem3A_255, %dma_wait3A_441] : memref<2x64xf32, #tpu.memory_space<vmem>> -> memref<1x64xf32, #tpu.memory_space<vmem>>
          %dma_wait3A_443 = tpu.memref_squeeze %dma_wait3A_442 : memref<1x64xf32, #tpu.memory_space<vmem>> -> memref<64xf32, #tpu.memory_space<vmem>>
          %dma_wait3A_444 = arith.constant 0 : i32
          %dma_wait3A_445 = tpu.memref_slice %arg17[%dma_wait3A_444] : memref<10240xf32, #tpu.memory_space<vmem_shared>> -> memref<64xf32, #tpu.memory_space<vmem_shared>>
          %dma_wait3A_446 = tpu.memref_slice %arg21[%rem3A_255] : memref<2x!tpu.dma_semaphore, #tpu.memory_space<semaphore_mem>> -> memref<1x!tpu.dma_semaphore, #tpu.memory_space<semaphore_mem>>
          %dma_wait3A_447 = tpu.memref_squeeze %dma_wait3A_446 : memref<1x!tpu.dma_semaphore, #tpu.memory_space<semaphore_mem>> -> memref<!tpu.dma_semaphore, #tpu.memory_space<semaphore_mem>>
          %dma_wait3A_448 = arith.constant 0 : i32
          %dma_wait3A_449 = tpu.memref_slice %arg17[%dma_wait3A_448] : memref<10240xf32, #tpu.memory_space<vmem_shared>> -> memref<64xf32, #tpu.memory_space<vmem_shared>>
          %dma_wait3A_450 = arith.constant 0 : i32
          %dma_wait3A_451 = tpu.memref_slice %arg14[%rem3A_255, %dma_wait3A_450] : memref<2x64xf32, #tpu.memory_space<vmem>> -> memref<1x64xf32, #tpu.memory_space<vmem>>
          %dma_wait3A_452 = tpu.memref_squeeze %dma_wait3A_451 : memref<1x64xf32, #tpu.memory_space<vmem>> -> memref<64xf32, #tpu.memory_space<vmem>>
          tpu.wait_dma2 semaphore(%dma_wait3A_447 : memref<!tpu.dma_semaphore, #tpu.memory_space<semaphore_mem>>) src(%dma_wait3A_452 : memref<64xf32, #tpu.memory_space<vmem>>) dst(%dma_wait3A_449 : memref<64xf32, #tpu.memory_space<vmem_shared>>)
        } else {
        }
        %scan3A_355 = arith.constant 0 : i32
        %scan3A_356 = arith.constant 0 : i32
        %scan3A_357 = arith.constant 64 : i32
        %scan3A_358 = arith.addi %scan3A_356, %scan3A_357 : i32
        %scan3A_359 = arith.constant 2 : i32
        scf.for %scan3A_441 = %scan3A_356 to %scan3A_358 step %scan3A_359  : i32 {
          %get3A_442 = arith.index_cast %rem3A_255 : i32 to index
          %get3A_443 = arith.index_cast %scan3A_441 : i32 to index
          %get3A_444 = arith.constant 0 : index
          %get3A_445 = tpu.vector_load %arg12[%get3A_442, %get3A_443, %get3A_444] {strides = array<i32>} : memref<2x64x128xf32, #tpu.memory_space<vmem>>, vector<16xf32>,
          %get3A_446 = arith.index_cast %rem3A_255 : i32 to index
          %get3A_447 = arith.index_cast %scan3A_441 : i32 to index
          %get3A_448 = arith.constant 16 : index
          %get3A_449 = tpu.vector_load %arg12[%get3A_446, %get3A_447, %get3A_448] {strides = array<i32>} : memref<2x64x128xf32, #tpu.memory_space<vmem>>, vector<16xf32>,
          %get3A_450 = arith.index_cast %rem3A_255 : i32 to index
          %get3A_451 = arith.index_cast %scan3A_441 : i32 to index
          %get3A_452 = arith.constant 32 : index
          %get3A_453 = tpu.vector_load %arg12[%get3A_450, %get3A_451, %get3A_452] {strides = array<i32>} : memref<2x64x128xf32, #tpu.memory_space<vmem>>, vector<16xf32>,
          %get3A_454 = arith.index_cast %rem3A_255 : i32 to index
          %get3A_455 = arith.index_cast %scan3A_441 : i32 to index
          %get3A_456 = arith.constant 48 : index
          %get3A_457 = tpu.vector_load %arg12[%get3A_454, %get3A_455, %get3A_456] {strides = array<i32>} : memref<2x64x128xf32, #tpu.memory_space<vmem>>, vector<16xf32>,
          %get3A_458 = arith.index_cast %rem3A_255 : i32 to index
          %get3A_459 = arith.index_cast %scan3A_441 : i32 to index
          %get3A_460 = arith.constant 64 : index
          %get3A_461 = tpu.vector_load %arg12[%get3A_458, %get3A_459, %get3A_460] {strides = array<i32>} : memref<2x64x128xf32, #tpu.memory_space<vmem>>, vector<16xf32>,
          %get3A_462 = arith.index_cast %rem3A_255 : i32 to index
          %get3A_463 = arith.index_cast %scan3A_441 : i32 to index
          %get3A_464 = arith.constant 80 : index
          %get3A_465 = tpu.vector_load %arg12[%get3A_462, %get3A_463, %get3A_464] {strides = array<i32>} : memref<2x64x128xf32, #tpu.memory_space<vmem>>, vector<16xf32>,
          %get3A_466 = arith.index_cast %rem3A_255 : i32 to index
          %get3A_467 = arith.index_cast %scan3A_441 : i32 to index
          %get3A_468 = arith.constant 96 : index
          %get3A_469 = tpu.vector_load %arg12[%get3A_466, %get3A_467, %get3A_468] {strides = array<i32>} : memref<2x64x128xf32, #tpu.memory_space<vmem>>, vector<16xf32>,
          %get3A_470 = arith.index_cast %rem3A_255 : i32 to index
          %get3A_471 = arith.index_cast %scan3A_441 : i32 to index
          %get3A_472 = arith.constant 112 : index
          %get3A_473 = tpu.vector_load %arg12[%get3A_470, %get3A_471, %get3A_472] {strides = array<i32>} : memref<2x64x128xf32, #tpu.memory_space<vmem>>, vector<16xf32>,
          %get3A_474 = arith.index_cast %rem3A_257 : i32 to index
          %get3A_475 = arith.index_cast %scan3A_441 : i32 to index
          %get3A_476 = arith.constant 0 : index
          %get3A_477 = tpu.vector_load %arg13[%get3A_474, %get3A_475, %get3A_476] {strides = array<i32>} : memref<3x64x128xf32, #tpu.memory_space<vmem>>, vector<16xf32>,
          %get3A_478 = arith.index_cast %rem3A_257 : i32 to index
          %get3A_479 = arith.index_cast %scan3A_441 : i32 to index
          %get3A_480 = arith.constant 16 : index
          %get3A_481 = tpu.vector_load %arg13[%get3A_478, %get3A_479, %get3A_480] {strides = array<i32>} : memref<3x64x128xf32, #tpu.memory_space<vmem>>, vector<16xf32>,
          %get3A_482 = arith.index_cast %rem3A_257 : i32 to index
          %get3A_483 = arith.index_cast %scan3A_441 : i32 to index
          %get3A_484 = arith.constant 32 : index
          %get3A_485 = tpu.vector_load %arg13[%get3A_482, %get3A_483, %get3A_484] {strides = array<i32>} : memref<3x64x128xf32, #tpu.memory_space<vmem>>, vector<16xf32>,
          %get3A_486 = arith.index_cast %rem3A_257 : i32 to index
          %get3A_487 = arith.index_cast %scan3A_441 : i32 to index
          %get3A_488 = arith.constant 48 : index
          %get3A_489 = tpu.vector_load %arg13[%get3A_486, %get3A_487, %get3A_488] {strides = array<i32>} : memref<3x64x128xf32, #tpu.memory_space<vmem>>, vector<16xf32>,
          %get3A_490 = arith.index_cast %rem3A_257 : i32 to index
          %get3A_491 = arith.index_cast %scan3A_441 : i32 to index
          %get3A_492 = arith.constant 64 : index
          %get3A_493 = tpu.vector_load %arg13[%get3A_490, %get3A_491, %get3A_492] {strides = array<i32>} : memref<3x64x128xf32, #tpu.memory_space<vmem>>, vector<16xf32>,
          %get3A_494 = arith.index_cast %rem3A_257 : i32 to index
          %get3A_495 = arith.index_cast %scan3A_441 : i32 to index
          %get3A_496 = arith.constant 80 : index
          %get3A_497 = tpu.vector_load %arg13[%get3A_494, %get3A_495, %get3A_496] {strides = array<i32>} : memref<3x64x128xf32, #tpu.memory_space<vmem>>, vector<16xf32>,
          %get3A_498 = arith.index_cast %rem3A_257 : i32 to index
          %get3A_499 = arith.index_cast %scan3A_441 : i32 to index
          %get3A_500 = arith.constant 96 : index
          %get3A_501 = tpu.vector_load %arg13[%get3A_498, %get3A_499, %get3A_500] {strides = array<i32>} : memref<3x64x128xf32, #tpu.memory_space<vmem>>, vector<16xf32>,
          %get3A_502 = arith.index_cast %rem3A_257 : i32 to index
          %get3A_503 = arith.index_cast %scan3A_441 : i32 to index
          %get3A_504 = arith.constant 112 : index
          %get3A_505 = tpu.vector_load %arg13[%get3A_502, %get3A_503, %get3A_504] {strides = array<i32>} : memref<3x64x128xf32, #tpu.memory_space<vmem>>, vector<16xf32>,
          %broadcast_in_dim3A_506 = arith.constant 0.000000e+00 : f32
          %broadcast_in_dim3A_507 = vector.broadcast %broadcast_in_dim3A_506 : f32 to vector<16xf32>
          %add3A_508 = arith.addf %get3A_445, %get3A_477 : vector<16xf32>
          %mul3A_509 = arith.constant 2.000000e-01 : f32
          %mul3A_510 = vector.broadcast %mul3A_509 : f32 to vector<16xf32>
          %mul3A_511 = arith.mulf %mul3A_510, %add3A_508 : vector<16xf32>
          %max3A = arith.maximumf %add3A_508, %mul3A_511 : vector<16xf32>
          %mul3A_512 = arith.mulf %get3A_9, %max3A : vector<16xf32>
          %add3A_513 = arith.addf %broadcast_in_dim3A_507, %mul3A_512 : vector<16xf32>
          %add3A_514 = arith.addf %get3A_449, %get3A_481 : vector<16xf32>
          %mul3A_515 = arith.constant 2.000000e-01 : f32
          %mul3A_516 = vector.broadcast %mul3A_515 : f32 to vector<16xf32>
          %mul3A_517 = arith.mulf %mul3A_516, %add3A_514 : vector<16xf32>
          %max3A_518 = arith.maximumf %add3A_514, %mul3A_517 : vector<16xf32>
          %mul3A_519 = arith.mulf %get3A_11, %max3A_518 : vector<16xf32>
          %add3A_520 = arith.addf %add3A_513, %mul3A_519 : vector<16xf32>
          %add3A_521 = arith.addf %get3A_453, %get3A_485 : vector<16xf32>
          %mul3A_522 = arith.constant 2.000000e-01 : f32
          %mul3A_523 = vector.broadcast %mul3A_522 : f32 to vector<16xf32>
          %mul3A_524 = arith.mulf %mul3A_523, %add3A_521 : vector<16xf32>
          %max3A_525 = arith.maximumf %add3A_521, %mul3A_524 : vector<16xf32>
          %mul3A_526 = arith.mulf %get3A_13, %max3A_525 : vector<16xf32>
          %add3A_527 = arith.addf %add3A_520, %mul3A_526 : vector<16xf32>
          %add3A_528 = arith.addf %get3A_457, %get3A_489 : vector<16xf32>
          %mul3A_529 = arith.constant 2.000000e-01 : f32
          %mul3A_530 = vector.broadcast %mul3A_529 : f32 to vector<16xf32>
          %mul3A_531 = arith.mulf %mul3A_530, %add3A_528 : vector<16xf32>
          %max3A_532 = arith.maximumf %add3A_528, %mul3A_531 : vector<16xf32>
          %mul3A_533 = arith.mulf %get3A_15, %max3A_532 : vector<16xf32>
          %add3A_534 = arith.addf %add3A_527, %mul3A_533 : vector<16xf32>
          %add3A_535 = arith.addf %get3A_461, %get3A_493 : vector<16xf32>
          %mul3A_536 = arith.constant 2.000000e-01 : f32
          %mul3A_537 = vector.broadcast %mul3A_536 : f32 to vector<16xf32>
          %mul3A_538 = arith.mulf %mul3A_537, %add3A_535 : vector<16xf32>
          %max3A_539 = arith.maximumf %add3A_535, %mul3A_538 : vector<16xf32>
          %mul3A_540 = arith.mulf %get3A_17, %max3A_539 : vector<16xf32>
          %add3A_541 = arith.addf %add3A_534, %mul3A_540 : vector<16xf32>
          %add3A_542 = arith.addf %get3A_465, %get3A_497 : vector<16xf32>
          %mul3A_543 = arith.constant 2.000000e-01 : f32
          %mul3A_544 = vector.broadcast %mul3A_543 : f32 to vector<16xf32>
          %mul3A_545 = arith.mulf %mul3A_544, %add3A_542 : vector<16xf32>
          %max3A_546 = arith.maximumf %add3A_542, %mul3A_545 : vector<16xf32>
          %mul3A_547 = arith.mulf %get3A_19, %max3A_546 : vector<16xf32>
          %add3A_548 = arith.addf %add3A_541, %mul3A_547 : vector<16xf32>
          %add3A_549 = arith.addf %get3A_469, %get3A_501 : vector<16xf32>
          %mul3A_550 = arith.constant 2.000000e-01 : f32
          %mul3A_551 = vector.broadcast %mul3A_550 : f32 to vector<16xf32>
          %mul3A_552 = arith.mulf %mul3A_551, %add3A_549 : vector<16xf32>
          %max3A_553 = arith.maximumf %add3A_549, %mul3A_552 : vector<16xf32>
          %mul3A_554 = arith.mulf %get3A_21, %max3A_553 : vector<16xf32>
          %add3A_555 = arith.addf %add3A_548, %mul3A_554 : vector<16xf32>
          %add3A_556 = arith.addf %get3A_473, %get3A_505 : vector<16xf32>
          %mul3A_557 = arith.constant 2.000000e-01 : f32
          %mul3A_558 = vector.broadcast %mul3A_557 : f32 to vector<16xf32>
          %mul3A_559 = arith.mulf %mul3A_558, %add3A_556 : vector<16xf32>
          %max3A_560 = arith.maximumf %add3A_556, %mul3A_559 : vector<16xf32>
          %mul3A_561 = arith.mulf %get3A_23, %max3A_560 : vector<16xf32>
          %add3A_562 = arith.addf %add3A_555, %mul3A_561 : vector<16xf32>
          %broadcast_in_dim3A_563 = arith.constant true
          %broadcast_in_dim3A_564 = vector.broadcast %broadcast_in_dim3A_563 : i1 to vector<16xi1>
          %masked_cumsum3A = tpu.scan <sum>, %add3A_562 masked %broadcast_in_dim3A_564 : vector<16xf32>, vector<16xi1> -> vector<16xf32>
          %lt3A_565 = arith.constant 0 : i32
          %lt3A_566 = vector.broadcast %lt3A_565 : i32 to vector<16xi32>
          %lt3A_567 = arith.cmpi slt, %broadcast_in_dim3A_26, %lt3A_566 : vector<16xi32>
          %add3A_568 = arith.constant 16 : i32
          %add3A_569 = vector.broadcast %add3A_568 : i32 to vector<16xi32>
          %add3A_570 = arith.addi %broadcast_in_dim3A_26, %add3A_569 : vector<16xi32>
          %select_n3A_571 = arith.select %lt3A_567, %add3A_570, %broadcast_in_dim3A_26 : vector<16xi1>, vector<16xi32>
          %broadcast_in_dim3A_572 = vector.shape_cast %select_n3A_571 : vector<16xi32> to vector<16x1xi32>
          %gather3A = vector.shape_cast %broadcast_in_dim3A_572 : vector<16x1xi32> to vector<16xi32>
          %gather3A_573 = tpu.dynamic_gather %masked_cumsum3A[%gather3A] in [0] : vector<16xf32>, vector<16xi32> -> vector<16xf32>
          %exp3A = math.exp %gather3A_573 : vector<16xf32>
          %broadcast_in_dim3A_574 = vector.broadcast %rem3A_255 : i32 to vector<16xi32>
          %broadcast_in_dim3A_575 = vector.broadcast %scan3A_441 : i32 to vector<16xi32>
          tpu.vector_store_idx %arg14[%broadcast_in_dim3A_574, %broadcast_in_dim3A_575], %exp3A masked %eq3A_25 : memref<2x64xf32, #tpu.memory_space<vmem>>[vector<16xi32>, vector<16xi32>], vector<16xf32>, vector<16xi1>
          %mul3A_576 = arith.mulf %get3A_445, %exp3A : vector<16xf32>
          %swap3A = arith.index_cast %rem3A_257 : i32 to index
          %swap3A_577 = arith.index_cast %scan3A_441 : i32 to index
          %swap3A_578 = arith.constant 0 : index
          %swap3A_579 = tpu.vector_load %arg13[%swap3A, %swap3A_577, %swap3A_578] {strides = array<i32>} : memref<3x64x128xf32, #tpu.memory_space<vmem>>, vector<16xf32>,
          tpu.vector_store %arg13[%swap3A, %swap3A_577, %swap3A_578], %mul3A_576 {strides = array<i32>} : memref<3x64x128xf32, #tpu.memory_space<vmem>>, vector<16xf32>,
          %mul3A_580 = arith.mulf %get3A_449, %exp3A : vector<16xf32>
          %swap3A_581 = arith.index_cast %rem3A_257 : i32 to index
          %swap3A_582 = arith.index_cast %scan3A_441 : i32 to index
          %swap3A_583 = arith.constant 16 : index
          %swap3A_584 = tpu.vector_load %arg13[%swap3A_581, %swap3A_582, %swap3A_583] {strides = array<i32>} : memref<3x64x128xf32, #tpu.memory_space<vmem>>, vector<16xf32>,
          tpu.vector_store %arg13[%swap3A_581, %swap3A_582, %swap3A_583], %mul3A_580 {strides = array<i32>} : memref<3x64x128xf32, #tpu.memory_space<vmem>>, vector<16xf32>,
          %mul3A_585 = arith.mulf %get3A_453, %exp3A : vector<16xf32>
          %swap3A_586 = arith.index_cast %rem3A_257 : i32 to index
          %swap3A_587 = arith.index_cast %scan3A_441 : i32 to index
          %swap3A_588 = arith.constant 32 : index
          %swap3A_589 = tpu.vector_load %arg13[%swap3A_586, %swap3A_587, %swap3A_588] {strides = array<i32>} : memref<3x64x128xf32, #tpu.memory_space<vmem>>, vector<16xf32>,
          tpu.vector_store %arg13[%swap3A_586, %swap3A_587, %swap3A_588], %mul3A_585 {strides = array<i32>} : memref<3x64x128xf32, #tpu.memory_space<vmem>>, vector<16xf32>,
          %mul3A_590 = arith.mulf %get3A_457, %exp3A : vector<16xf32>
          %swap3A_591 = arith.index_cast %rem3A_257 : i32 to index
          %swap3A_592 = arith.index_cast %scan3A_441 : i32 to index
          %swap3A_593 = arith.constant 48 : index
          %swap3A_594 = tpu.vector_load %arg13[%swap3A_591, %swap3A_592, %swap3A_593] {strides = array<i32>} : memref<3x64x128xf32, #tpu.memory_space<vmem>>, vector<16xf32>,
          tpu.vector_store %arg13[%swap3A_591, %swap3A_592, %swap3A_593], %mul3A_590 {strides = array<i32>} : memref<3x64x128xf32, #tpu.memory_space<vmem>>, vector<16xf32>,
          %mul3A_595 = arith.mulf %get3A_461, %exp3A : vector<16xf32>
          %swap3A_596 = arith.index_cast %rem3A_257 : i32 to index
          %swap3A_597 = arith.index_cast %scan3A_441 : i32 to index
          %swap3A_598 = arith.constant 64 : index
          %swap3A_599 = tpu.vector_load %arg13[%swap3A_596, %swap3A_597, %swap3A_598] {strides = array<i32>} : memref<3x64x128xf32, #tpu.memory_space<vmem>>, vector<16xf32>,
          tpu.vector_store %arg13[%swap3A_596, %swap3A_597, %swap3A_598], %mul3A_595 {strides = array<i32>} : memref<3x64x128xf32, #tpu.memory_space<vmem>>, vector<16xf32>,
          %mul3A_600 = arith.mulf %get3A_465, %exp3A : vector<16xf32>
          %swap3A_601 = arith.index_cast %rem3A_257 : i32 to index
          %swap3A_602 = arith.index_cast %scan3A_441 : i32 to index
          %swap3A_603 = arith.constant 80 : index
          %swap3A_604 = tpu.vector_load %arg13[%swap3A_601, %swap3A_602, %swap3A_603] {strides = array<i32>} : memref<3x64x128xf32, #tpu.memory_space<vmem>>, vector<16xf32>,
          tpu.vector_store %arg13[%swap3A_601, %swap3A_602, %swap3A_603], %mul3A_600 {strides = array<i32>} : memref<3x64x128xf32, #tpu.memory_space<vmem>>, vector<16xf32>,
          %mul3A_605 = arith.mulf %get3A_469, %exp3A : vector<16xf32>
          %swap3A_606 = arith.index_cast %rem3A_257 : i32 to index
          %swap3A_607 = arith.index_cast %scan3A_441 : i32 to index
          %swap3A_608 = arith.constant 96 : index
          %swap3A_609 = tpu.vector_load %arg13[%swap3A_606, %swap3A_607, %swap3A_608] {strides = array<i32>} : memref<3x64x128xf32, #tpu.memory_space<vmem>>, vector<16xf32>,
          tpu.vector_store %arg13[%swap3A_606, %swap3A_607, %swap3A_608], %mul3A_605 {strides = array<i32>} : memref<3x64x128xf32, #tpu.memory_space<vmem>>, vector<16xf32>,
          %mul3A_610 = arith.mulf %get3A_473, %exp3A : vector<16xf32>
          %swap3A_611 = arith.index_cast %rem3A_257 : i32 to index
          %swap3A_612 = arith.index_cast %scan3A_441 : i32 to index
          %swap3A_613 = arith.constant 112 : index
          %swap3A_614 = tpu.vector_load %arg13[%swap3A_611, %swap3A_612, %swap3A_613] {strides = array<i32>} : memref<3x64x128xf32, #tpu.memory_space<vmem>>, vector<16xf32>,
          tpu.vector_store %arg13[%swap3A_611, %swap3A_612, %swap3A_613], %mul3A_610 {strides = array<i32>} : memref<3x64x128xf32, #tpu.memory_space<vmem>>, vector<16xf32>,
          %scan3A_615 = arith.constant 1 : i32
          %scan3A_616 = arith.addi %scan3A_441, %scan3A_615 : i32
          %get3A_617 = arith.index_cast %rem3A_255 : i32 to index
          %get3A_618 = arith.index_cast %scan3A_616 : i32 to index
          %get3A_619 = arith.constant 0 : index
          %get3A_620 = tpu.vector_load %arg12[%get3A_617, %get3A_618, %get3A_619] {strides = array<i32>} : memref<2x64x128xf32, #tpu.memory_space<vmem>>, vector<16xf32>,
          %get3A_621 = arith.index_cast %rem3A_255 : i32 to index
          %get3A_622 = arith.index_cast %scan3A_616 : i32 to index
          %get3A_623 = arith.constant 16 : index
          %get3A_624 = tpu.vector_load %arg12[%get3A_621, %get3A_622, %get3A_623] {strides = array<i32>} : memref<2x64x128xf32, #tpu.memory_space<vmem>>, vector<16xf32>,
          %get3A_625 = arith.index_cast %rem3A_255 : i32 to index
          %get3A_626 = arith.index_cast %scan3A_616 : i32 to index
          %get3A_627 = arith.constant 32 : index
          %get3A_628 = tpu.vector_load %arg12[%get3A_625, %get3A_626, %get3A_627] {strides = array<i32>} : memref<2x64x128xf32, #tpu.memory_space<vmem>>, vector<16xf32>,
          %get3A_629 = arith.index_cast %rem3A_255 : i32 to index
          %get3A_630 = arith.index_cast %scan3A_616 : i32 to index
          %get3A_631 = arith.constant 48 : index
          %get3A_632 = tpu.vector_load %arg12[%get3A_629, %get3A_630, %get3A_631] {strides = array<i32>} : memref<2x64x128xf32, #tpu.memory_space<vmem>>, vector<16xf32>,
          %get3A_633 = arith.index_cast %rem3A_255 : i32 to index
          %get3A_634 = arith.index_cast %scan3A_616 : i32 to index
          %get3A_635 = arith.constant 64 : index
          %get3A_636 = tpu.vector_load %arg12[%get3A_633, %get3A_634, %get3A_635] {strides = array<i32>} : memref<2x64x128xf32, #tpu.memory_space<vmem>>, vector<16xf32>,
          %get3A_637 = arith.index_cast %rem3A_255 : i32 to index
          %get3A_638 = arith.index_cast %scan3A_616 : i32 to index
          %get3A_639 = arith.constant 80 : index
          %get3A_640 = tpu.vector_load %arg12[%get3A_637, %get3A_638, %get3A_639] {strides = array<i32>} : memref<2x64x128xf32, #tpu.memory_space<vmem>>, vector<16xf32>,
          %get3A_641 = arith.index_cast %rem3A_255 : i32 to index
          %get3A_642 = arith.index_cast %scan3A_616 : i32 to index
          %get3A_643 = arith.constant 96 : index
          %get3A_644 = tpu.vector_load %arg12[%get3A_641, %get3A_642, %get3A_643] {strides = array<i32>} : memref<2x64x128xf32, #tpu.memory_space<vmem>>, vector<16xf32>,
          %get3A_645 = arith.index_cast %rem3A_255 : i32 to index
          %get3A_646 = arith.index_cast %scan3A_616 : i32 to index
          %get3A_647 = arith.constant 112 : index
          %get3A_648 = tpu.vector_load %arg12[%get3A_645, %get3A_646, %get3A_647] {strides = array<i32>} : memref<2x64x128xf32, #tpu.memory_space<vmem>>, vector<16xf32>,
          %get3A_649 = arith.index_cast %rem3A_257 : i32 to index
          %get3A_650 = arith.index_cast %scan3A_616 : i32 to index
          %get3A_651 = arith.constant 0 : index
          %get3A_652 = tpu.vector_load %arg13[%get3A_649, %get3A_650, %get3A_651] {strides = array<i32>} : memref<3x64x128xf32, #tpu.memory_space<vmem>>, vector<16xf32>,
          %get3A_653 = arith.index_cast %rem3A_257 : i32 to index
          %get3A_654 = arith.index_cast %scan3A_616 : i32 to index
          %get3A_655 = arith.constant 16 : index
          %get3A_656 = tpu.vector_load %arg13[%get3A_653, %get3A_654, %get3A_655] {strides = array<i32>} : memref<3x64x128xf32, #tpu.memory_space<vmem>>, vector<16xf32>,
          %get3A_657 = arith.index_cast %rem3A_257 : i32 to index
          %get3A_658 = arith.index_cast %scan3A_616 : i32 to index
          %get3A_659 = arith.constant 32 : index
          %get3A_660 = tpu.vector_load %arg13[%get3A_657, %get3A_658, %get3A_659] {strides = array<i32>} : memref<3x64x128xf32, #tpu.memory_space<vmem>>, vector<16xf32>,
          %get3A_661 = arith.index_cast %rem3A_257 : i32 to index
          %get3A_662 = arith.index_cast %scan3A_616 : i32 to index
          %get3A_663 = arith.constant 48 : index
          %get3A_664 = tpu.vector_load %arg13[%get3A_661, %get3A_662, %get3A_663] {strides = array<i32>} : memref<3x64x128xf32, #tpu.memory_space<vmem>>, vector<16xf32>,
          %get3A_665 = arith.index_cast %rem3A_257 : i32 to index
          %get3A_666 = arith.index_cast %scan3A_616 : i32 to index
          %get3A_667 = arith.constant 64 : index
          %get3A_668 = tpu.vector_load %arg13[%get3A_665, %get3A_666, %get3A_667] {strides = array<i32>} : memref<3x64x128xf32, #tpu.memory_space<vmem>>, vector<16xf32>,
          %get3A_669 = arith.index_cast %rem3A_257 : i32 to index
          %get3A_670 = arith.index_cast %scan3A_616 : i32 to index
          %get3A_671 = arith.constant 80 : index
          %get3A_672 = tpu.vector_load %arg13[%get3A_669, %get3A_670, %get3A_671] {strides = array<i32>} : memref<3x64x128xf32, #tpu.memory_space<vmem>>, vector<16xf32>,
          %get3A_673 = arith.index_cast %rem3A_257 : i32 to index
          %get3A_674 = arith.index_cast %scan3A_616 : i32 to index
          %get3A_675 = arith.constant 96 : index
          %get3A_676 = tpu.vector_load %arg13[%get3A_673, %get3A_674, %get3A_675] {strides = array<i32>} : memref<3x64x128xf32, #tpu.memory_space<vmem>>, vector<16xf32>,
          %get3A_677 = arith.index_cast %rem3A_257 : i32 to index
          %get3A_678 = arith.index_cast %scan3A_616 : i32 to index
          %get3A_679 = arith.constant 112 : index
          %get3A_680 = tpu.vector_load %arg13[%get3A_677, %get3A_678, %get3A_679] {strides = array<i32>} : memref<3x64x128xf32, #tpu.memory_space<vmem>>, vector<16xf32>,
          %broadcast_in_dim3A_681 = arith.constant 0.000000e+00 : f32
          %broadcast_in_dim3A_682 = vector.broadcast %broadcast_in_dim3A_681 : f32 to vector<16xf32>
          %add3A_683 = arith.addf %get3A_620, %get3A_652 : vector<16xf32>
          %mul3A_684 = arith.constant 2.000000e-01 : f32
          %mul3A_685 = vector.broadcast %mul3A_684 : f32 to vector<16xf32>
          %mul3A_686 = arith.mulf %mul3A_685, %add3A_683 : vector<16xf32>
          %max3A_687 = arith.maximumf %add3A_683, %mul3A_686 : vector<16xf32>
          %mul3A_688 = arith.mulf %get3A_9, %max3A_687 : vector<16xf32>
          %add3A_689 = arith.addf %broadcast_in_dim3A_682, %mul3A_688 : vector<16xf32>
          %add3A_690 = arith.addf %get3A_624, %get3A_656 : vector<16xf32>
          %mul3A_691 = arith.constant 2.000000e-01 : f32
          %mul3A_692 = vector.broadcast %mul3A_691 : f32 to vector<16xf32>
          %mul3A_693 = arith.mulf %mul3A_692, %add3A_690 : vector<16xf32>
          %max3A_694 = arith.maximumf %add3A_690, %mul3A_693 : vector<16xf32>
          %mul3A_695 = arith.mulf %get3A_11, %max3A_694 : vector<16xf32>
          %add3A_696 = arith.addf %add3A_689, %mul3A_695 : vector<16xf32>
          %add3A_697 = arith.addf %get3A_628, %get3A_660 : vector<16xf32>
          %mul3A_698 = arith.constant 2.000000e-01 : f32
          %mul3A_699 = vector.broadcast %mul3A_698 : f32 to vector<16xf32>
          %mul3A_700 = arith.mulf %mul3A_699, %add3A_697 : vector<16xf32>
          %max3A_701 = arith.maximumf %add3A_697, %mul3A_700 : vector<16xf32>
          %mul3A_702 = arith.mulf %get3A_13, %max3A_701 : vector<16xf32>
          %add3A_703 = arith.addf %add3A_696, %mul3A_702 : vector<16xf32>
          %add3A_704 = arith.addf %get3A_632, %get3A_664 : vector<16xf32>
          %mul3A_705 = arith.constant 2.000000e-01 : f32
          %mul3A_706 = vector.broadcast %mul3A_705 : f32 to vector<16xf32>
          %mul3A_707 = arith.mulf %mul3A_706, %add3A_704 : vector<16xf32>
          %max3A_708 = arith.maximumf %add3A_704, %mul3A_707 : vector<16xf32>
          %mul3A_709 = arith.mulf %get3A_15, %max3A_708 : vector<16xf32>
          %add3A_710 = arith.addf %add3A_703, %mul3A_709 : vector<16xf32>
          %add3A_711 = arith.addf %get3A_636, %get3A_668 : vector<16xf32>
          %mul3A_712 = arith.constant 2.000000e-01 : f32
          %mul3A_713 = vector.broadcast %mul3A_712 : f32 to vector<16xf32>
          %mul3A_714 = arith.mulf %mul3A_713, %add3A_711 : vector<16xf32>
          %max3A_715 = arith.maximumf %add3A_711, %mul3A_714 : vector<16xf32>
          %mul3A_716 = arith.mulf %get3A_17, %max3A_715 : vector<16xf32>
          %add3A_717 = arith.addf %add3A_710, %mul3A_716 : vector<16xf32>
          %add3A_718 = arith.addf %get3A_640, %get3A_672 : vector<16xf32>
          %mul3A_719 = arith.constant 2.000000e-01 : f32
          %mul3A_720 = vector.broadcast %mul3A_719 : f32 to vector<16xf32>
          %mul3A_721 = arith.mulf %mul3A_720, %add3A_718 : vector<16xf32>
          %max3A_722 = arith.maximumf %add3A_718, %mul3A_721 : vector<16xf32>
          %mul3A_723 = arith.mulf %get3A_19, %max3A_722 : vector<16xf32>
          %add3A_724 = arith.addf %add3A_717, %mul3A_723 : vector<16xf32>
          %add3A_725 = arith.addf %get3A_644, %get3A_676 : vector<16xf32>
          %mul3A_726 = arith.constant 2.000000e-01 : f32
          %mul3A_727 = vector.broadcast %mul3A_726 : f32 to vector<16xf32>
          %mul3A_728 = arith.mulf %mul3A_727, %add3A_725 : vector<16xf32>
          %max3A_729 = arith.maximumf %add3A_725, %mul3A_728 : vector<16xf32>
          %mul3A_730 = arith.mulf %get3A_21, %max3A_729 : vector<16xf32>
          %add3A_731 = arith.addf %add3A_724, %mul3A_730 : vector<16xf32>
          %add3A_732 = arith.addf %get3A_648, %get3A_680 : vector<16xf32>
          %mul3A_733 = arith.constant 2.000000e-01 : f32
          %mul3A_734 = vector.broadcast %mul3A_733 : f32 to vector<16xf32>
          %mul3A_735 = arith.mulf %mul3A_734, %add3A_732 : vector<16xf32>
          %max3A_736 = arith.maximumf %add3A_732, %mul3A_735 : vector<16xf32>
          %mul3A_737 = arith.mulf %get3A_23, %max3A_736 : vector<16xf32>
          %add3A_738 = arith.addf %add3A_731, %mul3A_737 : vector<16xf32>
          %broadcast_in_dim3A_739 = arith.constant true
          %broadcast_in_dim3A_740 = vector.broadcast %broadcast_in_dim3A_739 : i1 to vector<16xi1>
          %masked_cumsum3A_741 = tpu.scan <sum>, %add3A_738 masked %broadcast_in_dim3A_740 : vector<16xf32>, vector<16xi1> -> vector<16xf32>
          %lt3A_742 = arith.constant 0 : i32
          %lt3A_743 = vector.broadcast %lt3A_742 : i32 to vector<16xi32>
          %lt3A_744 = arith.cmpi slt, %broadcast_in_dim3A_26, %lt3A_743 : vector<16xi32>
          %add3A_745 = arith.constant 16 : i32
          %add3A_746 = vector.broadcast %add3A_745 : i32 to vector<16xi32>
          %add3A_747 = arith.addi %broadcast_in_dim3A_26, %add3A_746 : vector<16xi32>
          %select_n3A_748 = arith.select %lt3A_744, %add3A_747, %broadcast_in_dim3A_26 : vector<16xi1>, vector<16xi32>
          %broadcast_in_dim3A_749 = vector.shape_cast %select_n3A_748 : vector<16xi32> to vector<16x1xi32>
          %gather3A_750 = vector.shape_cast %broadcast_in_dim3A_749 : vector<16x1xi32> to vector<16xi32>
          %gather3A_751 = tpu.dynamic_gather %masked_cumsum3A_741[%gather3A_750] in [0] : vector<16xf32>, vector<16xi32> -> vector<16xf32>
          %exp3A_752 = math.exp %gather3A_751 : vector<16xf32>
          %broadcast_in_dim3A_753 = vector.broadcast %rem3A_255 : i32 to vector<16xi32>
          %broadcast_in_dim3A_754 = vector.broadcast %scan3A_616 : i32 to vector<16xi32>
          tpu.vector_store_idx %arg14[%broadcast_in_dim3A_753, %broadcast_in_dim3A_754], %exp3A_752 masked %eq3A_25 : memref<2x64xf32, #tpu.memory_space<vmem>>[vector<16xi32>, vector<16xi32>], vector<16xf32>, vector<16xi1>
          %mul3A_755 = arith.mulf %get3A_620, %exp3A_752 : vector<16xf32>
          %swap3A_756 = arith.index_cast %rem3A_257 : i32 to index
          %swap3A_757 = arith.index_cast %scan3A_616 : i32 to index
          %swap3A_758 = arith.constant 0 : index
          %swap3A_759 = tpu.vector_load %arg13[%swap3A_756, %swap3A_757, %swap3A_758] {strides = array<i32>} : memref<3x64x128xf32, #tpu.memory_space<vmem>>, vector<16xf32>,
          tpu.vector_store %arg13[%swap3A_756, %swap3A_757, %swap3A_758], %mul3A_755 {strides = array<i32>} : memref<3x64x128xf32, #tpu.memory_space<vmem>>, vector<16xf32>,
          %mul3A_760 = arith.mulf %get3A_624, %exp3A_752 : vector<16xf32>
          %swap3A_761 = arith.index_cast %rem3A_257 : i32 to index
          %swap3A_762 = arith.index_cast %scan3A_616 : i32 to index
          %swap3A_763 = arith.constant 16 : index
          %swap3A_764 = tpu.vector_load %arg13[%swap3A_761, %swap3A_762, %swap3A_763] {strides = array<i32>} : memref<3x64x128xf32, #tpu.memory_space<vmem>>, vector<16xf32>,
          tpu.vector_store %arg13[%swap3A_761, %swap3A_762, %swap3A_763], %mul3A_760 {strides = array<i32>} : memref<3x64x128xf32, #tpu.memory_space<vmem>>, vector<16xf32>,
          %mul3A_765 = arith.mulf %get3A_628, %exp3A_752 : vector<16xf32>
          %swap3A_766 = arith.index_cast %rem3A_257 : i32 to index
          %swap3A_767 = arith.index_cast %scan3A_616 : i32 to index
          %swap3A_768 = arith.constant 32 : index
          %swap3A_769 = tpu.vector_load %arg13[%swap3A_766, %swap3A_767, %swap3A_768] {strides = array<i32>} : memref<3x64x128xf32, #tpu.memory_space<vmem>>, vector<16xf32>,
          tpu.vector_store %arg13[%swap3A_766, %swap3A_767, %swap3A_768], %mul3A_765 {strides = array<i32>} : memref<3x64x128xf32, #tpu.memory_space<vmem>>, vector<16xf32>,
          %mul3A_770 = arith.mulf %get3A_632, %exp3A_752 : vector<16xf32>
          %swap3A_771 = arith.index_cast %rem3A_257 : i32 to index
          %swap3A_772 = arith.index_cast %scan3A_616 : i32 to index
          %swap3A_773 = arith.constant 48 : index
          %swap3A_774 = tpu.vector_load %arg13[%swap3A_771, %swap3A_772, %swap3A_773] {strides = array<i32>} : memref<3x64x128xf32, #tpu.memory_space<vmem>>, vector<16xf32>,
          tpu.vector_store %arg13[%swap3A_771, %swap3A_772, %swap3A_773], %mul3A_770 {strides = array<i32>} : memref<3x64x128xf32, #tpu.memory_space<vmem>>, vector<16xf32>,
          %mul3A_775 = arith.mulf %get3A_636, %exp3A_752 : vector<16xf32>
          %swap3A_776 = arith.index_cast %rem3A_257 : i32 to index
          %swap3A_777 = arith.index_cast %scan3A_616 : i32 to index
          %swap3A_778 = arith.constant 64 : index
          %swap3A_779 = tpu.vector_load %arg13[%swap3A_776, %swap3A_777, %swap3A_778] {strides = array<i32>} : memref<3x64x128xf32, #tpu.memory_space<vmem>>, vector<16xf32>,
          tpu.vector_store %arg13[%swap3A_776, %swap3A_777, %swap3A_778], %mul3A_775 {strides = array<i32>} : memref<3x64x128xf32, #tpu.memory_space<vmem>>, vector<16xf32>,
          %mul3A_780 = arith.mulf %get3A_640, %exp3A_752 : vector<16xf32>
          %swap3A_781 = arith.index_cast %rem3A_257 : i32 to index
          %swap3A_782 = arith.index_cast %scan3A_616 : i32 to index
          %swap3A_783 = arith.constant 80 : index
          %swap3A_784 = tpu.vector_load %arg13[%swap3A_781, %swap3A_782, %swap3A_783] {strides = array<i32>} : memref<3x64x128xf32, #tpu.memory_space<vmem>>, vector<16xf32>,
          tpu.vector_store %arg13[%swap3A_781, %swap3A_782, %swap3A_783], %mul3A_780 {strides = array<i32>} : memref<3x64x128xf32, #tpu.memory_space<vmem>>, vector<16xf32>,
          %mul3A_785 = arith.mulf %get3A_644, %exp3A_752 : vector<16xf32>
          %swap3A_786 = arith.index_cast %rem3A_257 : i32 to index
          %swap3A_787 = arith.index_cast %scan3A_616 : i32 to index
          %swap3A_788 = arith.constant 96 : index
          %swap3A_789 = tpu.vector_load %arg13[%swap3A_786, %swap3A_787, %swap3A_788] {strides = array<i32>} : memref<3x64x128xf32, #tpu.memory_space<vmem>>, vector<16xf32>,
          tpu.vector_store %arg13[%swap3A_786, %swap3A_787, %swap3A_788], %mul3A_785 {strides = array<i32>} : memref<3x64x128xf32, #tpu.memory_space<vmem>>, vector<16xf32>,
          %mul3A_790 = arith.mulf %get3A_648, %exp3A_752 : vector<16xf32>
          %swap3A_791 = arith.index_cast %rem3A_257 : i32 to index
          %swap3A_792 = arith.index_cast %scan3A_616 : i32 to index
          %swap3A_793 = arith.constant 112 : index
          %swap3A_794 = tpu.vector_load %arg13[%swap3A_791, %swap3A_792, %swap3A_793] {strides = array<i32>} : memref<3x64x128xf32, #tpu.memory_space<vmem>>, vector<16xf32>,
          tpu.vector_store %arg13[%swap3A_791, %swap3A_792, %swap3A_793], %mul3A_790 {strides = array<i32>} : memref<3x64x128xf32, #tpu.memory_space<vmem>>, vector<16xf32>,
        }
        %scan3A_360 = arith.constant 64 : i32
        %jit3A_361 = arith.constant 16 : i32
        %div3A_362 = arith.divsi %scan3A_253, %jit3A_361 : i32
        %sign3A_363 = arith.constant 0 : i32
        %sign3A_364 = arith.cmpi sgt, %scan3A_253, %sign3A_363 : i32
        %sign3A_365 = arith.extui %sign3A_364 : i1 to i32
        %sign3A_366 = arith.constant 0 : i32
        %sign3A_367 = arith.cmpi slt, %scan3A_253, %sign3A_366 : i32
        %sign3A_368 = arith.extui %sign3A_367 : i1 to i32
        %sign3A_369 = arith.subi %sign3A_365, %sign3A_368 : i32
        %sign3A_370 = arith.constant 0 : i32
        %sign3A_371 = arith.cmpi sgt, %jit3A_361, %sign3A_370 : i32
        %sign3A_372 = arith.extui %sign3A_371 : i1 to i32
        %sign3A_373 = arith.constant 0 : i32
        %sign3A_374 = arith.cmpi slt, %jit3A_361, %sign3A_373 : i32
        %sign3A_375 = arith.extui %sign3A_374 : i1 to i32
        %sign3A_376 = arith.subi %sign3A_372, %sign3A_375 : i32
        %ne3A_377 = arith.cmpi ne, %sign3A_369, %sign3A_376 : i32
        %rem3A_378 = arith.remsi %scan3A_253, %jit3A_361 : i32
        %ne3A_379 = arith.constant 0 : i32
        %ne3A_380 = arith.cmpi ne, %rem3A_378, %ne3A_379 : i32
        %and3A_381 = arith.andi %ne3A_377, %ne3A_380 : i1
        %sub3A_382 = arith.constant 1 : i32
        %sub3A_383 = arith.subi %div3A_362, %sub3A_382 : i32
        %select_n3A_384 = arith.select %and3A_381, %sub3A_383, %div3A_362 : i32
        %rem3A_385 = arith.constant 2 : i32
        %rem3A_386 = arith.remsi %select_n3A_384, %rem3A_385 : i32
        %mul3A_387 = arith.constant 16 : i32
        %mul3A_388 = arith.muli %select_n3A_384, %mul3A_387 : i32
        %sub3A_389 = arith.subi %scan3A_253, %mul3A_388 : i32
        %dma_start3A_390 = arith.constant 0 : i32
        %dma_start3A_391 = arith.constant 0 : i32
        %dma_start3A_392 = tpu.memref_slice %arg13[%rem3A_257, %dma_start3A_390, %dma_start3A_391] : memref<3x64x128xf32, #tpu.memory_space<vmem>> -> memref<1x64x128xf32, #tpu.memory_space<vmem>>
        %dma_start3A_393 = tpu.memref_squeeze %dma_start3A_392 : memref<1x64x128xf32, #tpu.memory_space<vmem>> -> memref<64x128xf32, #tpu.memory_space<vmem>>
        %dma_start3A_394 = arith.constant 0 : i32
        %dma_start3A_395 = tpu.memref_slice %arg11[%rem3A_386, %sub3A_389, %dma_start3A_394] : memref<2x16x64xi32, #tpu.memory_space<vmem>> -> memref<1x1x64xi32, #tpu.memory_space<vmem>>
        %dma_start3A_396 = tpu.memref_squeeze %dma_start3A_395 : memref<1x1x64xi32, #tpu.memory_space<vmem>> -> memref<64xi32, #tpu.memory_space<vmem>>
        %dma_start3A_397 = arith.constant 0 : i32
        %dma_start3A_398 = arith.constant 0 : i32
        %dma_start3A_399 = tpu.memref_slice %arg16[%dma_start3A_397, %dma_start3A_398] : memref<10112x128xf32, #tpu.memory_space<vmem_shared>> -> memref<10112x128xf32, #tpu.memory_space<vmem_shared>>
        %dma_start3A_400 = tpu.memref_slice %arg20[%rem3A_257] : memref<3x!tpu.dma_semaphore, #tpu.memory_space<semaphore_mem>> -> memref<1x!tpu.dma_semaphore, #tpu.memory_space<semaphore_mem>>
        %dma_start3A_401 = tpu.memref_squeeze %dma_start3A_400 : memref<1x!tpu.dma_semaphore, #tpu.memory_space<semaphore_mem>> -> memref<!tpu.dma_semaphore, #tpu.memory_space<semaphore_mem>>
        tpu.enqueue_indirect_dma source(%dma_start3A_393 : memref<64x128xf32, #tpu.memory_space<vmem>>) target(%dma_start3A_399 : memref<10112x128xf32, #tpu.memory_space<vmem_shared>>) offsets(%dma_start3A_396 : memref<64xi32, #tpu.memory_space<vmem>>) semaphore(%dma_start3A_401 : memref<!tpu.dma_semaphore, #tpu.memory_space<semaphore_mem>>) {add = true}
        %jit3A_402 = arith.constant 16 : i32
        %div3A_403 = arith.divsi %scan3A_253, %jit3A_402 : i32
        %sign3A_404 = arith.constant 0 : i32
        %sign3A_405 = arith.cmpi sgt, %scan3A_253, %sign3A_404 : i32
        %sign3A_406 = arith.extui %sign3A_405 : i1 to i32
        %sign3A_407 = arith.constant 0 : i32
        %sign3A_408 = arith.cmpi slt, %scan3A_253, %sign3A_407 : i32
        %sign3A_409 = arith.extui %sign3A_408 : i1 to i32
        %sign3A_410 = arith.subi %sign3A_406, %sign3A_409 : i32
        %sign3A_411 = arith.constant 0 : i32
        %sign3A_412 = arith.cmpi sgt, %jit3A_402, %sign3A_411 : i32
        %sign3A_413 = arith.extui %sign3A_412 : i1 to i32
        %sign3A_414 = arith.constant 0 : i32
        %sign3A_415 = arith.cmpi slt, %jit3A_402, %sign3A_414 : i32
        %sign3A_416 = arith.extui %sign3A_415 : i1 to i32
        %sign3A_417 = arith.subi %sign3A_413, %sign3A_416 : i32
        %ne3A_418 = arith.cmpi ne, %sign3A_410, %sign3A_417 : i32
        %rem3A_419 = arith.remsi %scan3A_253, %jit3A_402 : i32
        %ne3A_420 = arith.constant 0 : i32
        %ne3A_421 = arith.cmpi ne, %rem3A_419, %ne3A_420 : i32
        %and3A_422 = arith.andi %ne3A_418, %ne3A_421 : i1
        %sub3A_423 = arith.constant 1 : i32
        %sub3A_424 = arith.subi %div3A_403, %sub3A_423 : i32
        %select_n3A_425 = arith.select %and3A_422, %sub3A_424, %div3A_403 : i32
        %rem3A_426 = arith.constant 2 : i32
        %rem3A_427 = arith.remsi %select_n3A_425, %rem3A_426 : i32
        %mul3A_428 = arith.constant 16 : i32
        %mul3A_429 = arith.muli %select_n3A_425, %mul3A_428 : i32
        %sub3A_430 = arith.subi %scan3A_253, %mul3A_429 : i32
        %dma_start3A_431 = arith.constant 0 : i32
        %dma_start3A_432 = tpu.memref_slice %arg14[%rem3A_255, %dma_start3A_431] : memref<2x64xf32, #tpu.memory_space<vmem>> -> memref<1x64xf32, #tpu.memory_space<vmem>>
        %dma_start3A_433 = tpu.memref_squeeze %dma_start3A_432 : memref<1x64xf32, #tpu.memory_space<vmem>> -> memref<64xf32, #tpu.memory_space<vmem>>
        %dma_start3A_434 = arith.constant 0 : i32
        %dma_start3A_435 = tpu.memref_slice %arg11[%rem3A_427, %sub3A_430, %dma_start3A_434] : memref<2x16x64xi32, #tpu.memory_space<vmem>> -> memref<1x1x64xi32, #tpu.memory_space<vmem>>
        %dma_start3A_436 = tpu.memref_squeeze %dma_start3A_435 : memref<1x1x64xi32, #tpu.memory_space<vmem>> -> memref<64xi32, #tpu.memory_space<vmem>>
        %dma_start3A_437 = arith.constant 0 : i32
        %dma_start3A_438 = tpu.memref_slice %arg17[%dma_start3A_437] : memref<10240xf32, #tpu.memory_space<vmem_shared>> -> memref<10240xf32, #tpu.memory_space<vmem_shared>>
        %dma_start3A_439 = tpu.memref_slice %arg21[%rem3A_255] : memref<2x!tpu.dma_semaphore, #tpu.memory_space<semaphore_mem>> -> memref<1x!tpu.dma_semaphore, #tpu.memory_space<semaphore_mem>>
        %dma_start3A_440 = tpu.memref_squeeze %dma_start3A_439 : memref<1x!tpu.dma_semaphore, #tpu.memory_space<semaphore_mem>> -> memref<!tpu.dma_semaphore, #tpu.memory_space<semaphore_mem>>
        tpu.enqueue_indirect_dma source(%dma_start3A_433 : memref<64xf32, #tpu.memory_space<vmem>>) target(%dma_start3A_438 : memref<10240xf32, #tpu.memory_space<vmem_shared>>) offsets(%dma_start3A_436 : memref<64xi32, #tpu.memory_space<vmem>>) semaphore(%dma_start3A_440 : memref<!tpu.dma_semaphore, #tpu.memory_space<semaphore_mem>>) {add = true}
      } else {
      }
      %add3A_303 = arith.constant 2 : i32
      %add3A_304 = arith.addi %scan3A_253, %add3A_303 : i32
      %lt3A_305 = arith.constant 160 : i32
      %lt3A_306 = arith.cmpi slt, %add3A_304, %lt3A_305 : i32
      %mul3A_307 = arith.constant 10240 : i32
      %mul3A_308 = arith.muli %add3A, %mul3A_307 : i32
      %mul3A_309 = arith.constant 64 : i32
      %mul3A_310 = arith.muli %add3A_304, %mul3A_309 : i32
      %add3A_311 = arith.addi %mul3A_308, %mul3A_310 : i32
      %lt3A_312 = arith.constant 320000 : i32
      %lt3A_313 = arith.cmpi slt, %add3A_311, %lt3A_312 : i32
      %and3A_314 = arith.andi %lt3A_306, %lt3A_313 : i1
      %convert_element_type3A_315 = arith.extui %and3A_314 : i1 to i32
      %cond3A_316 = arith.constant 0 : i32
      %cond3A_317 = arith.cmpi ne, %convert_element_type3A_315, %cond3A_316 : i32
      scf.if %cond3A_317 {
        %jit3A_318 = arith.constant 16 : i32
        %div3A_319 = arith.divsi %add3A_304, %jit3A_318 : i32
        %sign3A_320 = arith.constant 0 : i32
        %sign3A_321 = arith.cmpi sgt, %add3A_304, %sign3A_320 : i32
        %sign3A_322 = arith.extui %sign3A_321 : i1 to i32
        %sign3A_323 = arith.constant 0 : i32
        %sign3A_324 = arith.cmpi slt, %add3A_304, %sign3A_323 : i32
        %sign3A_325 = arith.extui %sign3A_324 : i1 to i32
        %sign3A_326 = arith.subi %sign3A_322, %sign3A_325 : i32
        %sign3A_327 = arith.constant 0 : i32
        %sign3A_328 = arith.cmpi sgt, %jit3A_318, %sign3A_327 : i32
        %sign3A_329 = arith.extui %sign3A_328 : i1 to i32
        %sign3A_330 = arith.constant 0 : i32
        %sign3A_331 = arith.cmpi slt, %jit3A_318, %sign3A_330 : i32
        %sign3A_332 = arith.extui %sign3A_331 : i1 to i32
        %sign3A_333 = arith.subi %sign3A_329, %sign3A_332 : i32
        %ne3A_334 = arith.cmpi ne, %sign3A_326, %sign3A_333 : i32
        %rem3A_335 = arith.remsi %add3A_304, %jit3A_318 : i32
        %ne3A_336 = arith.constant 0 : i32
        %ne3A_337 = arith.cmpi ne, %rem3A_335, %ne3A_336 : i32
        %and3A_338 = arith.andi %ne3A_334, %ne3A_337 : i1
        %sub3A_339 = arith.constant 1 : i32
        %sub3A_340 = arith.subi %div3A_319, %sub3A_339 : i32
        %select_n3A_341 = arith.select %and3A_338, %sub3A_340, %div3A_319 : i32
        %rem3A_342 = arith.constant 2 : i32
        %rem3A_343 = arith.remsi %select_n3A_341, %rem3A_342 : i32
        %mul3A_344 = arith.constant 16 : i32
        %mul3A_345 = arith.muli %select_n3A_341, %mul3A_344 : i32
        %sub3A_346 = arith.subi %add3A_304, %mul3A_345 : i32
        %rem3A_347 = arith.constant 2 : i32
        %rem3A_348 = arith.remsi %add3A_304, %rem3A_347 : i32
        %rem3A_349 = arith.constant 2 : i32
        %rem3A_350 = arith.remsi %add3A_304, %rem3A_349 : i32
        %dma_start3A_351 = arith.constant 0 : i32
        %dma_start3A_352 = arith.constant 0 : i32
        %dma_start3A_353 = tpu.memref_slice %arg12[%rem3A_348, %dma_start3A_351, %dma_start3A_352] : memref<2x64x128xf32, #tpu.memory_space<vmem>> -> memref<1x64x128xf32, #tpu.memory_space<vmem>>
        %dma_start3A_354 = tpu.memref_squeeze %dma_start3A_353 : memref<1x64x128xf32, #tpu.memory_space<vmem>> -> memref<64x128xf32, #tpu.memory_space<vmem>>
        %dma_start3A_355 = arith.constant 0 : i32
        %dma_start3A_356 = tpu.memref_slice %arg10[%rem3A_343, %sub3A_346, %dma_start3A_355] : memref<2x16x64xi32, #tpu.memory_space<vmem>> -> memref<1x1x64xi32, #tpu.memory_space<vmem>>
        %dma_start3A_357 = tpu.memref_squeeze %dma_start3A_356 : memref<1x1x64xi32, #tpu.memory_space<vmem>> -> memref<64xi32, #tpu.memory_space<vmem>>
        %dma_start3A_358 = arith.constant 0 : i32
        %dma_start3A_359 = arith.constant 0 : i32
        %dma_start3A_360 = tpu.memref_slice %arg2[%dma_start3A_358, %dma_start3A_359] : memref<10112x128xf32, #tpu.memory_space<hbm>> -> memref<10112x128xf32, #tpu.memory_space<hbm>>
        %dma_start3A_361 = tpu.memref_slice %arg18[%rem3A_350] : memref<2x!tpu.dma_semaphore, #tpu.memory_space<semaphore_mem>> -> memref<1x!tpu.dma_semaphore, #tpu.memory_space<semaphore_mem>>
        %dma_start3A_362 = tpu.memref_squeeze %dma_start3A_361 : memref<1x!tpu.dma_semaphore, #tpu.memory_space<semaphore_mem>> -> memref<!tpu.dma_semaphore, #tpu.memory_space<semaphore_mem>>
        tpu.enqueue_indirect_dma source(%dma_start3A_360 : memref<10112x128xf32, #tpu.memory_space<hbm>>) target(%dma_start3A_354 : memref<64x128xf32, #tpu.memory_space<vmem>>) offsets(%dma_start3A_357 : memref<64xi32, #tpu.memory_space<vmem>>) semaphore(%dma_start3A_362 : memref<!tpu.dma_semaphore, #tpu.memory_space<semaphore_mem>>)
        %ge3A_363 = arith.constant 1 : i32
        %ge3A_364 = arith.cmpi sge, %scan3A_253, %ge3A_363 : i32
        %convert_element_type3A_365 = arith.extui %ge3A_364 : i1 to i32
        %cond3A_366 = arith.constant 0 : i32
        %cond3A_367 = arith.cmpi ne, %convert_element_type3A_365, %cond3A_366 : i32
        scf.if %cond3A_367 {
          %rem3A_413 = arith.constant 3 : i32
          %rem3A_414 = arith.remsi %add3A_304, %rem3A_413 : i32
          %rem3A_415 = arith.constant 3 : i32
          %rem3A_416 = arith.remsi %add3A_304, %rem3A_415 : i32
          %dma_wait3A_417 = arith.constant 0 : i32
          %dma_wait3A_418 = arith.constant 0 : i32
          %dma_wait3A_419 = tpu.memref_slice %arg13[%rem3A_414, %dma_wait3A_417, %dma_wait3A_418] : memref<3x64x128xf32, #tpu.memory_space<vmem>> -> memref<1x64x128xf32, #tpu.memory_space<vmem>>
          %dma_wait3A_420 = tpu.memref_squeeze %dma_wait3A_419 : memref<1x64x128xf32, #tpu.memory_space<vmem>> -> memref<64x128xf32, #tpu.memory_space<vmem>>
          %dma_wait3A_421 = arith.constant 0 : i32
          %dma_wait3A_422 = arith.constant 0 : i32
          %dma_wait3A_423 = tpu.memref_slice %arg16[%dma_wait3A_421, %dma_wait3A_422] : memref<10112x128xf32, #tpu.memory_space<vmem_shared>> -> memref<64x128xf32, #tpu.memory_space<vmem_shared>>
          %dma_wait3A_424 = tpu.memref_slice %arg20[%rem3A_416] : memref<3x!tpu.dma_semaphore, #tpu.memory_space<semaphore_mem>> -> memref<1x!tpu.dma_semaphore, #tpu.memory_space<semaphore_mem>>
          %dma_wait3A_425 = tpu.memref_squeeze %dma_wait3A_424 : memref<1x!tpu.dma_semaphore, #tpu.memory_space<semaphore_mem>> -> memref<!tpu.dma_semaphore, #tpu.memory_space<semaphore_mem>>
          %dma_wait3A_426 = arith.constant 0 : i32
          %dma_wait3A_427 = arith.constant 0 : i32
          %dma_wait3A_428 = tpu.memref_slice %arg16[%dma_wait3A_426, %dma_wait3A_427] : memref<10112x128xf32, #tpu.memory_space<vmem_shared>> -> memref<64x128xf32, #tpu.memory_space<vmem_shared>>
          %dma_wait3A_429 = arith.constant 0 : i32
          %dma_wait3A_430 = arith.constant 0 : i32
          %dma_wait3A_431 = tpu.memref_slice %arg13[%rem3A_414, %dma_wait3A_429, %dma_wait3A_430] : memref<3x64x128xf32, #tpu.memory_space<vmem>> -> memref<1x64x128xf32, #tpu.memory_space<vmem>>
          %dma_wait3A_432 = tpu.memref_squeeze %dma_wait3A_431 : memref<1x64x128xf32, #tpu.memory_space<vmem>> -> memref<64x128xf32, #tpu.memory_space<vmem>>
          tpu.wait_dma2 semaphore(%dma_wait3A_425 : memref<!tpu.dma_semaphore, #tpu.memory_space<semaphore_mem>>) src(%dma_wait3A_432 : memref<64x128xf32, #tpu.memory_space<vmem>>) dst(%dma_wait3A_428 : memref<64x128xf32, #tpu.memory_space<vmem_shared>>)
        } else {
        }
        %jit3A_368 = arith.constant 16 : i32
        %div3A_369 = arith.divsi %add3A_304, %jit3A_368 : i32
        %sign3A_370 = arith.constant 0 : i32
        %sign3A_371 = arith.cmpi sgt, %add3A_304, %sign3A_370 : i32
        %sign3A_372 = arith.extui %sign3A_371 : i1 to i32
        %sign3A_373 = arith.constant 0 : i32
        %sign3A_374 = arith.cmpi slt, %add3A_304, %sign3A_373 : i32
        %sign3A_375 = arith.extui %sign3A_374 : i1 to i32
        %sign3A_376 = arith.subi %sign3A_372, %sign3A_375 : i32
        %sign3A_377 = arith.constant 0 : i32
        %sign3A_378 = arith.cmpi sgt, %jit3A_368, %sign3A_377 : i32
        %sign3A_379 = arith.extui %sign3A_378 : i1 to i32
        %sign3A_380 = arith.constant 0 : i32
        %sign3A_381 = arith.cmpi slt, %jit3A_368, %sign3A_380 : i32
        %sign3A_382 = arith.extui %sign3A_381 : i1 to i32
        %sign3A_383 = arith.subi %sign3A_379, %sign3A_382 : i32
        %ne3A_384 = arith.cmpi ne, %sign3A_376, %sign3A_383 : i32
        %rem3A_385 = arith.remsi %add3A_304, %jit3A_368 : i32
        %ne3A_386 = arith.constant 0 : i32
        %ne3A_387 = arith.cmpi ne, %rem3A_385, %ne3A_386 : i32
        %and3A_388 = arith.andi %ne3A_384, %ne3A_387 : i1
        %sub3A_389 = arith.constant 1 : i32
        %sub3A_390 = arith.subi %div3A_369, %sub3A_389 : i32
        %select_n3A_391 = arith.select %and3A_388, %sub3A_390, %div3A_369 : i32
        %rem3A_392 = arith.constant 2 : i32
        %rem3A_393 = arith.remsi %select_n3A_391, %rem3A_392 : i32
        %mul3A_394 = arith.constant 16 : i32
        %mul3A_395 = arith.muli %select_n3A_391, %mul3A_394 : i32
        %sub3A_396 = arith.subi %add3A_304, %mul3A_395 : i32
        %rem3A_397 = arith.constant 3 : i32
        %rem3A_398 = arith.remsi %add3A_304, %rem3A_397 : i32
        %rem3A_399 = arith.constant 3 : i32
        %rem3A_400 = arith.remsi %add3A_304, %rem3A_399 : i32
        %dma_start3A_401 = arith.constant 0 : i32
        %dma_start3A_402 = arith.constant 0 : i32
        %dma_start3A_403 = tpu.memref_slice %arg13[%rem3A_398, %dma_start3A_401, %dma_start3A_402] : memref<3x64x128xf32, #tpu.memory_space<vmem>> -> memref<1x64x128xf32, #tpu.memory_space<vmem>>
        %dma_start3A_404 = tpu.memref_squeeze %dma_start3A_403 : memref<1x64x128xf32, #tpu.memory_space<vmem>> -> memref<64x128xf32, #tpu.memory_space<vmem>>
        %dma_start3A_405 = arith.constant 0 : i32
        %dma_start3A_406 = tpu.memref_slice %arg11[%rem3A_393, %sub3A_396, %dma_start3A_405] : memref<2x16x64xi32, #tpu.memory_space<vmem>> -> memref<1x1x64xi32, #tpu.memory_space<vmem>>
        %dma_start3A_407 = tpu.memref_squeeze %dma_start3A_406 : memref<1x1x64xi32, #tpu.memory_space<vmem>> -> memref<64xi32, #tpu.memory_space<vmem>>
        %dma_start3A_408 = arith.constant 0 : i32
        %dma_start3A_409 = arith.constant 0 : i32
        %dma_start3A_410 = tpu.memref_slice %arg2[%dma_start3A_408, %dma_start3A_409] : memref<10112x128xf32, #tpu.memory_space<hbm>> -> memref<10112x128xf32, #tpu.memory_space<hbm>>
        %dma_start3A_411 = tpu.memref_slice %arg19[%rem3A_400] : memref<3x!tpu.dma_semaphore, #tpu.memory_space<semaphore_mem>> -> memref<1x!tpu.dma_semaphore, #tpu.memory_space<semaphore_mem>>
        %dma_start3A_412 = tpu.memref_squeeze %dma_start3A_411 : memref<1x!tpu.dma_semaphore, #tpu.memory_space<semaphore_mem>> -> memref<!tpu.dma_semaphore, #tpu.memory_space<semaphore_mem>>
        tpu.enqueue_indirect_dma source(%dma_start3A_410 : memref<10112x128xf32, #tpu.memory_space<hbm>>) target(%dma_start3A_404 : memref<64x128xf32, #tpu.memory_space<vmem>>) offsets(%dma_start3A_407 : memref<64xi32, #tpu.memory_space<vmem>>) semaphore(%dma_start3A_412 : memref<!tpu.dma_semaphore, #tpu.memory_space<semaphore_mem>>)
      } else {
      }
    }
    %scan3A_156 = arith.constant 160 : i32
    %dma_wait3A = arith.constant 1 : i32
    %dma_wait3A_157 = arith.constant 1 : i32
    %dma_wait3A_158 = arith.constant 0 : i32
    %dma_wait3A_159 = arith.constant 0 : i32
    %dma_wait3A_160 = tpu.memref_slice %arg13[%dma_wait3A, %dma_wait3A_158, %dma_wait3A_159] : memref<3x64x128xf32, #tpu.memory_space<vmem>> -> memref<1x64x128xf32, #tpu.memory_space<vmem>>
    %dma_wait3A_161 = tpu.memref_squeeze %dma_wait3A_160 : memref<1x64x128xf32, #tpu.memory_space<vmem>> -> memref<64x128xf32, #tpu.memory_space<vmem>>
    %dma_wait3A_162 = arith.constant 0 : i32
    %dma_wait3A_163 = arith.constant 0 : i32
    %dma_wait3A_164 = tpu.memref_slice %arg16[%dma_wait3A_162, %dma_wait3A_163] : memref<10112x128xf32, #tpu.memory_space<vmem_shared>> -> memref<64x128xf32, #tpu.memory_space<vmem_shared>>
    %dma_wait3A_165 = tpu.memref_slice %arg20[%dma_wait3A_157] : memref<3x!tpu.dma_semaphore, #tpu.memory_space<semaphore_mem>> -> memref<1x!tpu.dma_semaphore, #tpu.memory_space<semaphore_mem>>
    %dma_wait3A_166 = tpu.memref_squeeze %dma_wait3A_165 : memref<1x!tpu.dma_semaphore, #tpu.memory_space<semaphore_mem>> -> memref<!tpu.dma_semaphore, #tpu.memory_space<semaphore_mem>>
    %dma_wait3A_167 = arith.constant 0 : i32
    %dma_wait3A_168 = arith.constant 0 : i32
    %dma_wait3A_169 = tpu.memref_slice %arg16[%dma_wait3A_167, %dma_wait3A_168] : memref<10112x128xf32, #tpu.memory_space<vmem_shared>> -> memref<64x128xf32, #tpu.memory_space<vmem_shared>>
    %dma_wait3A_170 = arith.constant 0 : i32
    %dma_wait3A_171 = arith.constant 0 : i32
    %dma_wait3A_172 = tpu.memref_slice %arg13[%dma_wait3A, %dma_wait3A_170, %dma_wait3A_171] : memref<3x64x128xf32, #tpu.memory_space<vmem>> -> memref<1x64x128xf32, #tpu.memory_space<vmem>>
    %dma_wait3A_173 = tpu.memref_squeeze %dma_wait3A_172 : memref<1x64x128xf32, #tpu.memory_space<vmem>> -> memref<64x128xf32, #tpu.memory_space<vmem>>
    tpu.wait_dma2 semaphore(%dma_wait3A_166 : memref<!tpu.dma_semaphore, #tpu.memory_space<semaphore_mem>>) src(%dma_wait3A_173 : memref<64x128xf32, #tpu.memory_space<vmem>>) dst(%dma_wait3A_169 : memref<64x128xf32, #tpu.memory_space<vmem_shared>>)
    %dma_wait3A_174 = arith.constant 2 : i32
    %dma_wait3A_175 = arith.constant 2 : i32
    %dma_wait3A_176 = arith.constant 0 : i32
    %dma_wait3A_177 = arith.constant 0 : i32
    %dma_wait3A_178 = tpu.memref_slice %arg13[%dma_wait3A_174, %dma_wait3A_176, %dma_wait3A_177] : memref<3x64x128xf32, #tpu.memory_space<vmem>> -> memref<1x64x128xf32, #tpu.memory_space<vmem>>
    %dma_wait3A_179 = tpu.memref_squeeze %dma_wait3A_178 : memref<1x64x128xf32, #tpu.memory_space<vmem>> -> memref<64x128xf32, #tpu.memory_space<vmem>>
    %dma_wait3A_180 = arith.constant 0 : i32
    %dma_wait3A_181 = arith.constant 0 : i32
    %dma_wait3A_182 = tpu.memref_slice %arg16[%dma_wait3A_180, %dma_wait3A_181] : memref<10112x128xf32, #tpu.memory_space<vmem_shared>> -> memref<64x128xf32, #tpu.memory_space<vmem_shared>>
    %dma_wait3A_183 = tpu.memref_slice %arg20[%dma_wait3A_175] : memref<3x!tpu.dma_semaphore, #tpu.memory_space<semaphore_mem>> -> memref<1x!tpu.dma_semaphore, #tpu.memory_space<semaphore_mem>>
    %dma_wait3A_184 = tpu.memref_squeeze %dma_wait3A_183 : memref<1x!tpu.dma_semaphore, #tpu.memory_space<semaphore_mem>> -> memref<!tpu.dma_semaphore, #tpu.memory_space<semaphore_mem>>
    %dma_wait3A_185 = arith.constant 0 : i32
    %dma_wait3A_186 = arith.constant 0 : i32
    %dma_wait3A_187 = tpu.memref_slice %arg16[%dma_wait3A_185, %dma_wait3A_186] : memref<10112x128xf32, #tpu.memory_space<vmem_shared>> -> memref<64x128xf32, #tpu.memory_space<vmem_shared>>
    %dma_wait3A_188 = arith.constant 0 : i32
    %dma_wait3A_189 = arith.constant 0 : i32
    %dma_wait3A_190 = tpu.memref_slice %arg13[%dma_wait3A_174, %dma_wait3A_188, %dma_wait3A_189] : memref<3x64x128xf32, #tpu.memory_space<vmem>> -> memref<1x64x128xf32, #tpu.memory_space<vmem>>
    %dma_wait3A_191 = tpu.memref_squeeze %dma_wait3A_190 : memref<1x64x128xf32, #tpu.memory_space<vmem>> -> memref<64x128xf32, #tpu.memory_space<vmem>>
    tpu.wait_dma2 semaphore(%dma_wait3A_184 : memref<!tpu.dma_semaphore, #tpu.memory_space<semaphore_mem>>) src(%dma_wait3A_191 : memref<64x128xf32, #tpu.memory_space<vmem>>) dst(%dma_wait3A_187 : memref<64x128xf32, #tpu.memory_space<vmem_shared>>)
    %dma_wait3A_192 = arith.constant 0 : i32
    %dma_wait3A_193 = arith.constant 0 : i32
    %dma_wait3A_194 = arith.constant 0 : i32
    %dma_wait3A_195 = arith.constant 0 : i32
    %dma_wait3A_196 = tpu.memref_slice %arg13[%dma_wait3A_192, %dma_wait3A_194, %dma_wait3A_195] : memref<3x64x128xf32, #tpu.memory_space<vmem>> -> memref<1x64x128xf32, #tpu.memory_space<vmem>>
    %dma_wait3A_197 = tpu.memref_squeeze %dma_wait3A_196 : memref<1x64x128xf32, #tpu.memory_space<vmem>> -> memref<64x128xf32, #tpu.memory_space<vmem>>
    %dma_wait3A_198 = arith.constant 0 : i32
    %dma_wait3A_199 = arith.constant 0 : i32
    %dma_wait3A_200 = tpu.memref_slice %arg16[%dma_wait3A_198, %dma_wait3A_199] : memref<10112x128xf32, #tpu.memory_space<vmem_shared>> -> memref<64x128xf32, #tpu.memory_space<vmem_shared>>
    %dma_wait3A_201 = tpu.memref_slice %arg20[%dma_wait3A_193] : memref<3x!tpu.dma_semaphore, #tpu.memory_space<semaphore_mem>> -> memref<1x!tpu.dma_semaphore, #tpu.memory_space<semaphore_mem>>
    %dma_wait3A_202 = tpu.memref_squeeze %dma_wait3A_201 : memref<1x!tpu.dma_semaphore, #tpu.memory_space<semaphore_mem>> -> memref<!tpu.dma_semaphore, #tpu.memory_space<semaphore_mem>>
    %dma_wait3A_203 = arith.constant 0 : i32
    %dma_wait3A_204 = arith.constant 0 : i32
    %dma_wait3A_205 = tpu.memref_slice %arg16[%dma_wait3A_203, %dma_wait3A_204] : memref<10112x128xf32, #tpu.memory_space<vmem_shared>> -> memref<64x128xf32, #tpu.memory_space<vmem_shared>>
    %dma_wait3A_206 = arith.constant 0 : i32
    %dma_wait3A_207 = arith.constant 0 : i32
    %dma_wait3A_208 = tpu.memref_slice %arg13[%dma_wait3A_192, %dma_wait3A_206, %dma_wait3A_207] : memref<3x64x128xf32, #tpu.memory_space<vmem>> -> memref<1x64x128xf32, #tpu.memory_space<vmem>>
    %dma_wait3A_209 = tpu.memref_squeeze %dma_wait3A_208 : memref<1x64x128xf32, #tpu.memory_space<vmem>> -> memref<64x128xf32, #tpu.memory_space<vmem>>
    tpu.wait_dma2 semaphore(%dma_wait3A_202 : memref<!tpu.dma_semaphore, #tpu.memory_space<semaphore_mem>>) src(%dma_wait3A_209 : memref<64x128xf32, #tpu.memory_space<vmem>>) dst(%dma_wait3A_205 : memref<64x128xf32, #tpu.memory_space<vmem_shared>>)
    %dma_wait3A_210 = arith.constant 0 : i32
    %dma_wait3A_211 = arith.constant 0 : i32
    %dma_wait3A_212 = arith.constant 0 : i32
    %dma_wait3A_213 = tpu.memref_slice %arg14[%dma_wait3A_210, %dma_wait3A_212] : memref<2x64xf32, #tpu.memory_space<vmem>> -> memref<1x64xf32, #tpu.memory_space<vmem>>
    %dma_wait3A_214 = tpu.memref_squeeze %dma_wait3A_213 : memref<1x64xf32, #tpu.memory_space<vmem>> -> memref<64xf32, #tpu.memory_space<vmem>>
    %dma_wait3A_215 = arith.constant 0 : i32
    %dma_wait3A_216 = tpu.memref_slice %arg17[%dma_wait3A_215] : memref<10240xf32, #tpu.memory_space<vmem_shared>> -> memref<64xf32, #tpu.memory_space<vmem_shared>>
    %dma_wait3A_217 = tpu.memref_slice %arg21[%dma_wait3A_211] : memref<2x!tpu.dma_semaphore, #tpu.memory_space<semaphore_mem>> -> memref<1x!tpu.dma_semaphore, #tpu.memory_space<semaphore_mem>>
    %dma_wait3A_218 = tpu.memref_squeeze %dma_wait3A_217 : memref<1x!tpu.dma_semaphore, #tpu.memory_space<semaphore_mem>> -> memref<!tpu.dma_semaphore, #tpu.memory_space<semaphore_mem>>
    %dma_wait3A_219 = arith.constant 0 : i32
    %dma_wait3A_220 = tpu.memref_slice %arg17[%dma_wait3A_219] : memref<10240xf32, #tpu.memory_space<vmem_shared>> -> memref<64xf32, #tpu.memory_space<vmem_shared>>
    %dma_wait3A_221 = arith.constant 0 : i32
    %dma_wait3A_222 = tpu.memref_slice %arg14[%dma_wait3A_210, %dma_wait3A_221] : memref<2x64xf32, #tpu.memory_space<vmem>> -> memref<1x64xf32, #tpu.memory_space<vmem>>
    %dma_wait3A_223 = tpu.memref_squeeze %dma_wait3A_222 : memref<1x64xf32, #tpu.memory_space<vmem>> -> memref<64xf32, #tpu.memory_space<vmem>>
    tpu.wait_dma2 semaphore(%dma_wait3A_218 : memref<!tpu.dma_semaphore, #tpu.memory_space<semaphore_mem>>) src(%dma_wait3A_223 : memref<64xf32, #tpu.memory_space<vmem>>) dst(%dma_wait3A_220 : memref<64xf32, #tpu.memory_space<vmem_shared>>)
    %dma_wait3A_224 = arith.constant 1 : i32
    %dma_wait3A_225 = arith.constant 1 : i32
    %dma_wait3A_226 = arith.constant 0 : i32
    %dma_wait3A_227 = tpu.memref_slice %arg14[%dma_wait3A_224, %dma_wait3A_226] : memref<2x64xf32, #tpu.memory_space<vmem>> -> memref<1x64xf32, #tpu.memory_space<vmem>>
    %dma_wait3A_228 = tpu.memref_squeeze %dma_wait3A_227 : memref<1x64xf32, #tpu.memory_space<vmem>> -> memref<64xf32, #tpu.memory_space<vmem>>
    %dma_wait3A_229 = arith.constant 0 : i32
    %dma_wait3A_230 = tpu.memref_slice %arg17[%dma_wait3A_229] : memref<10240xf32, #tpu.memory_space<vmem_shared>> -> memref<64xf32, #tpu.memory_space<vmem_shared>>
    %dma_wait3A_231 = tpu.memref_slice %arg21[%dma_wait3A_225] : memref<2x!tpu.dma_semaphore, #tpu.memory_space<semaphore_mem>> -> memref<1x!tpu.dma_semaphore, #tpu.memory_space<semaphore_mem>>
    %dma_wait3A_232 = tpu.memref_squeeze %dma_wait3A_231 : memref<1x!tpu.dma_semaphore, #tpu.memory_space<semaphore_mem>> -> memref<!tpu.dma_semaphore, #tpu.memory_space<semaphore_mem>>
    %dma_wait3A_233 = arith.constant 0 : i32
    %dma_wait3A_234 = tpu.memref_slice %arg17[%dma_wait3A_233] : memref<10240xf32, #tpu.memory_space<vmem_shared>> -> memref<64xf32, #tpu.memory_space<vmem_shared>>
    %dma_wait3A_235 = arith.constant 0 : i32
    %dma_wait3A_236 = tpu.memref_slice %arg14[%dma_wait3A_224, %dma_wait3A_235] : memref<2x64xf32, #tpu.memory_space<vmem>> -> memref<1x64xf32, #tpu.memory_space<vmem>>
    %dma_wait3A_237 = tpu.memref_squeeze %dma_wait3A_236 : memref<1x64xf32, #tpu.memory_space<vmem>> -> memref<64xf32, #tpu.memory_space<vmem>>
    tpu.wait_dma2 semaphore(%dma_wait3A_232 : memref<!tpu.dma_semaphore, #tpu.memory_space<semaphore_mem>>) src(%dma_wait3A_237 : memref<64xf32, #tpu.memory_space<vmem>>) dst(%dma_wait3A_234 : memref<64xf32, #tpu.memory_space<vmem_shared>>)
    %barrier3A_238 = arith.constant 0 : index
    tpu.barrier barrier_id(%barrier3A_238)
    %mul3A_239 = arith.constant 632 : i32
    %mul3A_240 = arith.muli %arg1, %mul3A_239 : i32
    %mul3A_241 = arith.constant 10112 : i32
    %mul3A_242 = arith.muli %arg0, %mul3A_241 : i32
    %mul3A_243 = arith.constant 632 : i32
    %mul3A_244 = arith.muli %arg1, %mul3A_243 : i32
    %add3A_245 = arith.addi %mul3A_242, %mul3A_244 : i32
    "tpu.region"() ({
      %run_scoped3A_253 = tpu.sem_alloc : memref<!tpu.dma_semaphore, #tpu.memory_space<semaphore_mem>>
      %dma_start3A_254 = arith.constant 0 : i32
      %dma_start3A_255 = tpu.memref_slice %arg8[%add3A_245, %dma_start3A_254] : memref<20224x128xf32, #tpu.memory_space<hbm>> -> memref<632x128xf32, #tpu.memory_space<hbm>>
      %dma_start3A_256 = arith.constant 0 : i32
      %dma_start3A_257 = tpu.memref_slice %arg16[%mul3A_240, %dma_start3A_256] : memref<10112x128xf32, #tpu.memory_space<vmem_shared>> -> memref<632x128xf32, #tpu.memory_space<vmem_shared>>
      tpu.enqueue_dma source(%dma_start3A_257 : memref<632x128xf32, #tpu.memory_space<vmem_shared>>) target(%dma_start3A_255 : memref<632x128xf32, #tpu.memory_space<hbm>>) target_semaphore(%run_scoped3A_253 : memref<!tpu.dma_semaphore, #tpu.memory_space<semaphore_mem>>)
      %dma_wait3A_258 = arith.constant 0 : i32
      %dma_wait3A_259 = tpu.memref_slice %arg8[%add3A_245, %dma_wait3A_258] : memref<20224x128xf32, #tpu.memory_space<hbm>> -> memref<632x128xf32, #tpu.memory_space<hbm>>
      %dma_wait3A_260 = arith.constant 0 : i32
      %dma_wait3A_261 = tpu.memref_slice %arg16[%mul3A_240, %dma_wait3A_260] : memref<10112x128xf32, #tpu.memory_space<vmem_shared>> -> memref<632x128xf32, #tpu.memory_space<vmem_shared>>
      tpu.wait_dma2 semaphore(%run_scoped3A_253 : memref<!tpu.dma_semaphore, #tpu.memory_space<semaphore_mem>>) src(%dma_wait3A_261 : memref<632x128xf32, #tpu.memory_space<vmem_shared>>) dst(%dma_wait3A_259 : memref<632x128xf32, #tpu.memory_space<hbm>>)
      tpu.yield
    }) : () -> ()
    %mul3A_246 = arith.constant 640 : i32
    %mul3A_247 = arith.muli %arg1, %mul3A_246 : i32
    %mul3A_248 = arith.constant 10240 : i32
    %mul3A_249 = arith.muli %arg0, %mul3A_248 : i32
    %mul3A_250 = arith.constant 640 : i32
    %mul3A_251 = arith.muli %arg1, %mul3A_250 : i32
    %add3A_252 = arith.addi %mul3A_249, %mul3A_251 : i32
    "tpu.region"() ({
      %run_scoped3A_253 = tpu.sem_alloc : memref<!tpu.dma_semaphore, #tpu.memory_space<semaphore_mem>>
      %dma_start3A_254 = tpu.memref_slice %arg9[%add3A_252] : memref<20480xf32, #tpu.memory_space<hbm>> -> memref<640xf32, #tpu.memory_space<hbm>>
      %dma_start3A_255 = tpu.memref_slice %arg17[%mul3A_247] : memref<10240xf32, #tpu.memory_space<vmem_shared>> -> memref<640xf32, #tpu.memory_space<vmem_shared>>
      tpu.enqueue_dma source(%dma_start3A_255 : memref<640xf32, #tpu.memory_space<vmem_shared>>) target(%dma_start3A_254 : memref<640xf32, #tpu.memory_space<hbm>>) target_semaphore(%run_scoped3A_253 : memref<!tpu.dma_semaphore, #tpu.memory_space<semaphore_mem>>)
      %dma_wait3A_256 = tpu.memref_slice %arg9[%add3A_252] : memref<20480xf32, #tpu.memory_space<hbm>> -> memref<640xf32, #tpu.memory_space<hbm>>
      %dma_wait3A_257 = tpu.memref_slice %arg17[%mul3A_247] : memref<10240xf32, #tpu.memory_space<vmem_shared>> -> memref<640xf32, #tpu.memory_space<vmem_shared>>
      tpu.wait_dma2 semaphore(%run_scoped3A_253 : memref<!tpu.dma_semaphore, #tpu.memory_space<semaphore_mem>>) src(%dma_wait3A_257 : memref<640xf32, #tpu.memory_space<vmem_shared>>) dst(%dma_wait3A_256 : memref<640xf32, #tpu.memory_space<hbm>>)
      tpu.yield
    }) : () -> ()
    return
  }
}

#map = affine_map<(d0, d1) -> (0, 0)>
#map1 = affine_map<(d0, d1) -> (0)>
module attributes {stable_mosaic.version = 14 : i64} {
  func.func @_sc_edge_body(%arg0: i32, %arg1: i32, %arg2: memref<10112x128xf32, #tpu.memory_space<hbm>>, %arg3: memref<5120x64xi32, #tpu.memory_space<hbm>>, %arg4: memref<5120x64xi32, #tpu.memory_space<hbm>>, %arg5: memref<128xf32, #tpu.memory_space<hbm>>, %arg6: memref<10112x128xf32, #tpu.memory_space<hbm>>, %arg7: memref<10240xf32, #tpu.memory_space<hbm>>, %arg8: memref<20224x128xf32, #tpu.memory_space<hbm>>, %arg9: memref<20480xf32, #tpu.memory_space<hbm>>, %arg10: memref<2x16x64xi32, #tpu.memory_space<vmem>>, %arg11: memref<2x16x64xi32, #tpu.memory_space<vmem>>, %arg12: memref<2x64x128xf32, #tpu.memory_space<vmem>>, %arg13: memref<3x64x128xf32, #tpu.memory_space<vmem>>, %arg14: memref<2x64xf32, #tpu.memory_space<vmem>>, %arg15: memref<128xf32, #tpu.memory_space<vmem>>, %arg16: memref<10112x128xf32, #tpu.memory_space<vmem_shared>>, %arg17: memref<10240xf32, #tpu.memory_space<vmem_shared>>, %arg18: memref<2x!tpu.dma_semaphore, #tpu.memory_space<semaphore_mem>>, %arg19: memref<3x!tpu.dma_semaphore, #tpu.memory_space<semaphore_mem>>, %arg20: memref<3x!tpu.dma_semaphore, #tpu.memory_space<semaphore_mem>>, %arg21: memref<2x!tpu.dma_semaphore, #tpu.memory_space<semaphore_mem>>, %arg22: memref<!tpu.dma_semaphore, #tpu.memory_space<semaphore_mem>>, %arg23: memref<!tpu.dma_semaphore, #tpu.memory_space<semaphore_mem>>) attributes {dimension_semantics = [#tpu.dimension_semantics<core_parallel>, #tpu.dimension_semantics<subcore_parallel>], iteration_bounds = array<i64: 2, 16>, scalar_prefetch = 0 : i64, scratch_operands = 14 : i64, tpu.core_type = #tpu.core_type<sc_vector_subcore>, window_params = [{transform_indices = #map}, {transform_indices = #map}, {transform_indices = #map}, {transform_indices = #map1}, {transform_indices = #map}, {transform_indices = #map1}, {transform_indices = #map}, {transform_indices = #map1}]} {
    %mul3A = arith.constant 16 : i32
    %mul3A_0 = arith.muli %arg0, %mul3A : i32
    %add3A = arith.addi %mul3A_0, %arg1 : i32
    %mul3A_1 = arith.constant 632 : i32
    %mul3A_2 = arith.muli %arg1, %mul3A_1 : i32
    %mul3A_3 = arith.constant 632 : i32
    %mul3A_4 = arith.muli %arg1, %mul3A_3 : i32
    "tpu.region"() ({
      %run_scoped3A_253 = tpu.sem_alloc : memref<!tpu.dma_semaphore, #tpu.memory_space<semaphore_mem>>
      %dma_start3A_254 = arith.constant 0 : i32
      %dma_start3A_255 = tpu.memref_slice %arg16[%mul3A_4, %dma_start3A_254] : memref<10112x128xf32, #tpu.memory_space<vmem_shared>> -> memref<632x128xf32, #tpu.memory_space<vmem_shared>>
      %dma_start3A_256 = arith.constant 0 : i32
      %dma_start3A_257 = tpu.memref_slice %arg6[%mul3A_2, %dma_start3A_256] : memref<10112x128xf32, #tpu.memory_space<hbm>> -> memref<632x128xf32, #tpu.memory_space<hbm>>
      tpu.enqueue_dma source(%dma_start3A_257 : memref<632x128xf32, #tpu.memory_space<hbm>>) target(%dma_start3A_255 : memref<632x128xf32, #tpu.memory_space<vmem_shared>>) target_semaphore(%run_scoped3A_253 : memref<!tpu.dma_semaphore, #tpu.memory_space<semaphore_mem>>)
      %dma_wait3A_258 = arith.constant 0 : i32
      %dma_wait3A_259 = tpu.memref_slice %arg16[%mul3A_4, %dma_wait3A_258] : memref<10112x128xf32, #tpu.memory_space<vmem_shared>> -> memref<632x128xf32, #tpu.memory_space<vmem_shared>>
      %dma_wait3A_260 = arith.constant 0 : i32
      %dma_wait3A_261 = tpu.memref_slice %arg6[%mul3A_2, %dma_wait3A_260] : memref<10112x128xf32, #tpu.memory_space<hbm>> -> memref<632x128xf32, #tpu.memory_space<hbm>>
      tpu.wait_dma2 semaphore(%run_scoped3A_253 : memref<!tpu.dma_semaphore, #tpu.memory_space<semaphore_mem>>) src(%dma_wait3A_261 : memref<632x128xf32, #tpu.memory_space<hbm>>) dst(%dma_wait3A_259 : memref<632x128xf32, #tpu.memory_space<vmem_shared>>)
      tpu.yield
    }) : () -> ()
    %mul3A_5 = arith.constant 640 : i32
    %mul3A_6 = arith.muli %arg1, %mul3A_5 : i32
    %mul3A_7 = arith.constant 640 : i32
    %mul3A_8 = arith.muli %arg1, %mul3A_7 : i32
    "tpu.region"() ({
      %run_scoped3A_253 = tpu.sem_alloc : memref<!tpu.dma_semaphore, #tpu.memory_space<semaphore_mem>>
      %dma_start3A_254 = tpu.memref_slice %arg17[%mul3A_8] : memref<10240xf32, #tpu.memory_space<vmem_shared>> -> memref<640xf32, #tpu.memory_space<vmem_shared>>
      %dma_start3A_255 = tpu.memref_slice %arg7[%mul3A_6] : memref<10240xf32, #tpu.memory_space<hbm>> -> memref<640xf32, #tpu.memory_space<hbm>>
      tpu.enqueue_dma source(%dma_start3A_255 : memref<640xf32, #tpu.memory_space<hbm>>) target(%dma_start3A_254 : memref<640xf32, #tpu.memory_space<vmem_shared>>) target_semaphore(%run_scoped3A_253 : memref<!tpu.dma_semaphore, #tpu.memory_space<semaphore_mem>>)
      %dma_wait3A_256 = tpu.memref_slice %arg17[%mul3A_8] : memref<10240xf32, #tpu.memory_space<vmem_shared>> -> memref<640xf32, #tpu.memory_space<vmem_shared>>
      %dma_wait3A_257 = tpu.memref_slice %arg7[%mul3A_6] : memref<10240xf32, #tpu.memory_space<hbm>> -> memref<640xf32, #tpu.memory_space<hbm>>
      tpu.wait_dma2 semaphore(%run_scoped3A_253 : memref<!tpu.dma_semaphore, #tpu.memory_space<semaphore_mem>>) src(%dma_wait3A_257 : memref<640xf32, #tpu.memory_space<hbm>>) dst(%dma_wait3A_256 : memref<640xf32, #tpu.memory_space<vmem_shared>>)
      tpu.yield
    }) : () -> ()
    "tpu.region"() ({
      %run_scoped3A_253 = tpu.sem_alloc : memref<!tpu.dma_semaphore, #tpu.memory_space<semaphore_mem>>
      tpu.enqueue_dma source(%arg5 : memref<128xf32, #tpu.memory_space<hbm>>) target(%arg15 : memref<128xf32, #tpu.memory_space<vmem>>) target_semaphore(%run_scoped3A_253 : memref<!tpu.dma_semaphore, #tpu.memory_space<semaphore_mem>>)
      tpu.wait_dma2 semaphore(%run_scoped3A_253 : memref<!tpu.dma_semaphore, #tpu.memory_space<semaphore_mem>>) src(%arg5 : memref<128xf32, #tpu.memory_space<hbm>>) dst(%arg15 : memref<128xf32, #tpu.memory_space<vmem>>)
      tpu.yield
    }) : () -> ()
    %get3A = arith.constant 0 : index
    %get3A_9 = tpu.vector_load %arg15[%get3A] {strides = array<i32>} : memref<128xf32, #tpu.memory_space<vmem>>, vector<16xf32>,
    %get3A_10 = arith.constant 16 : index
    %get3A_11 = tpu.vector_load %arg15[%get3A_10] {strides = array<i32>} : memref<128xf32, #tpu.memory_space<vmem>>, vector<16xf32>,
    %get3A_12 = arith.constant 32 : index
    %get3A_13 = tpu.vector_load %arg15[%get3A_12] {strides = array<i32>} : memref<128xf32, #tpu.memory_space<vmem>>, vector<16xf32>,
    %get3A_14 = arith.constant 48 : index
    %get3A_15 = tpu.vector_load %arg15[%get3A_14] {strides = array<i32>} : memref<128xf32, #tpu.memory_space<vmem>>, vector<16xf32>,
    %get3A_16 = arith.constant 64 : index
    %get3A_17 = tpu.vector_load %arg15[%get3A_16] {strides = array<i32>} : memref<128xf32, #tpu.memory_space<vmem>>, vector<16xf32>,
    %get3A_18 = arith.constant 80 : index
    %get3A_19 = tpu.vector_load %arg15[%get3A_18] {strides = array<i32>} : memref<128xf32, #tpu.memory_space<vmem>>, vector<16xf32>,
    %get3A_20 = arith.constant 96 : index
    %get3A_21 = tpu.vector_load %arg15[%get3A_20] {strides = array<i32>} : memref<128xf32, #tpu.memory_space<vmem>>, vector<16xf32>,
    %get3A_22 = arith.constant 112 : index
    %get3A_23 = tpu.vector_load %arg15[%get3A_22] {strides = array<i32>} : memref<128xf32, #tpu.memory_space<vmem>>, vector<16xf32>,
    %iota3A = tpu.iota {dimensions = array<i32: 0>} : vector<16xi32>
    %eq3A = arith.constant 0 : i32
    %eq3A_24 = vector.broadcast %eq3A : i32 to vector<16xi32>
    %eq3A_25 = arith.cmpi eq, %iota3A, %eq3A_24 : vector<16xi32>
    %broadcast_in_dim3A = arith.constant 15 : i32
    %broadcast_in_dim3A_26 = vector.broadcast %broadcast_in_dim3A : i32 to vector<16xi32>
    %barrier3A = arith.constant 0 : index
    tpu.barrier barrier_id(%barrier3A)
    %mul3A_27 = arith.constant 160 : i32
    %mul3A_28 = arith.muli %add3A, %mul3A_27 : i32
    %run_scoped3A = arith.constant 0 : i32
    "tpu.region"() ({
      %run_scoped3A_253 = tpu.sem_alloc : memref<!tpu.dma_semaphore, #tpu.memory_space<semaphore_mem>>
      %dma_start3A_254 = arith.constant 0 : i32
      %dma_start3A_255 = arith.constant 0 : i32
      %dma_start3A_256 = tpu.memref_slice %arg10[%run_scoped3A, %dma_start3A_254, %dma_start3A_255] : memref<2x16x64xi32, #tpu.memory_space<vmem>> -> memref<1x16x64xi32, #tpu.memory_space<vmem>>
      %dma_start3A_257 = tpu.memref_squeeze %dma_start3A_256 : memref<1x16x64xi32, #tpu.memory_space<vmem>> -> memref<16x64xi32, #tpu.memory_space<vmem>>
      %dma_start3A_258 = arith.constant 0 : i32
      %dma_start3A_259 = tpu.memref_slice %arg3[%mul3A_28, %dma_start3A_258] : memref<5120x64xi32, #tpu.memory_space<hbm>> -> memref<16x64xi32, #tpu.memory_space<hbm>>
      %dma_start3A_260 = arith.constant 0 : i32
      %dma_start3A_261 = arith.constant 0 : i32
      %dma_start3A_262 = tpu.memref_slice %arg10[%run_scoped3A, %dma_start3A_260, %dma_start3A_261] : memref<2x16x64xi32, #tpu.memory_space<vmem>> -> memref<1x16x64xi32, #tpu.memory_space<vmem>>
      %dma_start3A_263 = tpu.memref_squeeze %dma_start3A_262 : memref<1x16x64xi32, #tpu.memory_space<vmem>> -> memref<16x64xi32, #tpu.memory_space<vmem>>
      %dma_start3A_264 = arith.constant 0 : i32
      %dma_start3A_265 = tpu.memref_slice %arg3[%mul3A_28, %dma_start3A_264] : memref<5120x64xi32, #tpu.memory_space<hbm>> -> memref<16x64xi32, #tpu.memory_space<hbm>>
      tpu.enqueue_dma source(%dma_start3A_265 : memref<16x64xi32, #tpu.memory_space<hbm>>) target(%dma_start3A_263 : memref<16x64xi32, #tpu.memory_space<vmem>>) target_semaphore(%run_scoped3A_253 : memref<!tpu.dma_semaphore, #tpu.memory_space<semaphore_mem>>)
      %dma_wait3A_266 = arith.constant 0 : i32
      %dma_wait3A_267 = arith.constant 0 : i32
      %dma_wait3A_268 = tpu.memref_slice %arg10[%run_scoped3A, %dma_wait3A_266, %dma_wait3A_267] : memref<2x16x64xi32, #tpu.memory_space<vmem>> -> memref<1x16x64xi32, #tpu.memory_space<vmem>>
      %dma_wait3A_269 = tpu.memref_squeeze %dma_wait3A_268 : memref<1x16x64xi32, #tpu.memory_space<vmem>> -> memref<16x64xi32, #tpu.memory_space<vmem>>
      %dma_wait3A_270 = arith.constant 0 : i32
      %dma_wait3A_271 = tpu.memref_slice %arg3[%mul3A_28, %dma_wait3A_270] : memref<5120x64xi32, #tpu.memory_space<hbm>> -> memref<16x64xi32, #tpu.memory_space<hbm>>
      %dma_wait3A_272 = arith.constant 0 : i32
      %dma_wait3A_273 = arith.constant 0 : i32
      %dma_wait3A_274 = tpu.memref_slice %arg10[%run_scoped3A, %dma_wait3A_272, %dma_wait3A_273] : memref<2x16x64xi32, #tpu.memory_space<vmem>> -> memref<1x16x64xi32, #tpu.memory_space<vmem>>
      %dma_wait3A_275 = tpu.memref_squeeze %dma_wait3A_274 : memref<1x16x64xi32, #tpu.memory_space<vmem>> -> memref<16x64xi32, #tpu.memory_space<vmem>>
      %dma_wait3A_276 = arith.constant 0 : i32
      %dma_wait3A_277 = tpu.memref_slice %arg3[%mul3A_28, %dma_wait3A_276] : memref<5120x64xi32, #tpu.memory_space<hbm>> -> memref<16x64xi32, #tpu.memory_space<hbm>>
      tpu.wait_dma2 semaphore(%run_scoped3A_253 : memref<!tpu.dma_semaphore, #tpu.memory_space<semaphore_mem>>) src(%dma_wait3A_277 : memref<16x64xi32, #tpu.memory_space<hbm>>) dst(%dma_wait3A_275 : memref<16x64xi32, #tpu.memory_space<vmem>>)
      tpu.yield
    }) : () -> ()
    %mul3A_29 = arith.constant 160 : i32
    %mul3A_30 = arith.muli %add3A, %mul3A_29 : i32
    %run_scoped3A_31 = arith.constant 0 : i32
    "tpu.region"() ({
      %run_scoped3A_253 = tpu.sem_alloc : memref<!tpu.dma_semaphore, #tpu.memory_space<semaphore_mem>>
      %dma_start3A_254 = arith.constant 0 : i32
      %dma_start3A_255 = arith.constant 0 : i32
      %dma_start3A_256 = tpu.memref_slice %arg11[%run_scoped3A_31, %dma_start3A_254, %dma_start3A_255] : memref<2x16x64xi32, #tpu.memory_space<vmem>> -> memref<1x16x64xi32, #tpu.memory_space<vmem>>
      %dma_start3A_257 = tpu.memref_squeeze %dma_start3A_256 : memref<1x16x64xi32, #tpu.memory_space<vmem>> -> memref<16x64xi32, #tpu.memory_space<vmem>>
      %dma_start3A_258 = arith.constant 0 : i32
      %dma_start3A_259 = tpu.memref_slice %arg4[%mul3A_30, %dma_start3A_258] : memref<5120x64xi32, #tpu.memory_space<hbm>> -> memref<16x64xi32, #tpu.memory_space<hbm>>
      %dma_start3A_260 = arith.constant 0 : i32
      %dma_start3A_261 = arith.constant 0 : i32
      %dma_start3A_262 = tpu.memref_slice %arg11[%run_scoped3A_31, %dma_start3A_260, %dma_start3A_261] : memref<2x16x64xi32, #tpu.memory_space<vmem>> -> memref<1x16x64xi32, #tpu.memory_space<vmem>>
      %dma_start3A_263 = tpu.memref_squeeze %dma_start3A_262 : memref<1x16x64xi32, #tpu.memory_space<vmem>> -> memref<16x64xi32, #tpu.memory_space<vmem>>
      %dma_start3A_264 = arith.constant 0 : i32
      %dma_start3A_265 = tpu.memref_slice %arg4[%mul3A_30, %dma_start3A_264] : memref<5120x64xi32, #tpu.memory_space<hbm>> -> memref<16x64xi32, #tpu.memory_space<hbm>>
      tpu.enqueue_dma source(%dma_start3A_265 : memref<16x64xi32, #tpu.memory_space<hbm>>) target(%dma_start3A_263 : memref<16x64xi32, #tpu.memory_space<vmem>>) target_semaphore(%run_scoped3A_253 : memref<!tpu.dma_semaphore, #tpu.memory_space<semaphore_mem>>)
      %dma_wait3A_266 = arith.constant 0 : i32
      %dma_wait3A_267 = arith.constant 0 : i32
      %dma_wait3A_268 = tpu.memref_slice %arg11[%run_scoped3A_31, %dma_wait3A_266, %dma_wait3A_267] : memref<2x16x64xi32, #tpu.memory_space<vmem>> -> memref<1x16x64xi32, #tpu.memory_space<vmem>>
      %dma_wait3A_269 = tpu.memref_squeeze %dma_wait3A_268 : memref<1x16x64xi32, #tpu.memory_space<vmem>> -> memref<16x64xi32, #tpu.memory_space<vmem>>
      %dma_wait3A_270 = arith.constant 0 : i32
      %dma_wait3A_271 = tpu.memref_slice %arg4[%mul3A_30, %dma_wait3A_270] : memref<5120x64xi32, #tpu.memory_space<hbm>> -> memref<16x64xi32, #tpu.memory_space<hbm>>
      %dma_wait3A_272 = arith.constant 0 : i32
      %dma_wait3A_273 = arith.constant 0 : i32
      %dma_wait3A_274 = tpu.memref_slice %arg11[%run_scoped3A_31, %dma_wait3A_272, %dma_wait3A_273] : memref<2x16x64xi32, #tpu.memory_space<vmem>> -> memref<1x16x64xi32, #tpu.memory_space<vmem>>
      %dma_wait3A_275 = tpu.memref_squeeze %dma_wait3A_274 : memref<1x16x64xi32, #tpu.memory_space<vmem>> -> memref<16x64xi32, #tpu.memory_space<vmem>>
      %dma_wait3A_276 = arith.constant 0 : i32
      %dma_wait3A_277 = tpu.memref_slice %arg4[%mul3A_30, %dma_wait3A_276] : memref<5120x64xi32, #tpu.memory_space<hbm>> -> memref<16x64xi32, #tpu.memory_space<hbm>>
      tpu.wait_dma2 semaphore(%run_scoped3A_253 : memref<!tpu.dma_semaphore, #tpu.memory_space<semaphore_mem>>) src(%dma_wait3A_277 : memref<16x64xi32, #tpu.memory_space<hbm>>) dst(%dma_wait3A_275 : memref<16x64xi32, #tpu.memory_space<vmem>>)
      tpu.yield
    }) : () -> ()
    %mul3A_32 = arith.constant 160 : i32
    %mul3A_33 = arith.muli %add3A, %mul3A_32 : i32
    %add3A_34 = arith.constant 16 : i32
    %add3A_35 = arith.addi %mul3A_33, %add3A_34 : i32
    %dma_start3A = arith.constant 1 : i32
    %dma_start3A_36 = arith.constant 0 : i32
    %dma_start3A_37 = arith.constant 0 : i32
    %dma_start3A_38 = tpu.memref_slice %arg10[%dma_start3A, %dma_start3A_36, %dma_start3A_37] : memref<2x16x64xi32, #tpu.memory_space<vmem>> -> memref<1x16x64xi32, #tpu.memory_space<vmem>>
    %dma_start3A_39 = tpu.memref_squeeze %dma_start3A_38 : memref<1x16x64xi32, #tpu.memory_space<vmem>> -> memref<16x64xi32, #tpu.memory_space<vmem>>
    %dma_start3A_40 = arith.constant 0 : i32
    %dma_start3A_41 = tpu.memref_slice %arg3[%add3A_35, %dma_start3A_40] : memref<5120x64xi32, #tpu.memory_space<hbm>> -> memref<16x64xi32, #tpu.memory_space<hbm>>
    %dma_start3A_42 = arith.constant 0 : i32
    %dma_start3A_43 = arith.constant 0 : i32
    %dma_start3A_44 = tpu.memref_slice %arg10[%dma_start3A, %dma_start3A_42, %dma_start3A_43] : memref<2x16x64xi32, #tpu.memory_space<vmem>> -> memref<1x16x64xi32, #tpu.memory_space<vmem>>
    %dma_start3A_45 = tpu.memref_squeeze %dma_start3A_44 : memref<1x16x64xi32, #tpu.memory_space<vmem>> -> memref<16x64xi32, #tpu.memory_space<vmem>>
    %dma_start3A_46 = arith.constant 0 : i32
    %dma_start3A_47 = tpu.memref_slice %arg3[%add3A_35, %dma_start3A_46] : memref<5120x64xi32, #tpu.memory_space<hbm>> -> memref<16x64xi32, #tpu.memory_space<hbm>>
    tpu.enqueue_dma source(%dma_start3A_47 : memref<16x64xi32, #tpu.memory_space<hbm>>) target(%dma_start3A_45 : memref<16x64xi32, #tpu.memory_space<vmem>>) target_semaphore(%arg22 : memref<!tpu.dma_semaphore, #tpu.memory_space<semaphore_mem>>)
    %mul3A_48 = arith.constant 160 : i32
    %mul3A_49 = arith.muli %add3A, %mul3A_48 : i32
    %add3A_50 = arith.constant 16 : i32
    %add3A_51 = arith.addi %mul3A_49, %add3A_50 : i32
    %dma_start3A_52 = arith.constant 1 : i32
    %dma_start3A_53 = arith.constant 0 : i32
    %dma_start3A_54 = arith.constant 0 : i32
    %dma_start3A_55 = tpu.memref_slice %arg11[%dma_start3A_52, %dma_start3A_53, %dma_start3A_54] : memref<2x16x64xi32, #tpu.memory_space<vmem>> -> memref<1x16x64xi32, #tpu.memory_space<vmem>>
    %dma_start3A_56 = tpu.memref_squeeze %dma_start3A_55 : memref<1x16x64xi32, #tpu.memory_space<vmem>> -> memref<16x64xi32, #tpu.memory_space<vmem>>
    %dma_start3A_57 = arith.constant 0 : i32
    %dma_start3A_58 = tpu.memref_slice %arg4[%add3A_51, %dma_start3A_57] : memref<5120x64xi32, #tpu.memory_space<hbm>> -> memref<16x64xi32, #tpu.memory_space<hbm>>
    %dma_start3A_59 = arith.constant 0 : i32
    %dma_start3A_60 = arith.constant 0 : i32
    %dma_start3A_61 = tpu.memref_slice %arg11[%dma_start3A_52, %dma_start3A_59, %dma_start3A_60] : memref<2x16x64xi32, #tpu.memory_space<vmem>> -> memref<1x16x64xi32, #tpu.memory_space<vmem>>
    %dma_start3A_62 = tpu.memref_squeeze %dma_start3A_61 : memref<1x16x64xi32, #tpu.memory_space<vmem>> -> memref<16x64xi32, #tpu.memory_space<vmem>>
    %dma_start3A_63 = arith.constant 0 : i32
    %dma_start3A_64 = tpu.memref_slice %arg4[%add3A_51, %dma_start3A_63] : memref<5120x64xi32, #tpu.memory_space<hbm>> -> memref<16x64xi32, #tpu.memory_space<hbm>>
    tpu.enqueue_dma source(%dma_start3A_64 : memref<16x64xi32, #tpu.memory_space<hbm>>) target(%dma_start3A_62 : memref<16x64xi32, #tpu.memory_space<vmem>>) target_semaphore(%arg23 : memref<!tpu.dma_semaphore, #tpu.memory_space<semaphore_mem>>)
    %rem3A = arith.constant 0 : i32
    %rem3A_65 = arith.constant 2 : i32
    %rem3A_66 = arith.remsi %rem3A, %rem3A_65 : i32
    %rem3A_67 = arith.constant 0 : i32
    %rem3A_68 = arith.constant 2 : i32
    %rem3A_69 = arith.remsi %rem3A_67, %rem3A_68 : i32
    %rem3A_70 = arith.constant 0 : i32
    %rem3A_71 = arith.constant 2 : i32
    %rem3A_72 = arith.remsi %rem3A_70, %rem3A_71 : i32
    %dma_start3A_73 = arith.constant 0 : i32
    %dma_start3A_74 = arith.constant 0 : i32
    %dma_start3A_75 = arith.constant 0 : i32
    %dma_start3A_76 = tpu.memref_slice %arg12[%rem3A_69, %dma_start3A_74, %dma_start3A_75] : memref<2x64x128xf32, #tpu.memory_space<vmem>> -> memref<1x64x128xf32, #tpu.memory_space<vmem>>
    %dma_start3A_77 = tpu.memref_squeeze %dma_start3A_76 : memref<1x64x128xf32, #tpu.memory_space<vmem>> -> memref<64x128xf32, #tpu.memory_space<vmem>>
    %dma_start3A_78 = arith.constant 0 : i32
    %dma_start3A_79 = tpu.memref_slice %arg10[%rem3A_66, %dma_start3A_73, %dma_start3A_78] : memref<2x16x64xi32, #tpu.memory_space<vmem>> -> memref<1x1x64xi32, #tpu.memory_space<vmem>>
    %dma_start3A_80 = tpu.memref_squeeze %dma_start3A_79 : memref<1x1x64xi32, #tpu.memory_space<vmem>> -> memref<64xi32, #tpu.memory_space<vmem>>
    %dma_start3A_81 = arith.constant 0 : i32
    %dma_start3A_82 = arith.constant 0 : i32
    %dma_start3A_83 = tpu.memref_slice %arg2[%dma_start3A_81, %dma_start3A_82] : memref<10112x128xf32, #tpu.memory_space<hbm>> -> memref<10112x128xf32, #tpu.memory_space<hbm>>
    %dma_start3A_84 = tpu.memref_slice %arg18[%rem3A_72] : memref<2x!tpu.dma_semaphore, #tpu.memory_space<semaphore_mem>> -> memref<1x!tpu.dma_semaphore, #tpu.memory_space<semaphore_mem>>
    %dma_start3A_85 = tpu.memref_squeeze %dma_start3A_84 : memref<1x!tpu.dma_semaphore, #tpu.memory_space<semaphore_mem>> -> memref<!tpu.dma_semaphore, #tpu.memory_space<semaphore_mem>>
    tpu.enqueue_indirect_dma source(%dma_start3A_83 : memref<10112x128xf32, #tpu.memory_space<hbm>>) target(%dma_start3A_77 : memref<64x128xf32, #tpu.memory_space<vmem>>) offsets(%dma_start3A_80 : memref<64xi32, #tpu.memory_space<vmem>>) semaphore(%dma_start3A_85 : memref<!tpu.dma_semaphore, #tpu.memory_space<semaphore_mem>>)
    %rem3A_86 = arith.constant 0 : i32
    %rem3A_87 = arith.constant 2 : i32
    %rem3A_88 = arith.remsi %rem3A_86, %rem3A_87 : i32
    %rem3A_89 = arith.constant 0 : i32
    %rem3A_90 = arith.constant 3 : i32
    %rem3A_91 = arith.remsi %rem3A_89, %rem3A_90 : i32
    %rem3A_92 = arith.constant 0 : i32
    %rem3A_93 = arith.constant 3 : i32
    %rem3A_94 = arith.remsi %rem3A_92, %rem3A_93 : i32
    %dma_start3A_95 = arith.constant 0 : i32
    %dma_start3A_96 = arith.constant 0 : i32
    %dma_start3A_97 = arith.constant 0 : i32
    %dma_start3A_98 = tpu.memref_slice %arg13[%rem3A_91, %dma_start3A_96, %dma_start3A_97] : memref<3x64x128xf32, #tpu.memory_space<vmem>> -> memref<1x64x128xf32, #tpu.memory_space<vmem>>
    %dma_start3A_99 = tpu.memref_squeeze %dma_start3A_98 : memref<1x64x128xf32, #tpu.memory_space<vmem>> -> memref<64x128xf32, #tpu.memory_space<vmem>>
    %dma_start3A_100 = arith.constant 0 : i32
    %dma_start3A_101 = tpu.memref_slice %arg11[%rem3A_88, %dma_start3A_95, %dma_start3A_100] : memref<2x16x64xi32, #tpu.memory_space<vmem>> -> memref<1x1x64xi32, #tpu.memory_space<vmem>>
    %dma_start3A_102 = tpu.memref_squeeze %dma_start3A_101 : memref<1x1x64xi32, #tpu.memory_space<vmem>> -> memref<64xi32, #tpu.memory_space<vmem>>
    %dma_start3A_103 = arith.constant 0 : i32
    %dma_start3A_104 = arith.constant 0 : i32
    %dma_start3A_105 = tpu.memref_slice %arg2[%dma_start3A_103, %dma_start3A_104] : memref<10112x128xf32, #tpu.memory_space<hbm>> -> memref<10112x128xf32, #tpu.memory_space<hbm>>
    %dma_start3A_106 = tpu.memref_slice %arg19[%rem3A_94] : memref<3x!tpu.dma_semaphore, #tpu.memory_space<semaphore_mem>> -> memref<1x!tpu.dma_semaphore, #tpu.memory_space<semaphore_mem>>
    %dma_start3A_107 = tpu.memref_squeeze %dma_start3A_106 : memref<1x!tpu.dma_semaphore, #tpu.memory_space<semaphore_mem>> -> memref<!tpu.dma_semaphore, #tpu.memory_space<semaphore_mem>>
    tpu.enqueue_indirect_dma source(%dma_start3A_105 : memref<10112x128xf32, #tpu.memory_space<hbm>>) target(%dma_start3A_99 : memref<64x128xf32, #tpu.memory_space<vmem>>) offsets(%dma_start3A_102 : memref<64xi32, #tpu.memory_space<vmem>>) semaphore(%dma_start3A_107 : memref<!tpu.dma_semaphore, #tpu.memory_space<semaphore_mem>>)
    %rem3A_108 = arith.constant 0 : i32
    %rem3A_109 = arith.constant 2 : i32
    %rem3A_110 = arith.remsi %rem3A_108, %rem3A_109 : i32
    %rem3A_111 = arith.constant 1 : i32
    %rem3A_112 = arith.constant 2 : i32
    %rem3A_113 = arith.remsi %rem3A_111, %rem3A_112 : i32
    %rem3A_114 = arith.constant 1 : i32
    %rem3A_115 = arith.constant 2 : i32
    %rem3A_116 = arith.remsi %rem3A_114, %rem3A_115 : i32
    %dma_start3A_117 = arith.constant 1 : i32
    %dma_start3A_118 = arith.constant 0 : i32
    %dma_start3A_119 = arith.constant 0 : i32
    %dma_start3A_120 = tpu.memref_slice %arg12[%rem3A_113, %dma_start3A_118, %dma_start3A_119] : memref<2x64x128xf32, #tpu.memory_space<vmem>> -> memref<1x64x128xf32, #tpu.memory_space<vmem>>
    %dma_start3A_121 = tpu.memref_squeeze %dma_start3A_120 : memref<1x64x128xf32, #tpu.memory_space<vmem>> -> memref<64x128xf32, #tpu.memory_space<vmem>>
    %dma_start3A_122 = arith.constant 0 : i32
    %dma_start3A_123 = tpu.memref_slice %arg10[%rem3A_110, %dma_start3A_117, %dma_start3A_122] : memref<2x16x64xi32, #tpu.memory_space<vmem>> -> memref<1x1x64xi32, #tpu.memory_space<vmem>>
    %dma_start3A_124 = tpu.memref_squeeze %dma_start3A_123 : memref<1x1x64xi32, #tpu.memory_space<vmem>> -> memref<64xi32, #tpu.memory_space<vmem>>
    %dma_start3A_125 = arith.constant 0 : i32
    %dma_start3A_126 = arith.constant 0 : i32
    %dma_start3A_127 = tpu.memref_slice %arg2[%dma_start3A_125, %dma_start3A_126] : memref<10112x128xf32, #tpu.memory_space<hbm>> -> memref<10112x128xf32, #tpu.memory_space<hbm>>
    %dma_start3A_128 = tpu.memref_slice %arg18[%rem3A_116] : memref<2x!tpu.dma_semaphore, #tpu.memory_space<semaphore_mem>> -> memref<1x!tpu.dma_semaphore, #tpu.memory_space<semaphore_mem>>
    %dma_start3A_129 = tpu.memref_squeeze %dma_start3A_128 : memref<1x!tpu.dma_semaphore, #tpu.memory_space<semaphore_mem>> -> memref<!tpu.dma_semaphore, #tpu.memory_space<semaphore_mem>>
    tpu.enqueue_indirect_dma source(%dma_start3A_127 : memref<10112x128xf32, #tpu.memory_space<hbm>>) target(%dma_start3A_121 : memref<64x128xf32, #tpu.memory_space<vmem>>) offsets(%dma_start3A_124 : memref<64xi32, #tpu.memory_space<vmem>>) semaphore(%dma_start3A_129 : memref<!tpu.dma_semaphore, #tpu.memory_space<semaphore_mem>>)
    %rem3A_130 = arith.constant 0 : i32
    %rem3A_131 = arith.constant 2 : i32
    %rem3A_132 = arith.remsi %rem3A_130, %rem3A_131 : i32
    %rem3A_133 = arith.constant 1 : i32
    %rem3A_134 = arith.constant 3 : i32
    %rem3A_135 = arith.remsi %rem3A_133, %rem3A_134 : i32
    %rem3A_136 = arith.constant 1 : i32
    %rem3A_137 = arith.constant 3 : i32
    %rem3A_138 = arith.remsi %rem3A_136, %rem3A_137 : i32
    %dma_start3A_139 = arith.constant 1 : i32
    %dma_start3A_140 = arith.constant 0 : i32
    %dma_start3A_141 = arith.constant 0 : i32
    %dma_start3A_142 = tpu.memref_slice %arg13[%rem3A_135, %dma_start3A_140, %dma_start3A_141] : memref<3x64x128xf32, #tpu.memory_space<vmem>> -> memref<1x64x128xf32, #tpu.memory_space<vmem>>
    %dma_start3A_143 = tpu.memref_squeeze %dma_start3A_142 : memref<1x64x128xf32, #tpu.memory_space<vmem>> -> memref<64x128xf32, #tpu.memory_space<vmem>>
    %dma_start3A_144 = arith.constant 0 : i32
    %dma_start3A_145 = tpu.memref_slice %arg11[%rem3A_132, %dma_start3A_139, %dma_start3A_144] : memref<2x16x64xi32, #tpu.memory_space<vmem>> -> memref<1x1x64xi32, #tpu.memory_space<vmem>>
    %dma_start3A_146 = tpu.memref_squeeze %dma_start3A_145 : memref<1x1x64xi32, #tpu.memory_space<vmem>> -> memref<64xi32, #tpu.memory_space<vmem>>
    %dma_start3A_147 = arith.constant 0 : i32
    %dma_start3A_148 = arith.constant 0 : i32
    %dma_start3A_149 = tpu.memref_slice %arg2[%dma_start3A_147, %dma_start3A_148] : memref<10112x128xf32, #tpu.memory_space<hbm>> -> memref<10112x128xf32, #tpu.memory_space<hbm>>
    %dma_start3A_150 = tpu.memref_slice %arg19[%rem3A_138] : memref<3x!tpu.dma_semaphore, #tpu.memory_space<semaphore_mem>> -> memref<1x!tpu.dma_semaphore, #tpu.memory_space<semaphore_mem>>
    %dma_start3A_151 = tpu.memref_squeeze %dma_start3A_150 : memref<1x!tpu.dma_semaphore, #tpu.memory_space<semaphore_mem>> -> memref<!tpu.dma_semaphore, #tpu.memory_space<semaphore_mem>>
    tpu.enqueue_indirect_dma source(%dma_start3A_149 : memref<10112x128xf32, #tpu.memory_space<hbm>>) target(%dma_start3A_143 : memref<64x128xf32, #tpu.memory_space<vmem>>) offsets(%dma_start3A_146 : memref<64xi32, #tpu.memory_space<vmem>>) semaphore(%dma_start3A_151 : memref<!tpu.dma_semaphore, #tpu.memory_space<semaphore_mem>>)
    %scan3A = arith.constant 0 : i32
    %scan3A_152 = arith.constant 0 : i32
    %scan3A_153 = arith.constant 160 : i32
    %scan3A_154 = arith.addi %scan3A_152, %scan3A_153 : i32
    %scan3A_155 = arith.constant 1 : i32
    scf.for %scan3A_253 = %scan3A_152 to %scan3A_154 step %scan3A_155  : i32 {
      %rem3A_254 = arith.constant 2 : i32
      %rem3A_255 = arith.remsi %scan3A_253, %rem3A_254 : i32
      %rem3A_256 = arith.constant 3 : i32
      %rem3A_257 = arith.remsi %scan3A_253, %rem3A_256 : i32
      %jit3A = arith.constant 16 : i32
      %div3A = arith.divsi %scan3A_253, %jit3A : i32
      %sign3A = arith.constant 0 : i32
      %sign3A_258 = arith.cmpi sgt, %scan3A_253, %sign3A : i32
      %sign3A_259 = arith.extui %sign3A_258 : i1 to i32
      %sign3A_260 = arith.constant 0 : i32
      %sign3A_261 = arith.cmpi slt, %scan3A_253, %sign3A_260 : i32
      %sign3A_262 = arith.extui %sign3A_261 : i1 to i32
      %sign3A_263 = arith.subi %sign3A_259, %sign3A_262 : i32
      %sign3A_264 = arith.constant 0 : i32
      %sign3A_265 = arith.cmpi sgt, %jit3A, %sign3A_264 : i32
      %sign3A_266 = arith.extui %sign3A_265 : i1 to i32
      %sign3A_267 = arith.constant 0 : i32
      %sign3A_268 = arith.cmpi slt, %jit3A, %sign3A_267 : i32
      %sign3A_269 = arith.extui %sign3A_268 : i1 to i32
      %sign3A_270 = arith.subi %sign3A_266, %sign3A_269 : i32
      %ne3A = arith.cmpi ne, %sign3A_263, %sign3A_270 : i32
      %rem3A_271 = arith.remsi %scan3A_253, %jit3A : i32
      %ne3A_272 = arith.constant 0 : i32
      %ne3A_273 = arith.cmpi ne, %rem3A_271, %ne3A_272 : i32
      %and3A = arith.andi %ne3A, %ne3A_273 : i1
      %sub3A = arith.constant 1 : i32
      %sub3A_274 = arith.subi %div3A, %sub3A : i32
      %select_n3A = arith.select %and3A, %sub3A_274, %div3A : i32
      %mul3A_275 = arith.constant 16 : i32
      %mul3A_276 = arith.muli %select_n3A, %mul3A_275 : i32
      %sub3A_277 = arith.subi %scan3A_253, %mul3A_276 : i32
      %eq3A_278 = arith.constant 0 : i32
      %eq3A_279 = arith.cmpi eq, %sub3A_277, %eq3A_278 : i32
      %ge3A = arith.constant 1 : i32
      %ge3A_280 = arith.cmpi sge, %select_n3A, %ge3A : i32
      %lt3A = arith.constant 9 : i32
      %lt3A_281 = arith.cmpi slt, %select_n3A, %lt3A : i32
      %and3A_282 = arith.andi %ge3A_280, %lt3A_281 : i1
      %and3A_283 = arith.andi %eq3A_279, %and3A_282 : i1
      %convert_element_type3A = arith.extui %and3A_283 : i1 to i32
      %cond3A = arith.constant 0 : i32
      %cond3A_284 = arith.cmpi ne, %convert_element_type3A, %cond3A : i32
      scf.if %cond3A_284 {
        %mul3A_318 = arith.constant 160 : i32
        %mul3A_319 = arith.muli %add3A, %mul3A_318 : i32
        %add3A_320 = arith.constant 1 : i32
        %add3A_321 = arith.addi %select_n3A, %add3A_320 : i32
        %mul3A_322 = arith.constant 16 : i32
        %mul3A_323 = arith.muli %add3A_321, %mul3A_322 : i32
        %add3A_324 = arith.addi %mul3A_319, %mul3A_323 : i32
        %add3A_325 = arith.constant 1 : i32
        %add3A_326 = arith.addi %select_n3A, %add3A_325 : i32
        %rem3A_327 = arith.constant 2 : i32
        %rem3A_328 = arith.remsi %add3A_326, %rem3A_327 : i32
        %dma_start3A_329 = arith.constant 0 : i32
        %dma_start3A_330 = arith.constant 0 : i32
        %dma_start3A_331 = tpu.memref_slice %arg10[%rem3A_328, %dma_start3A_329, %dma_start3A_330] : memref<2x16x64xi32, #tpu.memory_space<vmem>> -> memref<1x16x64xi32, #tpu.memory_space<vmem>>
        %dma_start3A_332 = tpu.memref_squeeze %dma_start3A_331 : memref<1x16x64xi32, #tpu.memory_space<vmem>> -> memref<16x64xi32, #tpu.memory_space<vmem>>
        %dma_start3A_333 = arith.constant 0 : i32
        %dma_start3A_334 = tpu.memref_slice %arg3[%add3A_324, %dma_start3A_333] : memref<5120x64xi32, #tpu.memory_space<hbm>> -> memref<16x64xi32, #tpu.memory_space<hbm>>
        %dma_start3A_335 = arith.constant 0 : i32
        %dma_start3A_336 = arith.constant 0 : i32
        %dma_start3A_337 = tpu.memref_slice %arg10[%rem3A_328, %dma_start3A_335, %dma_start3A_336] : memref<2x16x64xi32, #tpu.memory_space<vmem>> -> memref<1x16x64xi32, #tpu.memory_space<vmem>>
        %dma_start3A_338 = tpu.memref_squeeze %dma_start3A_337 : memref<1x16x64xi32, #tpu.memory_space<vmem>> -> memref<16x64xi32, #tpu.memory_space<vmem>>
        %dma_start3A_339 = arith.constant 0 : i32
        %dma_start3A_340 = tpu.memref_slice %arg3[%add3A_324, %dma_start3A_339] : memref<5120x64xi32, #tpu.memory_space<hbm>> -> memref<16x64xi32, #tpu.memory_space<hbm>>
        tpu.enqueue_dma source(%dma_start3A_340 : memref<16x64xi32, #tpu.memory_space<hbm>>) target(%dma_start3A_338 : memref<16x64xi32, #tpu.memory_space<vmem>>) target_semaphore(%arg22 : memref<!tpu.dma_semaphore, #tpu.memory_space<semaphore_mem>>)
        %dma_start3A_341 = arith.constant 0 : i32
        %dma_start3A_342 = arith.constant 0 : i32
        %dma_start3A_343 = tpu.memref_slice %arg11[%rem3A_328, %dma_start3A_341, %dma_start3A_342] : memref<2x16x64xi32, #tpu.memory_space<vmem>> -> memref<1x16x64xi32, #tpu.memory_space<vmem>>
        %dma_start3A_344 = tpu.memref_squeeze %dma_start3A_343 : memref<1x16x64xi32, #tpu.memory_space<vmem>> -> memref<16x64xi32, #tpu.memory_space<vmem>>
        %dma_start3A_345 = arith.constant 0 : i32
        %dma_start3A_346 = tpu.memref_slice %arg4[%add3A_324, %dma_start3A_345] : memref<5120x64xi32, #tpu.memory_space<hbm>> -> memref<16x64xi32, #tpu.memory_space<hbm>>
        %dma_start3A_347 = arith.constant 0 : i32
        %dma_start3A_348 = arith.constant 0 : i32
        %dma_start3A_349 = tpu.memref_slice %arg11[%rem3A_328, %dma_start3A_347, %dma_start3A_348] : memref<2x16x64xi32, #tpu.memory_space<vmem>> -> memref<1x16x64xi32, #tpu.memory_space<vmem>>
        %dma_start3A_350 = tpu.memref_squeeze %dma_start3A_349 : memref<1x16x64xi32, #tpu.memory_space<vmem>> -> memref<16x64xi32, #tpu.memory_space<vmem>>
        %dma_start3A_351 = arith.constant 0 : i32
        %dma_start3A_352 = tpu.memref_slice %arg4[%add3A_324, %dma_start3A_351] : memref<5120x64xi32, #tpu.memory_space<hbm>> -> memref<16x64xi32, #tpu.memory_space<hbm>>
        tpu.enqueue_dma source(%dma_start3A_352 : memref<16x64xi32, #tpu.memory_space<hbm>>) target(%dma_start3A_350 : memref<16x64xi32, #tpu.memory_space<vmem>>) target_semaphore(%arg23 : memref<!tpu.dma_semaphore, #tpu.memory_space<semaphore_mem>>)
      } else {
      }
      %eq3A_285 = arith.constant 14 : i32
      %eq3A_286 = arith.cmpi eq, %sub3A_277, %eq3A_285 : i32
      %lt3A_287 = arith.constant 9 : i32
      %lt3A_288 = arith.cmpi slt, %select_n3A, %lt3A_287 : i32
      %and3A_289 = arith.andi %eq3A_286, %lt3A_288 : i1
      %convert_element_type3A_290 = arith.extui %and3A_289 : i1 to i32
      %cond3A_291 = arith.constant 0 : i32
      %cond3A_292 = arith.cmpi ne, %convert_element_type3A_290, %cond3A_291 : i32
      scf.if %cond3A_292 {
        %dma_wait3A_318 = arith.constant 0 : i32
        %dma_wait3A_319 = arith.constant 0 : i32
        %dma_wait3A_320 = arith.constant 0 : i32
        %dma_wait3A_321 = tpu.memref_slice %arg10[%dma_wait3A_318, %dma_wait3A_319, %dma_wait3A_320] : memref<2x16x64xi32, #tpu.memory_space<vmem>> -> memref<1x16x64xi32, #tpu.memory_space<vmem>>
        %dma_wait3A_322 = tpu.memref_squeeze %dma_wait3A_321 : memref<1x16x64xi32, #tpu.memory_space<vmem>> -> memref<16x64xi32, #tpu.memory_space<vmem>>
        %dma_wait3A_323 = arith.constant 0 : i32
        %dma_wait3A_324 = arith.constant 0 : i32
        %dma_wait3A_325 = tpu.memref_slice %arg3[%dma_wait3A_323, %dma_wait3A_324] : memref<5120x64xi32, #tpu.memory_space<hbm>> -> memref<16x64xi32, #tpu.memory_space<hbm>>
        %dma_wait3A_326 = arith.constant 0 : i32
        %dma_wait3A_327 = arith.constant 0 : i32
        %dma_wait3A_328 = tpu.memref_slice %arg10[%dma_wait3A_318, %dma_wait3A_326, %dma_wait3A_327] : memref<2x16x64xi32, #tpu.memory_space<vmem>> -> memref<1x16x64xi32, #tpu.memory_space<vmem>>
        %dma_wait3A_329 = tpu.memref_squeeze %dma_wait3A_328 : memref<1x16x64xi32, #tpu.memory_space<vmem>> -> memref<16x64xi32, #tpu.memory_space<vmem>>
        %dma_wait3A_330 = arith.constant 0 : i32
        %dma_wait3A_331 = arith.constant 0 : i32
        %dma_wait3A_332 = tpu.memref_slice %arg3[%dma_wait3A_330, %dma_wait3A_331] : memref<5120x64xi32, #tpu.memory_space<hbm>> -> memref<16x64xi32, #tpu.memory_space<hbm>>
        tpu.wait_dma2 semaphore(%arg22 : memref<!tpu.dma_semaphore, #tpu.memory_space<semaphore_mem>>) src(%dma_wait3A_332 : memref<16x64xi32, #tpu.memory_space<hbm>>) dst(%dma_wait3A_329 : memref<16x64xi32, #tpu.memory_space<vmem>>)
        %dma_wait3A_333 = arith.constant 0 : i32
        %dma_wait3A_334 = arith.constant 0 : i32
        %dma_wait3A_335 = arith.constant 0 : i32
        %dma_wait3A_336 = tpu.memref_slice %arg11[%dma_wait3A_333, %dma_wait3A_334, %dma_wait3A_335] : memref<2x16x64xi32, #tpu.memory_space<vmem>> -> memref<1x16x64xi32, #tpu.memory_space<vmem>>
        %dma_wait3A_337 = tpu.memref_squeeze %dma_wait3A_336 : memref<1x16x64xi32, #tpu.memory_space<vmem>> -> memref<16x64xi32, #tpu.memory_space<vmem>>
        %dma_wait3A_338 = arith.constant 0 : i32
        %dma_wait3A_339 = arith.constant 0 : i32
        %dma_wait3A_340 = tpu.memref_slice %arg4[%dma_wait3A_338, %dma_wait3A_339] : memref<5120x64xi32, #tpu.memory_space<hbm>> -> memref<16x64xi32, #tpu.memory_space<hbm>>
        %dma_wait3A_341 = arith.constant 0 : i32
        %dma_wait3A_342 = arith.constant 0 : i32
        %dma_wait3A_343 = tpu.memref_slice %arg11[%dma_wait3A_333, %dma_wait3A_341, %dma_wait3A_342] : memref<2x16x64xi32, #tpu.memory_space<vmem>> -> memref<1x16x64xi32, #tpu.memory_space<vmem>>
        %dma_wait3A_344 = tpu.memref_squeeze %dma_wait3A_343 : memref<1x16x64xi32, #tpu.memory_space<vmem>> -> memref<16x64xi32, #tpu.memory_space<vmem>>
        %dma_wait3A_345 = arith.constant 0 : i32
        %dma_wait3A_346 = arith.constant 0 : i32
        %dma_wait3A_347 = tpu.memref_slice %arg4[%dma_wait3A_345, %dma_wait3A_346] : memref<5120x64xi32, #tpu.memory_space<hbm>> -> memref<16x64xi32, #tpu.memory_space<hbm>>
        tpu.wait_dma2 semaphore(%arg23 : memref<!tpu.dma_semaphore, #tpu.memory_space<semaphore_mem>>) src(%dma_wait3A_347 : memref<16x64xi32, #tpu.memory_space<hbm>>) dst(%dma_wait3A_344 : memref<16x64xi32, #tpu.memory_space<vmem>>)
      } else {
      }
      %mul3A_293 = arith.constant 10240 : i32
      %mul3A_294 = arith.muli %add3A, %mul3A_293 : i32
      %mul3A_295 = arith.constant 64 : i32
      %mul3A_296 = arith.muli %scan3A_253, %mul3A_295 : i32
      %add3A_297 = arith.addi %mul3A_294, %mul3A_296 : i32
      %lt3A_298 = arith.constant 320000 : i32
      %lt3A_299 = arith.cmpi slt, %add3A_297, %lt3A_298 : i32
      %convert_element_type3A_300 = arith.extui %lt3A_299 : i1 to i32
      %cond3A_301 = arith.constant 0 : i32
      %cond3A_302 = arith.cmpi ne, %convert_element_type3A_300, %cond3A_301 : i32
      scf.if %cond3A_302 {
        %dma_wait3A_318 = arith.constant 0 : i32
        %dma_wait3A_319 = arith.constant 0 : i32
        %dma_wait3A_320 = tpu.memref_slice %arg12[%rem3A_255, %dma_wait3A_318, %dma_wait3A_319] : memref<2x64x128xf32, #tpu.memory_space<vmem>> -> memref<1x64x128xf32, #tpu.memory_space<vmem>>
        %dma_wait3A_321 = tpu.memref_squeeze %dma_wait3A_320 : memref<1x64x128xf32, #tpu.memory_space<vmem>> -> memref<64x128xf32, #tpu.memory_space<vmem>>
        %dma_wait3A_322 = arith.constant 0 : i32
        %dma_wait3A_323 = arith.constant 0 : i32
        %dma_wait3A_324 = tpu.memref_slice %arg2[%dma_wait3A_322, %dma_wait3A_323] : memref<10112x128xf32, #tpu.memory_space<hbm>> -> memref<64x128xf32, #tpu.memory_space<hbm>>
        %dma_wait3A_325 = tpu.memref_slice %arg18[%rem3A_255] : memref<2x!tpu.dma_semaphore, #tpu.memory_space<semaphore_mem>> -> memref<1x!tpu.dma_semaphore, #tpu.memory_space<semaphore_mem>>
        %dma_wait3A_326 = tpu.memref_squeeze %dma_wait3A_325 : memref<1x!tpu.dma_semaphore, #tpu.memory_space<semaphore_mem>> -> memref<!tpu.dma_semaphore, #tpu.memory_space<semaphore_mem>>
        %dma_wait3A_327 = arith.constant 0 : i32
        %dma_wait3A_328 = arith.constant 0 : i32
        %dma_wait3A_329 = tpu.memref_slice %arg12[%rem3A_255, %dma_wait3A_327, %dma_wait3A_328] : memref<2x64x128xf32, #tpu.memory_space<vmem>> -> memref<1x64x128xf32, #tpu.memory_space<vmem>>
        %dma_wait3A_330 = tpu.memref_squeeze %dma_wait3A_329 : memref<1x64x128xf32, #tpu.memory_space<vmem>> -> memref<64x128xf32, #tpu.memory_space<vmem>>
        %dma_wait3A_331 = arith.constant 0 : i32
        %dma_wait3A_332 = arith.constant 0 : i32
        %dma_wait3A_333 = tpu.memref_slice %arg2[%dma_wait3A_331, %dma_wait3A_332] : memref<10112x128xf32, #tpu.memory_space<hbm>> -> memref<64x128xf32, #tpu.memory_space<hbm>>
        tpu.wait_dma2 semaphore(%dma_wait3A_326 : memref<!tpu.dma_semaphore, #tpu.memory_space<semaphore_mem>>) src(%dma_wait3A_333 : memref<64x128xf32, #tpu.memory_space<hbm>>) dst(%dma_wait3A_330 : memref<64x128xf32, #tpu.memory_space<vmem>>)
        %dma_wait3A_334 = arith.constant 0 : i32
        %dma_wait3A_335 = arith.constant 0 : i32
        %dma_wait3A_336 = tpu.memref_slice %arg13[%rem3A_257, %dma_wait3A_334, %dma_wait3A_335] : memref<3x64x128xf32, #tpu.memory_space<vmem>> -> memref<1x64x128xf32, #tpu.memory_space<vmem>>
        %dma_wait3A_337 = tpu.memref_squeeze %dma_wait3A_336 : memref<1x64x128xf32, #tpu.memory_space<vmem>> -> memref<64x128xf32, #tpu.memory_space<vmem>>
        %dma_wait3A_338 = arith.constant 0 : i32
        %dma_wait3A_339 = arith.constant 0 : i32
        %dma_wait3A_340 = tpu.memref_slice %arg2[%dma_wait3A_338, %dma_wait3A_339] : memref<10112x128xf32, #tpu.memory_space<hbm>> -> memref<64x128xf32, #tpu.memory_space<hbm>>
        %dma_wait3A_341 = tpu.memref_slice %arg19[%rem3A_257] : memref<3x!tpu.dma_semaphore, #tpu.memory_space<semaphore_mem>> -> memref<1x!tpu.dma_semaphore, #tpu.memory_space<semaphore_mem>>
        %dma_wait3A_342 = tpu.memref_squeeze %dma_wait3A_341 : memref<1x!tpu.dma_semaphore, #tpu.memory_space<semaphore_mem>> -> memref<!tpu.dma_semaphore, #tpu.memory_space<semaphore_mem>>
        %dma_wait3A_343 = arith.constant 0 : i32
        %dma_wait3A_344 = arith.constant 0 : i32
        %dma_wait3A_345 = tpu.memref_slice %arg13[%rem3A_257, %dma_wait3A_343, %dma_wait3A_344] : memref<3x64x128xf32, #tpu.memory_space<vmem>> -> memref<1x64x128xf32, #tpu.memory_space<vmem>>
        %dma_wait3A_346 = tpu.memref_squeeze %dma_wait3A_345 : memref<1x64x128xf32, #tpu.memory_space<vmem>> -> memref<64x128xf32, #tpu.memory_space<vmem>>
        %dma_wait3A_347 = arith.constant 0 : i32
        %dma_wait3A_348 = arith.constant 0 : i32
        %dma_wait3A_349 = tpu.memref_slice %arg2[%dma_wait3A_347, %dma_wait3A_348] : memref<10112x128xf32, #tpu.memory_space<hbm>> -> memref<64x128xf32, #tpu.memory_space<hbm>>
        tpu.wait_dma2 semaphore(%dma_wait3A_342 : memref<!tpu.dma_semaphore, #tpu.memory_space<semaphore_mem>>) src(%dma_wait3A_349 : memref<64x128xf32, #tpu.memory_space<hbm>>) dst(%dma_wait3A_346 : memref<64x128xf32, #tpu.memory_space<vmem>>)
        %ge3A_350 = arith.constant 2 : i32
        %ge3A_351 = arith.cmpi sge, %scan3A_253, %ge3A_350 : i32
        %convert_element_type3A_352 = arith.extui %ge3A_351 : i1 to i32
        %cond3A_353 = arith.constant 0 : i32
        %cond3A_354 = arith.cmpi ne, %convert_element_type3A_352, %cond3A_353 : i32
        scf.if %cond3A_354 {
          %dma_wait3A_441 = arith.constant 0 : i32
          %dma_wait3A_442 = tpu.memref_slice %arg14[%rem3A_255, %dma_wait3A_441] : memref<2x64xf32, #tpu.memory_space<vmem>> -> memref<1x64xf32, #tpu.memory_space<vmem>>
          %dma_wait3A_443 = tpu.memref_squeeze %dma_wait3A_442 : memref<1x64xf32, #tpu.memory_space<vmem>> -> memref<64xf32, #tpu.memory_space<vmem>>
          %dma_wait3A_444 = arith.constant 0 : i32
          %dma_wait3A_445 = tpu.memref_slice %arg17[%dma_wait3A_444] : memref<10240xf32, #tpu.memory_space<vmem_shared>> -> memref<64xf32, #tpu.memory_space<vmem_shared>>
          %dma_wait3A_446 = tpu.memref_slice %arg21[%rem3A_255] : memref<2x!tpu.dma_semaphore, #tpu.memory_space<semaphore_mem>> -> memref<1x!tpu.dma_semaphore, #tpu.memory_space<semaphore_mem>>
          %dma_wait3A_447 = tpu.memref_squeeze %dma_wait3A_446 : memref<1x!tpu.dma_semaphore, #tpu.memory_space<semaphore_mem>> -> memref<!tpu.dma_semaphore, #tpu.memory_space<semaphore_mem>>
          %dma_wait3A_448 = arith.constant 0 : i32
          %dma_wait3A_449 = tpu.memref_slice %arg17[%dma_wait3A_448] : memref<10240xf32, #tpu.memory_space<vmem_shared>> -> memref<64xf32, #tpu.memory_space<vmem_shared>>
          %dma_wait3A_450 = arith.constant 0 : i32
          %dma_wait3A_451 = tpu.memref_slice %arg14[%rem3A_255, %dma_wait3A_450] : memref<2x64xf32, #tpu.memory_space<vmem>> -> memref<1x64xf32, #tpu.memory_space<vmem>>
          %dma_wait3A_452 = tpu.memref_squeeze %dma_wait3A_451 : memref<1x64xf32, #tpu.memory_space<vmem>> -> memref<64xf32, #tpu.memory_space<vmem>>
          tpu.wait_dma2 semaphore(%dma_wait3A_447 : memref<!tpu.dma_semaphore, #tpu.memory_space<semaphore_mem>>) src(%dma_wait3A_452 : memref<64xf32, #tpu.memory_space<vmem>>) dst(%dma_wait3A_449 : memref<64xf32, #tpu.memory_space<vmem_shared>>)
        } else {
        }
        %scan3A_355 = arith.constant 0 : i32
        %scan3A_356 = arith.constant 0 : i32
        %scan3A_357 = arith.constant 64 : i32
        %scan3A_358 = arith.addi %scan3A_356, %scan3A_357 : i32
        %scan3A_359 = arith.constant 2 : i32
        scf.for %scan3A_441 = %scan3A_356 to %scan3A_358 step %scan3A_359  : i32 {
          %get3A_442 = arith.index_cast %rem3A_255 : i32 to index
          %get3A_443 = arith.index_cast %scan3A_441 : i32 to index
          %get3A_444 = arith.constant 0 : index
          %get3A_445 = tpu.vector_load %arg12[%get3A_442, %get3A_443, %get3A_444] {strides = array<i32>} : memref<2x64x128xf32, #tpu.memory_space<vmem>>, vector<16xf32>,
          %get3A_446 = arith.index_cast %rem3A_255 : i32 to index
          %get3A_447 = arith.index_cast %scan3A_441 : i32 to index
          %get3A_448 = arith.constant 16 : index
          %get3A_449 = tpu.vector_load %arg12[%get3A_446, %get3A_447, %get3A_448] {strides = array<i32>} : memref<2x64x128xf32, #tpu.memory_space<vmem>>, vector<16xf32>,
          %get3A_450 = arith.index_cast %rem3A_255 : i32 to index
          %get3A_451 = arith.index_cast %scan3A_441 : i32 to index
          %get3A_452 = arith.constant 32 : index
          %get3A_453 = tpu.vector_load %arg12[%get3A_450, %get3A_451, %get3A_452] {strides = array<i32>} : memref<2x64x128xf32, #tpu.memory_space<vmem>>, vector<16xf32>,
          %get3A_454 = arith.index_cast %rem3A_255 : i32 to index
          %get3A_455 = arith.index_cast %scan3A_441 : i32 to index
          %get3A_456 = arith.constant 48 : index
          %get3A_457 = tpu.vector_load %arg12[%get3A_454, %get3A_455, %get3A_456] {strides = array<i32>} : memref<2x64x128xf32, #tpu.memory_space<vmem>>, vector<16xf32>,
          %get3A_458 = arith.index_cast %rem3A_255 : i32 to index
          %get3A_459 = arith.index_cast %scan3A_441 : i32 to index
          %get3A_460 = arith.constant 64 : index
          %get3A_461 = tpu.vector_load %arg12[%get3A_458, %get3A_459, %get3A_460] {strides = array<i32>} : memref<2x64x128xf32, #tpu.memory_space<vmem>>, vector<16xf32>,
          %get3A_462 = arith.index_cast %rem3A_255 : i32 to index
          %get3A_463 = arith.index_cast %scan3A_441 : i32 to index
          %get3A_464 = arith.constant 80 : index
          %get3A_465 = tpu.vector_load %arg12[%get3A_462, %get3A_463, %get3A_464] {strides = array<i32>} : memref<2x64x128xf32, #tpu.memory_space<vmem>>, vector<16xf32>,
          %get3A_466 = arith.index_cast %rem3A_255 : i32 to index
          %get3A_467 = arith.index_cast %scan3A_441 : i32 to index
          %get3A_468 = arith.constant 96 : index
          %get3A_469 = tpu.vector_load %arg12[%get3A_466, %get3A_467, %get3A_468] {strides = array<i32>} : memref<2x64x128xf32, #tpu.memory_space<vmem>>, vector<16xf32>,
          %get3A_470 = arith.index_cast %rem3A_255 : i32 to index
          %get3A_471 = arith.index_cast %scan3A_441 : i32 to index
          %get3A_472 = arith.constant 112 : index
          %get3A_473 = tpu.vector_load %arg12[%get3A_470, %get3A_471, %get3A_472] {strides = array<i32>} : memref<2x64x128xf32, #tpu.memory_space<vmem>>, vector<16xf32>,
          %get3A_474 = arith.index_cast %rem3A_257 : i32 to index
          %get3A_475 = arith.index_cast %scan3A_441 : i32 to index
          %get3A_476 = arith.constant 0 : index
          %get3A_477 = tpu.vector_load %arg13[%get3A_474, %get3A_475, %get3A_476] {strides = array<i32>} : memref<3x64x128xf32, #tpu.memory_space<vmem>>, vector<16xf32>,
          %get3A_478 = arith.index_cast %rem3A_257 : i32 to index
          %get3A_479 = arith.index_cast %scan3A_441 : i32 to index
          %get3A_480 = arith.constant 16 : index
          %get3A_481 = tpu.vector_load %arg13[%get3A_478, %get3A_479, %get3A_480] {strides = array<i32>} : memref<3x64x128xf32, #tpu.memory_space<vmem>>, vector<16xf32>,
          %get3A_482 = arith.index_cast %rem3A_257 : i32 to index
          %get3A_483 = arith.index_cast %scan3A_441 : i32 to index
          %get3A_484 = arith.constant 32 : index
          %get3A_485 = tpu.vector_load %arg13[%get3A_482, %get3A_483, %get3A_484] {strides = array<i32>} : memref<3x64x128xf32, #tpu.memory_space<vmem>>, vector<16xf32>,
          %get3A_486 = arith.index_cast %rem3A_257 : i32 to index
          %get3A_487 = arith.index_cast %scan3A_441 : i32 to index
          %get3A_488 = arith.constant 48 : index
          %get3A_489 = tpu.vector_load %arg13[%get3A_486, %get3A_487, %get3A_488] {strides = array<i32>} : memref<3x64x128xf32, #tpu.memory_space<vmem>>, vector<16xf32>,
          %get3A_490 = arith.index_cast %rem3A_257 : i32 to index
          %get3A_491 = arith.index_cast %scan3A_441 : i32 to index
          %get3A_492 = arith.constant 64 : index
          %get3A_493 = tpu.vector_load %arg13[%get3A_490, %get3A_491, %get3A_492] {strides = array<i32>} : memref<3x64x128xf32, #tpu.memory_space<vmem>>, vector<16xf32>,
          %get3A_494 = arith.index_cast %rem3A_257 : i32 to index
          %get3A_495 = arith.index_cast %scan3A_441 : i32 to index
          %get3A_496 = arith.constant 80 : index
          %get3A_497 = tpu.vector_load %arg13[%get3A_494, %get3A_495, %get3A_496] {strides = array<i32>} : memref<3x64x128xf32, #tpu.memory_space<vmem>>, vector<16xf32>,
          %get3A_498 = arith.index_cast %rem3A_257 : i32 to index
          %get3A_499 = arith.index_cast %scan3A_441 : i32 to index
          %get3A_500 = arith.constant 96 : index
          %get3A_501 = tpu.vector_load %arg13[%get3A_498, %get3A_499, %get3A_500] {strides = array<i32>} : memref<3x64x128xf32, #tpu.memory_space<vmem>>, vector<16xf32>,
          %get3A_502 = arith.index_cast %rem3A_257 : i32 to index
          %get3A_503 = arith.index_cast %scan3A_441 : i32 to index
          %get3A_504 = arith.constant 112 : index
          %get3A_505 = tpu.vector_load %arg13[%get3A_502, %get3A_503, %get3A_504] {strides = array<i32>} : memref<3x64x128xf32, #tpu.memory_space<vmem>>, vector<16xf32>,
          %broadcast_in_dim3A_506 = arith.constant 0.000000e+00 : f32
          %broadcast_in_dim3A_507 = vector.broadcast %broadcast_in_dim3A_506 : f32 to vector<16xf32>
          %add3A_508 = arith.addf %get3A_445, %get3A_477 : vector<16xf32>
          %mul3A_509 = arith.constant 2.000000e-01 : f32
          %mul3A_510 = vector.broadcast %mul3A_509 : f32 to vector<16xf32>
          %mul3A_511 = arith.mulf %mul3A_510, %add3A_508 : vector<16xf32>
          %max3A = arith.maximumf %add3A_508, %mul3A_511 : vector<16xf32>
          %mul3A_512 = arith.mulf %get3A_9, %max3A : vector<16xf32>
          %add3A_513 = arith.addf %broadcast_in_dim3A_507, %mul3A_512 : vector<16xf32>
          %add3A_514 = arith.addf %get3A_449, %get3A_481 : vector<16xf32>
          %mul3A_515 = arith.constant 2.000000e-01 : f32
          %mul3A_516 = vector.broadcast %mul3A_515 : f32 to vector<16xf32>
          %mul3A_517 = arith.mulf %mul3A_516, %add3A_514 : vector<16xf32>
          %max3A_518 = arith.maximumf %add3A_514, %mul3A_517 : vector<16xf32>
          %mul3A_519 = arith.mulf %get3A_11, %max3A_518 : vector<16xf32>
          %add3A_520 = arith.addf %add3A_513, %mul3A_519 : vector<16xf32>
          %add3A_521 = arith.addf %get3A_453, %get3A_485 : vector<16xf32>
          %mul3A_522 = arith.constant 2.000000e-01 : f32
          %mul3A_523 = vector.broadcast %mul3A_522 : f32 to vector<16xf32>
          %mul3A_524 = arith.mulf %mul3A_523, %add3A_521 : vector<16xf32>
          %max3A_525 = arith.maximumf %add3A_521, %mul3A_524 : vector<16xf32>
          %mul3A_526 = arith.mulf %get3A_13, %max3A_525 : vector<16xf32>
          %add3A_527 = arith.addf %add3A_520, %mul3A_526 : vector<16xf32>
          %add3A_528 = arith.addf %get3A_457, %get3A_489 : vector<16xf32>
          %mul3A_529 = arith.constant 2.000000e-01 : f32
          %mul3A_530 = vector.broadcast %mul3A_529 : f32 to vector<16xf32>
          %mul3A_531 = arith.mulf %mul3A_530, %add3A_528 : vector<16xf32>
          %max3A_532 = arith.maximumf %add3A_528, %mul3A_531 : vector<16xf32>
          %mul3A_533 = arith.mulf %get3A_15, %max3A_532 : vector<16xf32>
          %add3A_534 = arith.addf %add3A_527, %mul3A_533 : vector<16xf32>
          %add3A_535 = arith.addf %get3A_461, %get3A_493 : vector<16xf32>
          %mul3A_536 = arith.constant 2.000000e-01 : f32
          %mul3A_537 = vector.broadcast %mul3A_536 : f32 to vector<16xf32>
          %mul3A_538 = arith.mulf %mul3A_537, %add3A_535 : vector<16xf32>
          %max3A_539 = arith.maximumf %add3A_535, %mul3A_538 : vector<16xf32>
          %mul3A_540 = arith.mulf %get3A_17, %max3A_539 : vector<16xf32>
          %add3A_541 = arith.addf %add3A_534, %mul3A_540 : vector<16xf32>
          %add3A_542 = arith.addf %get3A_465, %get3A_497 : vector<16xf32>
          %mul3A_543 = arith.constant 2.000000e-01 : f32
          %mul3A_544 = vector.broadcast %mul3A_543 : f32 to vector<16xf32>
          %mul3A_545 = arith.mulf %mul3A_544, %add3A_542 : vector<16xf32>
          %max3A_546 = arith.maximumf %add3A_542, %mul3A_545 : vector<16xf32>
          %mul3A_547 = arith.mulf %get3A_19, %max3A_546 : vector<16xf32>
          %add3A_548 = arith.addf %add3A_541, %mul3A_547 : vector<16xf32>
          %add3A_549 = arith.addf %get3A_469, %get3A_501 : vector<16xf32>
          %mul3A_550 = arith.constant 2.000000e-01 : f32
          %mul3A_551 = vector.broadcast %mul3A_550 : f32 to vector<16xf32>
          %mul3A_552 = arith.mulf %mul3A_551, %add3A_549 : vector<16xf32>
          %max3A_553 = arith.maximumf %add3A_549, %mul3A_552 : vector<16xf32>
          %mul3A_554 = arith.mulf %get3A_21, %max3A_553 : vector<16xf32>
          %add3A_555 = arith.addf %add3A_548, %mul3A_554 : vector<16xf32>
          %add3A_556 = arith.addf %get3A_473, %get3A_505 : vector<16xf32>
          %mul3A_557 = arith.constant 2.000000e-01 : f32
          %mul3A_558 = vector.broadcast %mul3A_557 : f32 to vector<16xf32>
          %mul3A_559 = arith.mulf %mul3A_558, %add3A_556 : vector<16xf32>
          %max3A_560 = arith.maximumf %add3A_556, %mul3A_559 : vector<16xf32>
          %mul3A_561 = arith.mulf %get3A_23, %max3A_560 : vector<16xf32>
          %add3A_562 = arith.addf %add3A_555, %mul3A_561 : vector<16xf32>
          %broadcast_in_dim3A_563 = arith.constant true
          %broadcast_in_dim3A_564 = vector.broadcast %broadcast_in_dim3A_563 : i1 to vector<16xi1>
          %masked_cumsum3A = tpu.scan <sum>, %add3A_562 masked %broadcast_in_dim3A_564 : vector<16xf32>, vector<16xi1> -> vector<16xf32>
          %lt3A_565 = arith.constant 0 : i32
          %lt3A_566 = vector.broadcast %lt3A_565 : i32 to vector<16xi32>
          %lt3A_567 = arith.cmpi slt, %broadcast_in_dim3A_26, %lt3A_566 : vector<16xi32>
          %add3A_568 = arith.constant 16 : i32
          %add3A_569 = vector.broadcast %add3A_568 : i32 to vector<16xi32>
          %add3A_570 = arith.addi %broadcast_in_dim3A_26, %add3A_569 : vector<16xi32>
          %select_n3A_571 = arith.select %lt3A_567, %add3A_570, %broadcast_in_dim3A_26 : vector<16xi1>, vector<16xi32>
          %broadcast_in_dim3A_572 = vector.shape_cast %select_n3A_571 : vector<16xi32> to vector<16x1xi32>
          %gather3A = vector.shape_cast %broadcast_in_dim3A_572 : vector<16x1xi32> to vector<16xi32>
          %gather3A_573 = tpu.dynamic_gather %masked_cumsum3A[%gather3A] in [0] : vector<16xf32>, vector<16xi32> -> vector<16xf32>
          %exp3A = math.exp %gather3A_573 : vector<16xf32>
          %broadcast_in_dim3A_574 = vector.broadcast %rem3A_255 : i32 to vector<16xi32>
          %broadcast_in_dim3A_575 = vector.broadcast %scan3A_441 : i32 to vector<16xi32>
          tpu.vector_store_idx %arg14[%broadcast_in_dim3A_574, %broadcast_in_dim3A_575], %exp3A masked %eq3A_25 : memref<2x64xf32, #tpu.memory_space<vmem>>[vector<16xi32>, vector<16xi32>], vector<16xf32>, vector<16xi1>
          %mul3A_576 = arith.mulf %get3A_445, %exp3A : vector<16xf32>
          %swap3A = arith.index_cast %rem3A_257 : i32 to index
          %swap3A_577 = arith.index_cast %scan3A_441 : i32 to index
          %swap3A_578 = arith.constant 0 : index
          %swap3A_579 = tpu.vector_load %arg13[%swap3A, %swap3A_577, %swap3A_578] {strides = array<i32>} : memref<3x64x128xf32, #tpu.memory_space<vmem>>, vector<16xf32>,
          tpu.vector_store %arg13[%swap3A, %swap3A_577, %swap3A_578], %mul3A_576 {strides = array<i32>} : memref<3x64x128xf32, #tpu.memory_space<vmem>>, vector<16xf32>,
          %mul3A_580 = arith.mulf %get3A_449, %exp3A : vector<16xf32>
          %swap3A_581 = arith.index_cast %rem3A_257 : i32 to index
          %swap3A_582 = arith.index_cast %scan3A_441 : i32 to index
          %swap3A_583 = arith.constant 16 : index
          %swap3A_584 = tpu.vector_load %arg13[%swap3A_581, %swap3A_582, %swap3A_583] {strides = array<i32>} : memref<3x64x128xf32, #tpu.memory_space<vmem>>, vector<16xf32>,
          tpu.vector_store %arg13[%swap3A_581, %swap3A_582, %swap3A_583], %mul3A_580 {strides = array<i32>} : memref<3x64x128xf32, #tpu.memory_space<vmem>>, vector<16xf32>,
          %mul3A_585 = arith.mulf %get3A_453, %exp3A : vector<16xf32>
          %swap3A_586 = arith.index_cast %rem3A_257 : i32 to index
          %swap3A_587 = arith.index_cast %scan3A_441 : i32 to index
          %swap3A_588 = arith.constant 32 : index
          %swap3A_589 = tpu.vector_load %arg13[%swap3A_586, %swap3A_587, %swap3A_588] {strides = array<i32>} : memref<3x64x128xf32, #tpu.memory_space<vmem>>, vector<16xf32>,
          tpu.vector_store %arg13[%swap3A_586, %swap3A_587, %swap3A_588], %mul3A_585 {strides = array<i32>} : memref<3x64x128xf32, #tpu.memory_space<vmem>>, vector<16xf32>,
          %mul3A_590 = arith.mulf %get3A_457, %exp3A : vector<16xf32>
          %swap3A_591 = arith.index_cast %rem3A_257 : i32 to index
          %swap3A_592 = arith.index_cast %scan3A_441 : i32 to index
          %swap3A_593 = arith.constant 48 : index
          %swap3A_594 = tpu.vector_load %arg13[%swap3A_591, %swap3A_592, %swap3A_593] {strides = array<i32>} : memref<3x64x128xf32, #tpu.memory_space<vmem>>, vector<16xf32>,
          tpu.vector_store %arg13[%swap3A_591, %swap3A_592, %swap3A_593], %mul3A_590 {strides = array<i32>} : memref<3x64x128xf32, #tpu.memory_space<vmem>>, vector<16xf32>,
          %mul3A_595 = arith.mulf %get3A_461, %exp3A : vector<16xf32>
          %swap3A_596 = arith.index_cast %rem3A_257 : i32 to index
          %swap3A_597 = arith.index_cast %scan3A_441 : i32 to index
          %swap3A_598 = arith.constant 64 : index
          %swap3A_599 = tpu.vector_load %arg13[%swap3A_596, %swap3A_597, %swap3A_598] {strides = array<i32>} : memref<3x64x128xf32, #tpu.memory_space<vmem>>, vector<16xf32>,
          tpu.vector_store %arg13[%swap3A_596, %swap3A_597, %swap3A_598], %mul3A_595 {strides = array<i32>} : memref<3x64x128xf32, #tpu.memory_space<vmem>>, vector<16xf32>,
          %mul3A_600 = arith.mulf %get3A_465, %exp3A : vector<16xf32>
          %swap3A_601 = arith.index_cast %rem3A_257 : i32 to index
          %swap3A_602 = arith.index_cast %scan3A_441 : i32 to index
          %swap3A_603 = arith.constant 80 : index
          %swap3A_604 = tpu.vector_load %arg13[%swap3A_601, %swap3A_602, %swap3A_603] {strides = array<i32>} : memref<3x64x128xf32, #tpu.memory_space<vmem>>, vector<16xf32>,
          tpu.vector_store %arg13[%swap3A_601, %swap3A_602, %swap3A_603], %mul3A_600 {strides = array<i32>} : memref<3x64x128xf32, #tpu.memory_space<vmem>>, vector<16xf32>,
          %mul3A_605 = arith.mulf %get3A_469, %exp3A : vector<16xf32>
          %swap3A_606 = arith.index_cast %rem3A_257 : i32 to index
          %swap3A_607 = arith.index_cast %scan3A_441 : i32 to index
          %swap3A_608 = arith.constant 96 : index
          %swap3A_609 = tpu.vector_load %arg13[%swap3A_606, %swap3A_607, %swap3A_608] {strides = array<i32>} : memref<3x64x128xf32, #tpu.memory_space<vmem>>, vector<16xf32>,
          tpu.vector_store %arg13[%swap3A_606, %swap3A_607, %swap3A_608], %mul3A_605 {strides = array<i32>} : memref<3x64x128xf32, #tpu.memory_space<vmem>>, vector<16xf32>,
          %mul3A_610 = arith.mulf %get3A_473, %exp3A : vector<16xf32>
          %swap3A_611 = arith.index_cast %rem3A_257 : i32 to index
          %swap3A_612 = arith.index_cast %scan3A_441 : i32 to index
          %swap3A_613 = arith.constant 112 : index
          %swap3A_614 = tpu.vector_load %arg13[%swap3A_611, %swap3A_612, %swap3A_613] {strides = array<i32>} : memref<3x64x128xf32, #tpu.memory_space<vmem>>, vector<16xf32>,
          tpu.vector_store %arg13[%swap3A_611, %swap3A_612, %swap3A_613], %mul3A_610 {strides = array<i32>} : memref<3x64x128xf32, #tpu.memory_space<vmem>>, vector<16xf32>,
          %scan3A_615 = arith.constant 1 : i32
          %scan3A_616 = arith.addi %scan3A_441, %scan3A_615 : i32
          %get3A_617 = arith.index_cast %rem3A_255 : i32 to index
          %get3A_618 = arith.index_cast %scan3A_616 : i32 to index
          %get3A_619 = arith.constant 0 : index
          %get3A_620 = tpu.vector_load %arg12[%get3A_617, %get3A_618, %get3A_619] {strides = array<i32>} : memref<2x64x128xf32, #tpu.memory_space<vmem>>, vector<16xf32>,
          %get3A_621 = arith.index_cast %rem3A_255 : i32 to index
          %get3A_622 = arith.index_cast %scan3A_616 : i32 to index
          %get3A_623 = arith.constant 16 : index
          %get3A_624 = tpu.vector_load %arg12[%get3A_621, %get3A_622, %get3A_623] {strides = array<i32>} : memref<2x64x128xf32, #tpu.memory_space<vmem>>, vector<16xf32>,
          %get3A_625 = arith.index_cast %rem3A_255 : i32 to index
          %get3A_626 = arith.index_cast %scan3A_616 : i32 to index
          %get3A_627 = arith.constant 32 : index
          %get3A_628 = tpu.vector_load %arg12[%get3A_625, %get3A_626, %get3A_627] {strides = array<i32>} : memref<2x64x128xf32, #tpu.memory_space<vmem>>, vector<16xf32>,
          %get3A_629 = arith.index_cast %rem3A_255 : i32 to index
          %get3A_630 = arith.index_cast %scan3A_616 : i32 to index
          %get3A_631 = arith.constant 48 : index
          %get3A_632 = tpu.vector_load %arg12[%get3A_629, %get3A_630, %get3A_631] {strides = array<i32>} : memref<2x64x128xf32, #tpu.memory_space<vmem>>, vector<16xf32>,
          %get3A_633 = arith.index_cast %rem3A_255 : i32 to index
          %get3A_634 = arith.index_cast %scan3A_616 : i32 to index
          %get3A_635 = arith.constant 64 : index
          %get3A_636 = tpu.vector_load %arg12[%get3A_633, %get3A_634, %get3A_635] {strides = array<i32>} : memref<2x64x128xf32, #tpu.memory_space<vmem>>, vector<16xf32>,
          %get3A_637 = arith.index_cast %rem3A_255 : i32 to index
          %get3A_638 = arith.index_cast %scan3A_616 : i32 to index
          %get3A_639 = arith.constant 80 : index
          %get3A_640 = tpu.vector_load %arg12[%get3A_637, %get3A_638, %get3A_639] {strides = array<i32>} : memref<2x64x128xf32, #tpu.memory_space<vmem>>, vector<16xf32>,
          %get3A_641 = arith.index_cast %rem3A_255 : i32 to index
          %get3A_642 = arith.index_cast %scan3A_616 : i32 to index
          %get3A_643 = arith.constant 96 : index
          %get3A_644 = tpu.vector_load %arg12[%get3A_641, %get3A_642, %get3A_643] {strides = array<i32>} : memref<2x64x128xf32, #tpu.memory_space<vmem>>, vector<16xf32>,
          %get3A_645 = arith.index_cast %rem3A_255 : i32 to index
          %get3A_646 = arith.index_cast %scan3A_616 : i32 to index
          %get3A_647 = arith.constant 112 : index
          %get3A_648 = tpu.vector_load %arg12[%get3A_645, %get3A_646, %get3A_647] {strides = array<i32>} : memref<2x64x128xf32, #tpu.memory_space<vmem>>, vector<16xf32>,
          %get3A_649 = arith.index_cast %rem3A_257 : i32 to index
          %get3A_650 = arith.index_cast %scan3A_616 : i32 to index
          %get3A_651 = arith.constant 0 : index
          %get3A_652 = tpu.vector_load %arg13[%get3A_649, %get3A_650, %get3A_651] {strides = array<i32>} : memref<3x64x128xf32, #tpu.memory_space<vmem>>, vector<16xf32>,
          %get3A_653 = arith.index_cast %rem3A_257 : i32 to index
          %get3A_654 = arith.index_cast %scan3A_616 : i32 to index
          %get3A_655 = arith.constant 16 : index
          %get3A_656 = tpu.vector_load %arg13[%get3A_653, %get3A_654, %get3A_655] {strides = array<i32>} : memref<3x64x128xf32, #tpu.memory_space<vmem>>, vector<16xf32>,
          %get3A_657 = arith.index_cast %rem3A_257 : i32 to index
          %get3A_658 = arith.index_cast %scan3A_616 : i32 to index
          %get3A_659 = arith.constant 32 : index
          %get3A_660 = tpu.vector_load %arg13[%get3A_657, %get3A_658, %get3A_659] {strides = array<i32>} : memref<3x64x128xf32, #tpu.memory_space<vmem>>, vector<16xf32>,
          %get3A_661 = arith.index_cast %rem3A_257 : i32 to index
          %get3A_662 = arith.index_cast %scan3A_616 : i32 to index
          %get3A_663 = arith.constant 48 : index
          %get3A_664 = tpu.vector_load %arg13[%get3A_661, %get3A_662, %get3A_663] {strides = array<i32>} : memref<3x64x128xf32, #tpu.memory_space<vmem>>, vector<16xf32>,
          %get3A_665 = arith.index_cast %rem3A_257 : i32 to index
          %get3A_666 = arith.index_cast %scan3A_616 : i32 to index
          %get3A_667 = arith.constant 64 : index
          %get3A_668 = tpu.vector_load %arg13[%get3A_665, %get3A_666, %get3A_667] {strides = array<i32>} : memref<3x64x128xf32, #tpu.memory_space<vmem>>, vector<16xf32>,
          %get3A_669 = arith.index_cast %rem3A_257 : i32 to index
          %get3A_670 = arith.index_cast %scan3A_616 : i32 to index
          %get3A_671 = arith.constant 80 : index
          %get3A_672 = tpu.vector_load %arg13[%get3A_669, %get3A_670, %get3A_671] {strides = array<i32>} : memref<3x64x128xf32, #tpu.memory_space<vmem>>, vector<16xf32>,
          %get3A_673 = arith.index_cast %rem3A_257 : i32 to index
          %get3A_674 = arith.index_cast %scan3A_616 : i32 to index
          %get3A_675 = arith.constant 96 : index
          %get3A_676 = tpu.vector_load %arg13[%get3A_673, %get3A_674, %get3A_675] {strides = array<i32>} : memref<3x64x128xf32, #tpu.memory_space<vmem>>, vector<16xf32>,
          %get3A_677 = arith.index_cast %rem3A_257 : i32 to index
          %get3A_678 = arith.index_cast %scan3A_616 : i32 to index
          %get3A_679 = arith.constant 112 : index
          %get3A_680 = tpu.vector_load %arg13[%get3A_677, %get3A_678, %get3A_679] {strides = array<i32>} : memref<3x64x128xf32, #tpu.memory_space<vmem>>, vector<16xf32>,
          %broadcast_in_dim3A_681 = arith.constant 0.000000e+00 : f32
          %broadcast_in_dim3A_682 = vector.broadcast %broadcast_in_dim3A_681 : f32 to vector<16xf32>
          %add3A_683 = arith.addf %get3A_620, %get3A_652 : vector<16xf32>
          %mul3A_684 = arith.constant 2.000000e-01 : f32
          %mul3A_685 = vector.broadcast %mul3A_684 : f32 to vector<16xf32>
          %mul3A_686 = arith.mulf %mul3A_685, %add3A_683 : vector<16xf32>
          %max3A_687 = arith.maximumf %add3A_683, %mul3A_686 : vector<16xf32>
          %mul3A_688 = arith.mulf %get3A_9, %max3A_687 : vector<16xf32>
          %add3A_689 = arith.addf %broadcast_in_dim3A_682, %mul3A_688 : vector<16xf32>
          %add3A_690 = arith.addf %get3A_624, %get3A_656 : vector<16xf32>
          %mul3A_691 = arith.constant 2.000000e-01 : f32
          %mul3A_692 = vector.broadcast %mul3A_691 : f32 to vector<16xf32>
          %mul3A_693 = arith.mulf %mul3A_692, %add3A_690 : vector<16xf32>
          %max3A_694 = arith.maximumf %add3A_690, %mul3A_693 : vector<16xf32>
          %mul3A_695 = arith.mulf %get3A_11, %max3A_694 : vector<16xf32>
          %add3A_696 = arith.addf %add3A_689, %mul3A_695 : vector<16xf32>
          %add3A_697 = arith.addf %get3A_628, %get3A_660 : vector<16xf32>
          %mul3A_698 = arith.constant 2.000000e-01 : f32
          %mul3A_699 = vector.broadcast %mul3A_698 : f32 to vector<16xf32>
          %mul3A_700 = arith.mulf %mul3A_699, %add3A_697 : vector<16xf32>
          %max3A_701 = arith.maximumf %add3A_697, %mul3A_700 : vector<16xf32>
          %mul3A_702 = arith.mulf %get3A_13, %max3A_701 : vector<16xf32>
          %add3A_703 = arith.addf %add3A_696, %mul3A_702 : vector<16xf32>
          %add3A_704 = arith.addf %get3A_632, %get3A_664 : vector<16xf32>
          %mul3A_705 = arith.constant 2.000000e-01 : f32
          %mul3A_706 = vector.broadcast %mul3A_705 : f32 to vector<16xf32>
          %mul3A_707 = arith.mulf %mul3A_706, %add3A_704 : vector<16xf32>
          %max3A_708 = arith.maximumf %add3A_704, %mul3A_707 : vector<16xf32>
          %mul3A_709 = arith.mulf %get3A_15, %max3A_708 : vector<16xf32>
          %add3A_710 = arith.addf %add3A_703, %mul3A_709 : vector<16xf32>
          %add3A_711 = arith.addf %get3A_636, %get3A_668 : vector<16xf32>
          %mul3A_712 = arith.constant 2.000000e-01 : f32
          %mul3A_713 = vector.broadcast %mul3A_712 : f32 to vector<16xf32>
          %mul3A_714 = arith.mulf %mul3A_713, %add3A_711 : vector<16xf32>
          %max3A_715 = arith.maximumf %add3A_711, %mul3A_714 : vector<16xf32>
          %mul3A_716 = arith.mulf %get3A_17, %max3A_715 : vector<16xf32>
          %add3A_717 = arith.addf %add3A_710, %mul3A_716 : vector<16xf32>
          %add3A_718 = arith.addf %get3A_640, %get3A_672 : vector<16xf32>
          %mul3A_719 = arith.constant 2.000000e-01 : f32
          %mul3A_720 = vector.broadcast %mul3A_719 : f32 to vector<16xf32>
          %mul3A_721 = arith.mulf %mul3A_720, %add3A_718 : vector<16xf32>
          %max3A_722 = arith.maximumf %add3A_718, %mul3A_721 : vector<16xf32>
          %mul3A_723 = arith.mulf %get3A_19, %max3A_722 : vector<16xf32>
          %add3A_724 = arith.addf %add3A_717, %mul3A_723 : vector<16xf32>
          %add3A_725 = arith.addf %get3A_644, %get3A_676 : vector<16xf32>
          %mul3A_726 = arith.constant 2.000000e-01 : f32
          %mul3A_727 = vector.broadcast %mul3A_726 : f32 to vector<16xf32>
          %mul3A_728 = arith.mulf %mul3A_727, %add3A_725 : vector<16xf32>
          %max3A_729 = arith.maximumf %add3A_725, %mul3A_728 : vector<16xf32>
          %mul3A_730 = arith.mulf %get3A_21, %max3A_729 : vector<16xf32>
          %add3A_731 = arith.addf %add3A_724, %mul3A_730 : vector<16xf32>
          %add3A_732 = arith.addf %get3A_648, %get3A_680 : vector<16xf32>
          %mul3A_733 = arith.constant 2.000000e-01 : f32
          %mul3A_734 = vector.broadcast %mul3A_733 : f32 to vector<16xf32>
          %mul3A_735 = arith.mulf %mul3A_734, %add3A_732 : vector<16xf32>
          %max3A_736 = arith.maximumf %add3A_732, %mul3A_735 : vector<16xf32>
          %mul3A_737 = arith.mulf %get3A_23, %max3A_736 : vector<16xf32>
          %add3A_738 = arith.addf %add3A_731, %mul3A_737 : vector<16xf32>
          %broadcast_in_dim3A_739 = arith.constant true
          %broadcast_in_dim3A_740 = vector.broadcast %broadcast_in_dim3A_739 : i1 to vector<16xi1>
          %masked_cumsum3A_741 = tpu.scan <sum>, %add3A_738 masked %broadcast_in_dim3A_740 : vector<16xf32>, vector<16xi1> -> vector<16xf32>
          %lt3A_742 = arith.constant 0 : i32
          %lt3A_743 = vector.broadcast %lt3A_742 : i32 to vector<16xi32>
          %lt3A_744 = arith.cmpi slt, %broadcast_in_dim3A_26, %lt3A_743 : vector<16xi32>
          %add3A_745 = arith.constant 16 : i32
          %add3A_746 = vector.broadcast %add3A_745 : i32 to vector<16xi32>
          %add3A_747 = arith.addi %broadcast_in_dim3A_26, %add3A_746 : vector<16xi32>
          %select_n3A_748 = arith.select %lt3A_744, %add3A_747, %broadcast_in_dim3A_26 : vector<16xi1>, vector<16xi32>
          %broadcast_in_dim3A_749 = vector.shape_cast %select_n3A_748 : vector<16xi32> to vector<16x1xi32>
          %gather3A_750 = vector.shape_cast %broadcast_in_dim3A_749 : vector<16x1xi32> to vector<16xi32>
          %gather3A_751 = tpu.dynamic_gather %masked_cumsum3A_741[%gather3A_750] in [0] : vector<16xf32>, vector<16xi32> -> vector<16xf32>
          %exp3A_752 = math.exp %gather3A_751 : vector<16xf32>
          %broadcast_in_dim3A_753 = vector.broadcast %rem3A_255 : i32 to vector<16xi32>
          %broadcast_in_dim3A_754 = vector.broadcast %scan3A_616 : i32 to vector<16xi32>
          tpu.vector_store_idx %arg14[%broadcast_in_dim3A_753, %broadcast_in_dim3A_754], %exp3A_752 masked %eq3A_25 : memref<2x64xf32, #tpu.memory_space<vmem>>[vector<16xi32>, vector<16xi32>], vector<16xf32>, vector<16xi1>
          %mul3A_755 = arith.mulf %get3A_620, %exp3A_752 : vector<16xf32>
          %swap3A_756 = arith.index_cast %rem3A_257 : i32 to index
          %swap3A_757 = arith.index_cast %scan3A_616 : i32 to index
          %swap3A_758 = arith.constant 0 : index
          %swap3A_759 = tpu.vector_load %arg13[%swap3A_756, %swap3A_757, %swap3A_758] {strides = array<i32>} : memref<3x64x128xf32, #tpu.memory_space<vmem>>, vector<16xf32>,
          tpu.vector_store %arg13[%swap3A_756, %swap3A_757, %swap3A_758], %mul3A_755 {strides = array<i32>} : memref<3x64x128xf32, #tpu.memory_space<vmem>>, vector<16xf32>,
          %mul3A_760 = arith.mulf %get3A_624, %exp3A_752 : vector<16xf32>
          %swap3A_761 = arith.index_cast %rem3A_257 : i32 to index
          %swap3A_762 = arith.index_cast %scan3A_616 : i32 to index
          %swap3A_763 = arith.constant 16 : index
          %swap3A_764 = tpu.vector_load %arg13[%swap3A_761, %swap3A_762, %swap3A_763] {strides = array<i32>} : memref<3x64x128xf32, #tpu.memory_space<vmem>>, vector<16xf32>,
          tpu.vector_store %arg13[%swap3A_761, %swap3A_762, %swap3A_763], %mul3A_760 {strides = array<i32>} : memref<3x64x128xf32, #tpu.memory_space<vmem>>, vector<16xf32>,
          %mul3A_765 = arith.mulf %get3A_628, %exp3A_752 : vector<16xf32>
          %swap3A_766 = arith.index_cast %rem3A_257 : i32 to index
          %swap3A_767 = arith.index_cast %scan3A_616 : i32 to index
          %swap3A_768 = arith.constant 32 : index
          %swap3A_769 = tpu.vector_load %arg13[%swap3A_766, %swap3A_767, %swap3A_768] {strides = array<i32>} : memref<3x64x128xf32, #tpu.memory_space<vmem>>, vector<16xf32>,
          tpu.vector_store %arg13[%swap3A_766, %swap3A_767, %swap3A_768], %mul3A_765 {strides = array<i32>} : memref<3x64x128xf32, #tpu.memory_space<vmem>>, vector<16xf32>,
          %mul3A_770 = arith.mulf %get3A_632, %exp3A_752 : vector<16xf32>
          %swap3A_771 = arith.index_cast %rem3A_257 : i32 to index
          %swap3A_772 = arith.index_cast %scan3A_616 : i32 to index
          %swap3A_773 = arith.constant 48 : index
          %swap3A_774 = tpu.vector_load %arg13[%swap3A_771, %swap3A_772, %swap3A_773] {strides = array<i32>} : memref<3x64x128xf32, #tpu.memory_space<vmem>>, vector<16xf32>,
          tpu.vector_store %arg13[%swap3A_771, %swap3A_772, %swap3A_773], %mul3A_770 {strides = array<i32>} : memref<3x64x128xf32, #tpu.memory_space<vmem>>, vector<16xf32>,
          %mul3A_775 = arith.mulf %get3A_636, %exp3A_752 : vector<16xf32>
          %swap3A_776 = arith.index_cast %rem3A_257 : i32 to index
          %swap3A_777 = arith.index_cast %scan3A_616 : i32 to index
          %swap3A_778 = arith.constant 64 : index
          %swap3A_779 = tpu.vector_load %arg13[%swap3A_776, %swap3A_777, %swap3A_778] {strides = array<i32>} : memref<3x64x128xf32, #tpu.memory_space<vmem>>, vector<16xf32>,
          tpu.vector_store %arg13[%swap3A_776, %swap3A_777, %swap3A_778], %mul3A_775 {strides = array<i32>} : memref<3x64x128xf32, #tpu.memory_space<vmem>>, vector<16xf32>,
          %mul3A_780 = arith.mulf %get3A_640, %exp3A_752 : vector<16xf32>
          %swap3A_781 = arith.index_cast %rem3A_257 : i32 to index
          %swap3A_782 = arith.index_cast %scan3A_616 : i32 to index
          %swap3A_783 = arith.constant 80 : index
          %swap3A_784 = tpu.vector_load %arg13[%swap3A_781, %swap3A_782, %swap3A_783] {strides = array<i32>} : memref<3x64x128xf32, #tpu.memory_space<vmem>>, vector<16xf32>,
          tpu.vector_store %arg13[%swap3A_781, %swap3A_782, %swap3A_783], %mul3A_780 {strides = array<i32>} : memref<3x64x128xf32, #tpu.memory_space<vmem>>, vector<16xf32>,
          %mul3A_785 = arith.mulf %get3A_644, %exp3A_752 : vector<16xf32>
          %swap3A_786 = arith.index_cast %rem3A_257 : i32 to index
          %swap3A_787 = arith.index_cast %scan3A_616 : i32 to index
          %swap3A_788 = arith.constant 96 : index
          %swap3A_789 = tpu.vector_load %arg13[%swap3A_786, %swap3A_787, %swap3A_788] {strides = array<i32>} : memref<3x64x128xf32, #tpu.memory_space<vmem>>, vector<16xf32>,
          tpu.vector_store %arg13[%swap3A_786, %swap3A_787, %swap3A_788], %mul3A_785 {strides = array<i32>} : memref<3x64x128xf32, #tpu.memory_space<vmem>>, vector<16xf32>,
          %mul3A_790 = arith.mulf %get3A_648, %exp3A_752 : vector<16xf32>
          %swap3A_791 = arith.index_cast %rem3A_257 : i32 to index
          %swap3A_792 = arith.index_cast %scan3A_616 : i32 to index
          %swap3A_793 = arith.constant 112 : index
          %swap3A_794 = tpu.vector_load %arg13[%swap3A_791, %swap3A_792, %swap3A_793] {strides = array<i32>} : memref<3x64x128xf32, #tpu.memory_space<vmem>>, vector<16xf32>,
          tpu.vector_store %arg13[%swap3A_791, %swap3A_792, %swap3A_793], %mul3A_790 {strides = array<i32>} : memref<3x64x128xf32, #tpu.memory_space<vmem>>, vector<16xf32>,
        }
        %scan3A_360 = arith.constant 64 : i32
        %jit3A_361 = arith.constant 16 : i32
        %div3A_362 = arith.divsi %scan3A_253, %jit3A_361 : i32
        %sign3A_363 = arith.constant 0 : i32
        %sign3A_364 = arith.cmpi sgt, %scan3A_253, %sign3A_363 : i32
        %sign3A_365 = arith.extui %sign3A_364 : i1 to i32
        %sign3A_366 = arith.constant 0 : i32
        %sign3A_367 = arith.cmpi slt, %scan3A_253, %sign3A_366 : i32
        %sign3A_368 = arith.extui %sign3A_367 : i1 to i32
        %sign3A_369 = arith.subi %sign3A_365, %sign3A_368 : i32
        %sign3A_370 = arith.constant 0 : i32
        %sign3A_371 = arith.cmpi sgt, %jit3A_361, %sign3A_370 : i32
        %sign3A_372 = arith.extui %sign3A_371 : i1 to i32
        %sign3A_373 = arith.constant 0 : i32
        %sign3A_374 = arith.cmpi slt, %jit3A_361, %sign3A_373 : i32
        %sign3A_375 = arith.extui %sign3A_374 : i1 to i32
        %sign3A_376 = arith.subi %sign3A_372, %sign3A_375 : i32
        %ne3A_377 = arith.cmpi ne, %sign3A_369, %sign3A_376 : i32
        %rem3A_378 = arith.remsi %scan3A_253, %jit3A_361 : i32
        %ne3A_379 = arith.constant 0 : i32
        %ne3A_380 = arith.cmpi ne, %rem3A_378, %ne3A_379 : i32
        %and3A_381 = arith.andi %ne3A_377, %ne3A_380 : i1
        %sub3A_382 = arith.constant 1 : i32
        %sub3A_383 = arith.subi %div3A_362, %sub3A_382 : i32
        %select_n3A_384 = arith.select %and3A_381, %sub3A_383, %div3A_362 : i32
        %rem3A_385 = arith.constant 2 : i32
        %rem3A_386 = arith.remsi %select_n3A_384, %rem3A_385 : i32
        %mul3A_387 = arith.constant 16 : i32
        %mul3A_388 = arith.muli %select_n3A_384, %mul3A_387 : i32
        %sub3A_389 = arith.subi %scan3A_253, %mul3A_388 : i32
        %dma_start3A_390 = arith.constant 0 : i32
        %dma_start3A_391 = arith.constant 0 : i32
        %dma_start3A_392 = tpu.memref_slice %arg13[%rem3A_257, %dma_start3A_390, %dma_start3A_391] : memref<3x64x128xf32, #tpu.memory_space<vmem>> -> memref<1x64x128xf32, #tpu.memory_space<vmem>>
        %dma_start3A_393 = tpu.memref_squeeze %dma_start3A_392 : memref<1x64x128xf32, #tpu.memory_space<vmem>> -> memref<64x128xf32, #tpu.memory_space<vmem>>
        %dma_start3A_394 = arith.constant 0 : i32
        %dma_start3A_395 = tpu.memref_slice %arg11[%rem3A_386, %sub3A_389, %dma_start3A_394] : memref<2x16x64xi32, #tpu.memory_space<vmem>> -> memref<1x1x64xi32, #tpu.memory_space<vmem>>
        %dma_start3A_396 = tpu.memref_squeeze %dma_start3A_395 : memref<1x1x64xi32, #tpu.memory_space<vmem>> -> memref<64xi32, #tpu.memory_space<vmem>>
        %dma_start3A_397 = arith.constant 0 : i32
        %dma_start3A_398 = arith.constant 0 : i32
        %dma_start3A_399 = tpu.memref_slice %arg16[%dma_start3A_397, %dma_start3A_398] : memref<10112x128xf32, #tpu.memory_space<vmem_shared>> -> memref<10112x128xf32, #tpu.memory_space<vmem_shared>>
        %dma_start3A_400 = tpu.memref_slice %arg20[%rem3A_257] : memref<3x!tpu.dma_semaphore, #tpu.memory_space<semaphore_mem>> -> memref<1x!tpu.dma_semaphore, #tpu.memory_space<semaphore_mem>>
        %dma_start3A_401 = tpu.memref_squeeze %dma_start3A_400 : memref<1x!tpu.dma_semaphore, #tpu.memory_space<semaphore_mem>> -> memref<!tpu.dma_semaphore, #tpu.memory_space<semaphore_mem>>
        tpu.enqueue_indirect_dma source(%dma_start3A_393 : memref<64x128xf32, #tpu.memory_space<vmem>>) target(%dma_start3A_399 : memref<10112x128xf32, #tpu.memory_space<vmem_shared>>) offsets(%dma_start3A_396 : memref<64xi32, #tpu.memory_space<vmem>>) semaphore(%dma_start3A_401 : memref<!tpu.dma_semaphore, #tpu.memory_space<semaphore_mem>>) {add = true}
        %jit3A_402 = arith.constant 16 : i32
        %div3A_403 = arith.divsi %scan3A_253, %jit3A_402 : i32
        %sign3A_404 = arith.constant 0 : i32
        %sign3A_405 = arith.cmpi sgt, %scan3A_253, %sign3A_404 : i32
        %sign3A_406 = arith.extui %sign3A_405 : i1 to i32
        %sign3A_407 = arith.constant 0 : i32
        %sign3A_408 = arith.cmpi slt, %scan3A_253, %sign3A_407 : i32
        %sign3A_409 = arith.extui %sign3A_408 : i1 to i32
        %sign3A_410 = arith.subi %sign3A_406, %sign3A_409 : i32
        %sign3A_411 = arith.constant 0 : i32
        %sign3A_412 = arith.cmpi sgt, %jit3A_402, %sign3A_411 : i32
        %sign3A_413 = arith.extui %sign3A_412 : i1 to i32
        %sign3A_414 = arith.constant 0 : i32
        %sign3A_415 = arith.cmpi slt, %jit3A_402, %sign3A_414 : i32
        %sign3A_416 = arith.extui %sign3A_415 : i1 to i32
        %sign3A_417 = arith.subi %sign3A_413, %sign3A_416 : i32
        %ne3A_418 = arith.cmpi ne, %sign3A_410, %sign3A_417 : i32
        %rem3A_419 = arith.remsi %scan3A_253, %jit3A_402 : i32
        %ne3A_420 = arith.constant 0 : i32
        %ne3A_421 = arith.cmpi ne, %rem3A_419, %ne3A_420 : i32
        %and3A_422 = arith.andi %ne3A_418, %ne3A_421 : i1
        %sub3A_423 = arith.constant 1 : i32
        %sub3A_424 = arith.subi %div3A_403, %sub3A_423 : i32
        %select_n3A_425 = arith.select %and3A_422, %sub3A_424, %div3A_403 : i32
        %rem3A_426 = arith.constant 2 : i32
        %rem3A_427 = arith.remsi %select_n3A_425, %rem3A_426 : i32
        %mul3A_428 = arith.constant 16 : i32
        %mul3A_429 = arith.muli %select_n3A_425, %mul3A_428 : i32
        %sub3A_430 = arith.subi %scan3A_253, %mul3A_429 : i32
        %dma_start3A_431 = arith.constant 0 : i32
        %dma_start3A_432 = tpu.memref_slice %arg14[%rem3A_255, %dma_start3A_431] : memref<2x64xf32, #tpu.memory_space<vmem>> -> memref<1x64xf32, #tpu.memory_space<vmem>>
        %dma_start3A_433 = tpu.memref_squeeze %dma_start3A_432 : memref<1x64xf32, #tpu.memory_space<vmem>> -> memref<64xf32, #tpu.memory_space<vmem>>
        %dma_start3A_434 = arith.constant 0 : i32
        %dma_start3A_435 = tpu.memref_slice %arg11[%rem3A_427, %sub3A_430, %dma_start3A_434] : memref<2x16x64xi32, #tpu.memory_space<vmem>> -> memref<1x1x64xi32, #tpu.memory_space<vmem>>
        %dma_start3A_436 = tpu.memref_squeeze %dma_start3A_435 : memref<1x1x64xi32, #tpu.memory_space<vmem>> -> memref<64xi32, #tpu.memory_space<vmem>>
        %dma_start3A_437 = arith.constant 0 : i32
        %dma_start3A_438 = tpu.memref_slice %arg17[%dma_start3A_437] : memref<10240xf32, #tpu.memory_space<vmem_shared>> -> memref<10240xf32, #tpu.memory_space<vmem_shared>>
        %dma_start3A_439 = tpu.memref_slice %arg21[%rem3A_255] : memref<2x!tpu.dma_semaphore, #tpu.memory_space<semaphore_mem>> -> memref<1x!tpu.dma_semaphore, #tpu.memory_space<semaphore_mem>>
        %dma_start3A_440 = tpu.memref_squeeze %dma_start3A_439 : memref<1x!tpu.dma_semaphore, #tpu.memory_space<semaphore_mem>> -> memref<!tpu.dma_semaphore, #tpu.memory_space<semaphore_mem>>
        tpu.enqueue_indirect_dma source(%dma_start3A_433 : memref<64xf32, #tpu.memory_space<vmem>>) target(%dma_start3A_438 : memref<10240xf32, #tpu.memory_space<vmem_shared>>) offsets(%dma_start3A_436 : memref<64xi32, #tpu.memory_space<vmem>>) semaphore(%dma_start3A_440 : memref<!tpu.dma_semaphore, #tpu.memory_space<semaphore_mem>>) {add = true}
      } else {
      }
      %add3A_303 = arith.constant 2 : i32
      %add3A_304 = arith.addi %scan3A_253, %add3A_303 : i32
      %lt3A_305 = arith.constant 160 : i32
      %lt3A_306 = arith.cmpi slt, %add3A_304, %lt3A_305 : i32
      %mul3A_307 = arith.constant 10240 : i32
      %mul3A_308 = arith.muli %add3A, %mul3A_307 : i32
      %mul3A_309 = arith.constant 64 : i32
      %mul3A_310 = arith.muli %add3A_304, %mul3A_309 : i32
      %add3A_311 = arith.addi %mul3A_308, %mul3A_310 : i32
      %lt3A_312 = arith.constant 320000 : i32
      %lt3A_313 = arith.cmpi slt, %add3A_311, %lt3A_312 : i32
      %and3A_314 = arith.andi %lt3A_306, %lt3A_313 : i1
      %convert_element_type3A_315 = arith.extui %and3A_314 : i1 to i32
      %cond3A_316 = arith.constant 0 : i32
      %cond3A_317 = arith.cmpi ne, %convert_element_type3A_315, %cond3A_316 : i32
      scf.if %cond3A_317 {
        %jit3A_318 = arith.constant 16 : i32
        %div3A_319 = arith.divsi %add3A_304, %jit3A_318 : i32
        %sign3A_320 = arith.constant 0 : i32
        %sign3A_321 = arith.cmpi sgt, %add3A_304, %sign3A_320 : i32
        %sign3A_322 = arith.extui %sign3A_321 : i1 to i32
        %sign3A_323 = arith.constant 0 : i32
        %sign3A_324 = arith.cmpi slt, %add3A_304, %sign3A_323 : i32
        %sign3A_325 = arith.extui %sign3A_324 : i1 to i32
        %sign3A_326 = arith.subi %sign3A_322, %sign3A_325 : i32
        %sign3A_327 = arith.constant 0 : i32
        %sign3A_328 = arith.cmpi sgt, %jit3A_318, %sign3A_327 : i32
        %sign3A_329 = arith.extui %sign3A_328 : i1 to i32
        %sign3A_330 = arith.constant 0 : i32
        %sign3A_331 = arith.cmpi slt, %jit3A_318, %sign3A_330 : i32
        %sign3A_332 = arith.extui %sign3A_331 : i1 to i32
        %sign3A_333 = arith.subi %sign3A_329, %sign3A_332 : i32
        %ne3A_334 = arith.cmpi ne, %sign3A_326, %sign3A_333 : i32
        %rem3A_335 = arith.remsi %add3A_304, %jit3A_318 : i32
        %ne3A_336 = arith.constant 0 : i32
        %ne3A_337 = arith.cmpi ne, %rem3A_335, %ne3A_336 : i32
        %and3A_338 = arith.andi %ne3A_334, %ne3A_337 : i1
        %sub3A_339 = arith.constant 1 : i32
        %sub3A_340 = arith.subi %div3A_319, %sub3A_339 : i32
        %select_n3A_341 = arith.select %and3A_338, %sub3A_340, %div3A_319 : i32
        %rem3A_342 = arith.constant 2 : i32
        %rem3A_343 = arith.remsi %select_n3A_341, %rem3A_342 : i32
        %mul3A_344 = arith.constant 16 : i32
        %mul3A_345 = arith.muli %select_n3A_341, %mul3A_344 : i32
        %sub3A_346 = arith.subi %add3A_304, %mul3A_345 : i32
        %rem3A_347 = arith.constant 2 : i32
        %rem3A_348 = arith.remsi %add3A_304, %rem3A_347 : i32
        %rem3A_349 = arith.constant 2 : i32
        %rem3A_350 = arith.remsi %add3A_304, %rem3A_349 : i32
        %dma_start3A_351 = arith.constant 0 : i32
        %dma_start3A_352 = arith.constant 0 : i32
        %dma_start3A_353 = tpu.memref_slice %arg12[%rem3A_348, %dma_start3A_351, %dma_start3A_352] : memref<2x64x128xf32, #tpu.memory_space<vmem>> -> memref<1x64x128xf32, #tpu.memory_space<vmem>>
        %dma_start3A_354 = tpu.memref_squeeze %dma_start3A_353 : memref<1x64x128xf32, #tpu.memory_space<vmem>> -> memref<64x128xf32, #tpu.memory_space<vmem>>
        %dma_start3A_355 = arith.constant 0 : i32
        %dma_start3A_356 = tpu.memref_slice %arg10[%rem3A_343, %sub3A_346, %dma_start3A_355] : memref<2x16x64xi32, #tpu.memory_space<vmem>> -> memref<1x1x64xi32, #tpu.memory_space<vmem>>
        %dma_start3A_357 = tpu.memref_squeeze %dma_start3A_356 : memref<1x1x64xi32, #tpu.memory_space<vmem>> -> memref<64xi32, #tpu.memory_space<vmem>>
        %dma_start3A_358 = arith.constant 0 : i32
        %dma_start3A_359 = arith.constant 0 : i32
        %dma_start3A_360 = tpu.memref_slice %arg2[%dma_start3A_358, %dma_start3A_359] : memref<10112x128xf32, #tpu.memory_space<hbm>> -> memref<10112x128xf32, #tpu.memory_space<hbm>>
        %dma_start3A_361 = tpu.memref_slice %arg18[%rem3A_350] : memref<2x!tpu.dma_semaphore, #tpu.memory_space<semaphore_mem>> -> memref<1x!tpu.dma_semaphore, #tpu.memory_space<semaphore_mem>>
        %dma_start3A_362 = tpu.memref_squeeze %dma_start3A_361 : memref<1x!tpu.dma_semaphore, #tpu.memory_space<semaphore_mem>> -> memref<!tpu.dma_semaphore, #tpu.memory_space<semaphore_mem>>
        tpu.enqueue_indirect_dma source(%dma_start3A_360 : memref<10112x128xf32, #tpu.memory_space<hbm>>) target(%dma_start3A_354 : memref<64x128xf32, #tpu.memory_space<vmem>>) offsets(%dma_start3A_357 : memref<64xi32, #tpu.memory_space<vmem>>) semaphore(%dma_start3A_362 : memref<!tpu.dma_semaphore, #tpu.memory_space<semaphore_mem>>)
        %ge3A_363 = arith.constant 1 : i32
        %ge3A_364 = arith.cmpi sge, %scan3A_253, %ge3A_363 : i32
        %convert_element_type3A_365 = arith.extui %ge3A_364 : i1 to i32
        %cond3A_366 = arith.constant 0 : i32
        %cond3A_367 = arith.cmpi ne, %convert_element_type3A_365, %cond3A_366 : i32
        scf.if %cond3A_367 {
          %rem3A_413 = arith.constant 3 : i32
          %rem3A_414 = arith.remsi %add3A_304, %rem3A_413 : i32
          %rem3A_415 = arith.constant 3 : i32
          %rem3A_416 = arith.remsi %add3A_304, %rem3A_415 : i32
          %dma_wait3A_417 = arith.constant 0 : i32
          %dma_wait3A_418 = arith.constant 0 : i32
          %dma_wait3A_419 = tpu.memref_slice %arg13[%rem3A_414, %dma_wait3A_417, %dma_wait3A_418] : memref<3x64x128xf32, #tpu.memory_space<vmem>> -> memref<1x64x128xf32, #tpu.memory_space<vmem>>
          %dma_wait3A_420 = tpu.memref_squeeze %dma_wait3A_419 : memref<1x64x128xf32, #tpu.memory_space<vmem>> -> memref<64x128xf32, #tpu.memory_space<vmem>>
          %dma_wait3A_421 = arith.constant 0 : i32
          %dma_wait3A_422 = arith.constant 0 : i32
          %dma_wait3A_423 = tpu.memref_slice %arg16[%dma_wait3A_421, %dma_wait3A_422] : memref<10112x128xf32, #tpu.memory_space<vmem_shared>> -> memref<64x128xf32, #tpu.memory_space<vmem_shared>>
          %dma_wait3A_424 = tpu.memref_slice %arg20[%rem3A_416] : memref<3x!tpu.dma_semaphore, #tpu.memory_space<semaphore_mem>> -> memref<1x!tpu.dma_semaphore, #tpu.memory_space<semaphore_mem>>
          %dma_wait3A_425 = tpu.memref_squeeze %dma_wait3A_424 : memref<1x!tpu.dma_semaphore, #tpu.memory_space<semaphore_mem>> -> memref<!tpu.dma_semaphore, #tpu.memory_space<semaphore_mem>>
          %dma_wait3A_426 = arith.constant 0 : i32
          %dma_wait3A_427 = arith.constant 0 : i32
          %dma_wait3A_428 = tpu.memref_slice %arg16[%dma_wait3A_426, %dma_wait3A_427] : memref<10112x128xf32, #tpu.memory_space<vmem_shared>> -> memref<64x128xf32, #tpu.memory_space<vmem_shared>>
          %dma_wait3A_429 = arith.constant 0 : i32
          %dma_wait3A_430 = arith.constant 0 : i32
          %dma_wait3A_431 = tpu.memref_slice %arg13[%rem3A_414, %dma_wait3A_429, %dma_wait3A_430] : memref<3x64x128xf32, #tpu.memory_space<vmem>> -> memref<1x64x128xf32, #tpu.memory_space<vmem>>
          %dma_wait3A_432 = tpu.memref_squeeze %dma_wait3A_431 : memref<1x64x128xf32, #tpu.memory_space<vmem>> -> memref<64x128xf32, #tpu.memory_space<vmem>>
          tpu.wait_dma2 semaphore(%dma_wait3A_425 : memref<!tpu.dma_semaphore, #tpu.memory_space<semaphore_mem>>) src(%dma_wait3A_432 : memref<64x128xf32, #tpu.memory_space<vmem>>) dst(%dma_wait3A_428 : memref<64x128xf32, #tpu.memory_space<vmem_shared>>)
        } else {
        }
        %jit3A_368 = arith.constant 16 : i32
        %div3A_369 = arith.divsi %add3A_304, %jit3A_368 : i32
        %sign3A_370 = arith.constant 0 : i32
        %sign3A_371 = arith.cmpi sgt, %add3A_304, %sign3A_370 : i32
        %sign3A_372 = arith.extui %sign3A_371 : i1 to i32
        %sign3A_373 = arith.constant 0 : i32
        %sign3A_374 = arith.cmpi slt, %add3A_304, %sign3A_373 : i32
        %sign3A_375 = arith.extui %sign3A_374 : i1 to i32
        %sign3A_376 = arith.subi %sign3A_372, %sign3A_375 : i32
        %sign3A_377 = arith.constant 0 : i32
        %sign3A_378 = arith.cmpi sgt, %jit3A_368, %sign3A_377 : i32
        %sign3A_379 = arith.extui %sign3A_378 : i1 to i32
        %sign3A_380 = arith.constant 0 : i32
        %sign3A_381 = arith.cmpi slt, %jit3A_368, %sign3A_380 : i32
        %sign3A_382 = arith.extui %sign3A_381 : i1 to i32
        %sign3A_383 = arith.subi %sign3A_379, %sign3A_382 : i32
        %ne3A_384 = arith.cmpi ne, %sign3A_376, %sign3A_383 : i32
        %rem3A_385 = arith.remsi %add3A_304, %jit3A_368 : i32
        %ne3A_386 = arith.constant 0 : i32
        %ne3A_387 = arith.cmpi ne, %rem3A_385, %ne3A_386 : i32
        %and3A_388 = arith.andi %ne3A_384, %ne3A_387 : i1
        %sub3A_389 = arith.constant 1 : i32
        %sub3A_390 = arith.subi %div3A_369, %sub3A_389 : i32
        %select_n3A_391 = arith.select %and3A_388, %sub3A_390, %div3A_369 : i32
        %rem3A_392 = arith.constant 2 : i32
        %rem3A_393 = arith.remsi %select_n3A_391, %rem3A_392 : i32
        %mul3A_394 = arith.constant 16 : i32
        %mul3A_395 = arith.muli %select_n3A_391, %mul3A_394 : i32
        %sub3A_396 = arith.subi %add3A_304, %mul3A_395 : i32
        %rem3A_397 = arith.constant 3 : i32
        %rem3A_398 = arith.remsi %add3A_304, %rem3A_397 : i32
        %rem3A_399 = arith.constant 3 : i32
        %rem3A_400 = arith.remsi %add3A_304, %rem3A_399 : i32
        %dma_start3A_401 = arith.constant 0 : i32
        %dma_start3A_402 = arith.constant 0 : i32
        %dma_start3A_403 = tpu.memref_slice %arg13[%rem3A_398, %dma_start3A_401, %dma_start3A_402] : memref<3x64x128xf32, #tpu.memory_space<vmem>> -> memref<1x64x128xf32, #tpu.memory_space<vmem>>
        %dma_start3A_404 = tpu.memref_squeeze %dma_start3A_403 : memref<1x64x128xf32, #tpu.memory_space<vmem>> -> memref<64x128xf32, #tpu.memory_space<vmem>>
        %dma_start3A_405 = arith.constant 0 : i32
        %dma_start3A_406 = tpu.memref_slice %arg11[%rem3A_393, %sub3A_396, %dma_start3A_405] : memref<2x16x64xi32, #tpu.memory_space<vmem>> -> memref<1x1x64xi32, #tpu.memory_space<vmem>>
        %dma_start3A_407 = tpu.memref_squeeze %dma_start3A_406 : memref<1x1x64xi32, #tpu.memory_space<vmem>> -> memref<64xi32, #tpu.memory_space<vmem>>
        %dma_start3A_408 = arith.constant 0 : i32
        %dma_start3A_409 = arith.constant 0 : i32
        %dma_start3A_410 = tpu.memref_slice %arg2[%dma_start3A_408, %dma_start3A_409] : memref<10112x128xf32, #tpu.memory_space<hbm>> -> memref<10112x128xf32, #tpu.memory_space<hbm>>
        %dma_start3A_411 = tpu.memref_slice %arg19[%rem3A_400] : memref<3x!tpu.dma_semaphore, #tpu.memory_space<semaphore_mem>> -> memref<1x!tpu.dma_semaphore, #tpu.memory_space<semaphore_mem>>
        %dma_start3A_412 = tpu.memref_squeeze %dma_start3A_411 : memref<1x!tpu.dma_semaphore, #tpu.memory_space<semaphore_mem>> -> memref<!tpu.dma_semaphore, #tpu.memory_space<semaphore_mem>>
        tpu.enqueue_indirect_dma source(%dma_start3A_410 : memref<10112x128xf32, #tpu.memory_space<hbm>>) target(%dma_start3A_404 : memref<64x128xf32, #tpu.memory_space<vmem>>) offsets(%dma_start3A_407 : memref<64xi32, #tpu.memory_space<vmem>>) semaphore(%dma_start3A_412 : memref<!tpu.dma_semaphore, #tpu.memory_space<semaphore_mem>>)
      } else {
      }
    }
    %scan3A_156 = arith.constant 160 : i32
    %dma_wait3A = arith.constant 1 : i32
    %dma_wait3A_157 = arith.constant 1 : i32
    %dma_wait3A_158 = arith.constant 0 : i32
    %dma_wait3A_159 = arith.constant 0 : i32
    %dma_wait3A_160 = tpu.memref_slice %arg13[%dma_wait3A, %dma_wait3A_158, %dma_wait3A_159] : memref<3x64x128xf32, #tpu.memory_space<vmem>> -> memref<1x64x128xf32, #tpu.memory_space<vmem>>
    %dma_wait3A_161 = tpu.memref_squeeze %dma_wait3A_160 : memref<1x64x128xf32, #tpu.memory_space<vmem>> -> memref<64x128xf32, #tpu.memory_space<vmem>>
    %dma_wait3A_162 = arith.constant 0 : i32
    %dma_wait3A_163 = arith.constant 0 : i32
    %dma_wait3A_164 = tpu.memref_slice %arg16[%dma_wait3A_162, %dma_wait3A_163] : memref<10112x128xf32, #tpu.memory_space<vmem_shared>> -> memref<64x128xf32, #tpu.memory_space<vmem_shared>>
    %dma_wait3A_165 = tpu.memref_slice %arg20[%dma_wait3A_157] : memref<3x!tpu.dma_semaphore, #tpu.memory_space<semaphore_mem>> -> memref<1x!tpu.dma_semaphore, #tpu.memory_space<semaphore_mem>>
    %dma_wait3A_166 = tpu.memref_squeeze %dma_wait3A_165 : memref<1x!tpu.dma_semaphore, #tpu.memory_space<semaphore_mem>> -> memref<!tpu.dma_semaphore, #tpu.memory_space<semaphore_mem>>
    %dma_wait3A_167 = arith.constant 0 : i32
    %dma_wait3A_168 = arith.constant 0 : i32
    %dma_wait3A_169 = tpu.memref_slice %arg16[%dma_wait3A_167, %dma_wait3A_168] : memref<10112x128xf32, #tpu.memory_space<vmem_shared>> -> memref<64x128xf32, #tpu.memory_space<vmem_shared>>
    %dma_wait3A_170 = arith.constant 0 : i32
    %dma_wait3A_171 = arith.constant 0 : i32
    %dma_wait3A_172 = tpu.memref_slice %arg13[%dma_wait3A, %dma_wait3A_170, %dma_wait3A_171] : memref<3x64x128xf32, #tpu.memory_space<vmem>> -> memref<1x64x128xf32, #tpu.memory_space<vmem>>
    %dma_wait3A_173 = tpu.memref_squeeze %dma_wait3A_172 : memref<1x64x128xf32, #tpu.memory_space<vmem>> -> memref<64x128xf32, #tpu.memory_space<vmem>>
    tpu.wait_dma2 semaphore(%dma_wait3A_166 : memref<!tpu.dma_semaphore, #tpu.memory_space<semaphore_mem>>) src(%dma_wait3A_173 : memref<64x128xf32, #tpu.memory_space<vmem>>) dst(%dma_wait3A_169 : memref<64x128xf32, #tpu.memory_space<vmem_shared>>)
    %dma_wait3A_174 = arith.constant 2 : i32
    %dma_wait3A_175 = arith.constant 2 : i32
    %dma_wait3A_176 = arith.constant 0 : i32
    %dma_wait3A_177 = arith.constant 0 : i32
    %dma_wait3A_178 = tpu.memref_slice %arg13[%dma_wait3A_174, %dma_wait3A_176, %dma_wait3A_177] : memref<3x64x128xf32, #tpu.memory_space<vmem>> -> memref<1x64x128xf32, #tpu.memory_space<vmem>>
    %dma_wait3A_179 = tpu.memref_squeeze %dma_wait3A_178 : memref<1x64x128xf32, #tpu.memory_space<vmem>> -> memref<64x128xf32, #tpu.memory_space<vmem>>
    %dma_wait3A_180 = arith.constant 0 : i32
    %dma_wait3A_181 = arith.constant 0 : i32
    %dma_wait3A_182 = tpu.memref_slice %arg16[%dma_wait3A_180, %dma_wait3A_181] : memref<10112x128xf32, #tpu.memory_space<vmem_shared>> -> memref<64x128xf32, #tpu.memory_space<vmem_shared>>
    %dma_wait3A_183 = tpu.memref_slice %arg20[%dma_wait3A_175] : memref<3x!tpu.dma_semaphore, #tpu.memory_space<semaphore_mem>> -> memref<1x!tpu.dma_semaphore, #tpu.memory_space<semaphore_mem>>
    %dma_wait3A_184 = tpu.memref_squeeze %dma_wait3A_183 : memref<1x!tpu.dma_semaphore, #tpu.memory_space<semaphore_mem>> -> memref<!tpu.dma_semaphore, #tpu.memory_space<semaphore_mem>>
    %dma_wait3A_185 = arith.constant 0 : i32
    %dma_wait3A_186 = arith.constant 0 : i32
    %dma_wait3A_187 = tpu.memref_slice %arg16[%dma_wait3A_185, %dma_wait3A_186] : memref<10112x128xf32, #tpu.memory_space<vmem_shared>> -> memref<64x128xf32, #tpu.memory_space<vmem_shared>>
    %dma_wait3A_188 = arith.constant 0 : i32
    %dma_wait3A_189 = arith.constant 0 : i32
    %dma_wait3A_190 = tpu.memref_slice %arg13[%dma_wait3A_174, %dma_wait3A_188, %dma_wait3A_189] : memref<3x64x128xf32, #tpu.memory_space<vmem>> -> memref<1x64x128xf32, #tpu.memory_space<vmem>>
    %dma_wait3A_191 = tpu.memref_squeeze %dma_wait3A_190 : memref<1x64x128xf32, #tpu.memory_space<vmem>> -> memref<64x128xf32, #tpu.memory_space<vmem>>
    tpu.wait_dma2 semaphore(%dma_wait3A_184 : memref<!tpu.dma_semaphore, #tpu.memory_space<semaphore_mem>>) src(%dma_wait3A_191 : memref<64x128xf32, #tpu.memory_space<vmem>>) dst(%dma_wait3A_187 : memref<64x128xf32, #tpu.memory_space<vmem_shared>>)
    %dma_wait3A_192 = arith.constant 0 : i32
    %dma_wait3A_193 = arith.constant 0 : i32
    %dma_wait3A_194 = arith.constant 0 : i32
    %dma_wait3A_195 = arith.constant 0 : i32
    %dma_wait3A_196 = tpu.memref_slice %arg13[%dma_wait3A_192, %dma_wait3A_194, %dma_wait3A_195] : memref<3x64x128xf32, #tpu.memory_space<vmem>> -> memref<1x64x128xf32, #tpu.memory_space<vmem>>
    %dma_wait3A_197 = tpu.memref_squeeze %dma_wait3A_196 : memref<1x64x128xf32, #tpu.memory_space<vmem>> -> memref<64x128xf32, #tpu.memory_space<vmem>>
    %dma_wait3A_198 = arith.constant 0 : i32
    %dma_wait3A_199 = arith.constant 0 : i32
    %dma_wait3A_200 = tpu.memref_slice %arg16[%dma_wait3A_198, %dma_wait3A_199] : memref<10112x128xf32, #tpu.memory_space<vmem_shared>> -> memref<64x128xf32, #tpu.memory_space<vmem_shared>>
    %dma_wait3A_201 = tpu.memref_slice %arg20[%dma_wait3A_193] : memref<3x!tpu.dma_semaphore, #tpu.memory_space<semaphore_mem>> -> memref<1x!tpu.dma_semaphore, #tpu.memory_space<semaphore_mem>>
    %dma_wait3A_202 = tpu.memref_squeeze %dma_wait3A_201 : memref<1x!tpu.dma_semaphore, #tpu.memory_space<semaphore_mem>> -> memref<!tpu.dma_semaphore, #tpu.memory_space<semaphore_mem>>
    %dma_wait3A_203 = arith.constant 0 : i32
    %dma_wait3A_204 = arith.constant 0 : i32
    %dma_wait3A_205 = tpu.memref_slice %arg16[%dma_wait3A_203, %dma_wait3A_204] : memref<10112x128xf32, #tpu.memory_space<vmem_shared>> -> memref<64x128xf32, #tpu.memory_space<vmem_shared>>
    %dma_wait3A_206 = arith.constant 0 : i32
    %dma_wait3A_207 = arith.constant 0 : i32
    %dma_wait3A_208 = tpu.memref_slice %arg13[%dma_wait3A_192, %dma_wait3A_206, %dma_wait3A_207] : memref<3x64x128xf32, #tpu.memory_space<vmem>> -> memref<1x64x128xf32, #tpu.memory_space<vmem>>
    %dma_wait3A_209 = tpu.memref_squeeze %dma_wait3A_208 : memref<1x64x128xf32, #tpu.memory_space<vmem>> -> memref<64x128xf32, #tpu.memory_space<vmem>>
    tpu.wait_dma2 semaphore(%dma_wait3A_202 : memref<!tpu.dma_semaphore, #tpu.memory_space<semaphore_mem>>) src(%dma_wait3A_209 : memref<64x128xf32, #tpu.memory_space<vmem>>) dst(%dma_wait3A_205 : memref<64x128xf32, #tpu.memory_space<vmem_shared>>)
    %dma_wait3A_210 = arith.constant 0 : i32
    %dma_wait3A_211 = arith.constant 0 : i32
    %dma_wait3A_212 = arith.constant 0 : i32
    %dma_wait3A_213 = tpu.memref_slice %arg14[%dma_wait3A_210, %dma_wait3A_212] : memref<2x64xf32, #tpu.memory_space<vmem>> -> memref<1x64xf32, #tpu.memory_space<vmem>>
    %dma_wait3A_214 = tpu.memref_squeeze %dma_wait3A_213 : memref<1x64xf32, #tpu.memory_space<vmem>> -> memref<64xf32, #tpu.memory_space<vmem>>
    %dma_wait3A_215 = arith.constant 0 : i32
    %dma_wait3A_216 = tpu.memref_slice %arg17[%dma_wait3A_215] : memref<10240xf32, #tpu.memory_space<vmem_shared>> -> memref<64xf32, #tpu.memory_space<vmem_shared>>
    %dma_wait3A_217 = tpu.memref_slice %arg21[%dma_wait3A_211] : memref<2x!tpu.dma_semaphore, #tpu.memory_space<semaphore_mem>> -> memref<1x!tpu.dma_semaphore, #tpu.memory_space<semaphore_mem>>
    %dma_wait3A_218 = tpu.memref_squeeze %dma_wait3A_217 : memref<1x!tpu.dma_semaphore, #tpu.memory_space<semaphore_mem>> -> memref<!tpu.dma_semaphore, #tpu.memory_space<semaphore_mem>>
    %dma_wait3A_219 = arith.constant 0 : i32
    %dma_wait3A_220 = tpu.memref_slice %arg17[%dma_wait3A_219] : memref<10240xf32, #tpu.memory_space<vmem_shared>> -> memref<64xf32, #tpu.memory_space<vmem_shared>>
    %dma_wait3A_221 = arith.constant 0 : i32
    %dma_wait3A_222 = tpu.memref_slice %arg14[%dma_wait3A_210, %dma_wait3A_221] : memref<2x64xf32, #tpu.memory_space<vmem>> -> memref<1x64xf32, #tpu.memory_space<vmem>>
    %dma_wait3A_223 = tpu.memref_squeeze %dma_wait3A_222 : memref<1x64xf32, #tpu.memory_space<vmem>> -> memref<64xf32, #tpu.memory_space<vmem>>
    tpu.wait_dma2 semaphore(%dma_wait3A_218 : memref<!tpu.dma_semaphore, #tpu.memory_space<semaphore_mem>>) src(%dma_wait3A_223 : memref<64xf32, #tpu.memory_space<vmem>>) dst(%dma_wait3A_220 : memref<64xf32, #tpu.memory_space<vmem_shared>>)
    %dma_wait3A_224 = arith.constant 1 : i32
    %dma_wait3A_225 = arith.constant 1 : i32
    %dma_wait3A_226 = arith.constant 0 : i32
    %dma_wait3A_227 = tpu.memref_slice %arg14[%dma_wait3A_224, %dma_wait3A_226] : memref<2x64xf32, #tpu.memory_space<vmem>> -> memref<1x64xf32, #tpu.memory_space<vmem>>
    %dma_wait3A_228 = tpu.memref_squeeze %dma_wait3A_227 : memref<1x64xf32, #tpu.memory_space<vmem>> -> memref<64xf32, #tpu.memory_space<vmem>>
    %dma_wait3A_229 = arith.constant 0 : i32
    %dma_wait3A_230 = tpu.memref_slice %arg17[%dma_wait3A_229] : memref<10240xf32, #tpu.memory_space<vmem_shared>> -> memref<64xf32, #tpu.memory_space<vmem_shared>>
    %dma_wait3A_231 = tpu.memref_slice %arg21[%dma_wait3A_225] : memref<2x!tpu.dma_semaphore, #tpu.memory_space<semaphore_mem>> -> memref<1x!tpu.dma_semaphore, #tpu.memory_space<semaphore_mem>>
    %dma_wait3A_232 = tpu.memref_squeeze %dma_wait3A_231 : memref<1x!tpu.dma_semaphore, #tpu.memory_space<semaphore_mem>> -> memref<!tpu.dma_semaphore, #tpu.memory_space<semaphore_mem>>
    %dma_wait3A_233 = arith.constant 0 : i32
    %dma_wait3A_234 = tpu.memref_slice %arg17[%dma_wait3A_233] : memref<10240xf32, #tpu.memory_space<vmem_shared>> -> memref<64xf32, #tpu.memory_space<vmem_shared>>
    %dma_wait3A_235 = arith.constant 0 : i32
    %dma_wait3A_236 = tpu.memref_slice %arg14[%dma_wait3A_224, %dma_wait3A_235] : memref<2x64xf32, #tpu.memory_space<vmem>> -> memref<1x64xf32, #tpu.memory_space<vmem>>
    %dma_wait3A_237 = tpu.memref_squeeze %dma_wait3A_236 : memref<1x64xf32, #tpu.memory_space<vmem>> -> memref<64xf32, #tpu.memory_space<vmem>>
    tpu.wait_dma2 semaphore(%dma_wait3A_232 : memref<!tpu.dma_semaphore, #tpu.memory_space<semaphore_mem>>) src(%dma_wait3A_237 : memref<64xf32, #tpu.memory_space<vmem>>) dst(%dma_wait3A_234 : memref<64xf32, #tpu.memory_space<vmem_shared>>)
    %barrier3A_238 = arith.constant 0 : index
    tpu.barrier barrier_id(%barrier3A_238)
    %mul3A_239 = arith.constant 632 : i32
    %mul3A_240 = arith.muli %arg1, %mul3A_239 : i32
    %mul3A_241 = arith.constant 10112 : i32
    %mul3A_242 = arith.muli %arg0, %mul3A_241 : i32
    %mul3A_243 = arith.constant 632 : i32
    %mul3A_244 = arith.muli %arg1, %mul3A_243 : i32
    %add3A_245 = arith.addi %mul3A_242, %mul3A_244 : i32
    "tpu.region"() ({
      %run_scoped3A_253 = tpu.sem_alloc : memref<!tpu.dma_semaphore, #tpu.memory_space<semaphore_mem>>
      %dma_start3A_254 = arith.constant 0 : i32
      %dma_start3A_255 = tpu.memref_slice %arg8[%add3A_245, %dma_start3A_254] : memref<20224x128xf32, #tpu.memory_space<hbm>> -> memref<632x128xf32, #tpu.memory_space<hbm>>
      %dma_start3A_256 = arith.constant 0 : i32
      %dma_start3A_257 = tpu.memref_slice %arg16[%mul3A_240, %dma_start3A_256] : memref<10112x128xf32, #tpu.memory_space<vmem_shared>> -> memref<632x128xf32, #tpu.memory_space<vmem_shared>>
      tpu.enqueue_dma source(%dma_start3A_257 : memref<632x128xf32, #tpu.memory_space<vmem_shared>>) target(%dma_start3A_255 : memref<632x128xf32, #tpu.memory_space<hbm>>) target_semaphore(%run_scoped3A_253 : memref<!tpu.dma_semaphore, #tpu.memory_space<semaphore_mem>>)
      %dma_wait3A_258 = arith.constant 0 : i32
      %dma_wait3A_259 = tpu.memref_slice %arg8[%add3A_245, %dma_wait3A_258] : memref<20224x128xf32, #tpu.memory_space<hbm>> -> memref<632x128xf32, #tpu.memory_space<hbm>>
      %dma_wait3A_260 = arith.constant 0 : i32
      %dma_wait3A_261 = tpu.memref_slice %arg16[%mul3A_240, %dma_wait3A_260] : memref<10112x128xf32, #tpu.memory_space<vmem_shared>> -> memref<632x128xf32, #tpu.memory_space<vmem_shared>>
      tpu.wait_dma2 semaphore(%run_scoped3A_253 : memref<!tpu.dma_semaphore, #tpu.memory_space<semaphore_mem>>) src(%dma_wait3A_261 : memref<632x128xf32, #tpu.memory_space<vmem_shared>>) dst(%dma_wait3A_259 : memref<632x128xf32, #tpu.memory_space<hbm>>)
      tpu.yield
    }) : () -> ()
    %mul3A_246 = arith.constant 640 : i32
    %mul3A_247 = arith.muli %arg1, %mul3A_246 : i32
    %mul3A_248 = arith.constant 10240 : i32
    %mul3A_249 = arith.muli %arg0, %mul3A_248 : i32
    %mul3A_250 = arith.constant 640 : i32
    %mul3A_251 = arith.muli %arg1, %mul3A_250 : i32
    %add3A_252 = arith.addi %mul3A_249, %mul3A_251 : i32
    "tpu.region"() ({
      %run_scoped3A_253 = tpu.sem_alloc : memref<!tpu.dma_semaphore, #tpu.memory_space<semaphore_mem>>
      %dma_start3A_254 = tpu.memref_slice %arg9[%add3A_252] : memref<20480xf32, #tpu.memory_space<hbm>> -> memref<640xf32, #tpu.memory_space<hbm>>
      %dma_start3A_255 = tpu.memref_slice %arg17[%mul3A_247] : memref<10240xf32, #tpu.memory_space<vmem_shared>> -> memref<640xf32, #tpu.memory_space<vmem_shared>>
      tpu.enqueue_dma source(%dma_start3A_255 : memref<640xf32, #tpu.memory_space<vmem_shared>>) target(%dma_start3A_254 : memref<640xf32, #tpu.memory_space<hbm>>) target_semaphore(%run_scoped3A_253 : memref<!tpu.dma_semaphore, #tpu.memory_space<semaphore_mem>>)
      %dma_wait3A_256 = tpu.memref_slice %arg9[%add3A_252] : memref<20480xf32, #tpu.memory_space<hbm>> -> memref<640xf32, #tpu.memory_space<hbm>>
      %dma_wait3A_257 = tpu.memref_slice %arg17[%mul3A_247] : memref<10240xf32, #tpu.memory_space<vmem_shared>> -> memref<640xf32, #tpu.memory_space<vmem_shared>>
      tpu.wait_dma2 semaphore(%run_scoped3A_253 : memref<!tpu.dma_semaphore, #tpu.memory_space<semaphore_mem>>) src(%dma_wait3A_257 : memref<640xf32, #tpu.memory_space<vmem_shared>>) dst(%dma_wait3A_256 : memref<640xf32, #tpu.memory_space<hbm>>)
      tpu.yield
    }) : () -> ()
    return
  }
}

#map = affine_map<(d0, d1) -> (0, 0)>
#map1 = affine_map<(d0, d1) -> (0)>
module attributes {stable_mosaic.version = 14 : i64} {
  func.func @_sc_edge_body(%arg0: i32, %arg1: i32, %arg2: memref<10112x128xf32, #tpu.memory_space<hbm>>, %arg3: memref<5120x64xi32, #tpu.memory_space<hbm>>, %arg4: memref<5120x64xi32, #tpu.memory_space<hbm>>, %arg5: memref<128xf32, #tpu.memory_space<hbm>>, %arg6: memref<10112x128xf32, #tpu.memory_space<hbm>>, %arg7: memref<10240xf32, #tpu.memory_space<hbm>>, %arg8: memref<20224x128xf32, #tpu.memory_space<hbm>>, %arg9: memref<20480xf32, #tpu.memory_space<hbm>>, %arg10: memref<2x16x64xi32, #tpu.memory_space<vmem>>, %arg11: memref<2x16x64xi32, #tpu.memory_space<vmem>>, %arg12: memref<2x64x128xf32, #tpu.memory_space<vmem>>, %arg13: memref<3x64x128xf32, #tpu.memory_space<vmem>>, %arg14: memref<2x64xf32, #tpu.memory_space<vmem>>, %arg15: memref<128xf32, #tpu.memory_space<vmem>>, %arg16: memref<10112x128xf32, #tpu.memory_space<vmem_shared>>, %arg17: memref<10240xf32, #tpu.memory_space<vmem_shared>>, %arg18: memref<2x!tpu.dma_semaphore, #tpu.memory_space<semaphore_mem>>, %arg19: memref<3x!tpu.dma_semaphore, #tpu.memory_space<semaphore_mem>>, %arg20: memref<3x!tpu.dma_semaphore, #tpu.memory_space<semaphore_mem>>, %arg21: memref<2x!tpu.dma_semaphore, #tpu.memory_space<semaphore_mem>>, %arg22: memref<!tpu.dma_semaphore, #tpu.memory_space<semaphore_mem>>, %arg23: memref<!tpu.dma_semaphore, #tpu.memory_space<semaphore_mem>>) attributes {dimension_semantics = [#tpu.dimension_semantics<core_parallel>, #tpu.dimension_semantics<subcore_parallel>], iteration_bounds = array<i64: 2, 16>, scalar_prefetch = 0 : i64, scratch_operands = 14 : i64, tpu.core_type = #tpu.core_type<sc_vector_subcore>, window_params = [{transform_indices = #map}, {transform_indices = #map}, {transform_indices = #map}, {transform_indices = #map1}, {transform_indices = #map}, {transform_indices = #map1}, {transform_indices = #map}, {transform_indices = #map1}]} {
    %mul3A = arith.constant 16 : i32
    %mul3A_0 = arith.muli %arg0, %mul3A : i32
    %add3A = arith.addi %mul3A_0, %arg1 : i32
    %mul3A_1 = arith.constant 632 : i32
    %mul3A_2 = arith.muli %arg1, %mul3A_1 : i32
    %mul3A_3 = arith.constant 632 : i32
    %mul3A_4 = arith.muli %arg1, %mul3A_3 : i32
    "tpu.region"() ({
      %run_scoped3A_253 = tpu.sem_alloc : memref<!tpu.dma_semaphore, #tpu.memory_space<semaphore_mem>>
      %dma_start3A_254 = arith.constant 0 : i32
      %dma_start3A_255 = tpu.memref_slice %arg16[%mul3A_4, %dma_start3A_254] : memref<10112x128xf32, #tpu.memory_space<vmem_shared>> -> memref<632x128xf32, #tpu.memory_space<vmem_shared>>
      %dma_start3A_256 = arith.constant 0 : i32
      %dma_start3A_257 = tpu.memref_slice %arg6[%mul3A_2, %dma_start3A_256] : memref<10112x128xf32, #tpu.memory_space<hbm>> -> memref<632x128xf32, #tpu.memory_space<hbm>>
      tpu.enqueue_dma source(%dma_start3A_257 : memref<632x128xf32, #tpu.memory_space<hbm>>) target(%dma_start3A_255 : memref<632x128xf32, #tpu.memory_space<vmem_shared>>) target_semaphore(%run_scoped3A_253 : memref<!tpu.dma_semaphore, #tpu.memory_space<semaphore_mem>>)
      %dma_wait3A_258 = arith.constant 0 : i32
      %dma_wait3A_259 = tpu.memref_slice %arg16[%mul3A_4, %dma_wait3A_258] : memref<10112x128xf32, #tpu.memory_space<vmem_shared>> -> memref<632x128xf32, #tpu.memory_space<vmem_shared>>
      %dma_wait3A_260 = arith.constant 0 : i32
      %dma_wait3A_261 = tpu.memref_slice %arg6[%mul3A_2, %dma_wait3A_260] : memref<10112x128xf32, #tpu.memory_space<hbm>> -> memref<632x128xf32, #tpu.memory_space<hbm>>
      tpu.wait_dma2 semaphore(%run_scoped3A_253 : memref<!tpu.dma_semaphore, #tpu.memory_space<semaphore_mem>>) src(%dma_wait3A_261 : memref<632x128xf32, #tpu.memory_space<hbm>>) dst(%dma_wait3A_259 : memref<632x128xf32, #tpu.memory_space<vmem_shared>>)
      tpu.yield
    }) : () -> ()
    %mul3A_5 = arith.constant 640 : i32
    %mul3A_6 = arith.muli %arg1, %mul3A_5 : i32
    %mul3A_7 = arith.constant 640 : i32
    %mul3A_8 = arith.muli %arg1, %mul3A_7 : i32
    "tpu.region"() ({
      %run_scoped3A_253 = tpu.sem_alloc : memref<!tpu.dma_semaphore, #tpu.memory_space<semaphore_mem>>
      %dma_start3A_254 = tpu.memref_slice %arg17[%mul3A_8] : memref<10240xf32, #tpu.memory_space<vmem_shared>> -> memref<640xf32, #tpu.memory_space<vmem_shared>>
      %dma_start3A_255 = tpu.memref_slice %arg7[%mul3A_6] : memref<10240xf32, #tpu.memory_space<hbm>> -> memref<640xf32, #tpu.memory_space<hbm>>
      tpu.enqueue_dma source(%dma_start3A_255 : memref<640xf32, #tpu.memory_space<hbm>>) target(%dma_start3A_254 : memref<640xf32, #tpu.memory_space<vmem_shared>>) target_semaphore(%run_scoped3A_253 : memref<!tpu.dma_semaphore, #tpu.memory_space<semaphore_mem>>)
      %dma_wait3A_256 = tpu.memref_slice %arg17[%mul3A_8] : memref<10240xf32, #tpu.memory_space<vmem_shared>> -> memref<640xf32, #tpu.memory_space<vmem_shared>>
      %dma_wait3A_257 = tpu.memref_slice %arg7[%mul3A_6] : memref<10240xf32, #tpu.memory_space<hbm>> -> memref<640xf32, #tpu.memory_space<hbm>>
      tpu.wait_dma2 semaphore(%run_scoped3A_253 : memref<!tpu.dma_semaphore, #tpu.memory_space<semaphore_mem>>) src(%dma_wait3A_257 : memref<640xf32, #tpu.memory_space<hbm>>) dst(%dma_wait3A_256 : memref<640xf32, #tpu.memory_space<vmem_shared>>)
      tpu.yield
    }) : () -> ()
    "tpu.region"() ({
      %run_scoped3A_253 = tpu.sem_alloc : memref<!tpu.dma_semaphore, #tpu.memory_space<semaphore_mem>>
      tpu.enqueue_dma source(%arg5 : memref<128xf32, #tpu.memory_space<hbm>>) target(%arg15 : memref<128xf32, #tpu.memory_space<vmem>>) target_semaphore(%run_scoped3A_253 : memref<!tpu.dma_semaphore, #tpu.memory_space<semaphore_mem>>)
      tpu.wait_dma2 semaphore(%run_scoped3A_253 : memref<!tpu.dma_semaphore, #tpu.memory_space<semaphore_mem>>) src(%arg5 : memref<128xf32, #tpu.memory_space<hbm>>) dst(%arg15 : memref<128xf32, #tpu.memory_space<vmem>>)
      tpu.yield
    }) : () -> ()
    %get3A = arith.constant 0 : index
    %get3A_9 = tpu.vector_load %arg15[%get3A] {strides = array<i32>} : memref<128xf32, #tpu.memory_space<vmem>>, vector<16xf32>,
    %get3A_10 = arith.constant 16 : index
    %get3A_11 = tpu.vector_load %arg15[%get3A_10] {strides = array<i32>} : memref<128xf32, #tpu.memory_space<vmem>>, vector<16xf32>,
    %get3A_12 = arith.constant 32 : index
    %get3A_13 = tpu.vector_load %arg15[%get3A_12] {strides = array<i32>} : memref<128xf32, #tpu.memory_space<vmem>>, vector<16xf32>,
    %get3A_14 = arith.constant 48 : index
    %get3A_15 = tpu.vector_load %arg15[%get3A_14] {strides = array<i32>} : memref<128xf32, #tpu.memory_space<vmem>>, vector<16xf32>,
    %get3A_16 = arith.constant 64 : index
    %get3A_17 = tpu.vector_load %arg15[%get3A_16] {strides = array<i32>} : memref<128xf32, #tpu.memory_space<vmem>>, vector<16xf32>,
    %get3A_18 = arith.constant 80 : index
    %get3A_19 = tpu.vector_load %arg15[%get3A_18] {strides = array<i32>} : memref<128xf32, #tpu.memory_space<vmem>>, vector<16xf32>,
    %get3A_20 = arith.constant 96 : index
    %get3A_21 = tpu.vector_load %arg15[%get3A_20] {strides = array<i32>} : memref<128xf32, #tpu.memory_space<vmem>>, vector<16xf32>,
    %get3A_22 = arith.constant 112 : index
    %get3A_23 = tpu.vector_load %arg15[%get3A_22] {strides = array<i32>} : memref<128xf32, #tpu.memory_space<vmem>>, vector<16xf32>,
    %iota3A = tpu.iota {dimensions = array<i32: 0>} : vector<16xi32>
    %eq3A = arith.constant 0 : i32
    %eq3A_24 = vector.broadcast %eq3A : i32 to vector<16xi32>
    %eq3A_25 = arith.cmpi eq, %iota3A, %eq3A_24 : vector<16xi32>
    %broadcast_in_dim3A = arith.constant 15 : i32
    %broadcast_in_dim3A_26 = vector.broadcast %broadcast_in_dim3A : i32 to vector<16xi32>
    %barrier3A = arith.constant 0 : index
    tpu.barrier barrier_id(%barrier3A)
    %mul3A_27 = arith.constant 160 : i32
    %mul3A_28 = arith.muli %add3A, %mul3A_27 : i32
    %run_scoped3A = arith.constant 0 : i32
    "tpu.region"() ({
      %run_scoped3A_253 = tpu.sem_alloc : memref<!tpu.dma_semaphore, #tpu.memory_space<semaphore_mem>>
      %dma_start3A_254 = arith.constant 0 : i32
      %dma_start3A_255 = arith.constant 0 : i32
      %dma_start3A_256 = tpu.memref_slice %arg10[%run_scoped3A, %dma_start3A_254, %dma_start3A_255] : memref<2x16x64xi32, #tpu.memory_space<vmem>> -> memref<1x16x64xi32, #tpu.memory_space<vmem>>
      %dma_start3A_257 = tpu.memref_squeeze %dma_start3A_256 : memref<1x16x64xi32, #tpu.memory_space<vmem>> -> memref<16x64xi32, #tpu.memory_space<vmem>>
      %dma_start3A_258 = arith.constant 0 : i32
      %dma_start3A_259 = tpu.memref_slice %arg3[%mul3A_28, %dma_start3A_258] : memref<5120x64xi32, #tpu.memory_space<hbm>> -> memref<16x64xi32, #tpu.memory_space<hbm>>
      %dma_start3A_260 = arith.constant 0 : i32
      %dma_start3A_261 = arith.constant 0 : i32
      %dma_start3A_262 = tpu.memref_slice %arg10[%run_scoped3A, %dma_start3A_260, %dma_start3A_261] : memref<2x16x64xi32, #tpu.memory_space<vmem>> -> memref<1x16x64xi32, #tpu.memory_space<vmem>>
      %dma_start3A_263 = tpu.memref_squeeze %dma_start3A_262 : memref<1x16x64xi32, #tpu.memory_space<vmem>> -> memref<16x64xi32, #tpu.memory_space<vmem>>
      %dma_start3A_264 = arith.constant 0 : i32
      %dma_start3A_265 = tpu.memref_slice %arg3[%mul3A_28, %dma_start3A_264] : memref<5120x64xi32, #tpu.memory_space<hbm>> -> memref<16x64xi32, #tpu.memory_space<hbm>>
      tpu.enqueue_dma source(%dma_start3A_265 : memref<16x64xi32, #tpu.memory_space<hbm>>) target(%dma_start3A_263 : memref<16x64xi32, #tpu.memory_space<vmem>>) target_semaphore(%run_scoped3A_253 : memref<!tpu.dma_semaphore, #tpu.memory_space<semaphore_mem>>)
      %dma_wait3A_266 = arith.constant 0 : i32
      %dma_wait3A_267 = arith.constant 0 : i32
      %dma_wait3A_268 = tpu.memref_slice %arg10[%run_scoped3A, %dma_wait3A_266, %dma_wait3A_267] : memref<2x16x64xi32, #tpu.memory_space<vmem>> -> memref<1x16x64xi32, #tpu.memory_space<vmem>>
      %dma_wait3A_269 = tpu.memref_squeeze %dma_wait3A_268 : memref<1x16x64xi32, #tpu.memory_space<vmem>> -> memref<16x64xi32, #tpu.memory_space<vmem>>
      %dma_wait3A_270 = arith.constant 0 : i32
      %dma_wait3A_271 = tpu.memref_slice %arg3[%mul3A_28, %dma_wait3A_270] : memref<5120x64xi32, #tpu.memory_space<hbm>> -> memref<16x64xi32, #tpu.memory_space<hbm>>
      %dma_wait3A_272 = arith.constant 0 : i32
      %dma_wait3A_273 = arith.constant 0 : i32
      %dma_wait3A_274 = tpu.memref_slice %arg10[%run_scoped3A, %dma_wait3A_272, %dma_wait3A_273] : memref<2x16x64xi32, #tpu.memory_space<vmem>> -> memref<1x16x64xi32, #tpu.memory_space<vmem>>
      %dma_wait3A_275 = tpu.memref_squeeze %dma_wait3A_274 : memref<1x16x64xi32, #tpu.memory_space<vmem>> -> memref<16x64xi32, #tpu.memory_space<vmem>>
      %dma_wait3A_276 = arith.constant 0 : i32
      %dma_wait3A_277 = tpu.memref_slice %arg3[%mul3A_28, %dma_wait3A_276] : memref<5120x64xi32, #tpu.memory_space<hbm>> -> memref<16x64xi32, #tpu.memory_space<hbm>>
      tpu.wait_dma2 semaphore(%run_scoped3A_253 : memref<!tpu.dma_semaphore, #tpu.memory_space<semaphore_mem>>) src(%dma_wait3A_277 : memref<16x64xi32, #tpu.memory_space<hbm>>) dst(%dma_wait3A_275 : memref<16x64xi32, #tpu.memory_space<vmem>>)
      tpu.yield
    }) : () -> ()
    %mul3A_29 = arith.constant 160 : i32
    %mul3A_30 = arith.muli %add3A, %mul3A_29 : i32
    %run_scoped3A_31 = arith.constant 0 : i32
    "tpu.region"() ({
      %run_scoped3A_253 = tpu.sem_alloc : memref<!tpu.dma_semaphore, #tpu.memory_space<semaphore_mem>>
      %dma_start3A_254 = arith.constant 0 : i32
      %dma_start3A_255 = arith.constant 0 : i32
      %dma_start3A_256 = tpu.memref_slice %arg11[%run_scoped3A_31, %dma_start3A_254, %dma_start3A_255] : memref<2x16x64xi32, #tpu.memory_space<vmem>> -> memref<1x16x64xi32, #tpu.memory_space<vmem>>
      %dma_start3A_257 = tpu.memref_squeeze %dma_start3A_256 : memref<1x16x64xi32, #tpu.memory_space<vmem>> -> memref<16x64xi32, #tpu.memory_space<vmem>>
      %dma_start3A_258 = arith.constant 0 : i32
      %dma_start3A_259 = tpu.memref_slice %arg4[%mul3A_30, %dma_start3A_258] : memref<5120x64xi32, #tpu.memory_space<hbm>> -> memref<16x64xi32, #tpu.memory_space<hbm>>
      %dma_start3A_260 = arith.constant 0 : i32
      %dma_start3A_261 = arith.constant 0 : i32
      %dma_start3A_262 = tpu.memref_slice %arg11[%run_scoped3A_31, %dma_start3A_260, %dma_start3A_261] : memref<2x16x64xi32, #tpu.memory_space<vmem>> -> memref<1x16x64xi32, #tpu.memory_space<vmem>>
      %dma_start3A_263 = tpu.memref_squeeze %dma_start3A_262 : memref<1x16x64xi32, #tpu.memory_space<vmem>> -> memref<16x64xi32, #tpu.memory_space<vmem>>
      %dma_start3A_264 = arith.constant 0 : i32
      %dma_start3A_265 = tpu.memref_slice %arg4[%mul3A_30, %dma_start3A_264] : memref<5120x64xi32, #tpu.memory_space<hbm>> -> memref<16x64xi32, #tpu.memory_space<hbm>>
      tpu.enqueue_dma source(%dma_start3A_265 : memref<16x64xi32, #tpu.memory_space<hbm>>) target(%dma_start3A_263 : memref<16x64xi32, #tpu.memory_space<vmem>>) target_semaphore(%run_scoped3A_253 : memref<!tpu.dma_semaphore, #tpu.memory_space<semaphore_mem>>)
      %dma_wait3A_266 = arith.constant 0 : i32
      %dma_wait3A_267 = arith.constant 0 : i32
      %dma_wait3A_268 = tpu.memref_slice %arg11[%run_scoped3A_31, %dma_wait3A_266, %dma_wait3A_267] : memref<2x16x64xi32, #tpu.memory_space<vmem>> -> memref<1x16x64xi32, #tpu.memory_space<vmem>>
      %dma_wait3A_269 = tpu.memref_squeeze %dma_wait3A_268 : memref<1x16x64xi32, #tpu.memory_space<vmem>> -> memref<16x64xi32, #tpu.memory_space<vmem>>
      %dma_wait3A_270 = arith.constant 0 : i32
      %dma_wait3A_271 = tpu.memref_slice %arg4[%mul3A_30, %dma_wait3A_270] : memref<5120x64xi32, #tpu.memory_space<hbm>> -> memref<16x64xi32, #tpu.memory_space<hbm>>
      %dma_wait3A_272 = arith.constant 0 : i32
      %dma_wait3A_273 = arith.constant 0 : i32
      %dma_wait3A_274 = tpu.memref_slice %arg11[%run_scoped3A_31, %dma_wait3A_272, %dma_wait3A_273] : memref<2x16x64xi32, #tpu.memory_space<vmem>> -> memref<1x16x64xi32, #tpu.memory_space<vmem>>
      %dma_wait3A_275 = tpu.memref_squeeze %dma_wait3A_274 : memref<1x16x64xi32, #tpu.memory_space<vmem>> -> memref<16x64xi32, #tpu.memory_space<vmem>>
      %dma_wait3A_276 = arith.constant 0 : i32
      %dma_wait3A_277 = tpu.memref_slice %arg4[%mul3A_30, %dma_wait3A_276] : memref<5120x64xi32, #tpu.memory_space<hbm>> -> memref<16x64xi32, #tpu.memory_space<hbm>>
      tpu.wait_dma2 semaphore(%run_scoped3A_253 : memref<!tpu.dma_semaphore, #tpu.memory_space<semaphore_mem>>) src(%dma_wait3A_277 : memref<16x64xi32, #tpu.memory_space<hbm>>) dst(%dma_wait3A_275 : memref<16x64xi32, #tpu.memory_space<vmem>>)
      tpu.yield
    }) : () -> ()
    %mul3A_32 = arith.constant 160 : i32
    %mul3A_33 = arith.muli %add3A, %mul3A_32 : i32
    %add3A_34 = arith.constant 16 : i32
    %add3A_35 = arith.addi %mul3A_33, %add3A_34 : i32
    %dma_start3A = arith.constant 1 : i32
    %dma_start3A_36 = arith.constant 0 : i32
    %dma_start3A_37 = arith.constant 0 : i32
    %dma_start3A_38 = tpu.memref_slice %arg10[%dma_start3A, %dma_start3A_36, %dma_start3A_37] : memref<2x16x64xi32, #tpu.memory_space<vmem>> -> memref<1x16x64xi32, #tpu.memory_space<vmem>>
    %dma_start3A_39 = tpu.memref_squeeze %dma_start3A_38 : memref<1x16x64xi32, #tpu.memory_space<vmem>> -> memref<16x64xi32, #tpu.memory_space<vmem>>
    %dma_start3A_40 = arith.constant 0 : i32
    %dma_start3A_41 = tpu.memref_slice %arg3[%add3A_35, %dma_start3A_40] : memref<5120x64xi32, #tpu.memory_space<hbm>> -> memref<16x64xi32, #tpu.memory_space<hbm>>
    %dma_start3A_42 = arith.constant 0 : i32
    %dma_start3A_43 = arith.constant 0 : i32
    %dma_start3A_44 = tpu.memref_slice %arg10[%dma_start3A, %dma_start3A_42, %dma_start3A_43] : memref<2x16x64xi32, #tpu.memory_space<vmem>> -> memref<1x16x64xi32, #tpu.memory_space<vmem>>
    %dma_start3A_45 = tpu.memref_squeeze %dma_start3A_44 : memref<1x16x64xi32, #tpu.memory_space<vmem>> -> memref<16x64xi32, #tpu.memory_space<vmem>>
    %dma_start3A_46 = arith.constant 0 : i32
    %dma_start3A_47 = tpu.memref_slice %arg3[%add3A_35, %dma_start3A_46] : memref<5120x64xi32, #tpu.memory_space<hbm>> -> memref<16x64xi32, #tpu.memory_space<hbm>>
    tpu.enqueue_dma source(%dma_start3A_47 : memref<16x64xi32, #tpu.memory_space<hbm>>) target(%dma_start3A_45 : memref<16x64xi32, #tpu.memory_space<vmem>>) target_semaphore(%arg22 : memref<!tpu.dma_semaphore, #tpu.memory_space<semaphore_mem>>)
    %mul3A_48 = arith.constant 160 : i32
    %mul3A_49 = arith.muli %add3A, %mul3A_48 : i32
    %add3A_50 = arith.constant 16 : i32
    %add3A_51 = arith.addi %mul3A_49, %add3A_50 : i32
    %dma_start3A_52 = arith.constant 1 : i32
    %dma_start3A_53 = arith.constant 0 : i32
    %dma_start3A_54 = arith.constant 0 : i32
    %dma_start3A_55 = tpu.memref_slice %arg11[%dma_start3A_52, %dma_start3A_53, %dma_start3A_54] : memref<2x16x64xi32, #tpu.memory_space<vmem>> -> memref<1x16x64xi32, #tpu.memory_space<vmem>>
    %dma_start3A_56 = tpu.memref_squeeze %dma_start3A_55 : memref<1x16x64xi32, #tpu.memory_space<vmem>> -> memref<16x64xi32, #tpu.memory_space<vmem>>
    %dma_start3A_57 = arith.constant 0 : i32
    %dma_start3A_58 = tpu.memref_slice %arg4[%add3A_51, %dma_start3A_57] : memref<5120x64xi32, #tpu.memory_space<hbm>> -> memref<16x64xi32, #tpu.memory_space<hbm>>
    %dma_start3A_59 = arith.constant 0 : i32
    %dma_start3A_60 = arith.constant 0 : i32
    %dma_start3A_61 = tpu.memref_slice %arg11[%dma_start3A_52, %dma_start3A_59, %dma_start3A_60] : memref<2x16x64xi32, #tpu.memory_space<vmem>> -> memref<1x16x64xi32, #tpu.memory_space<vmem>>
    %dma_start3A_62 = tpu.memref_squeeze %dma_start3A_61 : memref<1x16x64xi32, #tpu.memory_space<vmem>> -> memref<16x64xi32, #tpu.memory_space<vmem>>
    %dma_start3A_63 = arith.constant 0 : i32
    %dma_start3A_64 = tpu.memref_slice %arg4[%add3A_51, %dma_start3A_63] : memref<5120x64xi32, #tpu.memory_space<hbm>> -> memref<16x64xi32, #tpu.memory_space<hbm>>
    tpu.enqueue_dma source(%dma_start3A_64 : memref<16x64xi32, #tpu.memory_space<hbm>>) target(%dma_start3A_62 : memref<16x64xi32, #tpu.memory_space<vmem>>) target_semaphore(%arg23 : memref<!tpu.dma_semaphore, #tpu.memory_space<semaphore_mem>>)
    %rem3A = arith.constant 0 : i32
    %rem3A_65 = arith.constant 2 : i32
    %rem3A_66 = arith.remsi %rem3A, %rem3A_65 : i32
    %rem3A_67 = arith.constant 0 : i32
    %rem3A_68 = arith.constant 2 : i32
    %rem3A_69 = arith.remsi %rem3A_67, %rem3A_68 : i32
    %rem3A_70 = arith.constant 0 : i32
    %rem3A_71 = arith.constant 2 : i32
    %rem3A_72 = arith.remsi %rem3A_70, %rem3A_71 : i32
    %dma_start3A_73 = arith.constant 0 : i32
    %dma_start3A_74 = arith.constant 0 : i32
    %dma_start3A_75 = arith.constant 0 : i32
    %dma_start3A_76 = tpu.memref_slice %arg12[%rem3A_69, %dma_start3A_74, %dma_start3A_75] : memref<2x64x128xf32, #tpu.memory_space<vmem>> -> memref<1x64x128xf32, #tpu.memory_space<vmem>>
    %dma_start3A_77 = tpu.memref_squeeze %dma_start3A_76 : memref<1x64x128xf32, #tpu.memory_space<vmem>> -> memref<64x128xf32, #tpu.memory_space<vmem>>
    %dma_start3A_78 = arith.constant 0 : i32
    %dma_start3A_79 = tpu.memref_slice %arg10[%rem3A_66, %dma_start3A_73, %dma_start3A_78] : memref<2x16x64xi32, #tpu.memory_space<vmem>> -> memref<1x1x64xi32, #tpu.memory_space<vmem>>
    %dma_start3A_80 = tpu.memref_squeeze %dma_start3A_79 : memref<1x1x64xi32, #tpu.memory_space<vmem>> -> memref<64xi32, #tpu.memory_space<vmem>>
    %dma_start3A_81 = arith.constant 0 : i32
    %dma_start3A_82 = arith.constant 0 : i32
    %dma_start3A_83 = tpu.memref_slice %arg2[%dma_start3A_81, %dma_start3A_82] : memref<10112x128xf32, #tpu.memory_space<hbm>> -> memref<10112x128xf32, #tpu.memory_space<hbm>>
    %dma_start3A_84 = tpu.memref_slice %arg18[%rem3A_72] : memref<2x!tpu.dma_semaphore, #tpu.memory_space<semaphore_mem>> -> memref<1x!tpu.dma_semaphore, #tpu.memory_space<semaphore_mem>>
    %dma_start3A_85 = tpu.memref_squeeze %dma_start3A_84 : memref<1x!tpu.dma_semaphore, #tpu.memory_space<semaphore_mem>> -> memref<!tpu.dma_semaphore, #tpu.memory_space<semaphore_mem>>
    tpu.enqueue_indirect_dma source(%dma_start3A_83 : memref<10112x128xf32, #tpu.memory_space<hbm>>) target(%dma_start3A_77 : memref<64x128xf32, #tpu.memory_space<vmem>>) offsets(%dma_start3A_80 : memref<64xi32, #tpu.memory_space<vmem>>) semaphore(%dma_start3A_85 : memref<!tpu.dma_semaphore, #tpu.memory_space<semaphore_mem>>)
    %rem3A_86 = arith.constant 0 : i32
    %rem3A_87 = arith.constant 2 : i32
    %rem3A_88 = arith.remsi %rem3A_86, %rem3A_87 : i32
    %rem3A_89 = arith.constant 0 : i32
    %rem3A_90 = arith.constant 3 : i32
    %rem3A_91 = arith.remsi %rem3A_89, %rem3A_90 : i32
    %rem3A_92 = arith.constant 0 : i32
    %rem3A_93 = arith.constant 3 : i32
    %rem3A_94 = arith.remsi %rem3A_92, %rem3A_93 : i32
    %dma_start3A_95 = arith.constant 0 : i32
    %dma_start3A_96 = arith.constant 0 : i32
    %dma_start3A_97 = arith.constant 0 : i32
    %dma_start3A_98 = tpu.memref_slice %arg13[%rem3A_91, %dma_start3A_96, %dma_start3A_97] : memref<3x64x128xf32, #tpu.memory_space<vmem>> -> memref<1x64x128xf32, #tpu.memory_space<vmem>>
    %dma_start3A_99 = tpu.memref_squeeze %dma_start3A_98 : memref<1x64x128xf32, #tpu.memory_space<vmem>> -> memref<64x128xf32, #tpu.memory_space<vmem>>
    %dma_start3A_100 = arith.constant 0 : i32
    %dma_start3A_101 = tpu.memref_slice %arg11[%rem3A_88, %dma_start3A_95, %dma_start3A_100] : memref<2x16x64xi32, #tpu.memory_space<vmem>> -> memref<1x1x64xi32, #tpu.memory_space<vmem>>
    %dma_start3A_102 = tpu.memref_squeeze %dma_start3A_101 : memref<1x1x64xi32, #tpu.memory_space<vmem>> -> memref<64xi32, #tpu.memory_space<vmem>>
    %dma_start3A_103 = arith.constant 0 : i32
    %dma_start3A_104 = arith.constant 0 : i32
    %dma_start3A_105 = tpu.memref_slice %arg2[%dma_start3A_103, %dma_start3A_104] : memref<10112x128xf32, #tpu.memory_space<hbm>> -> memref<10112x128xf32, #tpu.memory_space<hbm>>
    %dma_start3A_106 = tpu.memref_slice %arg19[%rem3A_94] : memref<3x!tpu.dma_semaphore, #tpu.memory_space<semaphore_mem>> -> memref<1x!tpu.dma_semaphore, #tpu.memory_space<semaphore_mem>>
    %dma_start3A_107 = tpu.memref_squeeze %dma_start3A_106 : memref<1x!tpu.dma_semaphore, #tpu.memory_space<semaphore_mem>> -> memref<!tpu.dma_semaphore, #tpu.memory_space<semaphore_mem>>
    tpu.enqueue_indirect_dma source(%dma_start3A_105 : memref<10112x128xf32, #tpu.memory_space<hbm>>) target(%dma_start3A_99 : memref<64x128xf32, #tpu.memory_space<vmem>>) offsets(%dma_start3A_102 : memref<64xi32, #tpu.memory_space<vmem>>) semaphore(%dma_start3A_107 : memref<!tpu.dma_semaphore, #tpu.memory_space<semaphore_mem>>)
    %rem3A_108 = arith.constant 0 : i32
    %rem3A_109 = arith.constant 2 : i32
    %rem3A_110 = arith.remsi %rem3A_108, %rem3A_109 : i32
    %rem3A_111 = arith.constant 1 : i32
    %rem3A_112 = arith.constant 2 : i32
    %rem3A_113 = arith.remsi %rem3A_111, %rem3A_112 : i32
    %rem3A_114 = arith.constant 1 : i32
    %rem3A_115 = arith.constant 2 : i32
    %rem3A_116 = arith.remsi %rem3A_114, %rem3A_115 : i32
    %dma_start3A_117 = arith.constant 1 : i32
    %dma_start3A_118 = arith.constant 0 : i32
    %dma_start3A_119 = arith.constant 0 : i32
    %dma_start3A_120 = tpu.memref_slice %arg12[%rem3A_113, %dma_start3A_118, %dma_start3A_119] : memref<2x64x128xf32, #tpu.memory_space<vmem>> -> memref<1x64x128xf32, #tpu.memory_space<vmem>>
    %dma_start3A_121 = tpu.memref_squeeze %dma_start3A_120 : memref<1x64x128xf32, #tpu.memory_space<vmem>> -> memref<64x128xf32, #tpu.memory_space<vmem>>
    %dma_start3A_122 = arith.constant 0 : i32
    %dma_start3A_123 = tpu.memref_slice %arg10[%rem3A_110, %dma_start3A_117, %dma_start3A_122] : memref<2x16x64xi32, #tpu.memory_space<vmem>> -> memref<1x1x64xi32, #tpu.memory_space<vmem>>
    %dma_start3A_124 = tpu.memref_squeeze %dma_start3A_123 : memref<1x1x64xi32, #tpu.memory_space<vmem>> -> memref<64xi32, #tpu.memory_space<vmem>>
    %dma_start3A_125 = arith.constant 0 : i32
    %dma_start3A_126 = arith.constant 0 : i32
    %dma_start3A_127 = tpu.memref_slice %arg2[%dma_start3A_125, %dma_start3A_126] : memref<10112x128xf32, #tpu.memory_space<hbm>> -> memref<10112x128xf32, #tpu.memory_space<hbm>>
    %dma_start3A_128 = tpu.memref_slice %arg18[%rem3A_116] : memref<2x!tpu.dma_semaphore, #tpu.memory_space<semaphore_mem>> -> memref<1x!tpu.dma_semaphore, #tpu.memory_space<semaphore_mem>>
    %dma_start3A_129 = tpu.memref_squeeze %dma_start3A_128 : memref<1x!tpu.dma_semaphore, #tpu.memory_space<semaphore_mem>> -> memref<!tpu.dma_semaphore, #tpu.memory_space<semaphore_mem>>
    tpu.enqueue_indirect_dma source(%dma_start3A_127 : memref<10112x128xf32, #tpu.memory_space<hbm>>) target(%dma_start3A_121 : memref<64x128xf32, #tpu.memory_space<vmem>>) offsets(%dma_start3A_124 : memref<64xi32, #tpu.memory_space<vmem>>) semaphore(%dma_start3A_129 : memref<!tpu.dma_semaphore, #tpu.memory_space<semaphore_mem>>)
    %rem3A_130 = arith.constant 0 : i32
    %rem3A_131 = arith.constant 2 : i32
    %rem3A_132 = arith.remsi %rem3A_130, %rem3A_131 : i32
    %rem3A_133 = arith.constant 1 : i32
    %rem3A_134 = arith.constant 3 : i32
    %rem3A_135 = arith.remsi %rem3A_133, %rem3A_134 : i32
    %rem3A_136 = arith.constant 1 : i32
    %rem3A_137 = arith.constant 3 : i32
    %rem3A_138 = arith.remsi %rem3A_136, %rem3A_137 : i32
    %dma_start3A_139 = arith.constant 1 : i32
    %dma_start3A_140 = arith.constant 0 : i32
    %dma_start3A_141 = arith.constant 0 : i32
    %dma_start3A_142 = tpu.memref_slice %arg13[%rem3A_135, %dma_start3A_140, %dma_start3A_141] : memref<3x64x128xf32, #tpu.memory_space<vmem>> -> memref<1x64x128xf32, #tpu.memory_space<vmem>>
    %dma_start3A_143 = tpu.memref_squeeze %dma_start3A_142 : memref<1x64x128xf32, #tpu.memory_space<vmem>> -> memref<64x128xf32, #tpu.memory_space<vmem>>
    %dma_start3A_144 = arith.constant 0 : i32
    %dma_start3A_145 = tpu.memref_slice %arg11[%rem3A_132, %dma_start3A_139, %dma_start3A_144] : memref<2x16x64xi32, #tpu.memory_space<vmem>> -> memref<1x1x64xi32, #tpu.memory_space<vmem>>
    %dma_start3A_146 = tpu.memref_squeeze %dma_start3A_145 : memref<1x1x64xi32, #tpu.memory_space<vmem>> -> memref<64xi32, #tpu.memory_space<vmem>>
    %dma_start3A_147 = arith.constant 0 : i32
    %dma_start3A_148 = arith.constant 0 : i32
    %dma_start3A_149 = tpu.memref_slice %arg2[%dma_start3A_147, %dma_start3A_148] : memref<10112x128xf32, #tpu.memory_space<hbm>> -> memref<10112x128xf32, #tpu.memory_space<hbm>>
    %dma_start3A_150 = tpu.memref_slice %arg19[%rem3A_138] : memref<3x!tpu.dma_semaphore, #tpu.memory_space<semaphore_mem>> -> memref<1x!tpu.dma_semaphore, #tpu.memory_space<semaphore_mem>>
    %dma_start3A_151 = tpu.memref_squeeze %dma_start3A_150 : memref<1x!tpu.dma_semaphore, #tpu.memory_space<semaphore_mem>> -> memref<!tpu.dma_semaphore, #tpu.memory_space<semaphore_mem>>
    tpu.enqueue_indirect_dma source(%dma_start3A_149 : memref<10112x128xf32, #tpu.memory_space<hbm>>) target(%dma_start3A_143 : memref<64x128xf32, #tpu.memory_space<vmem>>) offsets(%dma_start3A_146 : memref<64xi32, #tpu.memory_space<vmem>>) semaphore(%dma_start3A_151 : memref<!tpu.dma_semaphore, #tpu.memory_space<semaphore_mem>>)
    %scan3A = arith.constant 0 : i32
    %scan3A_152 = arith.constant 0 : i32
    %scan3A_153 = arith.constant 160 : i32
    %scan3A_154 = arith.addi %scan3A_152, %scan3A_153 : i32
    %scan3A_155 = arith.constant 1 : i32
    scf.for %scan3A_253 = %scan3A_152 to %scan3A_154 step %scan3A_155  : i32 {
      %rem3A_254 = arith.constant 2 : i32
      %rem3A_255 = arith.remsi %scan3A_253, %rem3A_254 : i32
      %rem3A_256 = arith.constant 3 : i32
      %rem3A_257 = arith.remsi %scan3A_253, %rem3A_256 : i32
      %jit3A = arith.constant 16 : i32
      %div3A = arith.divsi %scan3A_253, %jit3A : i32
      %sign3A = arith.constant 0 : i32
      %sign3A_258 = arith.cmpi sgt, %scan3A_253, %sign3A : i32
      %sign3A_259 = arith.extui %sign3A_258 : i1 to i32
      %sign3A_260 = arith.constant 0 : i32
      %sign3A_261 = arith.cmpi slt, %scan3A_253, %sign3A_260 : i32
      %sign3A_262 = arith.extui %sign3A_261 : i1 to i32
      %sign3A_263 = arith.subi %sign3A_259, %sign3A_262 : i32
      %sign3A_264 = arith.constant 0 : i32
      %sign3A_265 = arith.cmpi sgt, %jit3A, %sign3A_264 : i32
      %sign3A_266 = arith.extui %sign3A_265 : i1 to i32
      %sign3A_267 = arith.constant 0 : i32
      %sign3A_268 = arith.cmpi slt, %jit3A, %sign3A_267 : i32
      %sign3A_269 = arith.extui %sign3A_268 : i1 to i32
      %sign3A_270 = arith.subi %sign3A_266, %sign3A_269 : i32
      %ne3A = arith.cmpi ne, %sign3A_263, %sign3A_270 : i32
      %rem3A_271 = arith.remsi %scan3A_253, %jit3A : i32
      %ne3A_272 = arith.constant 0 : i32
      %ne3A_273 = arith.cmpi ne, %rem3A_271, %ne3A_272 : i32
      %and3A = arith.andi %ne3A, %ne3A_273 : i1
      %sub3A = arith.constant 1 : i32
      %sub3A_274 = arith.subi %div3A, %sub3A : i32
      %select_n3A = arith.select %and3A, %sub3A_274, %div3A : i32
      %mul3A_275 = arith.constant 16 : i32
      %mul3A_276 = arith.muli %select_n3A, %mul3A_275 : i32
      %sub3A_277 = arith.subi %scan3A_253, %mul3A_276 : i32
      %eq3A_278 = arith.constant 0 : i32
      %eq3A_279 = arith.cmpi eq, %sub3A_277, %eq3A_278 : i32
      %ge3A = arith.constant 1 : i32
      %ge3A_280 = arith.cmpi sge, %select_n3A, %ge3A : i32
      %lt3A = arith.constant 9 : i32
      %lt3A_281 = arith.cmpi slt, %select_n3A, %lt3A : i32
      %and3A_282 = arith.andi %ge3A_280, %lt3A_281 : i1
      %and3A_283 = arith.andi %eq3A_279, %and3A_282 : i1
      %convert_element_type3A = arith.extui %and3A_283 : i1 to i32
      %cond3A = arith.constant 0 : i32
      %cond3A_284 = arith.cmpi ne, %convert_element_type3A, %cond3A : i32
      scf.if %cond3A_284 {
        %mul3A_318 = arith.constant 160 : i32
        %mul3A_319 = arith.muli %add3A, %mul3A_318 : i32
        %add3A_320 = arith.constant 1 : i32
        %add3A_321 = arith.addi %select_n3A, %add3A_320 : i32
        %mul3A_322 = arith.constant 16 : i32
        %mul3A_323 = arith.muli %add3A_321, %mul3A_322 : i32
        %add3A_324 = arith.addi %mul3A_319, %mul3A_323 : i32
        %add3A_325 = arith.constant 1 : i32
        %add3A_326 = arith.addi %select_n3A, %add3A_325 : i32
        %rem3A_327 = arith.constant 2 : i32
        %rem3A_328 = arith.remsi %add3A_326, %rem3A_327 : i32
        %dma_start3A_329 = arith.constant 0 : i32
        %dma_start3A_330 = arith.constant 0 : i32
        %dma_start3A_331 = tpu.memref_slice %arg10[%rem3A_328, %dma_start3A_329, %dma_start3A_330] : memref<2x16x64xi32, #tpu.memory_space<vmem>> -> memref<1x16x64xi32, #tpu.memory_space<vmem>>
        %dma_start3A_332 = tpu.memref_squeeze %dma_start3A_331 : memref<1x16x64xi32, #tpu.memory_space<vmem>> -> memref<16x64xi32, #tpu.memory_space<vmem>>
        %dma_start3A_333 = arith.constant 0 : i32
        %dma_start3A_334 = tpu.memref_slice %arg3[%add3A_324, %dma_start3A_333] : memref<5120x64xi32, #tpu.memory_space<hbm>> -> memref<16x64xi32, #tpu.memory_space<hbm>>
        %dma_start3A_335 = arith.constant 0 : i32
        %dma_start3A_336 = arith.constant 0 : i32
        %dma_start3A_337 = tpu.memref_slice %arg10[%rem3A_328, %dma_start3A_335, %dma_start3A_336] : memref<2x16x64xi32, #tpu.memory_space<vmem>> -> memref<1x16x64xi32, #tpu.memory_space<vmem>>
        %dma_start3A_338 = tpu.memref_squeeze %dma_start3A_337 : memref<1x16x64xi32, #tpu.memory_space<vmem>> -> memref<16x64xi32, #tpu.memory_space<vmem>>
        %dma_start3A_339 = arith.constant 0 : i32
        %dma_start3A_340 = tpu.memref_slice %arg3[%add3A_324, %dma_start3A_339] : memref<5120x64xi32, #tpu.memory_space<hbm>> -> memref<16x64xi32, #tpu.memory_space<hbm>>
        tpu.enqueue_dma source(%dma_start3A_340 : memref<16x64xi32, #tpu.memory_space<hbm>>) target(%dma_start3A_338 : memref<16x64xi32, #tpu.memory_space<vmem>>) target_semaphore(%arg22 : memref<!tpu.dma_semaphore, #tpu.memory_space<semaphore_mem>>)
        %dma_start3A_341 = arith.constant 0 : i32
        %dma_start3A_342 = arith.constant 0 : i32
        %dma_start3A_343 = tpu.memref_slice %arg11[%rem3A_328, %dma_start3A_341, %dma_start3A_342] : memref<2x16x64xi32, #tpu.memory_space<vmem>> -> memref<1x16x64xi32, #tpu.memory_space<vmem>>
        %dma_start3A_344 = tpu.memref_squeeze %dma_start3A_343 : memref<1x16x64xi32, #tpu.memory_space<vmem>> -> memref<16x64xi32, #tpu.memory_space<vmem>>
        %dma_start3A_345 = arith.constant 0 : i32
        %dma_start3A_346 = tpu.memref_slice %arg4[%add3A_324, %dma_start3A_345] : memref<5120x64xi32, #tpu.memory_space<hbm>> -> memref<16x64xi32, #tpu.memory_space<hbm>>
        %dma_start3A_347 = arith.constant 0 : i32
        %dma_start3A_348 = arith.constant 0 : i32
        %dma_start3A_349 = tpu.memref_slice %arg11[%rem3A_328, %dma_start3A_347, %dma_start3A_348] : memref<2x16x64xi32, #tpu.memory_space<vmem>> -> memref<1x16x64xi32, #tpu.memory_space<vmem>>
        %dma_start3A_350 = tpu.memref_squeeze %dma_start3A_349 : memref<1x16x64xi32, #tpu.memory_space<vmem>> -> memref<16x64xi32, #tpu.memory_space<vmem>>
        %dma_start3A_351 = arith.constant 0 : i32
        %dma_start3A_352 = tpu.memref_slice %arg4[%add3A_324, %dma_start3A_351] : memref<5120x64xi32, #tpu.memory_space<hbm>> -> memref<16x64xi32, #tpu.memory_space<hbm>>
        tpu.enqueue_dma source(%dma_start3A_352 : memref<16x64xi32, #tpu.memory_space<hbm>>) target(%dma_start3A_350 : memref<16x64xi32, #tpu.memory_space<vmem>>) target_semaphore(%arg23 : memref<!tpu.dma_semaphore, #tpu.memory_space<semaphore_mem>>)
      } else {
      }
      %eq3A_285 = arith.constant 14 : i32
      %eq3A_286 = arith.cmpi eq, %sub3A_277, %eq3A_285 : i32
      %lt3A_287 = arith.constant 9 : i32
      %lt3A_288 = arith.cmpi slt, %select_n3A, %lt3A_287 : i32
      %and3A_289 = arith.andi %eq3A_286, %lt3A_288 : i1
      %convert_element_type3A_290 = arith.extui %and3A_289 : i1 to i32
      %cond3A_291 = arith.constant 0 : i32
      %cond3A_292 = arith.cmpi ne, %convert_element_type3A_290, %cond3A_291 : i32
      scf.if %cond3A_292 {
        %dma_wait3A_318 = arith.constant 0 : i32
        %dma_wait3A_319 = arith.constant 0 : i32
        %dma_wait3A_320 = arith.constant 0 : i32
        %dma_wait3A_321 = tpu.memref_slice %arg10[%dma_wait3A_318, %dma_wait3A_319, %dma_wait3A_320] : memref<2x16x64xi32, #tpu.memory_space<vmem>> -> memref<1x16x64xi32, #tpu.memory_space<vmem>>
        %dma_wait3A_322 = tpu.memref_squeeze %dma_wait3A_321 : memref<1x16x64xi32, #tpu.memory_space<vmem>> -> memref<16x64xi32, #tpu.memory_space<vmem>>
        %dma_wait3A_323 = arith.constant 0 : i32
        %dma_wait3A_324 = arith.constant 0 : i32
        %dma_wait3A_325 = tpu.memref_slice %arg3[%dma_wait3A_323, %dma_wait3A_324] : memref<5120x64xi32, #tpu.memory_space<hbm>> -> memref<16x64xi32, #tpu.memory_space<hbm>>
        %dma_wait3A_326 = arith.constant 0 : i32
        %dma_wait3A_327 = arith.constant 0 : i32
        %dma_wait3A_328 = tpu.memref_slice %arg10[%dma_wait3A_318, %dma_wait3A_326, %dma_wait3A_327] : memref<2x16x64xi32, #tpu.memory_space<vmem>> -> memref<1x16x64xi32, #tpu.memory_space<vmem>>
        %dma_wait3A_329 = tpu.memref_squeeze %dma_wait3A_328 : memref<1x16x64xi32, #tpu.memory_space<vmem>> -> memref<16x64xi32, #tpu.memory_space<vmem>>
        %dma_wait3A_330 = arith.constant 0 : i32
        %dma_wait3A_331 = arith.constant 0 : i32
        %dma_wait3A_332 = tpu.memref_slice %arg3[%dma_wait3A_330, %dma_wait3A_331] : memref<5120x64xi32, #tpu.memory_space<hbm>> -> memref<16x64xi32, #tpu.memory_space<hbm>>
        tpu.wait_dma2 semaphore(%arg22 : memref<!tpu.dma_semaphore, #tpu.memory_space<semaphore_mem>>) src(%dma_wait3A_332 : memref<16x64xi32, #tpu.memory_space<hbm>>) dst(%dma_wait3A_329 : memref<16x64xi32, #tpu.memory_space<vmem>>)
        %dma_wait3A_333 = arith.constant 0 : i32
        %dma_wait3A_334 = arith.constant 0 : i32
        %dma_wait3A_335 = arith.constant 0 : i32
        %dma_wait3A_336 = tpu.memref_slice %arg11[%dma_wait3A_333, %dma_wait3A_334, %dma_wait3A_335] : memref<2x16x64xi32, #tpu.memory_space<vmem>> -> memref<1x16x64xi32, #tpu.memory_space<vmem>>
        %dma_wait3A_337 = tpu.memref_squeeze %dma_wait3A_336 : memref<1x16x64xi32, #tpu.memory_space<vmem>> -> memref<16x64xi32, #tpu.memory_space<vmem>>
        %dma_wait3A_338 = arith.constant 0 : i32
        %dma_wait3A_339 = arith.constant 0 : i32
        %dma_wait3A_340 = tpu.memref_slice %arg4[%dma_wait3A_338, %dma_wait3A_339] : memref<5120x64xi32, #tpu.memory_space<hbm>> -> memref<16x64xi32, #tpu.memory_space<hbm>>
        %dma_wait3A_341 = arith.constant 0 : i32
        %dma_wait3A_342 = arith.constant 0 : i32
        %dma_wait3A_343 = tpu.memref_slice %arg11[%dma_wait3A_333, %dma_wait3A_341, %dma_wait3A_342] : memref<2x16x64xi32, #tpu.memory_space<vmem>> -> memref<1x16x64xi32, #tpu.memory_space<vmem>>
        %dma_wait3A_344 = tpu.memref_squeeze %dma_wait3A_343 : memref<1x16x64xi32, #tpu.memory_space<vmem>> -> memref<16x64xi32, #tpu.memory_space<vmem>>
        %dma_wait3A_345 = arith.constant 0 : i32
        %dma_wait3A_346 = arith.constant 0 : i32
        %dma_wait3A_347 = tpu.memref_slice %arg4[%dma_wait3A_345, %dma_wait3A_346] : memref<5120x64xi32, #tpu.memory_space<hbm>> -> memref<16x64xi32, #tpu.memory_space<hbm>>
        tpu.wait_dma2 semaphore(%arg23 : memref<!tpu.dma_semaphore, #tpu.memory_space<semaphore_mem>>) src(%dma_wait3A_347 : memref<16x64xi32, #tpu.memory_space<hbm>>) dst(%dma_wait3A_344 : memref<16x64xi32, #tpu.memory_space<vmem>>)
      } else {
      }
      %mul3A_293 = arith.constant 10240 : i32
      %mul3A_294 = arith.muli %add3A, %mul3A_293 : i32
      %mul3A_295 = arith.constant 64 : i32
      %mul3A_296 = arith.muli %scan3A_253, %mul3A_295 : i32
      %add3A_297 = arith.addi %mul3A_294, %mul3A_296 : i32
      %lt3A_298 = arith.constant 320000 : i32
      %lt3A_299 = arith.cmpi slt, %add3A_297, %lt3A_298 : i32
      %convert_element_type3A_300 = arith.extui %lt3A_299 : i1 to i32
      %cond3A_301 = arith.constant 0 : i32
      %cond3A_302 = arith.cmpi ne, %convert_element_type3A_300, %cond3A_301 : i32
      scf.if %cond3A_302 {
        %dma_wait3A_318 = arith.constant 0 : i32
        %dma_wait3A_319 = arith.constant 0 : i32
        %dma_wait3A_320 = tpu.memref_slice %arg12[%rem3A_255, %dma_wait3A_318, %dma_wait3A_319] : memref<2x64x128xf32, #tpu.memory_space<vmem>> -> memref<1x64x128xf32, #tpu.memory_space<vmem>>
        %dma_wait3A_321 = tpu.memref_squeeze %dma_wait3A_320 : memref<1x64x128xf32, #tpu.memory_space<vmem>> -> memref<64x128xf32, #tpu.memory_space<vmem>>
        %dma_wait3A_322 = arith.constant 0 : i32
        %dma_wait3A_323 = arith.constant 0 : i32
        %dma_wait3A_324 = tpu.memref_slice %arg2[%dma_wait3A_322, %dma_wait3A_323] : memref<10112x128xf32, #tpu.memory_space<hbm>> -> memref<64x128xf32, #tpu.memory_space<hbm>>
        %dma_wait3A_325 = tpu.memref_slice %arg18[%rem3A_255] : memref<2x!tpu.dma_semaphore, #tpu.memory_space<semaphore_mem>> -> memref<1x!tpu.dma_semaphore, #tpu.memory_space<semaphore_mem>>
        %dma_wait3A_326 = tpu.memref_squeeze %dma_wait3A_325 : memref<1x!tpu.dma_semaphore, #tpu.memory_space<semaphore_mem>> -> memref<!tpu.dma_semaphore, #tpu.memory_space<semaphore_mem>>
        %dma_wait3A_327 = arith.constant 0 : i32
        %dma_wait3A_328 = arith.constant 0 : i32
        %dma_wait3A_329 = tpu.memref_slice %arg12[%rem3A_255, %dma_wait3A_327, %dma_wait3A_328] : memref<2x64x128xf32, #tpu.memory_space<vmem>> -> memref<1x64x128xf32, #tpu.memory_space<vmem>>
        %dma_wait3A_330 = tpu.memref_squeeze %dma_wait3A_329 : memref<1x64x128xf32, #tpu.memory_space<vmem>> -> memref<64x128xf32, #tpu.memory_space<vmem>>
        %dma_wait3A_331 = arith.constant 0 : i32
        %dma_wait3A_332 = arith.constant 0 : i32
        %dma_wait3A_333 = tpu.memref_slice %arg2[%dma_wait3A_331, %dma_wait3A_332] : memref<10112x128xf32, #tpu.memory_space<hbm>> -> memref<64x128xf32, #tpu.memory_space<hbm>>
        tpu.wait_dma2 semaphore(%dma_wait3A_326 : memref<!tpu.dma_semaphore, #tpu.memory_space<semaphore_mem>>) src(%dma_wait3A_333 : memref<64x128xf32, #tpu.memory_space<hbm>>) dst(%dma_wait3A_330 : memref<64x128xf32, #tpu.memory_space<vmem>>)
        %dma_wait3A_334 = arith.constant 0 : i32
        %dma_wait3A_335 = arith.constant 0 : i32
        %dma_wait3A_336 = tpu.memref_slice %arg13[%rem3A_257, %dma_wait3A_334, %dma_wait3A_335] : memref<3x64x128xf32, #tpu.memory_space<vmem>> -> memref<1x64x128xf32, #tpu.memory_space<vmem>>
        %dma_wait3A_337 = tpu.memref_squeeze %dma_wait3A_336 : memref<1x64x128xf32, #tpu.memory_space<vmem>> -> memref<64x128xf32, #tpu.memory_space<vmem>>
        %dma_wait3A_338 = arith.constant 0 : i32
        %dma_wait3A_339 = arith.constant 0 : i32
        %dma_wait3A_340 = tpu.memref_slice %arg2[%dma_wait3A_338, %dma_wait3A_339] : memref<10112x128xf32, #tpu.memory_space<hbm>> -> memref<64x128xf32, #tpu.memory_space<hbm>>
        %dma_wait3A_341 = tpu.memref_slice %arg19[%rem3A_257] : memref<3x!tpu.dma_semaphore, #tpu.memory_space<semaphore_mem>> -> memref<1x!tpu.dma_semaphore, #tpu.memory_space<semaphore_mem>>
        %dma_wait3A_342 = tpu.memref_squeeze %dma_wait3A_341 : memref<1x!tpu.dma_semaphore, #tpu.memory_space<semaphore_mem>> -> memref<!tpu.dma_semaphore, #tpu.memory_space<semaphore_mem>>
        %dma_wait3A_343 = arith.constant 0 : i32
        %dma_wait3A_344 = arith.constant 0 : i32
        %dma_wait3A_345 = tpu.memref_slice %arg13[%rem3A_257, %dma_wait3A_343, %dma_wait3A_344] : memref<3x64x128xf32, #tpu.memory_space<vmem>> -> memref<1x64x128xf32, #tpu.memory_space<vmem>>
        %dma_wait3A_346 = tpu.memref_squeeze %dma_wait3A_345 : memref<1x64x128xf32, #tpu.memory_space<vmem>> -> memref<64x128xf32, #tpu.memory_space<vmem>>
        %dma_wait3A_347 = arith.constant 0 : i32
        %dma_wait3A_348 = arith.constant 0 : i32
        %dma_wait3A_349 = tpu.memref_slice %arg2[%dma_wait3A_347, %dma_wait3A_348] : memref<10112x128xf32, #tpu.memory_space<hbm>> -> memref<64x128xf32, #tpu.memory_space<hbm>>
        tpu.wait_dma2 semaphore(%dma_wait3A_342 : memref<!tpu.dma_semaphore, #tpu.memory_space<semaphore_mem>>) src(%dma_wait3A_349 : memref<64x128xf32, #tpu.memory_space<hbm>>) dst(%dma_wait3A_346 : memref<64x128xf32, #tpu.memory_space<vmem>>)
        %ge3A_350 = arith.constant 2 : i32
        %ge3A_351 = arith.cmpi sge, %scan3A_253, %ge3A_350 : i32
        %convert_element_type3A_352 = arith.extui %ge3A_351 : i1 to i32
        %cond3A_353 = arith.constant 0 : i32
        %cond3A_354 = arith.cmpi ne, %convert_element_type3A_352, %cond3A_353 : i32
        scf.if %cond3A_354 {
          %dma_wait3A_441 = arith.constant 0 : i32
          %dma_wait3A_442 = tpu.memref_slice %arg14[%rem3A_255, %dma_wait3A_441] : memref<2x64xf32, #tpu.memory_space<vmem>> -> memref<1x64xf32, #tpu.memory_space<vmem>>
          %dma_wait3A_443 = tpu.memref_squeeze %dma_wait3A_442 : memref<1x64xf32, #tpu.memory_space<vmem>> -> memref<64xf32, #tpu.memory_space<vmem>>
          %dma_wait3A_444 = arith.constant 0 : i32
          %dma_wait3A_445 = tpu.memref_slice %arg17[%dma_wait3A_444] : memref<10240xf32, #tpu.memory_space<vmem_shared>> -> memref<64xf32, #tpu.memory_space<vmem_shared>>
          %dma_wait3A_446 = tpu.memref_slice %arg21[%rem3A_255] : memref<2x!tpu.dma_semaphore, #tpu.memory_space<semaphore_mem>> -> memref<1x!tpu.dma_semaphore, #tpu.memory_space<semaphore_mem>>
          %dma_wait3A_447 = tpu.memref_squeeze %dma_wait3A_446 : memref<1x!tpu.dma_semaphore, #tpu.memory_space<semaphore_mem>> -> memref<!tpu.dma_semaphore, #tpu.memory_space<semaphore_mem>>
          %dma_wait3A_448 = arith.constant 0 : i32
          %dma_wait3A_449 = tpu.memref_slice %arg17[%dma_wait3A_448] : memref<10240xf32, #tpu.memory_space<vmem_shared>> -> memref<64xf32, #tpu.memory_space<vmem_shared>>
          %dma_wait3A_450 = arith.constant 0 : i32
          %dma_wait3A_451 = tpu.memref_slice %arg14[%rem3A_255, %dma_wait3A_450] : memref<2x64xf32, #tpu.memory_space<vmem>> -> memref<1x64xf32, #tpu.memory_space<vmem>>
          %dma_wait3A_452 = tpu.memref_squeeze %dma_wait3A_451 : memref<1x64xf32, #tpu.memory_space<vmem>> -> memref<64xf32, #tpu.memory_space<vmem>>
          tpu.wait_dma2 semaphore(%dma_wait3A_447 : memref<!tpu.dma_semaphore, #tpu.memory_space<semaphore_mem>>) src(%dma_wait3A_452 : memref<64xf32, #tpu.memory_space<vmem>>) dst(%dma_wait3A_449 : memref<64xf32, #tpu.memory_space<vmem_shared>>)
        } else {
        }
        %scan3A_355 = arith.constant 0 : i32
        %scan3A_356 = arith.constant 0 : i32
        %scan3A_357 = arith.constant 64 : i32
        %scan3A_358 = arith.addi %scan3A_356, %scan3A_357 : i32
        %scan3A_359 = arith.constant 2 : i32
        scf.for %scan3A_441 = %scan3A_356 to %scan3A_358 step %scan3A_359  : i32 {
          %get3A_442 = arith.index_cast %rem3A_255 : i32 to index
          %get3A_443 = arith.index_cast %scan3A_441 : i32 to index
          %get3A_444 = arith.constant 0 : index
          %get3A_445 = tpu.vector_load %arg12[%get3A_442, %get3A_443, %get3A_444] {strides = array<i32>} : memref<2x64x128xf32, #tpu.memory_space<vmem>>, vector<16xf32>,
          %get3A_446 = arith.index_cast %rem3A_255 : i32 to index
          %get3A_447 = arith.index_cast %scan3A_441 : i32 to index
          %get3A_448 = arith.constant 16 : index
          %get3A_449 = tpu.vector_load %arg12[%get3A_446, %get3A_447, %get3A_448] {strides = array<i32>} : memref<2x64x128xf32, #tpu.memory_space<vmem>>, vector<16xf32>,
          %get3A_450 = arith.index_cast %rem3A_255 : i32 to index
          %get3A_451 = arith.index_cast %scan3A_441 : i32 to index
          %get3A_452 = arith.constant 32 : index
          %get3A_453 = tpu.vector_load %arg12[%get3A_450, %get3A_451, %get3A_452] {strides = array<i32>} : memref<2x64x128xf32, #tpu.memory_space<vmem>>, vector<16xf32>,
          %get3A_454 = arith.index_cast %rem3A_255 : i32 to index
          %get3A_455 = arith.index_cast %scan3A_441 : i32 to index
          %get3A_456 = arith.constant 48 : index
          %get3A_457 = tpu.vector_load %arg12[%get3A_454, %get3A_455, %get3A_456] {strides = array<i32>} : memref<2x64x128xf32, #tpu.memory_space<vmem>>, vector<16xf32>,
          %get3A_458 = arith.index_cast %rem3A_255 : i32 to index
          %get3A_459 = arith.index_cast %scan3A_441 : i32 to index
          %get3A_460 = arith.constant 64 : index
          %get3A_461 = tpu.vector_load %arg12[%get3A_458, %get3A_459, %get3A_460] {strides = array<i32>} : memref<2x64x128xf32, #tpu.memory_space<vmem>>, vector<16xf32>,
          %get3A_462 = arith.index_cast %rem3A_255 : i32 to index
          %get3A_463 = arith.index_cast %scan3A_441 : i32 to index
          %get3A_464 = arith.constant 80 : index
          %get3A_465 = tpu.vector_load %arg12[%get3A_462, %get3A_463, %get3A_464] {strides = array<i32>} : memref<2x64x128xf32, #tpu.memory_space<vmem>>, vector<16xf32>,
          %get3A_466 = arith.index_cast %rem3A_255 : i32 to index
          %get3A_467 = arith.index_cast %scan3A_441 : i32 to index
          %get3A_468 = arith.constant 96 : index
          %get3A_469 = tpu.vector_load %arg12[%get3A_466, %get3A_467, %get3A_468] {strides = array<i32>} : memref<2x64x128xf32, #tpu.memory_space<vmem>>, vector<16xf32>,
          %get3A_470 = arith.index_cast %rem3A_255 : i32 to index
          %get3A_471 = arith.index_cast %scan3A_441 : i32 to index
          %get3A_472 = arith.constant 112 : index
          %get3A_473 = tpu.vector_load %arg12[%get3A_470, %get3A_471, %get3A_472] {strides = array<i32>} : memref<2x64x128xf32, #tpu.memory_space<vmem>>, vector<16xf32>,
          %get3A_474 = arith.index_cast %rem3A_257 : i32 to index
          %get3A_475 = arith.index_cast %scan3A_441 : i32 to index
          %get3A_476 = arith.constant 0 : index
          %get3A_477 = tpu.vector_load %arg13[%get3A_474, %get3A_475, %get3A_476] {strides = array<i32>} : memref<3x64x128xf32, #tpu.memory_space<vmem>>, vector<16xf32>,
          %get3A_478 = arith.index_cast %rem3A_257 : i32 to index
          %get3A_479 = arith.index_cast %scan3A_441 : i32 to index
          %get3A_480 = arith.constant 16 : index
          %get3A_481 = tpu.vector_load %arg13[%get3A_478, %get3A_479, %get3A_480] {strides = array<i32>} : memref<3x64x128xf32, #tpu.memory_space<vmem>>, vector<16xf32>,
          %get3A_482 = arith.index_cast %rem3A_257 : i32 to index
          %get3A_483 = arith.index_cast %scan3A_441 : i32 to index
          %get3A_484 = arith.constant 32 : index
          %get3A_485 = tpu.vector_load %arg13[%get3A_482, %get3A_483, %get3A_484] {strides = array<i32>} : memref<3x64x128xf32, #tpu.memory_space<vmem>>, vector<16xf32>,
          %get3A_486 = arith.index_cast %rem3A_257 : i32 to index
          %get3A_487 = arith.index_cast %scan3A_441 : i32 to index
          %get3A_488 = arith.constant 48 : index
          %get3A_489 = tpu.vector_load %arg13[%get3A_486, %get3A_487, %get3A_488] {strides = array<i32>} : memref<3x64x128xf32, #tpu.memory_space<vmem>>, vector<16xf32>,
          %get3A_490 = arith.index_cast %rem3A_257 : i32 to index
          %get3A_491 = arith.index_cast %scan3A_441 : i32 to index
          %get3A_492 = arith.constant 64 : index
          %get3A_493 = tpu.vector_load %arg13[%get3A_490, %get3A_491, %get3A_492] {strides = array<i32>} : memref<3x64x128xf32, #tpu.memory_space<vmem>>, vector<16xf32>,
          %get3A_494 = arith.index_cast %rem3A_257 : i32 to index
          %get3A_495 = arith.index_cast %scan3A_441 : i32 to index
          %get3A_496 = arith.constant 80 : index
          %get3A_497 = tpu.vector_load %arg13[%get3A_494, %get3A_495, %get3A_496] {strides = array<i32>} : memref<3x64x128xf32, #tpu.memory_space<vmem>>, vector<16xf32>,
          %get3A_498 = arith.index_cast %rem3A_257 : i32 to index
          %get3A_499 = arith.index_cast %scan3A_441 : i32 to index
          %get3A_500 = arith.constant 96 : index
          %get3A_501 = tpu.vector_load %arg13[%get3A_498, %get3A_499, %get3A_500] {strides = array<i32>} : memref<3x64x128xf32, #tpu.memory_space<vmem>>, vector<16xf32>,
          %get3A_502 = arith.index_cast %rem3A_257 : i32 to index
          %get3A_503 = arith.index_cast %scan3A_441 : i32 to index
          %get3A_504 = arith.constant 112 : index
          %get3A_505 = tpu.vector_load %arg13[%get3A_502, %get3A_503, %get3A_504] {strides = array<i32>} : memref<3x64x128xf32, #tpu.memory_space<vmem>>, vector<16xf32>,
          %broadcast_in_dim3A_506 = arith.constant 0.000000e+00 : f32
          %broadcast_in_dim3A_507 = vector.broadcast %broadcast_in_dim3A_506 : f32 to vector<16xf32>
          %add3A_508 = arith.addf %get3A_445, %get3A_477 : vector<16xf32>
          %mul3A_509 = arith.constant 2.000000e-01 : f32
          %mul3A_510 = vector.broadcast %mul3A_509 : f32 to vector<16xf32>
          %mul3A_511 = arith.mulf %mul3A_510, %add3A_508 : vector<16xf32>
          %max3A = arith.maximumf %add3A_508, %mul3A_511 : vector<16xf32>
          %mul3A_512 = arith.mulf %get3A_9, %max3A : vector<16xf32>
          %add3A_513 = arith.addf %broadcast_in_dim3A_507, %mul3A_512 : vector<16xf32>
          %add3A_514 = arith.addf %get3A_449, %get3A_481 : vector<16xf32>
          %mul3A_515 = arith.constant 2.000000e-01 : f32
          %mul3A_516 = vector.broadcast %mul3A_515 : f32 to vector<16xf32>
          %mul3A_517 = arith.mulf %mul3A_516, %add3A_514 : vector<16xf32>
          %max3A_518 = arith.maximumf %add3A_514, %mul3A_517 : vector<16xf32>
          %mul3A_519 = arith.mulf %get3A_11, %max3A_518 : vector<16xf32>
          %add3A_520 = arith.addf %add3A_513, %mul3A_519 : vector<16xf32>
          %add3A_521 = arith.addf %get3A_453, %get3A_485 : vector<16xf32>
          %mul3A_522 = arith.constant 2.000000e-01 : f32
          %mul3A_523 = vector.broadcast %mul3A_522 : f32 to vector<16xf32>
          %mul3A_524 = arith.mulf %mul3A_523, %add3A_521 : vector<16xf32>
          %max3A_525 = arith.maximumf %add3A_521, %mul3A_524 : vector<16xf32>
          %mul3A_526 = arith.mulf %get3A_13, %max3A_525 : vector<16xf32>
          %add3A_527 = arith.addf %add3A_520, %mul3A_526 : vector<16xf32>
          %add3A_528 = arith.addf %get3A_457, %get3A_489 : vector<16xf32>
          %mul3A_529 = arith.constant 2.000000e-01 : f32
          %mul3A_530 = vector.broadcast %mul3A_529 : f32 to vector<16xf32>
          %mul3A_531 = arith.mulf %mul3A_530, %add3A_528 : vector<16xf32>
          %max3A_532 = arith.maximumf %add3A_528, %mul3A_531 : vector<16xf32>
          %mul3A_533 = arith.mulf %get3A_15, %max3A_532 : vector<16xf32>
          %add3A_534 = arith.addf %add3A_527, %mul3A_533 : vector<16xf32>
          %add3A_535 = arith.addf %get3A_461, %get3A_493 : vector<16xf32>
          %mul3A_536 = arith.constant 2.000000e-01 : f32
          %mul3A_537 = vector.broadcast %mul3A_536 : f32 to vector<16xf32>
          %mul3A_538 = arith.mulf %mul3A_537, %add3A_535 : vector<16xf32>
          %max3A_539 = arith.maximumf %add3A_535, %mul3A_538 : vector<16xf32>
          %mul3A_540 = arith.mulf %get3A_17, %max3A_539 : vector<16xf32>
          %add3A_541 = arith.addf %add3A_534, %mul3A_540 : vector<16xf32>
          %add3A_542 = arith.addf %get3A_465, %get3A_497 : vector<16xf32>
          %mul3A_543 = arith.constant 2.000000e-01 : f32
          %mul3A_544 = vector.broadcast %mul3A_543 : f32 to vector<16xf32>
          %mul3A_545 = arith.mulf %mul3A_544, %add3A_542 : vector<16xf32>
          %max3A_546 = arith.maximumf %add3A_542, %mul3A_545 : vector<16xf32>
          %mul3A_547 = arith.mulf %get3A_19, %max3A_546 : vector<16xf32>
          %add3A_548 = arith.addf %add3A_541, %mul3A_547 : vector<16xf32>
          %add3A_549 = arith.addf %get3A_469, %get3A_501 : vector<16xf32>
          %mul3A_550 = arith.constant 2.000000e-01 : f32
          %mul3A_551 = vector.broadcast %mul3A_550 : f32 to vector<16xf32>
          %mul3A_552 = arith.mulf %mul3A_551, %add3A_549 : vector<16xf32>
          %max3A_553 = arith.maximumf %add3A_549, %mul3A_552 : vector<16xf32>
          %mul3A_554 = arith.mulf %get3A_21, %max3A_553 : vector<16xf32>
          %add3A_555 = arith.addf %add3A_548, %mul3A_554 : vector<16xf32>
          %add3A_556 = arith.addf %get3A_473, %get3A_505 : vector<16xf32>
          %mul3A_557 = arith.constant 2.000000e-01 : f32
          %mul3A_558 = vector.broadcast %mul3A_557 : f32 to vector<16xf32>
          %mul3A_559 = arith.mulf %mul3A_558, %add3A_556 : vector<16xf32>
          %max3A_560 = arith.maximumf %add3A_556, %mul3A_559 : vector<16xf32>
          %mul3A_561 = arith.mulf %get3A_23, %max3A_560 : vector<16xf32>
          %add3A_562 = arith.addf %add3A_555, %mul3A_561 : vector<16xf32>
          %broadcast_in_dim3A_563 = arith.constant true
          %broadcast_in_dim3A_564 = vector.broadcast %broadcast_in_dim3A_563 : i1 to vector<16xi1>
          %masked_cumsum3A = tpu.scan <sum>, %add3A_562 masked %broadcast_in_dim3A_564 : vector<16xf32>, vector<16xi1> -> vector<16xf32>
          %lt3A_565 = arith.constant 0 : i32
          %lt3A_566 = vector.broadcast %lt3A_565 : i32 to vector<16xi32>
          %lt3A_567 = arith.cmpi slt, %broadcast_in_dim3A_26, %lt3A_566 : vector<16xi32>
          %add3A_568 = arith.constant 16 : i32
          %add3A_569 = vector.broadcast %add3A_568 : i32 to vector<16xi32>
          %add3A_570 = arith.addi %broadcast_in_dim3A_26, %add3A_569 : vector<16xi32>
          %select_n3A_571 = arith.select %lt3A_567, %add3A_570, %broadcast_in_dim3A_26 : vector<16xi1>, vector<16xi32>
          %broadcast_in_dim3A_572 = vector.shape_cast %select_n3A_571 : vector<16xi32> to vector<16x1xi32>
          %gather3A = vector.shape_cast %broadcast_in_dim3A_572 : vector<16x1xi32> to vector<16xi32>
          %gather3A_573 = tpu.dynamic_gather %masked_cumsum3A[%gather3A] in [0] : vector<16xf32>, vector<16xi32> -> vector<16xf32>
          %exp3A = math.exp %gather3A_573 : vector<16xf32>
          %broadcast_in_dim3A_574 = vector.broadcast %rem3A_255 : i32 to vector<16xi32>
          %broadcast_in_dim3A_575 = vector.broadcast %scan3A_441 : i32 to vector<16xi32>
          tpu.vector_store_idx %arg14[%broadcast_in_dim3A_574, %broadcast_in_dim3A_575], %exp3A masked %eq3A_25 : memref<2x64xf32, #tpu.memory_space<vmem>>[vector<16xi32>, vector<16xi32>], vector<16xf32>, vector<16xi1>
          %mul3A_576 = arith.mulf %get3A_445, %exp3A : vector<16xf32>
          %swap3A = arith.index_cast %rem3A_257 : i32 to index
          %swap3A_577 = arith.index_cast %scan3A_441 : i32 to index
          %swap3A_578 = arith.constant 0 : index
          %swap3A_579 = tpu.vector_load %arg13[%swap3A, %swap3A_577, %swap3A_578] {strides = array<i32>} : memref<3x64x128xf32, #tpu.memory_space<vmem>>, vector<16xf32>,
          tpu.vector_store %arg13[%swap3A, %swap3A_577, %swap3A_578], %mul3A_576 {strides = array<i32>} : memref<3x64x128xf32, #tpu.memory_space<vmem>>, vector<16xf32>,
          %mul3A_580 = arith.mulf %get3A_449, %exp3A : vector<16xf32>
          %swap3A_581 = arith.index_cast %rem3A_257 : i32 to index
          %swap3A_582 = arith.index_cast %scan3A_441 : i32 to index
          %swap3A_583 = arith.constant 16 : index
          %swap3A_584 = tpu.vector_load %arg13[%swap3A_581, %swap3A_582, %swap3A_583] {strides = array<i32>} : memref<3x64x128xf32, #tpu.memory_space<vmem>>, vector<16xf32>,
          tpu.vector_store %arg13[%swap3A_581, %swap3A_582, %swap3A_583], %mul3A_580 {strides = array<i32>} : memref<3x64x128xf32, #tpu.memory_space<vmem>>, vector<16xf32>,
          %mul3A_585 = arith.mulf %get3A_453, %exp3A : vector<16xf32>
          %swap3A_586 = arith.index_cast %rem3A_257 : i32 to index
          %swap3A_587 = arith.index_cast %scan3A_441 : i32 to index
          %swap3A_588 = arith.constant 32 : index
          %swap3A_589 = tpu.vector_load %arg13[%swap3A_586, %swap3A_587, %swap3A_588] {strides = array<i32>} : memref<3x64x128xf32, #tpu.memory_space<vmem>>, vector<16xf32>,
          tpu.vector_store %arg13[%swap3A_586, %swap3A_587, %swap3A_588], %mul3A_585 {strides = array<i32>} : memref<3x64x128xf32, #tpu.memory_space<vmem>>, vector<16xf32>,
          %mul3A_590 = arith.mulf %get3A_457, %exp3A : vector<16xf32>
          %swap3A_591 = arith.index_cast %rem3A_257 : i32 to index
          %swap3A_592 = arith.index_cast %scan3A_441 : i32 to index
          %swap3A_593 = arith.constant 48 : index
          %swap3A_594 = tpu.vector_load %arg13[%swap3A_591, %swap3A_592, %swap3A_593] {strides = array<i32>} : memref<3x64x128xf32, #tpu.memory_space<vmem>>, vector<16xf32>,
          tpu.vector_store %arg13[%swap3A_591, %swap3A_592, %swap3A_593], %mul3A_590 {strides = array<i32>} : memref<3x64x128xf32, #tpu.memory_space<vmem>>, vector<16xf32>,
          %mul3A_595 = arith.mulf %get3A_461, %exp3A : vector<16xf32>
          %swap3A_596 = arith.index_cast %rem3A_257 : i32 to index
          %swap3A_597 = arith.index_cast %scan3A_441 : i32 to index
          %swap3A_598 = arith.constant 64 : index
          %swap3A_599 = tpu.vector_load %arg13[%swap3A_596, %swap3A_597, %swap3A_598] {strides = array<i32>} : memref<3x64x128xf32, #tpu.memory_space<vmem>>, vector<16xf32>,
          tpu.vector_store %arg13[%swap3A_596, %swap3A_597, %swap3A_598], %mul3A_595 {strides = array<i32>} : memref<3x64x128xf32, #tpu.memory_space<vmem>>, vector<16xf32>,
          %mul3A_600 = arith.mulf %get3A_465, %exp3A : vector<16xf32>
          %swap3A_601 = arith.index_cast %rem3A_257 : i32 to index
          %swap3A_602 = arith.index_cast %scan3A_441 : i32 to index
          %swap3A_603 = arith.constant 80 : index
          %swap3A_604 = tpu.vector_load %arg13[%swap3A_601, %swap3A_602, %swap3A_603] {strides = array<i32>} : memref<3x64x128xf32, #tpu.memory_space<vmem>>, vector<16xf32>,
          tpu.vector_store %arg13[%swap3A_601, %swap3A_602, %swap3A_603], %mul3A_600 {strides = array<i32>} : memref<3x64x128xf32, #tpu.memory_space<vmem>>, vector<16xf32>,
          %mul3A_605 = arith.mulf %get3A_469, %exp3A : vector<16xf32>
          %swap3A_606 = arith.index_cast %rem3A_257 : i32 to index
          %swap3A_607 = arith.index_cast %scan3A_441 : i32 to index
          %swap3A_608 = arith.constant 96 : index
          %swap3A_609 = tpu.vector_load %arg13[%swap3A_606, %swap3A_607, %swap3A_608] {strides = array<i32>} : memref<3x64x128xf32, #tpu.memory_space<vmem>>, vector<16xf32>,
          tpu.vector_store %arg13[%swap3A_606, %swap3A_607, %swap3A_608], %mul3A_605 {strides = array<i32>} : memref<3x64x128xf32, #tpu.memory_space<vmem>>, vector<16xf32>,
          %mul3A_610 = arith.mulf %get3A_473, %exp3A : vector<16xf32>
          %swap3A_611 = arith.index_cast %rem3A_257 : i32 to index
          %swap3A_612 = arith.index_cast %scan3A_441 : i32 to index
          %swap3A_613 = arith.constant 112 : index
          %swap3A_614 = tpu.vector_load %arg13[%swap3A_611, %swap3A_612, %swap3A_613] {strides = array<i32>} : memref<3x64x128xf32, #tpu.memory_space<vmem>>, vector<16xf32>,
          tpu.vector_store %arg13[%swap3A_611, %swap3A_612, %swap3A_613], %mul3A_610 {strides = array<i32>} : memref<3x64x128xf32, #tpu.memory_space<vmem>>, vector<16xf32>,
          %scan3A_615 = arith.constant 1 : i32
          %scan3A_616 = arith.addi %scan3A_441, %scan3A_615 : i32
          %get3A_617 = arith.index_cast %rem3A_255 : i32 to index
          %get3A_618 = arith.index_cast %scan3A_616 : i32 to index
          %get3A_619 = arith.constant 0 : index
          %get3A_620 = tpu.vector_load %arg12[%get3A_617, %get3A_618, %get3A_619] {strides = array<i32>} : memref<2x64x128xf32, #tpu.memory_space<vmem>>, vector<16xf32>,
          %get3A_621 = arith.index_cast %rem3A_255 : i32 to index
          %get3A_622 = arith.index_cast %scan3A_616 : i32 to index
          %get3A_623 = arith.constant 16 : index
          %get3A_624 = tpu.vector_load %arg12[%get3A_621, %get3A_622, %get3A_623] {strides = array<i32>} : memref<2x64x128xf32, #tpu.memory_space<vmem>>, vector<16xf32>,
          %get3A_625 = arith.index_cast %rem3A_255 : i32 to index
          %get3A_626 = arith.index_cast %scan3A_616 : i32 to index
          %get3A_627 = arith.constant 32 : index
          %get3A_628 = tpu.vector_load %arg12[%get3A_625, %get3A_626, %get3A_627] {strides = array<i32>} : memref<2x64x128xf32, #tpu.memory_space<vmem>>, vector<16xf32>,
          %get3A_629 = arith.index_cast %rem3A_255 : i32 to index
          %get3A_630 = arith.index_cast %scan3A_616 : i32 to index
          %get3A_631 = arith.constant 48 : index
          %get3A_632 = tpu.vector_load %arg12[%get3A_629, %get3A_630, %get3A_631] {strides = array<i32>} : memref<2x64x128xf32, #tpu.memory_space<vmem>>, vector<16xf32>,
          %get3A_633 = arith.index_cast %rem3A_255 : i32 to index
          %get3A_634 = arith.index_cast %scan3A_616 : i32 to index
          %get3A_635 = arith.constant 64 : index
          %get3A_636 = tpu.vector_load %arg12[%get3A_633, %get3A_634, %get3A_635] {strides = array<i32>} : memref<2x64x128xf32, #tpu.memory_space<vmem>>, vector<16xf32>,
          %get3A_637 = arith.index_cast %rem3A_255 : i32 to index
          %get3A_638 = arith.index_cast %scan3A_616 : i32 to index
          %get3A_639 = arith.constant 80 : index
          %get3A_640 = tpu.vector_load %arg12[%get3A_637, %get3A_638, %get3A_639] {strides = array<i32>} : memref<2x64x128xf32, #tpu.memory_space<vmem>>, vector<16xf32>,
          %get3A_641 = arith.index_cast %rem3A_255 : i32 to index
          %get3A_642 = arith.index_cast %scan3A_616 : i32 to index
          %get3A_643 = arith.constant 96 : index
          %get3A_644 = tpu.vector_load %arg12[%get3A_641, %get3A_642, %get3A_643] {strides = array<i32>} : memref<2x64x128xf32, #tpu.memory_space<vmem>>, vector<16xf32>,
          %get3A_645 = arith.index_cast %rem3A_255 : i32 to index
          %get3A_646 = arith.index_cast %scan3A_616 : i32 to index
          %get3A_647 = arith.constant 112 : index
          %get3A_648 = tpu.vector_load %arg12[%get3A_645, %get3A_646, %get3A_647] {strides = array<i32>} : memref<2x64x128xf32, #tpu.memory_space<vmem>>, vector<16xf32>,
          %get3A_649 = arith.index_cast %rem3A_257 : i32 to index
          %get3A_650 = arith.index_cast %scan3A_616 : i32 to index
          %get3A_651 = arith.constant 0 : index
          %get3A_652 = tpu.vector_load %arg13[%get3A_649, %get3A_650, %get3A_651] {strides = array<i32>} : memref<3x64x128xf32, #tpu.memory_space<vmem>>, vector<16xf32>,
          %get3A_653 = arith.index_cast %rem3A_257 : i32 to index
          %get3A_654 = arith.index_cast %scan3A_616 : i32 to index
          %get3A_655 = arith.constant 16 : index
          %get3A_656 = tpu.vector_load %arg13[%get3A_653, %get3A_654, %get3A_655] {strides = array<i32>} : memref<3x64x128xf32, #tpu.memory_space<vmem>>, vector<16xf32>,
          %get3A_657 = arith.index_cast %rem3A_257 : i32 to index
          %get3A_658 = arith.index_cast %scan3A_616 : i32 to index
          %get3A_659 = arith.constant 32 : index
          %get3A_660 = tpu.vector_load %arg13[%get3A_657, %get3A_658, %get3A_659] {strides = array<i32>} : memref<3x64x128xf32, #tpu.memory_space<vmem>>, vector<16xf32>,
          %get3A_661 = arith.index_cast %rem3A_257 : i32 to index
          %get3A_662 = arith.index_cast %scan3A_616 : i32 to index
          %get3A_663 = arith.constant 48 : index
          %get3A_664 = tpu.vector_load %arg13[%get3A_661, %get3A_662, %get3A_663] {strides = array<i32>} : memref<3x64x128xf32, #tpu.memory_space<vmem>>, vector<16xf32>,
          %get3A_665 = arith.index_cast %rem3A_257 : i32 to index
          %get3A_666 = arith.index_cast %scan3A_616 : i32 to index
          %get3A_667 = arith.constant 64 : index
          %get3A_668 = tpu.vector_load %arg13[%get3A_665, %get3A_666, %get3A_667] {strides = array<i32>} : memref<3x64x128xf32, #tpu.memory_space<vmem>>, vector<16xf32>,
          %get3A_669 = arith.index_cast %rem3A_257 : i32 to index
          %get3A_670 = arith.index_cast %scan3A_616 : i32 to index
          %get3A_671 = arith.constant 80 : index
          %get3A_672 = tpu.vector_load %arg13[%get3A_669, %get3A_670, %get3A_671] {strides = array<i32>} : memref<3x64x128xf32, #tpu.memory_space<vmem>>, vector<16xf32>,
          %get3A_673 = arith.index_cast %rem3A_257 : i32 to index
          %get3A_674 = arith.index_cast %scan3A_616 : i32 to index
          %get3A_675 = arith.constant 96 : index
          %get3A_676 = tpu.vector_load %arg13[%get3A_673, %get3A_674, %get3A_675] {strides = array<i32>} : memref<3x64x128xf32, #tpu.memory_space<vmem>>, vector<16xf32>,
          %get3A_677 = arith.index_cast %rem3A_257 : i32 to index
          %get3A_678 = arith.index_cast %scan3A_616 : i32 to index
          %get3A_679 = arith.constant 112 : index
          %get3A_680 = tpu.vector_load %arg13[%get3A_677, %get3A_678, %get3A_679] {strides = array<i32>} : memref<3x64x128xf32, #tpu.memory_space<vmem>>, vector<16xf32>,
          %broadcast_in_dim3A_681 = arith.constant 0.000000e+00 : f32
          %broadcast_in_dim3A_682 = vector.broadcast %broadcast_in_dim3A_681 : f32 to vector<16xf32>
          %add3A_683 = arith.addf %get3A_620, %get3A_652 : vector<16xf32>
          %mul3A_684 = arith.constant 2.000000e-01 : f32
          %mul3A_685 = vector.broadcast %mul3A_684 : f32 to vector<16xf32>
          %mul3A_686 = arith.mulf %mul3A_685, %add3A_683 : vector<16xf32>
          %max3A_687 = arith.maximumf %add3A_683, %mul3A_686 : vector<16xf32>
          %mul3A_688 = arith.mulf %get3A_9, %max3A_687 : vector<16xf32>
          %add3A_689 = arith.addf %broadcast_in_dim3A_682, %mul3A_688 : vector<16xf32>
          %add3A_690 = arith.addf %get3A_624, %get3A_656 : vector<16xf32>
          %mul3A_691 = arith.constant 2.000000e-01 : f32
          %mul3A_692 = vector.broadcast %mul3A_691 : f32 to vector<16xf32>
          %mul3A_693 = arith.mulf %mul3A_692, %add3A_690 : vector<16xf32>
          %max3A_694 = arith.maximumf %add3A_690, %mul3A_693 : vector<16xf32>
          %mul3A_695 = arith.mulf %get3A_11, %max3A_694 : vector<16xf32>
          %add3A_696 = arith.addf %add3A_689, %mul3A_695 : vector<16xf32>
          %add3A_697 = arith.addf %get3A_628, %get3A_660 : vector<16xf32>
          %mul3A_698 = arith.constant 2.000000e-01 : f32
          %mul3A_699 = vector.broadcast %mul3A_698 : f32 to vector<16xf32>
          %mul3A_700 = arith.mulf %mul3A_699, %add3A_697 : vector<16xf32>
          %max3A_701 = arith.maximumf %add3A_697, %mul3A_700 : vector<16xf32>
          %mul3A_702 = arith.mulf %get3A_13, %max3A_701 : vector<16xf32>
          %add3A_703 = arith.addf %add3A_696, %mul3A_702 : vector<16xf32>
          %add3A_704 = arith.addf %get3A_632, %get3A_664 : vector<16xf32>
          %mul3A_705 = arith.constant 2.000000e-01 : f32
          %mul3A_706 = vector.broadcast %mul3A_705 : f32 to vector<16xf32>
          %mul3A_707 = arith.mulf %mul3A_706, %add3A_704 : vector<16xf32>
          %max3A_708 = arith.maximumf %add3A_704, %mul3A_707 : vector<16xf32>
          %mul3A_709 = arith.mulf %get3A_15, %max3A_708 : vector<16xf32>
          %add3A_710 = arith.addf %add3A_703, %mul3A_709 : vector<16xf32>
          %add3A_711 = arith.addf %get3A_636, %get3A_668 : vector<16xf32>
          %mul3A_712 = arith.constant 2.000000e-01 : f32
          %mul3A_713 = vector.broadcast %mul3A_712 : f32 to vector<16xf32>
          %mul3A_714 = arith.mulf %mul3A_713, %add3A_711 : vector<16xf32>
          %max3A_715 = arith.maximumf %add3A_711, %mul3A_714 : vector<16xf32>
          %mul3A_716 = arith.mulf %get3A_17, %max3A_715 : vector<16xf32>
          %add3A_717 = arith.addf %add3A_710, %mul3A_716 : vector<16xf32>
          %add3A_718 = arith.addf %get3A_640, %get3A_672 : vector<16xf32>
          %mul3A_719 = arith.constant 2.000000e-01 : f32
          %mul3A_720 = vector.broadcast %mul3A_719 : f32 to vector<16xf32>
          %mul3A_721 = arith.mulf %mul3A_720, %add3A_718 : vector<16xf32>
          %max3A_722 = arith.maximumf %add3A_718, %mul3A_721 : vector<16xf32>
          %mul3A_723 = arith.mulf %get3A_19, %max3A_722 : vector<16xf32>
          %add3A_724 = arith.addf %add3A_717, %mul3A_723 : vector<16xf32>
          %add3A_725 = arith.addf %get3A_644, %get3A_676 : vector<16xf32>
          %mul3A_726 = arith.constant 2.000000e-01 : f32
          %mul3A_727 = vector.broadcast %mul3A_726 : f32 to vector<16xf32>
          %mul3A_728 = arith.mulf %mul3A_727, %add3A_725 : vector<16xf32>
          %max3A_729 = arith.maximumf %add3A_725, %mul3A_728 : vector<16xf32>
          %mul3A_730 = arith.mulf %get3A_21, %max3A_729 : vector<16xf32>
          %add3A_731 = arith.addf %add3A_724, %mul3A_730 : vector<16xf32>
          %add3A_732 = arith.addf %get3A_648, %get3A_680 : vector<16xf32>
          %mul3A_733 = arith.constant 2.000000e-01 : f32
          %mul3A_734 = vector.broadcast %mul3A_733 : f32 to vector<16xf32>
          %mul3A_735 = arith.mulf %mul3A_734, %add3A_732 : vector<16xf32>
          %max3A_736 = arith.maximumf %add3A_732, %mul3A_735 : vector<16xf32>
          %mul3A_737 = arith.mulf %get3A_23, %max3A_736 : vector<16xf32>
          %add3A_738 = arith.addf %add3A_731, %mul3A_737 : vector<16xf32>
          %broadcast_in_dim3A_739 = arith.constant true
          %broadcast_in_dim3A_740 = vector.broadcast %broadcast_in_dim3A_739 : i1 to vector<16xi1>
          %masked_cumsum3A_741 = tpu.scan <sum>, %add3A_738 masked %broadcast_in_dim3A_740 : vector<16xf32>, vector<16xi1> -> vector<16xf32>
          %lt3A_742 = arith.constant 0 : i32
          %lt3A_743 = vector.broadcast %lt3A_742 : i32 to vector<16xi32>
          %lt3A_744 = arith.cmpi slt, %broadcast_in_dim3A_26, %lt3A_743 : vector<16xi32>
          %add3A_745 = arith.constant 16 : i32
          %add3A_746 = vector.broadcast %add3A_745 : i32 to vector<16xi32>
          %add3A_747 = arith.addi %broadcast_in_dim3A_26, %add3A_746 : vector<16xi32>
          %select_n3A_748 = arith.select %lt3A_744, %add3A_747, %broadcast_in_dim3A_26 : vector<16xi1>, vector<16xi32>
          %broadcast_in_dim3A_749 = vector.shape_cast %select_n3A_748 : vector<16xi32> to vector<16x1xi32>
          %gather3A_750 = vector.shape_cast %broadcast_in_dim3A_749 : vector<16x1xi32> to vector<16xi32>
          %gather3A_751 = tpu.dynamic_gather %masked_cumsum3A_741[%gather3A_750] in [0] : vector<16xf32>, vector<16xi32> -> vector<16xf32>
          %exp3A_752 = math.exp %gather3A_751 : vector<16xf32>
          %broadcast_in_dim3A_753 = vector.broadcast %rem3A_255 : i32 to vector<16xi32>
          %broadcast_in_dim3A_754 = vector.broadcast %scan3A_616 : i32 to vector<16xi32>
          tpu.vector_store_idx %arg14[%broadcast_in_dim3A_753, %broadcast_in_dim3A_754], %exp3A_752 masked %eq3A_25 : memref<2x64xf32, #tpu.memory_space<vmem>>[vector<16xi32>, vector<16xi32>], vector<16xf32>, vector<16xi1>
          %mul3A_755 = arith.mulf %get3A_620, %exp3A_752 : vector<16xf32>
          %swap3A_756 = arith.index_cast %rem3A_257 : i32 to index
          %swap3A_757 = arith.index_cast %scan3A_616 : i32 to index
          %swap3A_758 = arith.constant 0 : index
          %swap3A_759 = tpu.vector_load %arg13[%swap3A_756, %swap3A_757, %swap3A_758] {strides = array<i32>} : memref<3x64x128xf32, #tpu.memory_space<vmem>>, vector<16xf32>,
          tpu.vector_store %arg13[%swap3A_756, %swap3A_757, %swap3A_758], %mul3A_755 {strides = array<i32>} : memref<3x64x128xf32, #tpu.memory_space<vmem>>, vector<16xf32>,
          %mul3A_760 = arith.mulf %get3A_624, %exp3A_752 : vector<16xf32>
          %swap3A_761 = arith.index_cast %rem3A_257 : i32 to index
          %swap3A_762 = arith.index_cast %scan3A_616 : i32 to index
          %swap3A_763 = arith.constant 16 : index
          %swap3A_764 = tpu.vector_load %arg13[%swap3A_761, %swap3A_762, %swap3A_763] {strides = array<i32>} : memref<3x64x128xf32, #tpu.memory_space<vmem>>, vector<16xf32>,
          tpu.vector_store %arg13[%swap3A_761, %swap3A_762, %swap3A_763], %mul3A_760 {strides = array<i32>} : memref<3x64x128xf32, #tpu.memory_space<vmem>>, vector<16xf32>,
          %mul3A_765 = arith.mulf %get3A_628, %exp3A_752 : vector<16xf32>
          %swap3A_766 = arith.index_cast %rem3A_257 : i32 to index
          %swap3A_767 = arith.index_cast %scan3A_616 : i32 to index
          %swap3A_768 = arith.constant 32 : index
          %swap3A_769 = tpu.vector_load %arg13[%swap3A_766, %swap3A_767, %swap3A_768] {strides = array<i32>} : memref<3x64x128xf32, #tpu.memory_space<vmem>>, vector<16xf32>,
          tpu.vector_store %arg13[%swap3A_766, %swap3A_767, %swap3A_768], %mul3A_765 {strides = array<i32>} : memref<3x64x128xf32, #tpu.memory_space<vmem>>, vector<16xf32>,
          %mul3A_770 = arith.mulf %get3A_632, %exp3A_752 : vector<16xf32>
          %swap3A_771 = arith.index_cast %rem3A_257 : i32 to index
          %swap3A_772 = arith.index_cast %scan3A_616 : i32 to index
          %swap3A_773 = arith.constant 48 : index
          %swap3A_774 = tpu.vector_load %arg13[%swap3A_771, %swap3A_772, %swap3A_773] {strides = array<i32>} : memref<3x64x128xf32, #tpu.memory_space<vmem>>, vector<16xf32>,
          tpu.vector_store %arg13[%swap3A_771, %swap3A_772, %swap3A_773], %mul3A_770 {strides = array<i32>} : memref<3x64x128xf32, #tpu.memory_space<vmem>>, vector<16xf32>,
          %mul3A_775 = arith.mulf %get3A_636, %exp3A_752 : vector<16xf32>
          %swap3A_776 = arith.index_cast %rem3A_257 : i32 to index
          %swap3A_777 = arith.index_cast %scan3A_616 : i32 to index
          %swap3A_778 = arith.constant 64 : index
          %swap3A_779 = tpu.vector_load %arg13[%swap3A_776, %swap3A_777, %swap3A_778] {strides = array<i32>} : memref<3x64x128xf32, #tpu.memory_space<vmem>>, vector<16xf32>,
          tpu.vector_store %arg13[%swap3A_776, %swap3A_777, %swap3A_778], %mul3A_775 {strides = array<i32>} : memref<3x64x128xf32, #tpu.memory_space<vmem>>, vector<16xf32>,
          %mul3A_780 = arith.mulf %get3A_640, %exp3A_752 : vector<16xf32>
          %swap3A_781 = arith.index_cast %rem3A_257 : i32 to index
          %swap3A_782 = arith.index_cast %scan3A_616 : i32 to index
          %swap3A_783 = arith.constant 80 : index
          %swap3A_784 = tpu.vector_load %arg13[%swap3A_781, %swap3A_782, %swap3A_783] {strides = array<i32>} : memref<3x64x128xf32, #tpu.memory_space<vmem>>, vector<16xf32>,
          tpu.vector_store %arg13[%swap3A_781, %swap3A_782, %swap3A_783], %mul3A_780 {strides = array<i32>} : memref<3x64x128xf32, #tpu.memory_space<vmem>>, vector<16xf32>,
          %mul3A_785 = arith.mulf %get3A_644, %exp3A_752 : vector<16xf32>
          %swap3A_786 = arith.index_cast %rem3A_257 : i32 to index
          %swap3A_787 = arith.index_cast %scan3A_616 : i32 to index
          %swap3A_788 = arith.constant 96 : index
          %swap3A_789 = tpu.vector_load %arg13[%swap3A_786, %swap3A_787, %swap3A_788] {strides = array<i32>} : memref<3x64x128xf32, #tpu.memory_space<vmem>>, vector<16xf32>,
          tpu.vector_store %arg13[%swap3A_786, %swap3A_787, %swap3A_788], %mul3A_785 {strides = array<i32>} : memref<3x64x128xf32, #tpu.memory_space<vmem>>, vector<16xf32>,
          %mul3A_790 = arith.mulf %get3A_648, %exp3A_752 : vector<16xf32>
          %swap3A_791 = arith.index_cast %rem3A_257 : i32 to index
          %swap3A_792 = arith.index_cast %scan3A_616 : i32 to index
          %swap3A_793 = arith.constant 112 : index
          %swap3A_794 = tpu.vector_load %arg13[%swap3A_791, %swap3A_792, %swap3A_793] {strides = array<i32>} : memref<3x64x128xf32, #tpu.memory_space<vmem>>, vector<16xf32>,
          tpu.vector_store %arg13[%swap3A_791, %swap3A_792, %swap3A_793], %mul3A_790 {strides = array<i32>} : memref<3x64x128xf32, #tpu.memory_space<vmem>>, vector<16xf32>,
        }
        %scan3A_360 = arith.constant 64 : i32
        %jit3A_361 = arith.constant 16 : i32
        %div3A_362 = arith.divsi %scan3A_253, %jit3A_361 : i32
        %sign3A_363 = arith.constant 0 : i32
        %sign3A_364 = arith.cmpi sgt, %scan3A_253, %sign3A_363 : i32
        %sign3A_365 = arith.extui %sign3A_364 : i1 to i32
        %sign3A_366 = arith.constant 0 : i32
        %sign3A_367 = arith.cmpi slt, %scan3A_253, %sign3A_366 : i32
        %sign3A_368 = arith.extui %sign3A_367 : i1 to i32
        %sign3A_369 = arith.subi %sign3A_365, %sign3A_368 : i32
        %sign3A_370 = arith.constant 0 : i32
        %sign3A_371 = arith.cmpi sgt, %jit3A_361, %sign3A_370 : i32
        %sign3A_372 = arith.extui %sign3A_371 : i1 to i32
        %sign3A_373 = arith.constant 0 : i32
        %sign3A_374 = arith.cmpi slt, %jit3A_361, %sign3A_373 : i32
        %sign3A_375 = arith.extui %sign3A_374 : i1 to i32
        %sign3A_376 = arith.subi %sign3A_372, %sign3A_375 : i32
        %ne3A_377 = arith.cmpi ne, %sign3A_369, %sign3A_376 : i32
        %rem3A_378 = arith.remsi %scan3A_253, %jit3A_361 : i32
        %ne3A_379 = arith.constant 0 : i32
        %ne3A_380 = arith.cmpi ne, %rem3A_378, %ne3A_379 : i32
        %and3A_381 = arith.andi %ne3A_377, %ne3A_380 : i1
        %sub3A_382 = arith.constant 1 : i32
        %sub3A_383 = arith.subi %div3A_362, %sub3A_382 : i32
        %select_n3A_384 = arith.select %and3A_381, %sub3A_383, %div3A_362 : i32
        %rem3A_385 = arith.constant 2 : i32
        %rem3A_386 = arith.remsi %select_n3A_384, %rem3A_385 : i32
        %mul3A_387 = arith.constant 16 : i32
        %mul3A_388 = arith.muli %select_n3A_384, %mul3A_387 : i32
        %sub3A_389 = arith.subi %scan3A_253, %mul3A_388 : i32
        %dma_start3A_390 = arith.constant 0 : i32
        %dma_start3A_391 = arith.constant 0 : i32
        %dma_start3A_392 = tpu.memref_slice %arg13[%rem3A_257, %dma_start3A_390, %dma_start3A_391] : memref<3x64x128xf32, #tpu.memory_space<vmem>> -> memref<1x64x128xf32, #tpu.memory_space<vmem>>
        %dma_start3A_393 = tpu.memref_squeeze %dma_start3A_392 : memref<1x64x128xf32, #tpu.memory_space<vmem>> -> memref<64x128xf32, #tpu.memory_space<vmem>>
        %dma_start3A_394 = arith.constant 0 : i32
        %dma_start3A_395 = tpu.memref_slice %arg11[%rem3A_386, %sub3A_389, %dma_start3A_394] : memref<2x16x64xi32, #tpu.memory_space<vmem>> -> memref<1x1x64xi32, #tpu.memory_space<vmem>>
        %dma_start3A_396 = tpu.memref_squeeze %dma_start3A_395 : memref<1x1x64xi32, #tpu.memory_space<vmem>> -> memref<64xi32, #tpu.memory_space<vmem>>
        %dma_start3A_397 = arith.constant 0 : i32
        %dma_start3A_398 = arith.constant 0 : i32
        %dma_start3A_399 = tpu.memref_slice %arg16[%dma_start3A_397, %dma_start3A_398] : memref<10112x128xf32, #tpu.memory_space<vmem_shared>> -> memref<10112x128xf32, #tpu.memory_space<vmem_shared>>
        %dma_start3A_400 = tpu.memref_slice %arg20[%rem3A_257] : memref<3x!tpu.dma_semaphore, #tpu.memory_space<semaphore_mem>> -> memref<1x!tpu.dma_semaphore, #tpu.memory_space<semaphore_mem>>
        %dma_start3A_401 = tpu.memref_squeeze %dma_start3A_400 : memref<1x!tpu.dma_semaphore, #tpu.memory_space<semaphore_mem>> -> memref<!tpu.dma_semaphore, #tpu.memory_space<semaphore_mem>>
        tpu.enqueue_indirect_dma source(%dma_start3A_393 : memref<64x128xf32, #tpu.memory_space<vmem>>) target(%dma_start3A_399 : memref<10112x128xf32, #tpu.memory_space<vmem_shared>>) offsets(%dma_start3A_396 : memref<64xi32, #tpu.memory_space<vmem>>) semaphore(%dma_start3A_401 : memref<!tpu.dma_semaphore, #tpu.memory_space<semaphore_mem>>) {add = true}
        %jit3A_402 = arith.constant 16 : i32
        %div3A_403 = arith.divsi %scan3A_253, %jit3A_402 : i32
        %sign3A_404 = arith.constant 0 : i32
        %sign3A_405 = arith.cmpi sgt, %scan3A_253, %sign3A_404 : i32
        %sign3A_406 = arith.extui %sign3A_405 : i1 to i32
        %sign3A_407 = arith.constant 0 : i32
        %sign3A_408 = arith.cmpi slt, %scan3A_253, %sign3A_407 : i32
        %sign3A_409 = arith.extui %sign3A_408 : i1 to i32
        %sign3A_410 = arith.subi %sign3A_406, %sign3A_409 : i32
        %sign3A_411 = arith.constant 0 : i32
        %sign3A_412 = arith.cmpi sgt, %jit3A_402, %sign3A_411 : i32
        %sign3A_413 = arith.extui %sign3A_412 : i1 to i32
        %sign3A_414 = arith.constant 0 : i32
        %sign3A_415 = arith.cmpi slt, %jit3A_402, %sign3A_414 : i32
        %sign3A_416 = arith.extui %sign3A_415 : i1 to i32
        %sign3A_417 = arith.subi %sign3A_413, %sign3A_416 : i32
        %ne3A_418 = arith.cmpi ne, %sign3A_410, %sign3A_417 : i32
        %rem3A_419 = arith.remsi %scan3A_253, %jit3A_402 : i32
        %ne3A_420 = arith.constant 0 : i32
        %ne3A_421 = arith.cmpi ne, %rem3A_419, %ne3A_420 : i32
        %and3A_422 = arith.andi %ne3A_418, %ne3A_421 : i1
        %sub3A_423 = arith.constant 1 : i32
        %sub3A_424 = arith.subi %div3A_403, %sub3A_423 : i32
        %select_n3A_425 = arith.select %and3A_422, %sub3A_424, %div3A_403 : i32
        %rem3A_426 = arith.constant 2 : i32
        %rem3A_427 = arith.remsi %select_n3A_425, %rem3A_426 : i32
        %mul3A_428 = arith.constant 16 : i32
        %mul3A_429 = arith.muli %select_n3A_425, %mul3A_428 : i32
        %sub3A_430 = arith.subi %scan3A_253, %mul3A_429 : i32
        %dma_start3A_431 = arith.constant 0 : i32
        %dma_start3A_432 = tpu.memref_slice %arg14[%rem3A_255, %dma_start3A_431] : memref<2x64xf32, #tpu.memory_space<vmem>> -> memref<1x64xf32, #tpu.memory_space<vmem>>
        %dma_start3A_433 = tpu.memref_squeeze %dma_start3A_432 : memref<1x64xf32, #tpu.memory_space<vmem>> -> memref<64xf32, #tpu.memory_space<vmem>>
        %dma_start3A_434 = arith.constant 0 : i32
        %dma_start3A_435 = tpu.memref_slice %arg11[%rem3A_427, %sub3A_430, %dma_start3A_434] : memref<2x16x64xi32, #tpu.memory_space<vmem>> -> memref<1x1x64xi32, #tpu.memory_space<vmem>>
        %dma_start3A_436 = tpu.memref_squeeze %dma_start3A_435 : memref<1x1x64xi32, #tpu.memory_space<vmem>> -> memref<64xi32, #tpu.memory_space<vmem>>
        %dma_start3A_437 = arith.constant 0 : i32
        %dma_start3A_438 = tpu.memref_slice %arg17[%dma_start3A_437] : memref<10240xf32, #tpu.memory_space<vmem_shared>> -> memref<10240xf32, #tpu.memory_space<vmem_shared>>
        %dma_start3A_439 = tpu.memref_slice %arg21[%rem3A_255] : memref<2x!tpu.dma_semaphore, #tpu.memory_space<semaphore_mem>> -> memref<1x!tpu.dma_semaphore, #tpu.memory_space<semaphore_mem>>
        %dma_start3A_440 = tpu.memref_squeeze %dma_start3A_439 : memref<1x!tpu.dma_semaphore, #tpu.memory_space<semaphore_mem>> -> memref<!tpu.dma_semaphore, #tpu.memory_space<semaphore_mem>>
        tpu.enqueue_indirect_dma source(%dma_start3A_433 : memref<64xf32, #tpu.memory_space<vmem>>) target(%dma_start3A_438 : memref<10240xf32, #tpu.memory_space<vmem_shared>>) offsets(%dma_start3A_436 : memref<64xi32, #tpu.memory_space<vmem>>) semaphore(%dma_start3A_440 : memref<!tpu.dma_semaphore, #tpu.memory_space<semaphore_mem>>) {add = true}
      } else {
      }
      %add3A_303 = arith.constant 2 : i32
      %add3A_304 = arith.addi %scan3A_253, %add3A_303 : i32
      %lt3A_305 = arith.constant 160 : i32
      %lt3A_306 = arith.cmpi slt, %add3A_304, %lt3A_305 : i32
      %mul3A_307 = arith.constant 10240 : i32
      %mul3A_308 = arith.muli %add3A, %mul3A_307 : i32
      %mul3A_309 = arith.constant 64 : i32
      %mul3A_310 = arith.muli %add3A_304, %mul3A_309 : i32
      %add3A_311 = arith.addi %mul3A_308, %mul3A_310 : i32
      %lt3A_312 = arith.constant 320000 : i32
      %lt3A_313 = arith.cmpi slt, %add3A_311, %lt3A_312 : i32
      %and3A_314 = arith.andi %lt3A_306, %lt3A_313 : i1
      %convert_element_type3A_315 = arith.extui %and3A_314 : i1 to i32
      %cond3A_316 = arith.constant 0 : i32
      %cond3A_317 = arith.cmpi ne, %convert_element_type3A_315, %cond3A_316 : i32
      scf.if %cond3A_317 {
        %jit3A_318 = arith.constant 16 : i32
        %div3A_319 = arith.divsi %add3A_304, %jit3A_318 : i32
        %sign3A_320 = arith.constant 0 : i32
        %sign3A_321 = arith.cmpi sgt, %add3A_304, %sign3A_320 : i32
        %sign3A_322 = arith.extui %sign3A_321 : i1 to i32
        %sign3A_323 = arith.constant 0 : i32
        %sign3A_324 = arith.cmpi slt, %add3A_304, %sign3A_323 : i32
        %sign3A_325 = arith.extui %sign3A_324 : i1 to i32
        %sign3A_326 = arith.subi %sign3A_322, %sign3A_325 : i32
        %sign3A_327 = arith.constant 0 : i32
        %sign3A_328 = arith.cmpi sgt, %jit3A_318, %sign3A_327 : i32
        %sign3A_329 = arith.extui %sign3A_328 : i1 to i32
        %sign3A_330 = arith.constant 0 : i32
        %sign3A_331 = arith.cmpi slt, %jit3A_318, %sign3A_330 : i32
        %sign3A_332 = arith.extui %sign3A_331 : i1 to i32
        %sign3A_333 = arith.subi %sign3A_329, %sign3A_332 : i32
        %ne3A_334 = arith.cmpi ne, %sign3A_326, %sign3A_333 : i32
        %rem3A_335 = arith.remsi %add3A_304, %jit3A_318 : i32
        %ne3A_336 = arith.constant 0 : i32
        %ne3A_337 = arith.cmpi ne, %rem3A_335, %ne3A_336 : i32
        %and3A_338 = arith.andi %ne3A_334, %ne3A_337 : i1
        %sub3A_339 = arith.constant 1 : i32
        %sub3A_340 = arith.subi %div3A_319, %sub3A_339 : i32
        %select_n3A_341 = arith.select %and3A_338, %sub3A_340, %div3A_319 : i32
        %rem3A_342 = arith.constant 2 : i32
        %rem3A_343 = arith.remsi %select_n3A_341, %rem3A_342 : i32
        %mul3A_344 = arith.constant 16 : i32
        %mul3A_345 = arith.muli %select_n3A_341, %mul3A_344 : i32
        %sub3A_346 = arith.subi %add3A_304, %mul3A_345 : i32
        %rem3A_347 = arith.constant 2 : i32
        %rem3A_348 = arith.remsi %add3A_304, %rem3A_347 : i32
        %rem3A_349 = arith.constant 2 : i32
        %rem3A_350 = arith.remsi %add3A_304, %rem3A_349 : i32
        %dma_start3A_351 = arith.constant 0 : i32
        %dma_start3A_352 = arith.constant 0 : i32
        %dma_start3A_353 = tpu.memref_slice %arg12[%rem3A_348, %dma_start3A_351, %dma_start3A_352] : memref<2x64x128xf32, #tpu.memory_space<vmem>> -> memref<1x64x128xf32, #tpu.memory_space<vmem>>
        %dma_start3A_354 = tpu.memref_squeeze %dma_start3A_353 : memref<1x64x128xf32, #tpu.memory_space<vmem>> -> memref<64x128xf32, #tpu.memory_space<vmem>>
        %dma_start3A_355 = arith.constant 0 : i32
        %dma_start3A_356 = tpu.memref_slice %arg10[%rem3A_343, %sub3A_346, %dma_start3A_355] : memref<2x16x64xi32, #tpu.memory_space<vmem>> -> memref<1x1x64xi32, #tpu.memory_space<vmem>>
        %dma_start3A_357 = tpu.memref_squeeze %dma_start3A_356 : memref<1x1x64xi32, #tpu.memory_space<vmem>> -> memref<64xi32, #tpu.memory_space<vmem>>
        %dma_start3A_358 = arith.constant 0 : i32
        %dma_start3A_359 = arith.constant 0 : i32
        %dma_start3A_360 = tpu.memref_slice %arg2[%dma_start3A_358, %dma_start3A_359] : memref<10112x128xf32, #tpu.memory_space<hbm>> -> memref<10112x128xf32, #tpu.memory_space<hbm>>
        %dma_start3A_361 = tpu.memref_slice %arg18[%rem3A_350] : memref<2x!tpu.dma_semaphore, #tpu.memory_space<semaphore_mem>> -> memref<1x!tpu.dma_semaphore, #tpu.memory_space<semaphore_mem>>
        %dma_start3A_362 = tpu.memref_squeeze %dma_start3A_361 : memref<1x!tpu.dma_semaphore, #tpu.memory_space<semaphore_mem>> -> memref<!tpu.dma_semaphore, #tpu.memory_space<semaphore_mem>>
        tpu.enqueue_indirect_dma source(%dma_start3A_360 : memref<10112x128xf32, #tpu.memory_space<hbm>>) target(%dma_start3A_354 : memref<64x128xf32, #tpu.memory_space<vmem>>) offsets(%dma_start3A_357 : memref<64xi32, #tpu.memory_space<vmem>>) semaphore(%dma_start3A_362 : memref<!tpu.dma_semaphore, #tpu.memory_space<semaphore_mem>>)
        %ge3A_363 = arith.constant 1 : i32
        %ge3A_364 = arith.cmpi sge, %scan3A_253, %ge3A_363 : i32
        %convert_element_type3A_365 = arith.extui %ge3A_364 : i1 to i32
        %cond3A_366 = arith.constant 0 : i32
        %cond3A_367 = arith.cmpi ne, %convert_element_type3A_365, %cond3A_366 : i32
        scf.if %cond3A_367 {
          %rem3A_413 = arith.constant 3 : i32
          %rem3A_414 = arith.remsi %add3A_304, %rem3A_413 : i32
          %rem3A_415 = arith.constant 3 : i32
          %rem3A_416 = arith.remsi %add3A_304, %rem3A_415 : i32
          %dma_wait3A_417 = arith.constant 0 : i32
          %dma_wait3A_418 = arith.constant 0 : i32
          %dma_wait3A_419 = tpu.memref_slice %arg13[%rem3A_414, %dma_wait3A_417, %dma_wait3A_418] : memref<3x64x128xf32, #tpu.memory_space<vmem>> -> memref<1x64x128xf32, #tpu.memory_space<vmem>>
          %dma_wait3A_420 = tpu.memref_squeeze %dma_wait3A_419 : memref<1x64x128xf32, #tpu.memory_space<vmem>> -> memref<64x128xf32, #tpu.memory_space<vmem>>
          %dma_wait3A_421 = arith.constant 0 : i32
          %dma_wait3A_422 = arith.constant 0 : i32
          %dma_wait3A_423 = tpu.memref_slice %arg16[%dma_wait3A_421, %dma_wait3A_422] : memref<10112x128xf32, #tpu.memory_space<vmem_shared>> -> memref<64x128xf32, #tpu.memory_space<vmem_shared>>
          %dma_wait3A_424 = tpu.memref_slice %arg20[%rem3A_416] : memref<3x!tpu.dma_semaphore, #tpu.memory_space<semaphore_mem>> -> memref<1x!tpu.dma_semaphore, #tpu.memory_space<semaphore_mem>>
          %dma_wait3A_425 = tpu.memref_squeeze %dma_wait3A_424 : memref<1x!tpu.dma_semaphore, #tpu.memory_space<semaphore_mem>> -> memref<!tpu.dma_semaphore, #tpu.memory_space<semaphore_mem>>
          %dma_wait3A_426 = arith.constant 0 : i32
          %dma_wait3A_427 = arith.constant 0 : i32
          %dma_wait3A_428 = tpu.memref_slice %arg16[%dma_wait3A_426, %dma_wait3A_427] : memref<10112x128xf32, #tpu.memory_space<vmem_shared>> -> memref<64x128xf32, #tpu.memory_space<vmem_shared>>
          %dma_wait3A_429 = arith.constant 0 : i32
          %dma_wait3A_430 = arith.constant 0 : i32
          %dma_wait3A_431 = tpu.memref_slice %arg13[%rem3A_414, %dma_wait3A_429, %dma_wait3A_430] : memref<3x64x128xf32, #tpu.memory_space<vmem>> -> memref<1x64x128xf32, #tpu.memory_space<vmem>>
          %dma_wait3A_432 = tpu.memref_squeeze %dma_wait3A_431 : memref<1x64x128xf32, #tpu.memory_space<vmem>> -> memref<64x128xf32, #tpu.memory_space<vmem>>
          tpu.wait_dma2 semaphore(%dma_wait3A_425 : memref<!tpu.dma_semaphore, #tpu.memory_space<semaphore_mem>>) src(%dma_wait3A_432 : memref<64x128xf32, #tpu.memory_space<vmem>>) dst(%dma_wait3A_428 : memref<64x128xf32, #tpu.memory_space<vmem_shared>>)
        } else {
        }
        %jit3A_368 = arith.constant 16 : i32
        %div3A_369 = arith.divsi %add3A_304, %jit3A_368 : i32
        %sign3A_370 = arith.constant 0 : i32
        %sign3A_371 = arith.cmpi sgt, %add3A_304, %sign3A_370 : i32
        %sign3A_372 = arith.extui %sign3A_371 : i1 to i32
        %sign3A_373 = arith.constant 0 : i32
        %sign3A_374 = arith.cmpi slt, %add3A_304, %sign3A_373 : i32
        %sign3A_375 = arith.extui %sign3A_374 : i1 to i32
        %sign3A_376 = arith.subi %sign3A_372, %sign3A_375 : i32
        %sign3A_377 = arith.constant 0 : i32
        %sign3A_378 = arith.cmpi sgt, %jit3A_368, %sign3A_377 : i32
        %sign3A_379 = arith.extui %sign3A_378 : i1 to i32
        %sign3A_380 = arith.constant 0 : i32
        %sign3A_381 = arith.cmpi slt, %jit3A_368, %sign3A_380 : i32
        %sign3A_382 = arith.extui %sign3A_381 : i1 to i32
        %sign3A_383 = arith.subi %sign3A_379, %sign3A_382 : i32
        %ne3A_384 = arith.cmpi ne, %sign3A_376, %sign3A_383 : i32
        %rem3A_385 = arith.remsi %add3A_304, %jit3A_368 : i32
        %ne3A_386 = arith.constant 0 : i32
        %ne3A_387 = arith.cmpi ne, %rem3A_385, %ne3A_386 : i32
        %and3A_388 = arith.andi %ne3A_384, %ne3A_387 : i1
        %sub3A_389 = arith.constant 1 : i32
        %sub3A_390 = arith.subi %div3A_369, %sub3A_389 : i32
        %select_n3A_391 = arith.select %and3A_388, %sub3A_390, %div3A_369 : i32
        %rem3A_392 = arith.constant 2 : i32
        %rem3A_393 = arith.remsi %select_n3A_391, %rem3A_392 : i32
        %mul3A_394 = arith.constant 16 : i32
        %mul3A_395 = arith.muli %select_n3A_391, %mul3A_394 : i32
        %sub3A_396 = arith.subi %add3A_304, %mul3A_395 : i32
        %rem3A_397 = arith.constant 3 : i32
        %rem3A_398 = arith.remsi %add3A_304, %rem3A_397 : i32
        %rem3A_399 = arith.constant 3 : i32
        %rem3A_400 = arith.remsi %add3A_304, %rem3A_399 : i32
        %dma_start3A_401 = arith.constant 0 : i32
        %dma_start3A_402 = arith.constant 0 : i32
        %dma_start3A_403 = tpu.memref_slice %arg13[%rem3A_398, %dma_start3A_401, %dma_start3A_402] : memref<3x64x128xf32, #tpu.memory_space<vmem>> -> memref<1x64x128xf32, #tpu.memory_space<vmem>>
        %dma_start3A_404 = tpu.memref_squeeze %dma_start3A_403 : memref<1x64x128xf32, #tpu.memory_space<vmem>> -> memref<64x128xf32, #tpu.memory_space<vmem>>
        %dma_start3A_405 = arith.constant 0 : i32
        %dma_start3A_406 = tpu.memref_slice %arg11[%rem3A_393, %sub3A_396, %dma_start3A_405] : memref<2x16x64xi32, #tpu.memory_space<vmem>> -> memref<1x1x64xi32, #tpu.memory_space<vmem>>
        %dma_start3A_407 = tpu.memref_squeeze %dma_start3A_406 : memref<1x1x64xi32, #tpu.memory_space<vmem>> -> memref<64xi32, #tpu.memory_space<vmem>>
        %dma_start3A_408 = arith.constant 0 : i32
        %dma_start3A_409 = arith.constant 0 : i32
        %dma_start3A_410 = tpu.memref_slice %arg2[%dma_start3A_408, %dma_start3A_409] : memref<10112x128xf32, #tpu.memory_space<hbm>> -> memref<10112x128xf32, #tpu.memory_space<hbm>>
        %dma_start3A_411 = tpu.memref_slice %arg19[%rem3A_400] : memref<3x!tpu.dma_semaphore, #tpu.memory_space<semaphore_mem>> -> memref<1x!tpu.dma_semaphore, #tpu.memory_space<semaphore_mem>>
        %dma_start3A_412 = tpu.memref_squeeze %dma_start3A_411 : memref<1x!tpu.dma_semaphore, #tpu.memory_space<semaphore_mem>> -> memref<!tpu.dma_semaphore, #tpu.memory_space<semaphore_mem>>
        tpu.enqueue_indirect_dma source(%dma_start3A_410 : memref<10112x128xf32, #tpu.memory_space<hbm>>) target(%dma_start3A_404 : memref<64x128xf32, #tpu.memory_space<vmem>>) offsets(%dma_start3A_407 : memref<64xi32, #tpu.memory_space<vmem>>) semaphore(%dma_start3A_412 : memref<!tpu.dma_semaphore, #tpu.memory_space<semaphore_mem>>)
      } else {
      }
    }
    %scan3A_156 = arith.constant 160 : i32
    %dma_wait3A = arith.constant 1 : i32
    %dma_wait3A_157 = arith.constant 1 : i32
    %dma_wait3A_158 = arith.constant 0 : i32
    %dma_wait3A_159 = arith.constant 0 : i32
    %dma_wait3A_160 = tpu.memref_slice %arg13[%dma_wait3A, %dma_wait3A_158, %dma_wait3A_159] : memref<3x64x128xf32, #tpu.memory_space<vmem>> -> memref<1x64x128xf32, #tpu.memory_space<vmem>>
    %dma_wait3A_161 = tpu.memref_squeeze %dma_wait3A_160 : memref<1x64x128xf32, #tpu.memory_space<vmem>> -> memref<64x128xf32, #tpu.memory_space<vmem>>
    %dma_wait3A_162 = arith.constant 0 : i32
    %dma_wait3A_163 = arith.constant 0 : i32
    %dma_wait3A_164 = tpu.memref_slice %arg16[%dma_wait3A_162, %dma_wait3A_163] : memref<10112x128xf32, #tpu.memory_space<vmem_shared>> -> memref<64x128xf32, #tpu.memory_space<vmem_shared>>
    %dma_wait3A_165 = tpu.memref_slice %arg20[%dma_wait3A_157] : memref<3x!tpu.dma_semaphore, #tpu.memory_space<semaphore_mem>> -> memref<1x!tpu.dma_semaphore, #tpu.memory_space<semaphore_mem>>
    %dma_wait3A_166 = tpu.memref_squeeze %dma_wait3A_165 : memref<1x!tpu.dma_semaphore, #tpu.memory_space<semaphore_mem>> -> memref<!tpu.dma_semaphore, #tpu.memory_space<semaphore_mem>>
    %dma_wait3A_167 = arith.constant 0 : i32
    %dma_wait3A_168 = arith.constant 0 : i32
    %dma_wait3A_169 = tpu.memref_slice %arg16[%dma_wait3A_167, %dma_wait3A_168] : memref<10112x128xf32, #tpu.memory_space<vmem_shared>> -> memref<64x128xf32, #tpu.memory_space<vmem_shared>>
    %dma_wait3A_170 = arith.constant 0 : i32
    %dma_wait3A_171 = arith.constant 0 : i32
    %dma_wait3A_172 = tpu.memref_slice %arg13[%dma_wait3A, %dma_wait3A_170, %dma_wait3A_171] : memref<3x64x128xf32, #tpu.memory_space<vmem>> -> memref<1x64x128xf32, #tpu.memory_space<vmem>>
    %dma_wait3A_173 = tpu.memref_squeeze %dma_wait3A_172 : memref<1x64x128xf32, #tpu.memory_space<vmem>> -> memref<64x128xf32, #tpu.memory_space<vmem>>
    tpu.wait_dma2 semaphore(%dma_wait3A_166 : memref<!tpu.dma_semaphore, #tpu.memory_space<semaphore_mem>>) src(%dma_wait3A_173 : memref<64x128xf32, #tpu.memory_space<vmem>>) dst(%dma_wait3A_169 : memref<64x128xf32, #tpu.memory_space<vmem_shared>>)
    %dma_wait3A_174 = arith.constant 2 : i32
    %dma_wait3A_175 = arith.constant 2 : i32
    %dma_wait3A_176 = arith.constant 0 : i32
    %dma_wait3A_177 = arith.constant 0 : i32
    %dma_wait3A_178 = tpu.memref_slice %arg13[%dma_wait3A_174, %dma_wait3A_176, %dma_wait3A_177] : memref<3x64x128xf32, #tpu.memory_space<vmem>> -> memref<1x64x128xf32, #tpu.memory_space<vmem>>
    %dma_wait3A_179 = tpu.memref_squeeze %dma_wait3A_178 : memref<1x64x128xf32, #tpu.memory_space<vmem>> -> memref<64x128xf32, #tpu.memory_space<vmem>>
    %dma_wait3A_180 = arith.constant 0 : i32
    %dma_wait3A_181 = arith.constant 0 : i32
    %dma_wait3A_182 = tpu.memref_slice %arg16[%dma_wait3A_180, %dma_wait3A_181] : memref<10112x128xf32, #tpu.memory_space<vmem_shared>> -> memref<64x128xf32, #tpu.memory_space<vmem_shared>>
    %dma_wait3A_183 = tpu.memref_slice %arg20[%dma_wait3A_175] : memref<3x!tpu.dma_semaphore, #tpu.memory_space<semaphore_mem>> -> memref<1x!tpu.dma_semaphore, #tpu.memory_space<semaphore_mem>>
    %dma_wait3A_184 = tpu.memref_squeeze %dma_wait3A_183 : memref<1x!tpu.dma_semaphore, #tpu.memory_space<semaphore_mem>> -> memref<!tpu.dma_semaphore, #tpu.memory_space<semaphore_mem>>
    %dma_wait3A_185 = arith.constant 0 : i32
    %dma_wait3A_186 = arith.constant 0 : i32
    %dma_wait3A_187 = tpu.memref_slice %arg16[%dma_wait3A_185, %dma_wait3A_186] : memref<10112x128xf32, #tpu.memory_space<vmem_shared>> -> memref<64x128xf32, #tpu.memory_space<vmem_shared>>
    %dma_wait3A_188 = arith.constant 0 : i32
    %dma_wait3A_189 = arith.constant 0 : i32
    %dma_wait3A_190 = tpu.memref_slice %arg13[%dma_wait3A_174, %dma_wait3A_188, %dma_wait3A_189] : memref<3x64x128xf32, #tpu.memory_space<vmem>> -> memref<1x64x128xf32, #tpu.memory_space<vmem>>
    %dma_wait3A_191 = tpu.memref_squeeze %dma_wait3A_190 : memref<1x64x128xf32, #tpu.memory_space<vmem>> -> memref<64x128xf32, #tpu.memory_space<vmem>>
    tpu.wait_dma2 semaphore(%dma_wait3A_184 : memref<!tpu.dma_semaphore, #tpu.memory_space<semaphore_mem>>) src(%dma_wait3A_191 : memref<64x128xf32, #tpu.memory_space<vmem>>) dst(%dma_wait3A_187 : memref<64x128xf32, #tpu.memory_space<vmem_shared>>)
    %dma_wait3A_192 = arith.constant 0 : i32
    %dma_wait3A_193 = arith.constant 0 : i32
    %dma_wait3A_194 = arith.constant 0 : i32
    %dma_wait3A_195 = arith.constant 0 : i32
    %dma_wait3A_196 = tpu.memref_slice %arg13[%dma_wait3A_192, %dma_wait3A_194, %dma_wait3A_195] : memref<3x64x128xf32, #tpu.memory_space<vmem>> -> memref<1x64x128xf32, #tpu.memory_space<vmem>>
    %dma_wait3A_197 = tpu.memref_squeeze %dma_wait3A_196 : memref<1x64x128xf32, #tpu.memory_space<vmem>> -> memref<64x128xf32, #tpu.memory_space<vmem>>
    %dma_wait3A_198 = arith.constant 0 : i32
    %dma_wait3A_199 = arith.constant 0 : i32
    %dma_wait3A_200 = tpu.memref_slice %arg16[%dma_wait3A_198, %dma_wait3A_199] : memref<10112x128xf32, #tpu.memory_space<vmem_shared>> -> memref<64x128xf32, #tpu.memory_space<vmem_shared>>
    %dma_wait3A_201 = tpu.memref_slice %arg20[%dma_wait3A_193] : memref<3x!tpu.dma_semaphore, #tpu.memory_space<semaphore_mem>> -> memref<1x!tpu.dma_semaphore, #tpu.memory_space<semaphore_mem>>
    %dma_wait3A_202 = tpu.memref_squeeze %dma_wait3A_201 : memref<1x!tpu.dma_semaphore, #tpu.memory_space<semaphore_mem>> -> memref<!tpu.dma_semaphore, #tpu.memory_space<semaphore_mem>>
    %dma_wait3A_203 = arith.constant 0 : i32
    %dma_wait3A_204 = arith.constant 0 : i32
    %dma_wait3A_205 = tpu.memref_slice %arg16[%dma_wait3A_203, %dma_wait3A_204] : memref<10112x128xf32, #tpu.memory_space<vmem_shared>> -> memref<64x128xf32, #tpu.memory_space<vmem_shared>>
    %dma_wait3A_206 = arith.constant 0 : i32
    %dma_wait3A_207 = arith.constant 0 : i32
    %dma_wait3A_208 = tpu.memref_slice %arg13[%dma_wait3A_192, %dma_wait3A_206, %dma_wait3A_207] : memref<3x64x128xf32, #tpu.memory_space<vmem>> -> memref<1x64x128xf32, #tpu.memory_space<vmem>>
    %dma_wait3A_209 = tpu.memref_squeeze %dma_wait3A_208 : memref<1x64x128xf32, #tpu.memory_space<vmem>> -> memref<64x128xf32, #tpu.memory_space<vmem>>
    tpu.wait_dma2 semaphore(%dma_wait3A_202 : memref<!tpu.dma_semaphore, #tpu.memory_space<semaphore_mem>>) src(%dma_wait3A_209 : memref<64x128xf32, #tpu.memory_space<vmem>>) dst(%dma_wait3A_205 : memref<64x128xf32, #tpu.memory_space<vmem_shared>>)
    %dma_wait3A_210 = arith.constant 0 : i32
    %dma_wait3A_211 = arith.constant 0 : i32
    %dma_wait3A_212 = arith.constant 0 : i32
    %dma_wait3A_213 = tpu.memref_slice %arg14[%dma_wait3A_210, %dma_wait3A_212] : memref<2x64xf32, #tpu.memory_space<vmem>> -> memref<1x64xf32, #tpu.memory_space<vmem>>
    %dma_wait3A_214 = tpu.memref_squeeze %dma_wait3A_213 : memref<1x64xf32, #tpu.memory_space<vmem>> -> memref<64xf32, #tpu.memory_space<vmem>>
    %dma_wait3A_215 = arith.constant 0 : i32
    %dma_wait3A_216 = tpu.memref_slice %arg17[%dma_wait3A_215] : memref<10240xf32, #tpu.memory_space<vmem_shared>> -> memref<64xf32, #tpu.memory_space<vmem_shared>>
    %dma_wait3A_217 = tpu.memref_slice %arg21[%dma_wait3A_211] : memref<2x!tpu.dma_semaphore, #tpu.memory_space<semaphore_mem>> -> memref<1x!tpu.dma_semaphore, #tpu.memory_space<semaphore_mem>>
    %dma_wait3A_218 = tpu.memref_squeeze %dma_wait3A_217 : memref<1x!tpu.dma_semaphore, #tpu.memory_space<semaphore_mem>> -> memref<!tpu.dma_semaphore, #tpu.memory_space<semaphore_mem>>
    %dma_wait3A_219 = arith.constant 0 : i32
    %dma_wait3A_220 = tpu.memref_slice %arg17[%dma_wait3A_219] : memref<10240xf32, #tpu.memory_space<vmem_shared>> -> memref<64xf32, #tpu.memory_space<vmem_shared>>
    %dma_wait3A_221 = arith.constant 0 : i32
    %dma_wait3A_222 = tpu.memref_slice %arg14[%dma_wait3A_210, %dma_wait3A_221] : memref<2x64xf32, #tpu.memory_space<vmem>> -> memref<1x64xf32, #tpu.memory_space<vmem>>
    %dma_wait3A_223 = tpu.memref_squeeze %dma_wait3A_222 : memref<1x64xf32, #tpu.memory_space<vmem>> -> memref<64xf32, #tpu.memory_space<vmem>>
    tpu.wait_dma2 semaphore(%dma_wait3A_218 : memref<!tpu.dma_semaphore, #tpu.memory_space<semaphore_mem>>) src(%dma_wait3A_223 : memref<64xf32, #tpu.memory_space<vmem>>) dst(%dma_wait3A_220 : memref<64xf32, #tpu.memory_space<vmem_shared>>)
    %dma_wait3A_224 = arith.constant 1 : i32
    %dma_wait3A_225 = arith.constant 1 : i32
    %dma_wait3A_226 = arith.constant 0 : i32
    %dma_wait3A_227 = tpu.memref_slice %arg14[%dma_wait3A_224, %dma_wait3A_226] : memref<2x64xf32, #tpu.memory_space<vmem>> -> memref<1x64xf32, #tpu.memory_space<vmem>>
    %dma_wait3A_228 = tpu.memref_squeeze %dma_wait3A_227 : memref<1x64xf32, #tpu.memory_space<vmem>> -> memref<64xf32, #tpu.memory_space<vmem>>
    %dma_wait3A_229 = arith.constant 0 : i32
    %dma_wait3A_230 = tpu.memref_slice %arg17[%dma_wait3A_229] : memref<10240xf32, #tpu.memory_space<vmem_shared>> -> memref<64xf32, #tpu.memory_space<vmem_shared>>
    %dma_wait3A_231 = tpu.memref_slice %arg21[%dma_wait3A_225] : memref<2x!tpu.dma_semaphore, #tpu.memory_space<semaphore_mem>> -> memref<1x!tpu.dma_semaphore, #tpu.memory_space<semaphore_mem>>
    %dma_wait3A_232 = tpu.memref_squeeze %dma_wait3A_231 : memref<1x!tpu.dma_semaphore, #tpu.memory_space<semaphore_mem>> -> memref<!tpu.dma_semaphore, #tpu.memory_space<semaphore_mem>>
    %dma_wait3A_233 = arith.constant 0 : i32
    %dma_wait3A_234 = tpu.memref_slice %arg17[%dma_wait3A_233] : memref<10240xf32, #tpu.memory_space<vmem_shared>> -> memref<64xf32, #tpu.memory_space<vmem_shared>>
    %dma_wait3A_235 = arith.constant 0 : i32
    %dma_wait3A_236 = tpu.memref_slice %arg14[%dma_wait3A_224, %dma_wait3A_235] : memref<2x64xf32, #tpu.memory_space<vmem>> -> memref<1x64xf32, #tpu.memory_space<vmem>>
    %dma_wait3A_237 = tpu.memref_squeeze %dma_wait3A_236 : memref<1x64xf32, #tpu.memory_space<vmem>> -> memref<64xf32, #tpu.memory_space<vmem>>
    tpu.wait_dma2 semaphore(%dma_wait3A_232 : memref<!tpu.dma_semaphore, #tpu.memory_space<semaphore_mem>>) src(%dma_wait3A_237 : memref<64xf32, #tpu.memory_space<vmem>>) dst(%dma_wait3A_234 : memref<64xf32, #tpu.memory_space<vmem_shared>>)
    %barrier3A_238 = arith.constant 0 : index
    tpu.barrier barrier_id(%barrier3A_238)
    %mul3A_239 = arith.constant 632 : i32
    %mul3A_240 = arith.muli %arg1, %mul3A_239 : i32
    %mul3A_241 = arith.constant 10112 : i32
    %mul3A_242 = arith.muli %arg0, %mul3A_241 : i32
    %mul3A_243 = arith.constant 632 : i32
    %mul3A_244 = arith.muli %arg1, %mul3A_243 : i32
    %add3A_245 = arith.addi %mul3A_242, %mul3A_244 : i32
    "tpu.region"() ({
      %run_scoped3A_253 = tpu.sem_alloc : memref<!tpu.dma_semaphore, #tpu.memory_space<semaphore_mem>>
      %dma_start3A_254 = arith.constant 0 : i32
      %dma_start3A_255 = tpu.memref_slice %arg8[%add3A_245, %dma_start3A_254] : memref<20224x128xf32, #tpu.memory_space<hbm>> -> memref<632x128xf32, #tpu.memory_space<hbm>>
      %dma_start3A_256 = arith.constant 0 : i32
      %dma_start3A_257 = tpu.memref_slice %arg16[%mul3A_240, %dma_start3A_256] : memref<10112x128xf32, #tpu.memory_space<vmem_shared>> -> memref<632x128xf32, #tpu.memory_space<vmem_shared>>
      tpu.enqueue_dma source(%dma_start3A_257 : memref<632x128xf32, #tpu.memory_space<vmem_shared>>) target(%dma_start3A_255 : memref<632x128xf32, #tpu.memory_space<hbm>>) target_semaphore(%run_scoped3A_253 : memref<!tpu.dma_semaphore, #tpu.memory_space<semaphore_mem>>)
      %dma_wait3A_258 = arith.constant 0 : i32
      %dma_wait3A_259 = tpu.memref_slice %arg8[%add3A_245, %dma_wait3A_258] : memref<20224x128xf32, #tpu.memory_space<hbm>> -> memref<632x128xf32, #tpu.memory_space<hbm>>
      %dma_wait3A_260 = arith.constant 0 : i32
      %dma_wait3A_261 = tpu.memref_slice %arg16[%mul3A_240, %dma_wait3A_260] : memref<10112x128xf32, #tpu.memory_space<vmem_shared>> -> memref<632x128xf32, #tpu.memory_space<vmem_shared>>
      tpu.wait_dma2 semaphore(%run_scoped3A_253 : memref<!tpu.dma_semaphore, #tpu.memory_space<semaphore_mem>>) src(%dma_wait3A_261 : memref<632x128xf32, #tpu.memory_space<vmem_shared>>) dst(%dma_wait3A_259 : memref<632x128xf32, #tpu.memory_space<hbm>>)
      tpu.yield
    }) : () -> ()
    %mul3A_246 = arith.constant 640 : i32
    %mul3A_247 = arith.muli %arg1, %mul3A_246 : i32
    %mul3A_248 = arith.constant 10240 : i32
    %mul3A_249 = arith.muli %arg0, %mul3A_248 : i32
    %mul3A_250 = arith.constant 640 : i32
    %mul3A_251 = arith.muli %arg1, %mul3A_250 : i32
    %add3A_252 = arith.addi %mul3A_249, %mul3A_251 : i32
    "tpu.region"() ({
      %run_scoped3A_253 = tpu.sem_alloc : memref<!tpu.dma_semaphore, #tpu.memory_space<semaphore_mem>>
      %dma_start3A_254 = tpu.memref_slice %arg9[%add3A_252] : memref<20480xf32, #tpu.memory_space<hbm>> -> memref<640xf32, #tpu.memory_space<hbm>>
      %dma_start3A_255 = tpu.memref_slice %arg17[%mul3A_247] : memref<10240xf32, #tpu.memory_space<vmem_shared>> -> memref<640xf32, #tpu.memory_space<vmem_shared>>
      tpu.enqueue_dma source(%dma_start3A_255 : memref<640xf32, #tpu.memory_space<vmem_shared>>) target(%dma_start3A_254 : memref<640xf32, #tpu.memory_space<hbm>>) target_semaphore(%run_scoped3A_253 : memref<!tpu.dma_semaphore, #tpu.memory_space<semaphore_mem>>)
      %dma_wait3A_256 = tpu.memref_slice %arg9[%add3A_252] : memref<20480xf32, #tpu.memory_space<hbm>> -> memref<640xf32, #tpu.memory_space<hbm>>
      %dma_wait3A_257 = tpu.memref_slice %arg17[%mul3A_247] : memref<10240xf32, #tpu.memory_space<vmem_shared>> -> memref<640xf32, #tpu.memory_space<vmem_shared>>
      tpu.wait_dma2 semaphore(%run_scoped3A_253 : memref<!tpu.dma_semaphore, #tpu.memory_space<semaphore_mem>>) src(%dma_wait3A_257 : memref<640xf32, #tpu.memory_space<vmem_shared>>) dst(%dma_wait3A_256 : memref<640xf32, #tpu.memory_space<hbm>>)
      tpu.yield
    }) : () -> ()
    return
  }
}

module attributes {stable_mosaic.version = 14 : i64} {
  func.func @_mm_body(%arg0: i32, %arg1: memref<1264x128xf32, #tpu.memory_space<vmem>>, %arg2: memref<128x128xf32, #tpu.memory_space<vmem>>, %arg3: memref<1264x128xf32, #tpu.memory_space<vmem>>) attributes {dimension_semantics = [#tpu.dimension_semantics<arbitrary>], iteration_bounds = array<i64: 8>, scalar_prefetch = 0 : i64, scratch_operands = 0 : i64, tpu.core_type = #tpu.core_type<tc>, window_params = [{transform_indices = @transform_0, window_bounds = array<i64: 1264, 128>}, {pipeline_mode = #tpu.pipeline_mode<synchronous>, transform_indices = @transform_1, window_bounds = array<i64: 128, 128>}, {transform_indices = @transform_2, window_bounds = array<i64: 1264, 128>}]} {
    %get3A = arith.constant 0 : index
    %get3A_0 = arith.constant 0 : index
    %get3A_1 = vector.load %arg1[%get3A, %get3A_0] : memref<1264x128xf32, #tpu.memory_space<vmem>>, vector<1264x128xf32>
    %get3A_2 = arith.constant 0 : index
    %get3A_3 = arith.constant 0 : index
    %get3A_4 = vector.load %arg2[%get3A_2, %get3A_3] : memref<128x128xf32, #tpu.memory_space<vmem>>, vector<128x128xf32>
    %dot_general3A = arith.constant dense<0.000000e+00> : vector<1264x128xf32>
    %dot_general3A_5 = tpu.matmul %get3A_1, %get3A_4, %dot_general3A {dimension_numbers = #tpu.dot_dimension_numbers<[1], [0], [0], [1], [0, 0, 1, 1], [], []>, transpose_lhs_hint = false} : vector<1264x128xf32>, vector<128x128xf32>, vector<1264x128xf32> -> vector<1264x128xf32>
    %swap3A = arith.constant 0 : index
    %swap3A_6 = arith.constant 0 : index
    %swap3A_7 = vector.load %arg3[%swap3A, %swap3A_6] : memref<1264x128xf32, #tpu.memory_space<vmem>>, vector<1264x128xf32>
    tpu.vector_store %arg3[%swap3A, %swap3A_6], %dot_general3A_5 {strides = array<i32>} : memref<1264x128xf32, #tpu.memory_space<vmem>>, vector<1264x128xf32>,
    return
  }
  func.func @transform_0(%arg0: i32) -> (i32, i32) {
    %c0_i32 = arith.constant 0 : i32
    %c0_i32_0 = arith.constant 0 : i32
    return %arg0, %c0_i32 : i32, i32
  }
  func.func @transform_1(%arg0: i32) -> (i32, i32) {
    %c0_i32 = arith.constant 0 : i32
    %c0_i32_0 = arith.constant 0 : i32
    %c0_i32_1 = arith.constant 0 : i32
    return %c0_i32, %c0_i32_0 : i32, i32
  }
  func.func @transform_2(%arg0: i32) -> (i32, i32) {
    %c0_i32 = arith.constant 0 : i32
    %c0_i32_0 = arith.constant 0 : i32
    return %arg0, %c0_i32 : i32, i32
  }
}

module attributes {stable_mosaic.version = 14 : i64} {
  func.func @_combine_body(%arg0: i32, %arg1: memref<2x1264x128xf32, #tpu.memory_space<vmem>>, %arg2: memref<1264x2xf32, #tpu.memory_space<vmem>>, %arg3: memref<1264x128xf32, #tpu.memory_space<vmem>>, %arg4: memref<128x128xf32, #tpu.memory_space<vmem>>, %arg5: memref<1264x128xf32, #tpu.memory_space<vmem>>, %arg6: memref<1264x128xf32, #tpu.memory_space<vmem>>) attributes {dimension_semantics = [#tpu.dimension_semantics<arbitrary>], iteration_bounds = array<i64: 8>, scalar_prefetch = 0 : i64, scratch_operands = 0 : i64, tpu.core_type = #tpu.core_type<tc>, window_params = [{transform_indices = @transform_0, window_bounds = array<i64: 2, 1264, 128>}, {transform_indices = @transform_1, window_bounds = array<i64: 1264, 2>}, {transform_indices = @transform_2, window_bounds = array<i64: 1264, 128>}, {pipeline_mode = #tpu.pipeline_mode<synchronous>, transform_indices = @transform_3, window_bounds = array<i64: 128, 128>}, {transform_indices = @transform_4, window_bounds = array<i64: 1264, 128>}, {transform_indices = @transform_5, window_bounds = array<i64: 1264, 128>}]} {
    %get3A = arith.constant 0 : index
    %get3A_0 = arith.constant 0 : index
    %get3A_1 = arith.constant 0 : index
    %get3A_2 = vector.load %arg1[%get3A, %get3A_0, %get3A_1] : memref<2x1264x128xf32, #tpu.memory_space<vmem>>, vector<1x1264x128xf32>
    %get3A_3 = vector.shape_cast %get3A_2 : vector<1x1264x128xf32> to vector<1264x128xf32>
    %get3A_4 = arith.constant 1 : index
    %get3A_5 = arith.constant 0 : index
    %get3A_6 = arith.constant 0 : index
    %get3A_7 = vector.load %arg1[%get3A_4, %get3A_5, %get3A_6] : memref<2x1264x128xf32, #tpu.memory_space<vmem>>, vector<1x1264x128xf32>
    %get3A_8 = vector.shape_cast %get3A_7 : vector<1x1264x128xf32> to vector<1264x128xf32>
    %add3A = arith.addf %get3A_3, %get3A_8 : vector<1264x128xf32>
    %get3A_9 = arith.constant 0 : index
    %get3A_10 = arith.constant 0 : index
    %get3A_11 = vector.load %arg2[%get3A_9, %get3A_10] : memref<1264x2xf32, #tpu.memory_space<vmem>>, vector<1264x1xf32>
    %get3A_12 = arith.constant 0 : index
    %get3A_13 = arith.constant 1 : index
    %get3A_14 = vector.load %arg2[%get3A_12, %get3A_13] : memref<1264x2xf32, #tpu.memory_space<vmem>>, vector<1264x1xf32>
    %add3A_15 = arith.addf %get3A_11, %get3A_14 : vector<1264x1xf32>
    %eq3A = arith.constant 0.000000e+00 : f32
    %eq3A_16 = vector.broadcast %eq3A : f32 to vector<1264x1xf32>
    %eq3A_17 = arith.cmpf oeq, %add3A_15, %eq3A_16 : vector<1264x1xf32>
    %jit3A = arith.constant 1.000000e+00 : f32
    %broadcast_in_dim3A = vector.broadcast %jit3A : f32 to vector<1264x1xf32>
    %select_n3A = arith.select %eq3A_17, %broadcast_in_dim3A, %add3A_15 : vector<1264x1xi1>, vector<1264x1xf32>
    %div3A = vector.broadcast %select_n3A : vector<1264x1xf32> to vector<1264x128xf32>
    %div3A_18 = arith.divf %add3A, %div3A : vector<1264x128xf32>
    %get3A_19 = arith.constant 0 : index
    %get3A_20 = arith.constant 0 : index
    %get3A_21 = vector.load %arg3[%get3A_19, %get3A_20] : memref<1264x128xf32, #tpu.memory_space<vmem>>, vector<1264x128xf32>
    %add3A_22 = arith.addf %div3A_18, %get3A_21 : vector<1264x128xf32>
    %gt3A = arith.constant 0.000000e+00 : f32
    %gt3A_23 = vector.broadcast %gt3A : f32 to vector<1264x128xf32>
    %gt3A_24 = arith.cmpf ogt, %add3A_22, %gt3A_23 : vector<1264x128xf32>
    %exp3A = math.exp %add3A_22 : vector<1264x128xf32>
    %sub3A = arith.constant 1.000000e+00 : f32
    %sub3A_25 = vector.broadcast %sub3A : f32 to vector<1264x128xf32>
    %sub3A_26 = arith.subf %exp3A, %sub3A_25 : vector<1264x128xf32>
    %select_n3A_27 = arith.select %gt3A_24, %add3A_22, %sub3A_26 : vector<1264x128xi1>, vector<1264x128xf32>
    %swap3A = arith.constant 0 : index
    %swap3A_28 = arith.constant 0 : index
    %swap3A_29 = vector.load %arg5[%swap3A, %swap3A_28] : memref<1264x128xf32, #tpu.memory_space<vmem>>, vector<1264x128xf32>
    tpu.vector_store %arg5[%swap3A, %swap3A_28], %select_n3A_27 {strides = array<i32>} : memref<1264x128xf32, #tpu.memory_space<vmem>>, vector<1264x128xf32>,
    %get3A_30 = arith.constant 0 : index
    %get3A_31 = arith.constant 0 : index
    %get3A_32 = vector.load %arg4[%get3A_30, %get3A_31] : memref<128x128xf32, #tpu.memory_space<vmem>>, vector<128x128xf32>
    %dot_general3A = arith.constant dense<0.000000e+00> : vector<1264x128xf32>
    %dot_general3A_33 = tpu.matmul %select_n3A_27, %get3A_32, %dot_general3A {dimension_numbers = #tpu.dot_dimension_numbers<[1], [0], [0], [1], [0, 0, 1, 1], [], []>, transpose_lhs_hint = false} : vector<1264x128xf32>, vector<128x128xf32>, vector<1264x128xf32> -> vector<1264x128xf32>
    %swap3A_34 = arith.constant 0 : index
    %swap3A_35 = arith.constant 0 : index
    %swap3A_36 = vector.load %arg6[%swap3A_34, %swap3A_35] : memref<1264x128xf32, #tpu.memory_space<vmem>>, vector<1264x128xf32>
    tpu.vector_store %arg6[%swap3A_34, %swap3A_35], %dot_general3A_33 {strides = array<i32>} : memref<1264x128xf32, #tpu.memory_space<vmem>>, vector<1264x128xf32>,
    return
  }
  func.func @transform_0(%arg0: i32) -> (i32, i32, i32) {
    %c0_i32 = arith.constant 0 : i32
    %c0_i32_0 = arith.constant 0 : i32
    %c0_i32_1 = arith.constant 0 : i32
    return %c0_i32, %arg0, %c0_i32_0 : i32, i32, i32
  }
  func.func @transform_1(%arg0: i32) -> (i32, i32) {
    %c0_i32 = arith.constant 0 : i32
    %c0_i32_0 = arith.constant 0 : i32
    return %arg0, %c0_i32 : i32, i32
  }
  func.func @transform_2(%arg0: i32) -> (i32, i32) {
    %c0_i32 = arith.constant 0 : i32
    %c0_i32_0 = arith.constant 0 : i32
    return %arg0, %c0_i32 : i32, i32
  }
  func.func @transform_3(%arg0: i32) -> (i32, i32) {
    %c0_i32 = arith.constant 0 : i32
    %c0_i32_0 = arith.constant 0 : i32
    %c0_i32_1 = arith.constant 0 : i32
    return %c0_i32, %c0_i32_0 : i32, i32
  }
  func.func @transform_4(%arg0: i32) -> (i32, i32) {
    %c0_i32 = arith.constant 0 : i32
    %c0_i32_0 = arith.constant 0 : i32
    return %arg0, %c0_i32 : i32, i32
  }
  func.func @transform_5(%arg0: i32) -> (i32, i32) {
    %c0_i32 = arith.constant 0 : i32
    %c0_i32_0 = arith.constant 0 : i32
    return %arg0, %c0_i32 : i32, i32
  }
}

module attributes {stable_mosaic.version = 14 : i64} {
  func.func @_final_body(%arg0: i32, %arg1: memref<2x1264x128xf32, #tpu.memory_space<vmem>>, %arg2: memref<1264x2xf32, #tpu.memory_space<vmem>>, %arg3: memref<1264x128xf32, #tpu.memory_space<vmem>>, %arg4: memref<1x128xf32, #tpu.memory_space<vmem>>) attributes {dimension_semantics = [#tpu.dimension_semantics<arbitrary>], iteration_bounds = array<i64: 8>, scalar_prefetch = 0 : i64, scratch_operands = 0 : i64, tpu.core_type = #tpu.core_type<tc>, window_params = [{transform_indices = @transform_0, window_bounds = array<i64: 2, 1264, 128>}, {transform_indices = @transform_1, window_bounds = array<i64: 1264, 2>}, {transform_indices = @transform_2, window_bounds = array<i64: 1264, 128>}, {pipeline_mode = #tpu.pipeline_mode<synchronous>, transform_indices = @transform_3, window_bounds = array<i64: 1, 128>}]} {
    %get3A = arith.constant 0 : index
    %get3A_0 = arith.constant 0 : index
    %get3A_1 = arith.constant 0 : index
    %get3A_2 = vector.load %arg1[%get3A, %get3A_0, %get3A_1] : memref<2x1264x128xf32, #tpu.memory_space<vmem>>, vector<1x1264x128xf32>
    %get3A_3 = vector.shape_cast %get3A_2 : vector<1x1264x128xf32> to vector<1264x128xf32>
    %get3A_4 = arith.constant 1 : index
    %get3A_5 = arith.constant 0 : index
    %get3A_6 = arith.constant 0 : index
    %get3A_7 = vector.load %arg1[%get3A_4, %get3A_5, %get3A_6] : memref<2x1264x128xf32, #tpu.memory_space<vmem>>, vector<1x1264x128xf32>
    %get3A_8 = vector.shape_cast %get3A_7 : vector<1x1264x128xf32> to vector<1264x128xf32>
    %add3A = arith.addf %get3A_3, %get3A_8 : vector<1264x128xf32>
    %get3A_9 = arith.constant 0 : index
    %get3A_10 = arith.constant 0 : index
    %get3A_11 = vector.load %arg2[%get3A_9, %get3A_10] : memref<1264x2xf32, #tpu.memory_space<vmem>>, vector<1264x1xf32>
    %get3A_12 = arith.constant 0 : index
    %get3A_13 = arith.constant 1 : index
    %get3A_14 = vector.load %arg2[%get3A_12, %get3A_13] : memref<1264x2xf32, #tpu.memory_space<vmem>>, vector<1264x1xf32>
    %add3A_15 = arith.addf %get3A_11, %get3A_14 : vector<1264x1xf32>
    %eq3A = arith.constant 0.000000e+00 : f32
    %eq3A_16 = vector.broadcast %eq3A : f32 to vector<1264x1xf32>
    %eq3A_17 = arith.cmpf oeq, %add3A_15, %eq3A_16 : vector<1264x1xf32>
    %jit3A = arith.constant 1.000000e+00 : f32
    %broadcast_in_dim3A = vector.broadcast %jit3A : f32 to vector<1264x1xf32>
    %select_n3A = arith.select %eq3A_17, %broadcast_in_dim3A, %add3A_15 : vector<1264x1xi1>, vector<1264x1xf32>
    %div3A = vector.broadcast %select_n3A : vector<1264x1xf32> to vector<1264x128xf32>
    %div3A_18 = arith.divf %add3A, %div3A : vector<1264x128xf32>
    %get3A_19 = arith.constant 0 : index
    %get3A_20 = arith.constant 0 : index
    %get3A_21 = vector.load %arg3[%get3A_19, %get3A_20] : memref<1264x128xf32, #tpu.memory_space<vmem>>, vector<1264x128xf32>
    %add3A_22 = arith.addf %div3A_18, %get3A_21 : vector<1264x128xf32>
    %gt3A = arith.constant 0.000000e+00 : f32
    %gt3A_23 = vector.broadcast %gt3A : f32 to vector<1264x128xf32>
    %gt3A_24 = arith.cmpf ogt, %add3A_22, %gt3A_23 : vector<1264x128xf32>
    %exp3A = math.exp %add3A_22 : vector<1264x128xf32>
    %sub3A = arith.constant 1.000000e+00 : f32
    %sub3A_25 = vector.broadcast %sub3A : f32 to vector<1264x128xf32>
    %sub3A_26 = arith.subf %exp3A, %sub3A_25 : vector<1264x128xf32>
    %select_n3A_27 = arith.select %gt3A_24, %add3A_22, %sub3A_26 : vector<1264x128xi1>, vector<1264x128xf32>
    %reduce_sum3A = arith.constant dense<0.000000e+00> : vector<128xf32>
    %reduce_sum3A_28 = vector.multi_reduction <add>, %select_n3A_27, %reduce_sum3A [0] : vector<1264x128xf32> to vector<128xf32>
    %broadcast_in_dim3A_29 = vector.shape_cast %reduce_sum3A_28 : vector<128xf32> to vector<1x128xf32>
    %mul3A = arith.constant 9.99999974E-5 : f32
    %mul3A_30 = vector.broadcast %mul3A : f32 to vector<1x128xf32>
    %mul3A_31 = arith.mulf %broadcast_in_dim3A_29, %mul3A_30 : vector<1x128xf32>
    %eq3A_32 = arith.constant 0 : i32
    %eq3A_33 = arith.cmpi eq, %arg0, %eq3A_32 : i32
    %convert_element_type3A = arith.extui %eq3A_33 : i1 to i32
    %cond3A = arith.constant 0 : i32
    %cond3A_34 = arith.cmpi ne, %convert_element_type3A, %cond3A : i32
    scf.if %cond3A_34 {
      %broadcast_in_dim3A_41 = arith.constant 0.000000e+00 : f32
      %broadcast_in_dim3A_42 = vector.broadcast %broadcast_in_dim3A_41 : f32 to vector<1x128xf32>
      %swap3A_43 = arith.constant 0 : index
      %swap3A_44 = arith.constant 0 : index
      %swap3A_45 = vector.load %arg4[%swap3A_43, %swap3A_44] : memref<1x128xf32, #tpu.memory_space<vmem>>, vector<1x128xf32>
      tpu.vector_store %arg4[%swap3A_43, %swap3A_44], %broadcast_in_dim3A_42 {strides = array<i32>} : memref<1x128xf32, #tpu.memory_space<vmem>>, vector<1x128xf32>,
    } else {
    }
    %get3A_35 = arith.constant 0 : index
    %get3A_36 = arith.constant 0 : index
    %get3A_37 = vector.load %arg4[%get3A_35, %get3A_36] : memref<1x128xf32, #tpu.memory_space<vmem>>, vector<1x128xf32>
    %add3A_38 = arith.addf %get3A_37, %mul3A_31 : vector<1x128xf32>
    %swap3A = arith.constant 0 : index
    %swap3A_39 = arith.constant 0 : index
    %swap3A_40 = vector.load %arg4[%swap3A, %swap3A_39] : memref<1x128xf32, #tpu.memory_space<vmem>>, vector<1x128xf32>
    tpu.vector_store %arg4[%swap3A, %swap3A_39], %add3A_38 {strides = array<i32>} : memref<1x128xf32, #tpu.memory_space<vmem>>, vector<1x128xf32>,
    return
  }
  func.func @transform_0(%arg0: i32) -> (i32, i32, i32) {
    %c0_i32 = arith.constant 0 : i32
    %c0_i32_0 = arith.constant 0 : i32
    %c0_i32_1 = arith.constant 0 : i32
    return %c0_i32, %arg0, %c0_i32_0 : i32, i32, i32
  }
  func.func @transform_1(%arg0: i32) -> (i32, i32) {
    %c0_i32 = arith.constant 0 : i32
    %c0_i32_0 = arith.constant 0 : i32
    return %arg0, %c0_i32 : i32, i32
  }
  func.func @transform_2(%arg0: i32) -> (i32, i32) {
    %c0_i32 = arith.constant 0 : i32
    %c0_i32_0 = arith.constant 0 : i32
    return %arg0, %c0_i32 : i32, i32
  }
  func.func @transform_3(%arg0: i32) -> (i32, i32) {
    %c0_i32 = arith.constant 0 : i32
    %c0_i32_0 = arith.constant 0 : i32
    %c0_i32_1 = arith.constant 0 : i32
    return %c0_i32, %c0_i32_0 : i32, i32
  }
}

</mosaic_0001>

<sc_bundles>
// kernel: kernel.12.cloned.1.call-start
scs
__scs_entry_jumppad:
0x0: {  	(pc) =	sbr.rel $0x88, $3  }
0x1: {  	(tag) =	ssettag $0x0;
	lr =	simm.s32 $0x1  }
0x2: {  	[smem:$0x3F99] =	sst lr;
	_ =	strace $0xD0000000  }
0x3: {  	_ = 	snop  }
0x4: {  	_ = 	snop  }
0x5: {  	_ = 	snop  }
0x6: {  	_ = 	snop  }
0x7: {  	_ = 	snop  }
__scs_overlays_trampoline_lowered:
0x8: {  	[smem:$0x3FA8] =	sst s0  }
0x9: {  	[smem:$0x3FA9] =	sst s1  }
0xa: {  	[smem:$0x3FAA] =	sst s2  }
0xb: {  	[smem:$0x3FAB] =	sst s3  }
0xc: {  	[smem:$0x3FAC] =	sst s4  }
0xd: {  	[smem:$0x3FAD] =	sst s5  }
0xe: {  	[smem:$0x3FAE] =	sst s6  }
0xf: {  	[smem:$0x3FAF] =	sst s7  }
0x10: {  	[smem:$0x3FB0] =	sst s8  }
0x11: {  	[smem:$0x3FB1] =	sst s9;
	s0 =	simm.s32 @!p0 $0x0  }
0x12: {  	s1 =	sld [smem:$0x3F97];
	s0 =	simm.s32 @p0 $0x1  }
0x13: {  	[smem:$0x3FB2] =	sst s0;
	s0 =	simm.s32 @!p1 $0x0  }
0x14: {  	s2 =	sld [smem:$0x3F96];
	s0 =	simm.s32 @p1 $0x1  }
0x15: {  	[smem:$0x3FB3] =	sst s0;
	s0 =	simm.s32 @!p2 $0x0  }
0x16: {  	s3 =	sld [smem:$0x3FDB];
	s0 =	simm.s32 @p2 $0x1  }
0x17: {  	s4 =	simm.s32 $0x1BF5;
	[smem:$0x3FB5] =	sst s0  }
0x18: {  	s0 =	sld [smem:$0x3F98];
	_ =	swait.ge [sflag:s4], $0x0  }
0x19: {  	s7 =	sld [smem:$0x3F99]  }
0x1a: {  	s8 =	sadd.s32 $0xFFFFE003, lr  }
0x1b: {  	s9 =	sadd.s32 $0xFFFFFEF7, lr;
	s5 =	simm.s32 $0xFFFFFFFF;
	p2 =	slt.u32 s8, $0xFFFFF086  }
0x1c: {  	p1 =	slt.u32 s9, $0xF7A;
	s5 =	simm.s32 @!p2 $0x0  }
0x1d: {  	s5 =	simm.s32 @p1 $0x1;
	p0 =	seq.s32 s7, s2  }
0x1e: {  	s7 =	smul.u32 @!p0 $0xF7A, s2;
	p2 =	seq.s32 @!p0 s5, $0x0  }
0x1f: {  	s9 =	smul.u32 $0xF7A, s1;
	s8 =	simm.s32 @!p0 $0x1BF5;
	p2 =	por !p2, p0  }
0x20: {  	[sflag:s8] =	ssyncset.s32 @!p0 $0xFFFFF086;
	s6 =	sadd.s32 @!p0 s3, s7;
	s7 =	simm.s32 @!p0 $0x108  }
0x21: {  	s3 =	sadd.s32 s3, s9;
	s6 =	sadd.s32 @!p0 $0x88, s6;
	s7 =	simm.s32 @p2 $0x1082  }
0x22: {  	[simem:s7], [sflag:s8] =	dma.local @!p0 [hbm:s6], $0xF7A  }
0x23: {  	s9 =	sor.u32 $0xD0000000, s2;
	s6 =	simm.s32 $0x108;
	_ =	swait.ge @!p0 [sflag:s8], $0x0  }
0x24: {  	s3 =	sadd.s32 $0x88, s3;
	s6 =	simm.s32 @!p1 $0x1082;
	[sflag:s4] =	ssyncset.s32 $0xFFFFF086  }
0x25: {  	[simem:s6], [sflag:s4] =	dma.local [hbm:s3], $0xF7A  }
0x26: {  	[smem:$0x3F99] =	sst s1;
	(tag) =	ssettag s2;
	_ =	strace s9  }
0x27: {  	s1 =	sld [smem:$0x3FA9]  }
0x28: {  	s2 =	sld [smem:$0x3FAA]  }
0x29: {  	s4 =	sld [smem:$0x3FAC]  }
0x2a: {  	p0 =	seq.s32 s5, $0x0;
	s5 =	sld [smem:$0x3FAD]  }
0x2b: {  	s6 =	sld [smem:$0x3FAE]  }
0x2c: {  	s7 =	sld [smem:$0x3FAF]  }
0x2d: {  	s3 =	simm.s32 $0x108;
	s8 =	sld [smem:$0x3FB0]  }
0x2e: {  	s3 =	simm.s32 @!p0 $0x1082;
	s9 =	sld [smem:$0x3FB1]  }
0x2f: {  	lr =	sadd.s32 s0, s3;
	s0 =	sld [smem:$0x3FA8]  }
0x30: {  	s3 =	sld [smem:$0x3FAB]  }
0x31: {  	[smem:$0x3FB4] =	sst s10  }
0x32: {  	s10 =	sld [smem:$0x3FB2];
	_ =	sdelay $0x3  }
0x33: {  	p0 =	seq.s32 s10, $0x1;
	s10 =	sld [smem:$0x3FB4];
	_ =	sdelay $0x3  }
0x34: {  	[smem:$0x3FB4] =	sst s10  }
0x35: {  	s10 =	sld [smem:$0x3FB3];
	_ =	sdelay $0x3  }
0x36: {  	p1 =	seq.s32 s10, $0x1;
	s10 =	sld [smem:$0x3FB4];
	_ =	sdelay $0x3  }
0x37: {  	[smem:$0x3FB4] =	sst s10  }
0x38: {  	s10 =	sld [smem:$0x3FB5]  }
0x39: {  	_ = 	snop;
	(pc) =	sbr.ind lr, $3  }
0x3a: {  	_ = 	snop  }
0x3b: {  	_ = 	snop  }
0x3c: {  	p2 =	seq.s32 s10, $0x1;
	s10 =	sld [smem:$0x3FB4]  }
0x3d: {  	_ =	shalt  }
0x3e: {  	_ =	shalt  }
0x3f: {  	_ =	shalt  }
0x40: {  	_ =	shalt  }
0x41: {  	_ =	shalt  }
0x42: {  	_ =	shalt  }
0x43: {  	_ =	shalt  }
0x44: {  	_ =	shalt  }
0x45: {  	_ =	shalt  }
0x46: {  	_ =	shalt  }
0x47: {  	_ =	shalt  }
0x48: {  	_ =	shalt  }
0x49: {  	_ =	shalt  }
0x4a: {  	_ =	shalt  }
0x4b: {  	_ =	shalt  }
0x4c: {  	_ =	shalt  }
0x4d: {  	_ =	shalt  }
0x4e: {  	_ =	shalt  }
0x4f: {  	_ =	shalt  }
0x50: {  	_ =	shalt  }
0x51: {  	_ =	shalt  }
0x52: {  	_ =	shalt  }
0x53: {  	_ =	shalt  }
0x54: {  	_ =	shalt  }
0x55: {  	_ =	shalt  }
0x56: {  	_ =	shalt  }
0x57: {  	_ =	shalt  }
0x58: {  	_ =	shalt  }
0x59: {  	_ =	shalt  }
0x5a: {  	_ =	shalt  }
0x5b: {  	_ =	shalt  }
0x5c: {  	_ =	shalt  }
0x5d: {  	_ =	shalt  }
0x5e: {  	_ =	shalt  }
0x5f: {  	_ =	shalt  }
0x60: {  	_ =	shalt  }
0x61: {  	_ =	shalt  }
0x62: {  	_ =	shalt  }
0x63: {  	_ =	shalt  }
0x64: {  	_ =	shalt  }
0x65: {  	_ =	shalt  }
0x66: {  	_ =	shalt  }
0x67: {  	_ =	shalt  }
0x68: {  	_ =	shalt  }
0x69: {  	_ =	shalt  }
0x6a: {  	_ =	shalt  }
0x6b: {  	_ =	shalt  }
0x6c: {  	_ =	shalt  }
0x6d: {  	_ =	shalt  }
0x6e: {  	_ =	shalt  }
0x6f: {  	_ =	shalt  }
0x70: {  	_ =	shalt  }
0x71: {  	_ =	shalt  }
0x72: {  	_ =	shalt  }
0x73: {  	_ =	shalt  }
0x74: {  	_ =	shalt  }
0x75: {  	_ =	shalt  }
0x76: {  	_ =	shalt  }
0x77: {  	_ =	shalt  }
0x78: {  	_ =	shalt  }
0x79: {  	_ =	shalt  }
0x7a: {  	_ =	shalt  }
0x7b: {  	_ =	shalt  }
0x7c: {  	_ =	shalt  }
0x7d: {  	_ =	shalt  }
0x7e: {  	_ =	shalt  }
0x7f: {  	_ =	shalt  }
0x80: {  	_ =	shalt  }
0x81: {  	_ =	shalt  }
0x82: {  	_ =	shalt  }
0x83: {  	_ =	shalt  }
0x84: {  	_ =	shalt  }
0x85: {  	_ =	shalt  }
0x86: {  	_ =	shalt  }
0x87: {  	_ =	shalt  }
.Lfunc_end0:
.L_simem_size_0:
called_computation.1_lowered:
.L_overlay_start_0:
0x88: {  	s2 =	sld [smem:$0x3FD9]  }
0x89: {  	s3 =	sld [smem:$0x3FFE];
	_ =	sdelay $0x1  }
0x8a: {  	s1 =	srdreg.scid  }
0x8b: {  	s0 =	sand.u32 $0x1, s1  }
0x8c: {  	s17 =	sshll.u32 s0, $0xA;
	s2 =	sadd.s32 s3, s2  }
0x8d: {  	s2 =	sadd.s32 s2, s17  }
0x8e: {  	[smem:$0x3FC0] =	sst s2  }
0x8f: {  	_ = 	snop  }
0x90: {  	s2 =	sld [smem:$0x3FC4];
	(tm) =	ssettm $0x1  }
0x91: {  	s18 =	sld [smem:$0x3FFB];
	_ =	sdelay $0x3  }
0x92: {  	_ =	strace s18  }
0x93: {  	s3 =	sld [smem:$0x3FFC];
	_ =	sdelay $0x3  }
0x94: {  	_ =	strace s3  }
0x95: {  	s3 =	sld [smem:$0x3FFD];
	_ =	sdelay $0x3  }
0x96: {  	_ =	strace s3  }
0x97: {  	_ =	strace $0x8FFFFFFF  }
0x98: {  	s19 =	sld [smem:$0x3FDB];
	_ =	sdelay $0x1  }
0x99: {  	s4 =	simm.s32 $_scs_section_size  }
0x9a: {  	s5 =	simm.s32 $_size__tile_overlayer_lowered;
	s6 =	simm.s32 $_tile_overlayer_lowered  }
0x9b: {  	s22 =	simm.s32 $0x1BFF;
	s21 =	sshll.u32 s6, $0x1;
	s3 =	sadd.s32 s4, s19  }
0x9c: {  	s7 =	simm.s32 $0x0;
	s20 =	sshll.u32 s5, $0x1;
	s5 =	sadd.s32 s21, s3  }
0x9d: {  	[timem:s7], [sflag:s22] =	dma.local [hbm:s5], s20  }
0x9e: {  	_ =	swait.ge [sflag:s22], s20  }
0x9f: {  	s4 =	ssub.s32 $0x0, s20;
	[sflag:s22] =	ssyncset.done $0x0  }
0xa0: {  	[sflag:s22] =	ssyncadd.s32 s4;
	_ =	sdelay $0x1  }
0xa1: {  	s23 =	simm.s32 $0x1B8B  }
0xa2: {  	_ =	swait.ge [sflag:s23], $0x1  }
0xa3: {  	[sflag:s23] =	ssyncset.done $0x0  }
0xa4: {  	s25 =	simm.s32 $0x1B8E;
	s24 =	sld [smem:$0x3FFE];
	[sflag:s23] =	ssyncadd.s32 $0xFFFFFFFF  }
0xa5: {  	s26 =	simm.s32 $execute0_lowered;
	[smem:$0x3FD2] =	sst s25  }
0xa6: {  	s5 =	sshll.u32 s26, $0x1;
	_ =	strace $0x80000049;
	[dreg:$0x1] =	wrdreg $0xFFFFFFFF  }
0xa7: {  	s28 =	simm.s32 $_size_execute0_lowered;
	s3 =	sadd.s32 s3, s5;
	[dreg:$0x0] =	wrdreg $0x0  }
0xa8: {  	s5 =	sshll.u32 s28, $0x1;
	[dreg:$0x2] =	wrdreg s3  }
0xa9: {  	[dreg:$0x3] =	wrdreg s5  }
0xaa: {  	[dreg:$0x4] =	wrdreg $0xC0  }
0xab: {  	_ =	task [dreg:s7], $0x5FFFF  }
0xac: {  	[dreg:$0x1] =	wrdreg $0xFFFFFFFF  }
0xad: {  	[dreg:$0x0] =	wrdreg $0x60  }
0xae: {  	[dreg:$0x2] =	wrdreg s24  }
0xaf: {  	[dreg:$0x3] =	wrdreg s2  }
0xb0: {  	[dreg:$0x4] =	wrdreg $0xC1800  }
0xb1: {  	[dreg:$0x5] =	wrdreg $0x1FD800  }
0xb2: {  	[dreg:$0x6] =	wrdreg $0x9  }
0xb3: {  	_ =	task.clear_ibuf [dreg:s7], $0x7FFFF;
	_ =	strace $0x90000049  }
0xb4: {  	s29 =	simm.s32 $0x9;
	_ =	strace $0x8000004B  }
0xb5: {  	_ =	swait.ge [sflag:s29], $0x1  }
0xb6: {  	[sflag:s29] =	ssyncadd.s32 $0xFFFFFFFF  }
0xb7: {  	_ =	strace $0x9000004B  }
0xb8: {  	_ =	sfence  }
0xb9: {  	s30 =	sld [smem:$0x0];
	_ =	sdelay $0x2  }
0xba: {  	s31 =	sshll.u32 s1, $0xD;
	s1 =	sshrl.u32 s1, $0x2  }
0xbb: {  	s3 =	sand.u32 $0x4000, s31;
	s1 =	sadd.s32 s1, s30  }
0xbc: {  	s0 =	sor.u32 s3, s0;
	s1 =	sshll.u32 s1, $0x11  }
0xbd: {  	s0 =	sor.u32 s1, s0  }
0xbe: {  	s0 =	sadd.s32 $0x8F2B, s0  }
0xbf: {  	[sflag:s0] =	ssyncadd.remote.s32 $0x1  }
0xc0: {  	_ =	sfence.sel $0xFFFF  }
0xc1: {  	[dreg:$0x0] =	wrdreg $0xFFFFFFFF;
	(pc) =	sbr.abs _section_cstart, $3  }
0xc2: {  	[dreg:$0x1] =	wrdreg $0xFFFFFFFF  }
0xc3: {  	_ =	task.clear_ibuf [dreg:s7], $0x2FFFF;
	_ =	strace $0x9FFFFFFF  }
0xc4: {  	(tm) =	ssettm $0x7FFFFFFF  }
0xc5: {  	_ =	shalt  }
tec
execute0_lowered:
.L_overlay_start_1:
0x0: {  	(tag) =	ssettag $0x1  }
0x1: {  	s0 =	rddreg [dreg:$0x0]  }
0x2: {  	s3 =	rddreg [dreg:$0x2]  }
0x3: {  	s4 =	rddreg [dreg:$0x3];
	s16 =	stileid.u32;
	s5 =	simm.s32 $0x0  }
0x4: {  	s2 =	srdreg.scid;
	s29 =	simm.s32 $0x40;
	s1 =	smul.u32 $0x2780, s16  }
0x5: {  	[smem:$0x7FF] =	sst s5;
	s9 =	smul.u32 $0x280, s16;
	s2 =	sand.u32 $0x1, s2  }
0x6: {  	s6 =	sadd.s32 $0x2AC00, s0;
	s7 =	sadd.s32 $0x16C00, s0;
	s8 =	sadd.s32 $0x2C00, s0  }
0x7: {  	s21 =	sshll.u32 s16, $0x6;
	_ =	strace $0x8000004A;
	s10 =	smul.u32 $0x27800, s2  }
0x8: {  	s11 =	smul.u32 $0x2800, s2;
	s17 =	ssub.s32 $0x2, s2;
	s2 =	sshll.u32 s2, $0x4  }
0x9: {  	s12 =	sadd.s32 s1, s0;
	s13 =	sshrl.u32 s9, $0x3;
	s14 =	sshrl.u32 s17, $0x1  }
0xa: {  	s2 =	sor.u32 s16, s2;
	s13 =	sadd.s32 s13, s0;
	s1 =	sadd.s32 s1, s10  }
0xb: {  	s15 =	sadd.s32 s9, s11;
	s18 =	ssub.s32 s17, s14;
	s22 =	smul.u32 $0xA00, s2  }
0xc: {  	s23 =	sadd.s32 $0x52A00, s12;
	s9 =	sadd.s32 s9, s4;
	s19 =	smul.u32 $0x2800, s2  }
0xd: {  	s1 =	sadd.s32 s1, s0;
	s10 =	sshrl.u32 s15, $0x3;
	[dreg:$0x6] =	wrdreg s23  }
0xe: {  	s15 =	smul.u32 $0x4F000, s16;
	[dreg:$0x7] =	wrdreg s9;
	s24 =	sadd.s32 $0x52400, s13  }
0xf: {  	s16 =	smul.u32 $0x5000, s2;
	s31 =	smax.u32 s18, $0x1;
	[dreg:$0x8] =	wrdreg s24  }
0x10: {  	s23 =	simm.s32 $0xD;
	s25 =	sadd.s32 s7, s22;
	[dreg:$0xf] =	wrdreg s31  }
0x11: {  	s0 =	sadd.s32 s10, s0;
	s26 =	sadd.s32 s8, s22;
	[dreg:$0x9] =	wrdreg s25  }
0x12: {  	s28 =	sor.u32 $0x100, s22;
	s1 =	sadd.s32 $0x7AC00, s1;
	[dreg:$0xa] =	wrdreg s26  }
.Ltmp0:
0x13: {  	s30 =	sadd.s32 s7, s28;
	[dreg:$0xd] =	wrdreg s1;
	(pc) =	sbr.rel .LBB2_1-.Ltmp0, $4  }
0x14: {  	s24 =	simm.s32 $0xC000;
	s9 =	sadd.s32 s8, s28;
	[dreg:$0xb] =	wrdreg s30  }
0x15: {  	s20 =	sshrl.u32 s15, $0x2;
	s0 =	sadd.s32 $0x7A200, s0;
	[dreg:$0xc] =	wrdreg s9  }
0x16: {  	s1 =	simm.s32 $0x0;
	s11 =	sadd.s32 s20, s3;
	[dreg:$0xe] =	wrdreg s0  }
0x17: {  	v0 =	vimm.s32 $0xF;
	s0 =	simm.s32 $0xA;
	[dreg:$0x5] =	wrdreg s11;
	s11 =	sor.u32 $0x1C0D, s21  }
.LBB2_10:
0x18: {  	s10 =	simm.s32 $0x7  }
0x19: {  	_ =	swait.ge [sflag:s10], $0x2000  }
0x1a: {  	[sflag:s10] =	ssyncset.done $0x0  }
0x1b: {  	s22 =	simm.s32 $0x8;
	[sflag:s10] =	ssyncadd.s32 $0xFFFFE000  }
0x1c: {  	_ =	swait.ge [sflag:s22], $0x2000  }
0x1d: {  	[sflag:s22] =	ssyncset.done $0x0  }
0x1e: {  	s25 =	simm.s32 $0x6;
	[sflag:s22] =	ssyncadd.s32 $0xFFFFE000  }
0x1f: {  	_ =	swait.ge [sflag:s25], $0x2000  }
0x20: {  	[sflag:s25] =	ssyncset.done $0x0  }
0x21: {  	s26 =	simm.s32 $0x9;
	[sflag:s25] =	ssyncadd.s32 $0xFFFFE000  }
0x22: {  	_ =	swait.ge [sflag:s26], $0x40  }
0x23: {  	[sflag:s26] =	ssyncset.done $0x0  }
0x24: {  	[sflag:s26] =	ssyncadd.s32 $0xFFFFFFC0  }
0x25: {  	_ =	swait.ge [sflag:s0], $0x40  }
0x26: {  	[sflag:s0] =	ssyncset.done $0x0  }
0x27: {  	[sflag:s0] =	ssyncadd.s32 $0xFFFFFFC0  }
0x28: {  	[bflag:$0x0] =	sbarrier.arrive $0xFFFF  }
0x29: {  	s28 =	rddreg [dreg:$0xd]  }
0x2a: {  	[hbm:s28], [sflag:s11] =	dma.local [spmem:s2], $0x2780  }
0x2b: {  	_ =	swait.ge [sflag:s23], $0x2780  }
0x2c: {  	[sflag:s23] =	ssyncset.done $0x0  }
0x2d: {  	s30 =	rddreg [dreg:$0xe];
	[sflag:s23] =	ssyncadd.s32 $0xFFFFD880  }
0x2e: {  	[hbm:s30], [sflag:s11] =	dma.local [spmem:s9], $0x50  }
0x2f: {  	_ =	swait.ge [sflag:s23], $0x50  }
0x30: {  	s1 =	sadd.s32 $0x1, s1;
	s31 =	rddreg [dreg:$0xf]  }
0x31: {  	p0 =	sne.s32 s1, s31  }
.Ltmp1:
0x32: {  	_ = 	snop;
	(pc) =	sbr.rel @!p0 .LBB2_11-.Ltmp1, $3  }
0x33: {  	_ =	sdelay $0x1  }
0x34: {  	[sflag:s23] =	ssyncset.done $0x0  }
0x35: {  	[sflag:s23] =	ssyncadd.s32 $0xFFFFFFB0  }
.LBB2_1:
0x36: {  	s2 =	rddreg [dreg:$0x5]  }
0x37: {  	s9 =	rddreg [dreg:$0x6];
	s2 =	sshrl.u32 s2, $0x3  }
0x38: {  	[spmem:s2], [sflag:s11] =	dma.local [hbm:s9], $0x2780  }
0x39: {  	_ =	swait.ge [sflag:s23], $0x2780  }
0x3a: {  	[sflag:s23] =	ssyncset.done $0x0;
	s13 =	rddreg [dreg:$0x7]  }
0x3b: {  	s10 =	rddreg [dreg:$0x8];
	[sflag:s23] =	ssyncadd.s32 $0xFFFFD880;
	s9 =	sshrl.u32 s13, $0x3  }
0x3c: {  	[spmem:s9], [sflag:s11] =	dma.local [hbm:s10], $0x50  }
0x3d: {  	_ =	swait.ge [sflag:s23], $0x50  }
0x3e: {  	[sflag:s23] =	ssyncset.done $0x0  }
0x3f: {  	[sflag:s23] =	ssyncadd.s32 $0xFFFFFFB0  }
0x40: {  	s12 =	simm.s32 $0xC100;
	s14 =	rddreg [dreg:$0x1]  }
0x41: {  	[tilespmem:s12], [sflag:$0xD] =	stream.linear.gather [hbm4b:s14+s5], $0x80, $0x38;
	v63 =	vld [tilespmem:$0x0]  }
0x42: {  	_ =	swait.ge [sflag:s23], $0x80  }
0x43: {  	[sflag:s23] =	ssyncset.done $0x0  }
0x44: {  	[sflag:s23] =	ssyncadd.s32 $0xFFFFFF80  }
0x45: {  	v1 =	vld [tilespmem:$0xC100]  }
0x46: {  	v2 =	vld [tilespmem:$0xC110]  }
0x47: {  	v3 =	vld [tilespmem:$0xC120]  }
0x48: {  	v4 =	vld [tilespmem:$0xC130]  }
0x49: {  	v5 =	vld [tilespmem:$0xC140]  }
0x4a: {  	v6 =	vld [tilespmem:$0xC150]  }
0x4b: {  	v7 =	vld [tilespmem:$0xC160]  }
0x4c: {  	v8 =	vld [tilespmem:$0xC170];
	[bflag:$0x0] =	sbarrier.arrive $0xFFFF  }
0x4d: {  	s15 =	rddreg [dreg:$0x9]  }
0x4e: {  	[tilespmem:s5], [sflag:$0xD] =	stream.linear.gather [hbm4b:s15+s5], $0x800, $0x38;
	v63 =	vld [tilespmem:$0x0]  }
0x4f: {  	_ =	swait.ge [sflag:s23], $0x800  }
0x50: {  	[sflag:s23] =	ssyncset.done $0x0  }
0x51: {  	s18 =	simm.s32 $0x1000;
	s17 =	rddreg [dreg:$0xa];
	[sflag:s23] =	ssyncadd.s32 $0xFFFFF800  }
0x52: {  	[tilespmem:s18], [sflag:$0xD] =	stream.linear.gather [hbm4b:s17+s5], $0x800, $0x38;
	v63 =	vld [tilespmem:$0x0]  }
0x53: {  	_ =	swait.ge [sflag:s23], $0x800  }
0x54: {  	[sflag:s23] =	ssyncset.done $0x0  }
0x55: {  	s13 =	simm.s32 $0x800;
	s20 =	rddreg [dreg:$0xb];
	[sflag:s23] =	ssyncadd.s32 $0xFFFFF800  }
0x56: {  	[tilespmem:s13], [sflag:$0xB] =	stream.linear.gather [hbm4b:s20+s5], $0x800, $0x38;
	v63 =	vld [tilespmem:$0x0]  }
0x57: {  	s22 =	simm.s32 $0x1800;
	s21 =	rddreg [dreg:$0xc]  }
0x58: {  	[tilespmem:s22], [sflag:$0xC] =	stream.linear.gather [hbm4b:s21+s5], $0x800, $0x38;
	v63 =	vld [tilespmem:$0x0]  }
0x59: {  	s25 =	simm.s32 $0x2000  }
0x5a: {  	[tilespmem:s25], [sflag:$0x1] =	stream.indirect.gather [hbm4b:s6+s29], $0x80, s5, s29, $0xb8;
	v63 =	vld [tilespmem:$0x0]  }
0x5b: {  	s10 =	simm.s32 $0x6000  }
0x5c: {  	[tilespmem:s10], [sflag:$0x3] =	stream.indirect.gather [hbm4b:s6+s29], $0x80, s18, s29, $0xb8;
	v63 =	vld [tilespmem:$0x0]  }
.Ltmp2:
0x5d: {  	_ = 	snop;
	(pc) =	sbr.rel .LBB2_2-.Ltmp2, $4  }
0x5e: {  	s26 =	simm.s32 $0x80;
	s28 =	simm.s32 $0x4000;
	s30 =	simm.s32 $0x1080  }
0x5f: {  	[tilespmem:s28], [sflag:$0x2] =	stream.indirect.gather [hbm4b:s6+s29], $0x80, s26, s29, $0xb8;
	v63 =	vld [tilespmem:$0x0]  }
0x60: {  	s31 =	simm.s32 $0x8000;
	p0 =	por $0x0, $0x0;
	s12 =	simm.s32 $0x0  }
0x61: {  	[tilespmem:s31], [sflag:$0x4] =	stream.indirect.gather [hbm4b:s6+s29], $0x80, s30, s29, $0xb8;
	v63 =	vld [tilespmem:$0x0]  }
.LBB2_9:
0x62: {  	s13 =	sadd.s32 $0x2, s12  }
0x63: {  	s14 =	sshll.u32 s13, $0x6  }
0x64: {  	p2 =	sgt.u32 s12, $0x9D;
	s14 =	sadd.s32 s19, s14  }
0x65: {  	p4 =	sgt.u32 @!p2 s14, $0x4E1FF  }
0x66: {  	p1 =	por p4, p2  }
0x67: {  	p5 =	seq.s32 @!p1 s12, $0x0  }
0x68: {  	p3 =	por @!p2 p5, p4  }
0x69: {  	p3 =	por p3, p2  }
0x6a: {  	s14 =	smul.u32 @!p3 $0xAB, s13;
	_ =	sdelay $0x1  }
0x6b: {  	s17 =	sshll.u32 @!p1 s15, $0xD;
	s18 =	sshll.u32 @!p1 s13, $0x7;
	s14 =	sshrl.u32 @!p3 s14, $0x9  }
0x6c: {  	s15 =	sadd.s32 @!p1 $0x1, s15;
	s20 =	simm.s32 @!p1 $0x40;
	s14 =	sand.u32 @!p3 $0x7F, s14  }
0x6d: {  	s17 =	sadd.s32 @!p1 $0x2000, s17;
	s18 =	sand.u32 @!p1 $0xF80, s18;
	s14 =	smul.u32 @!p3 $0x3, s14  }
0x6e: {  	[tilespmem:s17], [sflag:s15] =	stream.indirect.gather @!p1 [hbm4b:s6+s20], $0x80, s18, s20, $0xb8;
	v63 =	vld [tilespmem:$0x0]  }
0x6f: {  	s13 =	ssub.s32 @!p3 s13, s14  }
0x70: {  	s13 =	sand.u32 @!p3 $0xFF, s13  }
0x71: {  	p4 =	por @!p2 !p5, p4;
	s14 =	sadd.s32 @!p3 $0x6, s13  }
0x72: {  	p2 =	por !p4, p2;
	_ =	swait.ge @!p3 [sflag:s14], $0x2000  }
0x73: {  	s13 =	simm.s32 @p2 $0x2;
	[sflag:s14] =	ssyncset.done @!p3 $0x0  }
0x74: {  	s12 =	sadd.s32 $0x1, s12;
	[sflag:s14] =	ssyncadd.s32 @!p3 $0xFFFFE000;
	s14 =	sshll.u32 @!p1 s13, $0xD  }
0x75: {  	s15 =	sor.u32 @!p1 $0x1000, s18;
	s13 =	sadd.s32 @!p1 $0x3, s13;
	s14 =	sadd.s32 @!p1 $0x6000, s14  }
0x76: {  	[tilespmem:s14], [sflag:s13] =	stream.indirect.gather @!p1 [hbm4b:s6+s20], $0x80, s15, s20, $0xb8;
	v63 =	vld [tilespmem:$0x0]  }
0x77: {  	p1 =	sne.s32 s12, $0xA0  }
.Ltmp3:
0x78: {  	_ = 	snop;
	(pc) =	sbr.rel @!p1 .LBB2_10-.Ltmp3, $2  }
0x79: {  	_ =	sdelay $0x2  }
0x7a: {  	s10 =	sadd.s32 $0x2000, s10;
	p0 =	por !p0, !p0  }
.LBB2_2:
0x7b: {  	s14 =	sshrl.u32 s12, $0x4;
	s13 =	sand.u32 $0xF, s12  }
0x7c: {  	p1 =	sne.s32 s13, $0x0;
	s15 =	sadd.s32 $0xFFFFFFFF, s14  }
0x7d: {  	p2 =	sgt.u32 @!p1 s15, $0x7  }
0x7e: {  	p1 =	por p1, p2  }
.Ltmp4:
0x7f: {  	_ = 	snop;
	(pc) =	sbr.rel @p1 .LBB2_4-.Ltmp4, $2  }
0x80: {  	_ =	sdelay $0x2  }
0x81: {  	s14 =	sshll.u32 s14, $0xB  }
0x82: {  	s15 =	sadd.s32 $0x800, s14  }
0x83: {  	s17 =	sadd.s32 s16, s15  }
.Ltmp5:
0x84: {  	s17 =	sshrl.u32 s17, $0x3;
	(pc) =	sbr.rel .LBB2_5-.Ltmp5, $4  }
0x85: {  	s15 =	sand.u32 $0x800, s15;
	s18 =	sadd.s32 s7, s17  }
0x86: {  	[tilespmem:s15], [sflag:$0xB] =	stream.linear.gather [hbm4b:s18+s5], $0x800, $0x38;
	v63 =	vld [tilespmem:$0x0]  }
0x87: {  	s17 =	sadd.s32 s8, s17;
	s15 =	sor.u32 $0x1000, s15  }
0x88: {  	[tilespmem:s15], [sflag:$0xC] =	stream.linear.gather [hbm4b:s17+s5], $0x800, $0x38;
	v63 =	vld [tilespmem:$0x0]  }
.LBB2_4:
0x89: {  	p1 =	sgt.u32 s12, $0x8F  }
0x8a: {  	p2 =	sne.s32 @!p1 s13, $0xE  }
0x8b: {  	p1 =	por p2, p1  }
0x8c: {  	s15 =	simm.s32 @!p1 $0xB  }
0x8d: {  	_ =	swait.ge @!p1 [sflag:s15], $0x800  }
0x8e: {  	[sflag:s15] =	ssyncset.done @!p1 $0x0  }
0x8f: {  	[sflag:s15] =	ssyncadd.s32 @!p1 $0xFFFFF800;
	s15 =	simm.s32 @!p1 $0xC  }
0x90: {  	_ =	swait.ge @!p1 [sflag:s15], $0x800  }
0x91: {  	[sflag:s15] =	ssyncset.done @!p1 $0x0  }
0x92: {  	[sflag:s15] =	ssyncadd.s32 @!p1 $0xFFFFF800  }
.LBB2_5:
0x93: {  	s15 =	sshll.u32 s12, $0x6  }
0x94: {  	s15 =	sadd.s32 s19, s15  }
0x95: {  	p1 =	sgt.u32 s15, $0x4E1FF  }
.Ltmp6:
0x96: {  	_ = 	snop;
	(pc) =	sbr.rel @p1 .LBB2_9-.Ltmp6, $2  }
0x97: {  	_ =	sdelay $0x2  }
0x98: {  	s15 =	sand.u32 $0x1, s12  }
0x99: {  	s17 =	smul.u32 $0xAB, s12;
	_ =	sdelay $0x1  }
0x9a: {  	s17 =	sshrl.u32 s17, $0x9  }
0x9b: {  	s18 =	smulhi.u32 $0xAAAAAAAB, s12;
	s17 =	sand.u32 $0x7F, s17  }
0x9c: {  	s20 =	sadd.s32 $0x1, s15;
	s17 =	smul.u32 $0x3, s17  }
0x9d: {  	s21 =	simm.s32 $0x1;
	_ =	swait.ge [sflag:s20], $0x2000  }
0x9e: {  	s21 =	simm.s32 @!p0 $0x0;
	s18 =	sshrl.u32 s18, $0x1;
	s17 =	ssub.s32 s12, s17  }
0x9f: {  	[sflag:s20] =	ssyncset.done $0x0;
	s18 =	smul.u32 $0xFFFE8000, s18;
	s25 =	sand.u32 $0xFF, s17  }
0xa0: {  	s28 =	sshll.u32 s21, $0xD;
	[sflag:s20] =	ssyncadd.s32 $0xFFFFE000;
	s30 =	sadd.s32 $0x3, s25  }
0xa1: {  	s18 =	sshra.s32 s18, $0x2;
	s17 =	sadd.s32 $0x20F0, s28;
	_ =	swait.ge [sflag:s30], $0x2000  }
0xa2: {  	p1 =	slt.u32 s12, $0x2;
	s18 =	sadd.s32 s18, s10;
	v10 =	vmov s17;
	[sflag:s30] =	ssyncset.done $0x0  }
0xa3: {  	v9 =	vmov s18;
	s17 =	sadd.s32 @!p1 $0x9, s15;
	[sflag:s30] =	ssyncadd.s32 $0xFFFFE000  }
0xa4: {  	_ =	swait.ge @!p1 [sflag:s17], $0x40  }
0xa5: {  	[sflag:s17] =	ssyncset.done @!p1 $0x0  }
0xa6: {  	[sflag:s17] =	ssyncadd.s32 @!p1 $0xFFFFFFC0;
	s17 =	simm.s32 $0x0  }
0xa7: {  	v13 =	vld.idx.msk [tilespmem:v10+s17+$0xFFFFFF10 ss:$0x1], $0xffff  }
0xa8: {  	v11 =	vld.idx.msk [tilespmem:v9+s17+$0x0 ss:$0x1], $0xffff  }
0xa9: {  	v12 =	vld.idx.msk [tilespmem:v9+s17+$0x10 ss:$0x1], $0xffff  }
0xaa: {  	v14 =	vld.idx.msk [tilespmem:v10+s17+$0xFFFFFF20 ss:$0x1], $0xffff  }
0xab: {  	v18 =	vld.idx.msk [tilespmem:v9+s17+$0x20 ss:$0x1], $0xffff  }
0xac: {  	v15 =	vld.idx.msk [tilespmem:v10+s17+$0xFFFFFF30 ss:$0x1], $0xffff  }
0xad: {  	v19 =	vld.idx.msk [tilespmem:v9+s17+$0x30 ss:$0x1], $0xffff;
	v11 =	vadd.f32 v11, v13  }
0xae: {  	v16 =	vld.idx.msk [tilespmem:v10+s17+$0xFFFFFF40 ss:$0x1], $0xffff  }
0xaf: {  	v20 =	vld.idx.msk [tilespmem:v9+s17+$0x40 ss:$0x1], $0xffff;
	v12 =	vadd.f32 v12, v14;
	v21 =	vmul.f32 $2.000000030e-01, v11  }
0xb0: {  	v17 =	vld.idx.msk [tilespmem:v10+s17+$0xFFFFFF50 ss:$0x1], $0xffff  }
0xb1: {  	v22 =	vld.idx.msk [tilespmem:v9+s17+$0x50 ss:$0x1], $0xffff;
	v23 =	vadd.f32 v18, v15;
	v11 =	vmax.f32 v11, v21;
	v21 =	vmul.f32 $2.000000030e-01, v12  }
0xb2: {  	v18 =	vld.idx.msk [tilespmem:v10+s17+$0xFFFFFF60 ss:$0x1], $0xffff;
	v11 =	vmul.f32 v11, v1  }
0xb3: {  	v24 =	vld.idx.msk [tilespmem:v9+s17+$0x60 ss:$0x1], $0xffff;
	v25 =	vadd.f32 v19, v16;
	v12 =	vmax.f32 v12, v21;
	v21 =	vmul.f32 $2.000000030e-01, v23  }
0xb4: {  	v19 =	vld.idx.msk [tilespmem:v10+s17+$0xFFFFFF70 ss:$0x1], $0xffff;
	v11 =	vadd.f32 $0.0e+00, v11;
	v12 =	vmul.f32 v12, v2  }
0xb5: {  	v26 =	vld.idx.msk [tilespmem:v9+s17+$0x70 ss:$0x1], $0xffff;
	v27 =	vadd.f32 v20, v17;
	v21 =	vmax.f32 v23, v21;
	v23 =	vmul.f32 $2.000000030e-01, v25  }
0xb6: {  	v20 =	vld.idx.msk [tilespmem:v10+s17+$0xFFFFFF80 ss:$0x1], $0xffff;
	v11 =	vadd.f32 v12, v11;
	v12 =	vmul.f32 v21, v3  }
0xb7: {  	v22 =	vadd.f32 v22, v18;
	v21 =	vmax.f32 v25, v23;
	v23 =	vmul.f32 $2.000000030e-01, v27  }
0xb8: {  	v11 =	vadd.f32 v12, v11;
	v12 =	vmul.f32 v21, v4  }
0xb9: {  	v24 =	vadd.f32 v24, v19;
	v21 =	vmax.f32 v27, v23;
	v23 =	vmul.f32 $2.000000030e-01, v22  }
0xba: {  	v11 =	vadd.f32 v12, v11;
	v12 =	vmul.f32 v21, v5  }
0xbb: {  	v21 =	vmax.f32 v22, v23;
	v22 =	vmul.f32 $2.000000030e-01, v24;
	v23 =	vadd.f32 v26, v20  }
0xbc: {  	v11 =	vadd.f32 v12, v11;
	v12 =	vmul.f32 v21, v6  }
0xbd: {  	v21 =	vmax.f32 v24, v22;
	v22 =	vmul.f32 $2.000000030e-01, v23  }
0xbe: {  	v11 =	vadd.f32 v12, v11;
	v12 =	vmul.f32 v21, v7  }
0xbf: {  	v21 =	vmax.f32 v23, v22  }
0xc0: {  	v11 =	vadd.f32 v12, v11;
	v12 =	vmul.f32 v21, v8;
	_ =	sdelay $0x1  }
0xc1: {  	v11 =	vadd.f32 v12, v11;
	_ =	sdelay $0x1  }
0xc2: {  	(xrf2) =	vadd.scan.msk.f32 $0xffff, v11;
	_ =	sdelay $0x9  }
0xc3: {  	v11, _, _ =	vpop (xrf2)  }
0xc4: {  	v11 =	vperm.xlane v11, v0  }
0xc5: {  	s22 =	simm.s32 $0x0  }
0xc6: {  	s18 =	sshll.u32 s15, $0x7;
	v12 =	vmov s22;
	v21 =	vmul.f32 $1.442695020e+00, v11  }
0xc7: {  	s31 =	sshll.u32 s25, $0xD;
	v12 =	vand.u32 $0x7E, v12;
	v11 =	vmov s18  }
0xc8: {  	s26 =	simm.s32 $0x0;
	s21 =	simm.s32 $0xFFFFFFFE;
	s20 =	sadd.s32 $0x6000, s31;
	v12 =	vor.u32 v11, v12;
	(erf) = vpow2.f32 v21  }
.LBB2_7:
0xc9: {  	_ =	sdelay $0x2  }
0xca: {  	s26 =	sadd.s32 $0x400, s26;
	s30 =	smov.u32 s22;
	s22 =	sadd.s32 $0x2, s22  }
0xcb: {  	v22 =	vbroadcast v12, $0x0;
	v21 =	vmov s22;
	p1 =	slt.u32 s22, $0x3E  }
0xcc: {  	s28 =	sshra.s32 s26, $0x2;
	v12 =	vand.u32 $0x7E, v21  }
0xcd: {  	v12 =	vor.u32 v11, v12;
	_ =	sdelay $0x1  }
0xce: {  	v21 =	vpop (erf)  }
0xcf: {  	v13 =	vmul.f32 v21, v13  }
0xd0: {  	v14 =	vmul.f32 v21, v14;
	[tilespmem:v22+s24+$0x0] =	vst.idx.msk $0x1, v21  }
0xd1: {  	[tilespmem:v9+s17+$0x0 ss:$0x1] =	vst.idx.msk $0xffff, v13;
	v13 =	vmul.f32 v21, v15  }
0xd2: {  	[tilespmem:v9+s17+$0x10 ss:$0x1] =	vst.idx.msk $0xffff, v14;
	v14 =	vmul.f32 v21, v16  }
0xd3: {  	[tilespmem:v9+s17+$0x20 ss:$0x1] =	vst.idx.msk $0xffff, v13;
	v13 =	vmul.f32 v21, v17  }
0xd4: {  	[tilespmem:v9+s17+$0x30 ss:$0x1] =	vst.idx.msk $0xffff, v14;
	v14 =	vmul.f32 v21, v18  }
0xd5: {  	[tilespmem:v9+s17+$0x40 ss:$0x1] =	vst.idx.msk $0xffff, v13;
	v13 =	vmul.f32 v21, v19  }
0xd6: {  	[tilespmem:v9+s17+$0x50 ss:$0x1] =	vst.idx.msk $0xffff, v14;
	v14 =	vmul.f32 v21, v20  }
0xd7: {  	[tilespmem:v9+s17+$0x60 ss:$0x1] =	vst.idx.msk $0xffff, v13  }
0xd8: {  	[tilespmem:v9+s17+$0x70 ss:$0x1] =	vst.idx.msk $0xffff, v14  }
0xd9: {  	v13 =	vld.idx.msk [tilespmem:v10+s17+$0xFFFFFF90 ss:$0x1], $0xffff  }
0xda: {  	v14 =	vld.idx.msk [tilespmem:v9+s17+$0x80 ss:$0x1], $0xffff  }
0xdb: {  	v15 =	vld.idx.msk [tilespmem:v9+s17+$0x90 ss:$0x1], $0xffff  }
0xdc: {  	v16 =	vld.idx.msk [tilespmem:v10+s17+$0xFFFFFFA0 ss:$0x1], $0xffff  }
0xdd: {  	v17 =	vld.idx.msk [tilespmem:v9+s17+$0xA0 ss:$0x1], $0xffff  }
0xde: {  	v18 =	vld.idx.msk [tilespmem:v10+s17+$0xFFFFFFB0 ss:$0x1], $0xffff  }
0xdf: {  	v19 =	vld.idx.msk [tilespmem:v9+s17+$0xB0 ss:$0x1], $0xffff  }
0xe0: {  	v14 =	vadd.f32 v14, v13;
	v20 =	vld.idx.msk [tilespmem:v10+s17+$0xFFFFFFC0 ss:$0x1], $0xffff  }
0xe1: {  	v21 =	vld.idx.msk [tilespmem:v9+s17+$0xC0 ss:$0x1], $0xffff  }
0xe2: {  	v23 =	vmul.f32 $2.000000030e-01, v14;
	v15 =	vadd.f32 v15, v16;
	v22 =	vld.idx.msk [tilespmem:v10+s17+$0xFFFFFFD0 ss:$0x1], $0xffff  }
0xe3: {  	v24 =	vld.idx.msk [tilespmem:v9+s17+$0xD0 ss:$0x1], $0xffff  }
0xe4: {  	v14 =	vmax.f32 v14, v23;
	v23 =	vmul.f32 $2.000000030e-01, v15;
	v17 =	vadd.f32 v17, v18;
	v25 =	vld.idx.msk [tilespmem:v10+s17+$0xFFFFFFE0 ss:$0x1], $0xffff  }
0xe5: {  	v14 =	vmul.f32 v14, v1;
	v26 =	vld.idx.msk [tilespmem:v9+s17+$0xE0 ss:$0x1], $0xffff  }
0xe6: {  	v15 =	vmax.f32 v15, v23;
	v23 =	vmul.f32 $2.000000030e-01, v17;
	v19 =	vadd.f32 v19, v20;
	v27 =	vld.idx.msk [tilespmem:v10+s17+$0xFFFFFFF0 ss:$0x1], $0xffff  }
0xe7: {  	v14 =	vadd.f32 $0.0e+00, v14;
	v15 =	vmul.f32 v15, v2;
	v28 =	vld.idx.msk [tilespmem:v9+s17+$0xF0 ss:$0x1], $0xffff  }
0xe8: {  	v17 =	vmax.f32 v17, v23;
	v23 =	vmul.f32 $2.000000030e-01, v19;
	v21 =	vadd.f32 v21, v22;
	v29 =	vld.idx.msk [tilespmem:v10+s17+$0x0 ss:$0x1], $0xffff  }
0xe9: {  	v14 =	vadd.f32 v15, v14;
	v15 =	vmul.f32 v17, v3  }
0xea: {  	v17 =	vmax.f32 v19, v23;
	v19 =	vmul.f32 $2.000000030e-01, v21;
	v23 =	vadd.f32 v24, v25  }
0xeb: {  	v14 =	vadd.f32 v15, v14;
	v15 =	vmul.f32 v17, v4  }
0xec: {  	v17 =	vmax.f32 v21, v19;
	v19 =	vmul.f32 $2.000000030e-01, v23;
	v21 =	vadd.f32 v26, v27  }
0xed: {  	v14 =	vadd.f32 v15, v14;
	v15 =	vmul.f32 v17, v5  }
0xee: {  	v17 =	vmax.f32 v23, v19;
	v19 =	vmul.f32 $2.000000030e-01, v21;
	v23 =	vadd.f32 v28, v29  }
0xef: {  	v14 =	vadd.f32 v15, v14;
	v15 =	vmul.f32 v17, v6  }
0xf0: {  	v17 =	vmax.f32 v21, v19;
	v19 =	vmul.f32 $2.000000030e-01, v23  }
0xf1: {  	v14 =	vadd.f32 v15, v14;
	v15 =	vmul.f32 v17, v7  }
0xf2: {  	v17 =	vmax.f32 v23, v19  }
0xf3: {  	v14 =	vadd.f32 v15, v14;
	v15 =	vmul.f32 v17, v8;
	_ =	sdelay $0x1  }
0xf4: {  	v14 =	vadd.f32 v15, v14;
	_ =	sdelay $0x1  }
0xf5: {  	(xrf2) =	vadd.scan.msk.f32 $0xffff, v14;
	_ =	sdelay $0x9  }
0xf6: {  	v14, _, _ =	vpop (xrf2)  }
0xf7: {  	v14 =	vperm.xlane v14, v0;
	_ =	sdelay $0x1  }
0xf8: {  	v14 =	vmul.f32 $1.442695020e+00, v14;
	_ =	sdelay $0x1  }
0xf9: {  	s31 =	sadd.s32 $0x3, s21;
	s21 =	smov.u32 s30;
	(erf) = vpow2.f32 v14  }
0xfa: {  	v14 =	vmov s31  }
0xfb: {  	v14 =	vand.u32 $0x7F, v14  }
0xfc: {  	v14 =	vor.u32 v11, v14  }
0xfd: {  	v14 =	vbroadcast v14, $0x0;
	_ =	sdelay $0x4  }
0xfe: {  	v15 =	vpop (erf)  }
0xff: {  	[tilespmem:v14+s24+$0x0] =	vst.idx.msk $0x1, v15;
	v13 =	vmul.f32 v15, v13;
	v14 =	vmul.f32 v15, v16;
	_ =	sdelay $0x1  }
0x100: {  	v16 =	vmul.f32 v15, v20;
	[tilespmem:v9+s17+$0x80 ss:$0x1] =	vst.idx.msk $0xffff, v13;
	v13 =	vmul.f32 v15, v18  }
0x101: {  	[tilespmem:v9+s17+$0x90 ss:$0x1] =	vst.idx.msk $0xffff, v14;
	v14 =	vmul.f32 v15, v22  }
0x102: {  	[tilespmem:v9+s17+$0xA0 ss:$0x1] =	vst.idx.msk $0xffff, v13;
	v13 =	vmul.f32 v15, v25  }
0x103: {  	[tilespmem:v9+s17+$0xB0 ss:$0x1] =	vst.idx.msk $0xffff, v16;
	v16 =	vmul.f32 v15, v27  }
0x104: {  	[tilespmem:v9+s17+$0xC0 ss:$0x1] =	vst.idx.msk $0xffff, v14  }
0x105: {  	[tilespmem:v9+s17+$0xD0 ss:$0x1] =	vst.idx.msk $0xffff, v13;
	v13 =	vmul.f32 v15, v29  }
0x106: {  	[tilespmem:v9+s17+$0xE0 ss:$0x1] =	vst.idx.msk $0xffff, v16  }
0x107: {  	[tilespmem:v9+s17+$0xF0 ss:$0x1] =	vst.idx.msk $0xffff, v13;
	s17 =	smov.u32 s28  }
0x108: {  	v13 =	vld.idx.msk [tilespmem:v10+s17+$0xFFFFFF10 ss:$0x1], $0xffff  }
0x109: {  	v17 =	vld.idx.msk [tilespmem:v9+s17+$0x0 ss:$0x1], $0xffff  }
0x10a: {  	v18 =	vld.idx.msk [tilespmem:v9+s17+$0x10 ss:$0x1], $0xffff  }
0x10b: {  	v14 =	vld.idx.msk [tilespmem:v10+s17+$0xFFFFFF20 ss:$0x1], $0xffff  }
0x10c: {  	v19 =	vld.idx.msk [tilespmem:v9+s17+$0x20 ss:$0x1], $0xffff  }
0x10d: {  	v15 =	vld.idx.msk [tilespmem:v10+s17+$0xFFFFFF30 ss:$0x1], $0xffff  }
0x10e: {  	v20 =	vld.idx.msk [tilespmem:v9+s17+$0x30 ss:$0x1], $0xffff  }
0x10f: {  	v21 =	vadd.f32 v17, v13;
	v16 =	vld.idx.msk [tilespmem:v10+s17+$0xFFFFFF40 ss:$0x1], $0xffff  }
0x110: {  	v22 =	vld.idx.msk [tilespmem:v9+s17+$0x40 ss:$0x1], $0xffff  }
0x111: {  	v23 =	vmul.f32 $2.000000030e-01, v21;
	v24 =	vadd.f32 v18, v14;
	v17 =	vld.idx.msk [tilespmem:v10+s17+$0xFFFFFF50 ss:$0x1], $0xffff  }
0x112: {  	v25 =	vld.idx.msk [tilespmem:v9+s17+$0x50 ss:$0x1], $0xffff  }
0x113: {  	v21 =	vmax.f32 v21, v23;
	v23 =	vmul.f32 $2.000000030e-01, v24;
	v26 =	vadd.f32 v19, v15;
	v18 =	vld.idx.msk [tilespmem:v10+s17+$0xFFFFFF60 ss:$0x1], $0xffff  }
0x114: {  	v21 =	vmul.f32 v21, v1;
	v27 =	vld.idx.msk [tilespmem:v9+s17+$0x60 ss:$0x1], $0xffff  }
0x115: {  	v23 =	vmax.f32 v24, v23;
	v24 =	vmul.f32 $2.000000030e-01, v26;
	v28 =	vadd.f32 v20, v16;
	v19 =	vld.idx.msk [tilespmem:v10+s17+$0xFFFFFF70 ss:$0x1], $0xffff  }
0x116: {  	v21 =	vadd.f32 $0.0e+00, v21;
	v23 =	vmul.f32 v23, v2;
	v29 =	vld.idx.msk [tilespmem:v9+s17+$0x70 ss:$0x1], $0xffff  }
0x117: {  	v24 =	vmax.f32 v26, v24;
	v26 =	vmul.f32 $2.000000030e-01, v28;
	v22 =	vadd.f32 v22, v17;
	v20 =	vld.idx.msk [tilespmem:v10+s17+$0xFFFFFF80 ss:$0x1], $0xffff  }
0x118: {  	v21 =	vadd.f32 v23, v21;
	v23 =	vmul.f32 v24, v3  }
0x119: {  	v24 =	vmax.f32 v28, v26;
	v26 =	vmul.f32 $2.000000030e-01, v22;
	v25 =	vadd.f32 v25, v18  }
0x11a: {  	v21 =	vadd.f32 v23, v21;
	v23 =	vmul.f32 v24, v4  }
0x11b: {  	v22 =	vmax.f32 v22, v26;
	v24 =	vmul.f32 $2.000000030e-01, v25;
	v26 =	vadd.f32 v27, v19  }
0x11c: {  	v21 =	vadd.f32 v23, v21;
	v22 =	vmul.f32 v22, v5  }
0x11d: {  	v23 =	vmax.f32 v25, v24;
	v24 =	vmul.f32 $2.000000030e-01, v26;
	v25 =	vadd.f32 v29, v20  }
0x11e: {  	v21 =	vadd.f32 v22, v21;
	v22 =	vmul.f32 v23, v6  }
0x11f: {  	v23 =	vmax.f32 v26, v24;
	v24 =	vmul.f32 $2.000000030e-01, v25  }
0x120: {  	v21 =	vadd.f32 v22, v21;
	v22 =	vmul.f32 v23, v7  }
0x121: {  	v23 =	vmax.f32 v25, v24  }
0x122: {  	v21 =	vadd.f32 v22, v21;
	v22 =	vmul.f32 v23, v8;
	_ =	sdelay $0x1  }
0x123: {  	v21 =	vadd.f32 v22, v21;
	_ =	sdelay $0x1  }
0x124: {  	(xrf2) =	vadd.scan.msk.f32 $0xffff, v21;
	_ =	sdelay $0x9  }
0x125: {  	v21, _, _ =	vpop (xrf2)  }
.Ltmp7:
0x126: {  	v21 =	vperm.xlane v21, v0;
	(pc) =	sbr.rel @p1 .LBB2_7-.Ltmp7, $3  }
0x127: {  	_ = 	snop  }
0x128: {  	v21 =	vmul.f32 $1.442695020e+00, v21;
	_ =	sdelay $0x1  }
0x129: {  	(erf) = vpow2.f32 v21  }
0x12a: {  	_ =	sdelay $0x3  }
0x12b: {  	v12 =	vbroadcast v12, $0x0;
	_ =	sdelay $0x3  }
0x12c: {  	v21 =	vpop (erf)  }
0x12d: {  	v13 =	vmul.f32 v21, v13  }
0x12e: {  	[tilespmem:v12+s24+$0x0] =	vst.idx.msk $0x1, v21;
	v54 =	vmul.f32 v21, v14  }
0x12f: {  	v55 =	vmul.f32 v21, v15;
	[tilespmem:v9+s17+$0x0 ss:$0x1] =	vst.idx.msk $0xffff, v13  }
0x130: {  	v56 =	vmul.f32 v21, v16;
	[tilespmem:v9+s17+$0x10 ss:$0x1] =	vst.idx.msk $0xffff, v54  }
0x131: {  	v57 =	vmul.f32 v21, v17;
	[tilespmem:v9+s17+$0x20 ss:$0x1] =	vst.idx.msk $0xffff, v55  }
0x132: {  	v58 =	vmul.f32 v21, v18;
	[tilespmem:v9+s17+$0x30 ss:$0x1] =	vst.idx.msk $0xffff, v56  }
0x133: {  	v59 =	vmul.f32 v21, v19;
	[tilespmem:v9+s17+$0x40 ss:$0x1] =	vst.idx.msk $0xffff, v57  }
0x134: {  	v60 =	vmul.f32 v21, v20;
	[tilespmem:v9+s17+$0x50 ss:$0x1] =	vst.idx.msk $0xffff, v58  }
0x135: {  	[tilespmem:v9+s17+$0x60 ss:$0x1] =	vst.idx.msk $0xffff, v59  }
0x136: {  	[tilespmem:v9+s17+$0x70 ss:$0x1] =	vst.idx.msk $0xffff, v60  }
0x137: {  	v12 =	vld.idx.msk [tilespmem:v10+s17+$0xFFFFFF90 ss:$0x1], $0xffff  }
0x138: {  	v13 =	vld.idx.msk [tilespmem:v9+s17+$0x80 ss:$0x1], $0xffff  }
0x139: {  	v61 =	vld.idx.msk [tilespmem:v9+s17+$0x90 ss:$0x1], $0xffff  }
0x13a: {  	v62 =	vld.idx.msk [tilespmem:v10+s17+$0xFFFFFFA0 ss:$0x1], $0xffff  }
0x13b: {  	v30 =	vld.idx.msk [tilespmem:v9+s17+$0xA0 ss:$0x1], $0xffff  }
0x13c: {  	v31 =	vld.idx.msk [tilespmem:v10+s17+$0xFFFFFFB0 ss:$0x1], $0xffff  }
0x13d: {  	v32 =	vld.idx.msk [tilespmem:v9+s17+$0xB0 ss:$0x1], $0xffff;
	v13 =	vadd.f32 v13, v12  }
0x13e: {  	v33 =	vld.idx.msk [tilespmem:v10+s17+$0xFFFFFFC0 ss:$0x1], $0xffff  }
0x13f: {  	v34 =	vld.idx.msk [tilespmem:v9+s17+$0xC0 ss:$0x1], $0xffff;
	v14 =	vadd.f32 v61, v62;
	v35 =	vmul.f32 $2.000000030e-01, v13  }
0x140: {  	v22 =	vld.idx.msk [tilespmem:v10+s17+$0xFFFFFFD0 ss:$0x1], $0xffff  }
0x141: {  	v23 =	vld.idx.msk [tilespmem:v9+s17+$0xD0 ss:$0x1], $0xffff;
	v16 =	vadd.f32 v30, v31;
	v36 =	vmul.f32 $2.000000030e-01, v14;
	v13 =	vmax.f32 v13, v35  }
0x142: {  	v24 =	vld.idx.msk [tilespmem:v10+s17+$0xFFFFFFE0 ss:$0x1], $0xffff;
	v13 =	vmul.f32 v13, v1  }
0x143: {  	v25 =	vld.idx.msk [tilespmem:v9+s17+$0xE0 ss:$0x1], $0xffff;
	v18 =	vadd.f32 v32, v33;
	v37 =	vmul.f32 $2.000000030e-01, v16;
	v14 =	vmax.f32 v14, v36  }
0x144: {  	v26 =	vld.idx.msk [tilespmem:v10+s17+$0xFFFFFFF0 ss:$0x1], $0xffff;
	v14 =	vmul.f32 v14, v2;
	v13 =	vadd.f32 $0.0e+00, v13  }
0x145: {  	v27 =	vld.idx.msk [tilespmem:v9+s17+$0xF0 ss:$0x1], $0xffff;
	v20 =	vadd.f32 v34, v22;
	v38 =	vmul.f32 $2.000000030e-01, v18;
	v16 =	vmax.f32 v16, v37  }
0x146: {  	v10 =	vld.idx.msk [tilespmem:v10+s17+$0x0 ss:$0x1], $0xffff;
	v39 =	vmul.f32 v16, v3;
	v13 =	vadd.f32 v14, v13  }
0x147: {  	v42 =	vadd.f32 v23, v24;
	v41 =	vmul.f32 $2.000000030e-01, v20;
	v40 =	vmax.f32 v18, v38  }
0x148: {  	v43 =	vmul.f32 v40, v4;
	v13 =	vadd.f32 v39, v13  }
0x149: {  	v46 =	vadd.f32 v25, v26;
	v45 =	vmul.f32 $2.000000030e-01, v42;
	v44 =	vmax.f32 v20, v41  }
0x14a: {  	v47 =	vmul.f32 v44, v5;
	v13 =	vadd.f32 v43, v13  }
0x14b: {  	v50 =	vadd.f32 v27, v10;
	v49 =	vmul.f32 $2.000000030e-01, v46;
	v48 =	vmax.f32 v42, v45  }
0x14c: {  	v51 =	vmul.f32 v48, v6;
	v13 =	vadd.f32 v47, v13  }
0x14d: {  	v53 =	vmul.f32 $2.000000030e-01, v50;
	v52 =	vmax.f32 v46, v49  }
0x14e: {  	v54 =	vmul.f32 v52, v7;
	v13 =	vadd.f32 v51, v13  }
0x14f: {  	v55 =	vmax.f32 v50, v53  }
0x150: {  	v56 =	vmul.f32 v55, v8;
	v13 =	vadd.f32 v54, v13;
	_ =	sdelay $0x1  }
0x151: {  	v13 =	vadd.f32 v56, v13;
	_ =	sdelay $0x1  }
0x152: {  	(xrf2) =	vadd.scan.msk.f32 $0xffff, v13;
	_ =	sdelay $0x9  }
0x153: {  	v13, _, _ =	vpop (xrf2)  }
0x154: {  	v13 =	vperm.xlane v13, v0;
	_ =	sdelay $0x1  }
0x155: {  	v13 =	vmul.f32 $1.442695020e+00, v13;
	_ =	sdelay $0x1  }
0x156: {  	(erf) = vpow2.f32 v13  }
0x157: {  	s21 =	sadd.s32 $0x3, s21  }
0x158: {  	v57 =	vmov s21  }
0x159: {  	v13 =	vand.u32 $0x7F, v57  }
0x15a: {  	v11 =	vor.u32 v11, v13  }
0x15b: {  	v11 =	vbroadcast v11, $0x0;
	_ =	sdelay $0x3  }
0x15c: {  	v58 =	vpop (erf)  }
0x15d: {  	v12 =	vmul.f32 v58, v12  }
0x15e: {  	[tilespmem:v11+s24+$0x0] =	vst.idx.msk $0x1, v58;
	v11 =	vmul.f32 v58, v62  }
0x15f: {  	v59 =	vmul.f32 v58, v31;
	[tilespmem:v9+s17+$0x80 ss:$0x1] =	vst.idx.msk $0xffff, v12  }
0x160: {  	v60 =	vmul.f32 v58, v33;
	[tilespmem:v9+s17+$0x90 ss:$0x1] =	vst.idx.msk $0xffff, v11  }
0x161: {  	v11 =	vmul.f32 v58, v22;
	[tilespmem:v9+s17+$0xA0 ss:$0x1] =	vst.idx.msk $0xffff, v59  }
0x162: {  	v61 =	vmul.f32 v58, v24;
	[tilespmem:v9+s17+$0xB0 ss:$0x1] =	vst.idx.msk $0xffff, v60  }
0x163: {  	v62 =	vmul.f32 v58, v26;
	[tilespmem:v9+s17+$0xC0 ss:$0x1] =	vst.idx.msk $0xffff, v11  }
0x164: {  	s14 =	sand.u32 $0x800, s14;
	s13 =	sshll.u32 s13, $0x7;
	v10 =	vmul.f32 v58, v10;
	[tilespmem:v9+s17+$0xD0 ss:$0x1] =	vst.idx.msk $0xffff, v61  }
.Ltmp8:
0x165: {  	s13 =	sor.u32 s13, s14;
	[tilespmem:v9+s17+$0xE0 ss:$0x1] =	vst.idx.msk $0xffff, v62;
	(pc) =	sbr.rel .LBB2_9-.Ltmp8, $4  }
0x166: {  	s28 =	sadd.s32 $0x6, s25;
	s13 =	sor.u32 $0x1000, s13;
	[tilespmem:v9+s17+$0xF0 ss:$0x1] =	vst.idx.msk $0xffff, v10  }
0x167: {  	[spmem:s3] =	stream.indirect.scatter.add.f32 [tilespmem:s20], [sflag:s28], $0x80, s13, s29, $0xb8;
	v63 =	vld [tilespmem:$0x0]  }
0x168: {  	s30 =	sor.u32 $0xC000, s18;
	s31 =	sadd.s32 $0x9, s15  }
0x169: {  	[spmem:s4] =	stream.indirect.scatter.add.f32 [tilespmem:s30], [sflag:s31], $0x1, s13, s29, $0xb8;
	v63 =	vld [tilespmem:$0x0]  }
.LBB2_11:
0x16a: {  	_ =	sfence.sel $0x180000  }
0x16b: {  	[bflag:$0x0] =	sbarrier.arrive $0xFFFF  }
0x16c: {  	_ =	strace $0x9000004A  }
0x16d: {  	s0 =	stileid.u32;
	[bflag:$0x2] =	sbarrier.arrive $0xFFFF  }
0x16e: {  	p0 =	sne.s32 s0, $0x0;
	s0 =	rddreg [dreg:$0x4]  }
0x16f: {  	s0 =	sadd.s32 @!p0 $0x100000, s0  }
0x170: {  	[sflag:s0] =	ssyncadd.tile.s32 @!p0 $0x1;
	_ =	shalt  }
.Lfunc_end2:
_tile_overlayer_lowered:
.L_overlay_start_2:
0x171: {  	(tag) =	ssettag $0x2  }
0x172: {  	s0 =	rddreg [dreg:$0x0];
	s2 =	stileid.u32  }
0x173: {  	s1 =	rddreg [dreg:$0x1];
	p0 =	sne.s32 s2, $0x0  }
0x174: {  	s3 =	rddreg [dreg:$0x2];
	[bflag:$0x3] =	sbarrier.arrive $0xFFFF;
	s2 =	simm.s32 @!p0 $0x1C0D  }
0x175: {  	[timem:s3], [sflag:s2] =	dma.local @!p0 [hbm:s0], s1  }
0x176: {  	s0 =	simm.s32 @!p0 $0xD  }
0x177: {  	_ =	swait.ge @!p0 [sflag:s0], s1  }
0x178: {  	s1 =	ssub.s32 @!p0 $0x0, s1;
	[sflag:s0] =	ssyncset.done @!p0 $0x0  }
0x179: {  	[sflag:s0] =	ssyncadd.s32 @!p0 s1  }
0x17a: {  	[bflag:$0x3] =	sbarrier.arrive $0xFFFF  }
0x17b: {  	_ =	shalt  }

// kernel: kernel.15.cloned.1.call-start
scs
__scs_entry_jumppad:
0x0: {  	(pc) =	sbr.rel $0x88, $3  }
0x1: {  	(tag) =	ssettag $0x0;
	lr =	simm.s32 $0x1  }
0x2: {  	[smem:$0x3F99] =	sst lr;
	_ =	strace $0xD0000000  }
0x3: {  	_ = 	snop  }
0x4: {  	_ = 	snop  }
0x5: {  	_ = 	snop  }
0x6: {  	_ = 	snop  }
0x7: {  	_ = 	snop  }
__scs_overlays_trampoline_lowered:
0x8: {  	[smem:$0x3FA8] =	sst s0  }
0x9: {  	[smem:$0x3FA9] =	sst s1  }
0xa: {  	[smem:$0x3FAA] =	sst s2  }
0xb: {  	[smem:$0x3FAB] =	sst s3  }
0xc: {  	[smem:$0x3FAC] =	sst s4  }
0xd: {  	[smem:$0x3FAD] =	sst s5  }
0xe: {  	[smem:$0x3FAE] =	sst s6  }
0xf: {  	[smem:$0x3FAF] =	sst s7  }
0x10: {  	[smem:$0x3FB0] =	sst s8  }
0x11: {  	[smem:$0x3FB1] =	sst s9;
	s0 =	simm.s32 @!p0 $0x0  }
0x12: {  	s1 =	sld [smem:$0x3F97];
	s0 =	simm.s32 @p0 $0x1  }
0x13: {  	[smem:$0x3FB2] =	sst s0;
	s0 =	simm.s32 @!p1 $0x0  }
0x14: {  	s2 =	sld [smem:$0x3F96];
	s0 =	simm.s32 @p1 $0x1  }
0x15: {  	[smem:$0x3FB3] =	sst s0;
	s0 =	simm.s32 @!p2 $0x0  }
0x16: {  	s3 =	sld [smem:$0x3FDB];
	s0 =	simm.s32 @p2 $0x1  }
0x17: {  	s4 =	simm.s32 $0x1BF5;
	[smem:$0x3FB5] =	sst s0  }
0x18: {  	s0 =	sld [smem:$0x3F98];
	_ =	swait.ge [sflag:s4], $0x0  }
0x19: {  	s7 =	sld [smem:$0x3F99]  }
0x1a: {  	s8 =	sadd.s32 $0xFFFFE003, lr  }
0x1b: {  	s9 =	sadd.s32 $0xFFFFFEF7, lr;
	s5 =	simm.s32 $0xFFFFFFFF;
	p2 =	slt.u32 s8, $0xFFFFF086  }
0x1c: {  	p1 =	slt.u32 s9, $0xF7A;
	s5 =	simm.s32 @!p2 $0x0  }
0x1d: {  	s5 =	simm.s32 @p1 $0x1;
	p0 =	seq.s32 s7, s2  }
0x1e: {  	s7 =	smul.u32 @!p0 $0xF7A, s2;
	p2 =	seq.s32 @!p0 s5, $0x0  }
0x1f: {  	s9 =	smul.u32 $0xF7A, s1;
	s8 =	simm.s32 @!p0 $0x1BF5;
	p2 =	por !p2, p0  }
0x20: {  	[sflag:s8] =	ssyncset.s32 @!p0 $0xFFFFF086;
	s6 =	sadd.s32 @!p0 s3, s7;
	s7 =	simm.s32 @!p0 $0x108  }
0x21: {  	s3 =	sadd.s32 s3, s9;
	s6 =	sadd.s32 @!p0 $0x88, s6;
	s7 =	simm.s32 @p2 $0x1082  }
0x22: {  	[simem:s7], [sflag:s8] =	dma.local @!p0 [hbm:s6], $0xF7A  }
0x23: {  	s9 =	sor.u32 $0xD0000000, s2;
	s6 =	simm.s32 $0x108;
	_ =	swait.ge @!p0 [sflag:s8], $0x0  }
0x24: {  	s3 =	sadd.s32 $0x88, s3;
	s6 =	simm.s32 @!p1 $0x1082;
	[sflag:s4] =	ssyncset.s32 $0xFFFFF086  }
0x25: {  	[simem:s6], [sflag:s4] =	dma.local [hbm:s3], $0xF7A  }
0x26: {  	[smem:$0x3F99] =	sst s1;
	(tag) =	ssettag s2;
	_ =	strace s9  }
0x27: {  	s1 =	sld [smem:$0x3FA9]  }
0x28: {  	s2 =	sld [smem:$0x3FAA]  }
0x29: {  	s4 =	sld [smem:$0x3FAC]  }
0x2a: {  	p0 =	seq.s32 s5, $0x0;
	s5 =	sld [smem:$0x3FAD]  }
0x2b: {  	s6 =	sld [smem:$0x3FAE]  }
0x2c: {  	s7 =	sld [smem:$0x3FAF]  }
0x2d: {  	s3 =	simm.s32 $0x108;
	s8 =	sld [smem:$0x3FB0]  }
0x2e: {  	s3 =	simm.s32 @!p0 $0x1082;
	s9 =	sld [smem:$0x3FB1]  }
0x2f: {  	lr =	sadd.s32 s0, s3;
	s0 =	sld [smem:$0x3FA8]  }
0x30: {  	s3 =	sld [smem:$0x3FAB]  }
0x31: {  	[smem:$0x3FB4] =	sst s10  }
0x32: {  	s10 =	sld [smem:$0x3FB2];
	_ =	sdelay $0x3  }
0x33: {  	p0 =	seq.s32 s10, $0x1;
	s10 =	sld [smem:$0x3FB4];
	_ =	sdelay $0x3  }
0x34: {  	[smem:$0x3FB4] =	sst s10  }
0x35: {  	s10 =	sld [smem:$0x3FB3];
	_ =	sdelay $0x3  }
0x36: {  	p1 =	seq.s32 s10, $0x1;
	s10 =	sld [smem:$0x3FB4];
	_ =	sdelay $0x3  }
0x37: {  	[smem:$0x3FB4] =	sst s10  }
0x38: {  	s10 =	sld [smem:$0x3FB5]  }
0x39: {  	_ = 	snop;
	(pc) =	sbr.ind lr, $3  }
0x3a: {  	_ = 	snop  }
0x3b: {  	_ = 	snop  }
0x3c: {  	p2 =	seq.s32 s10, $0x1;
	s10 =	sld [smem:$0x3FB4]  }
0x3d: {  	_ =	shalt  }
0x3e: {  	_ =	shalt  }
0x3f: {  	_ =	shalt  }
0x40: {  	_ =	shalt  }
0x41: {  	_ =	shalt  }
0x42: {  	_ =	shalt  }
0x43: {  	_ =	shalt  }
0x44: {  	_ =	shalt  }
0x45: {  	_ =	shalt  }
0x46: {  	_ =	shalt  }
0x47: {  	_ =	shalt  }
0x48: {  	_ =	shalt  }
0x49: {  	_ =	shalt  }
0x4a: {  	_ =	shalt  }
0x4b: {  	_ =	shalt  }
0x4c: {  	_ =	shalt  }
0x4d: {  	_ =	shalt  }
0x4e: {  	_ =	shalt  }
0x4f: {  	_ =	shalt  }
0x50: {  	_ =	shalt  }
0x51: {  	_ =	shalt  }
0x52: {  	_ =	shalt  }
0x53: {  	_ =	shalt  }
0x54: {  	_ =	shalt  }
0x55: {  	_ =	shalt  }
0x56: {  	_ =	shalt  }
0x57: {  	_ =	shalt  }
0x58: {  	_ =	shalt  }
0x59: {  	_ =	shalt  }
0x5a: {  	_ =	shalt  }
0x5b: {  	_ =	shalt  }
0x5c: {  	_ =	shalt  }
0x5d: {  	_ =	shalt  }
0x5e: {  	_ =	shalt  }
0x5f: {  	_ =	shalt  }
0x60: {  	_ =	shalt  }
0x61: {  	_ =	shalt  }
0x62: {  	_ =	shalt  }
0x63: {  	_ =	shalt  }
0x64: {  	_ =	shalt  }
0x65: {  	_ =	shalt  }
0x66: {  	_ =	shalt  }
0x67: {  	_ =	shalt  }
0x68: {  	_ =	shalt  }
0x69: {  	_ =	shalt  }
0x6a: {  	_ =	shalt  }
0x6b: {  	_ =	shalt  }
0x6c: {  	_ =	shalt  }
0x6d: {  	_ =	shalt  }
0x6e: {  	_ =	shalt  }
0x6f: {  	_ =	shalt  }
0x70: {  	_ =	shalt  }
0x71: {  	_ =	shalt  }
0x72: {  	_ =	shalt  }
0x73: {  	_ =	shalt  }
0x74: {  	_ =	shalt  }
0x75: {  	_ =	shalt  }
0x76: {  	_ =	shalt  }
0x77: {  	_ =	shalt  }
0x78: {  	_ =	shalt  }
0x79: {  	_ =	shalt  }
0x7a: {  	_ =	shalt  }
0x7b: {  	_ =	shalt  }
0x7c: {  	_ =	shalt  }
0x7d: {  	_ =	shalt  }
0x7e: {  	_ =	shalt  }
0x7f: {  	_ =	shalt  }
0x80: {  	_ =	shalt  }
0x81: {  	_ =	shalt  }
0x82: {  	_ =	shalt  }
0x83: {  	_ =	shalt  }
0x84: {  	_ =	shalt  }
0x85: {  	_ =	shalt  }
0x86: {  	_ =	shalt  }
0x87: {  	_ =	shalt  }
.Lfunc_end0:
.L_simem_size_0:
called_computation.2_lowered:
.L_overlay_start_0:
0x88: {  	s2 =	sld [smem:$0x3FD9]  }
0x89: {  	s3 =	sld [smem:$0x3FFE];
	_ =	sdelay $0x1  }
0x8a: {  	s1 =	srdreg.scid  }
0x8b: {  	s0 =	sand.u32 $0x1, s1  }
0x8c: {  	s17 =	sshll.u32 s0, $0xA;
	s2 =	sadd.s32 s3, s2  }
0x8d: {  	s2 =	sadd.s32 s2, s17  }
0x8e: {  	[smem:$0x3FC0] =	sst s2  }
0x8f: {  	_ = 	snop  }
0x90: {  	s2 =	sld [smem:$0x3FC2];
	(tm) =	ssettm $0x1  }
0x91: {  	s18 =	sld [smem:$0x3FFB];
	_ =	sdelay $0x3  }
0x92: {  	_ =	strace s18  }
0x93: {  	s3 =	sld [smem:$0x3FFC];
	_ =	sdelay $0x3  }
0x94: {  	_ =	strace s3  }
0x95: {  	s3 =	sld [smem:$0x3FFD];
	_ =	sdelay $0x3  }
0x96: {  	_ =	strace s3  }
0x97: {  	_ =	strace $0x8FFFFFFF  }
0x98: {  	s19 =	sld [smem:$0x3FDB];
	_ =	sdelay $0x1  }
0x99: {  	s4 =	simm.s32 $_scs_section_size  }
0x9a: {  	s5 =	simm.s32 $_size__tile_overlayer_lowered;
	s6 =	simm.s32 $_tile_overlayer_lowered  }
0x9b: {  	s22 =	simm.s32 $0x1BFF;
	s21 =	sshll.u32 s6, $0x1;
	s3 =	sadd.s32 s4, s19  }
0x9c: {  	s7 =	simm.s32 $0x0;
	s20 =	sshll.u32 s5, $0x1;
	s5 =	sadd.s32 s21, s3  }
0x9d: {  	[timem:s7], [sflag:s22] =	dma.local [hbm:s5], s20  }
0x9e: {  	_ =	swait.ge [sflag:s22], s20  }
0x9f: {  	s4 =	ssub.s32 $0x0, s20;
	[sflag:s22] =	ssyncset.done $0x0  }
0xa0: {  	[sflag:s22] =	ssyncadd.s32 s4;
	_ =	sdelay $0x1  }
0xa1: {  	s23 =	simm.s32 $0x1B8B  }
0xa2: {  	_ =	swait.ge [sflag:s23], $0x1  }
0xa3: {  	[sflag:s23] =	ssyncset.done $0x0  }
0xa4: {  	s25 =	simm.s32 $0x1B8E;
	s24 =	sld [smem:$0x3FFE];
	[sflag:s23] =	ssyncadd.s32 $0xFFFFFFFF  }
0xa5: {  	s26 =	simm.s32 $execute0_lowered;
	[smem:$0x3FD2] =	sst s25  }
0xa6: {  	s5 =	sshll.u32 s26, $0x1;
	_ =	strace $0x8000004C;
	[dreg:$0x1] =	wrdreg $0xFFFFFFFF  }
0xa7: {  	s28 =	simm.s32 $_size_execute0_lowered;
	s3 =	sadd.s32 s3, s5;
	[dreg:$0x0] =	wrdreg $0x0  }
0xa8: {  	s5 =	sshll.u32 s28, $0x1;
	[dreg:$0x2] =	wrdreg s3  }
0xa9: {  	[dreg:$0x3] =	wrdreg s5  }
0xaa: {  	[dreg:$0x4] =	wrdreg $0xC0  }
0xab: {  	_ =	task [dreg:s7], $0x5FFFF  }
0xac: {  	[dreg:$0x1] =	wrdreg $0xFFFFFFFF  }
0xad: {  	[dreg:$0x0] =	wrdreg $0x60  }
0xae: {  	[dreg:$0x2] =	wrdreg s24  }
0xaf: {  	[dreg:$0x3] =	wrdreg s2  }
0xb0: {  	[dreg:$0x4] =	wrdreg $0xC1800  }
0xb1: {  	[dreg:$0x5] =	wrdreg $0x1FD800  }
0xb2: {  	[dreg:$0x6] =	wrdreg $0x9  }
0xb3: {  	_ =	task.clear_ibuf [dreg:s7], $0x7FFFF;
	_ =	strace $0x9000004C  }
0xb4: {  	s29 =	simm.s32 $0x9;
	_ =	strace $0x8000004E  }
0xb5: {  	_ =	swait.ge [sflag:s29], $0x1  }
0xb6: {  	[sflag:s29] =	ssyncadd.s32 $0xFFFFFFFF  }
0xb7: {  	_ =	strace $0x9000004E  }
0xb8: {  	_ =	sfence  }
0xb9: {  	s30 =	sld [smem:$0x0];
	_ =	sdelay $0x2  }
0xba: {  	s31 =	sshll.u32 s1, $0xD;
	s1 =	sshrl.u32 s1, $0x2  }
0xbb: {  	s3 =	sand.u32 $0x4000, s31;
	s1 =	sadd.s32 s1, s30  }
0xbc: {  	s0 =	sor.u32 s3, s0;
	s1 =	sshll.u32 s1, $0x11  }
0xbd: {  	s0 =	sor.u32 s1, s0  }
0xbe: {  	s0 =	sadd.s32 $0x8F2B, s0  }
0xbf: {  	[sflag:s0] =	ssyncadd.remote.s32 $0x1  }
0xc0: {  	_ =	sfence.sel $0xFFFF  }
0xc1: {  	[dreg:$0x0] =	wrdreg $0xFFFFFFFF;
	(pc) =	sbr.abs _section_cstart, $3  }
0xc2: {  	[dreg:$0x1] =	wrdreg $0xFFFFFFFF  }
0xc3: {  	_ =	task.clear_ibuf [dreg:s7], $0x2FFFF;
	_ =	strace $0x9FFFFFFF  }
0xc4: {  	(tm) =	ssettm $0x7FFFFFFF  }
0xc5: {  	_ =	shalt  }
tec
execute0_lowered:
.L_overlay_start_1:
0x0: {  	(tag) =	ssettag $0x1  }
0x1: {  	s0 =	rddreg [dreg:$0x0]  }
0x2: {  	s3 =	rddreg [dreg:$0x2]  }
0x3: {  	s4 =	rddreg [dreg:$0x3];
	s16 =	stileid.u32;
	s5 =	simm.s32 $0x0  }
0x4: {  	s2 =	srdreg.scid;
	s29 =	simm.s32 $0x40;
	s1 =	smul.u32 $0x2780, s16  }
0x5: {  	[smem:$0x7FF] =	sst s5;
	s9 =	smul.u32 $0x280, s16;
	s2 =	sand.u32 $0x1, s2  }
0x6: {  	s6 =	sadd.s32 $0x2AC00, s0;
	s7 =	sadd.s32 $0x16C00, s0;
	s8 =	sadd.s32 $0x2C00, s0  }
0x7: {  	s21 =	sshll.u32 s16, $0x6;
	_ =	strace $0x8000004D;
	s10 =	smul.u32 $0x27800, s2  }
0x8: {  	s11 =	smul.u32 $0x2800, s2;
	s17 =	ssub.s32 $0x2, s2;
	s2 =	sshll.u32 s2, $0x4  }
0x9: {  	s12 =	sadd.s32 s1, s0;
	s13 =	sshrl.u32 s9, $0x3;
	s14 =	sshrl.u32 s17, $0x1  }
0xa: {  	s2 =	sor.u32 s16, s2;
	s13 =	sadd.s32 s13, s0;
	s1 =	sadd.s32 s1, s10  }
0xb: {  	s15 =	sadd.s32 s9, s11;
	s18 =	ssub.s32 s17, s14;
	s22 =	smul.u32 $0xA00, s2  }
0xc: {  	s23 =	sadd.s32 $0x52A00, s12;
	s9 =	sadd.s32 s9, s4;
	s19 =	smul.u32 $0x2800, s2  }
0xd: {  	s1 =	sadd.s32 s1, s0;
	s10 =	sshrl.u32 s15, $0x3;
	[dreg:$0x6] =	wrdreg s23  }
0xe: {  	s15 =	smul.u32 $0x4F000, s16;
	[dreg:$0x7] =	wrdreg s9;
	s24 =	sadd.s32 $0x52400, s13  }
0xf: {  	s16 =	smul.u32 $0x5000, s2;
	s31 =	smax.u32 s18, $0x1;
	[dreg:$0x8] =	wrdreg s24  }
0x10: {  	s23 =	simm.s32 $0xD;
	s25 =	sadd.s32 s7, s22;
	[dreg:$0xf] =	wrdreg s31  }
0x11: {  	s0 =	sadd.s32 s10, s0;
	s26 =	sadd.s32 s8, s22;
	[dreg:$0x9] =	wrdreg s25  }
0x12: {  	s28 =	sor.u32 $0x100, s22;
	s1 =	sadd.s32 $0x7AC00, s1;
	[dreg:$0xa] =	wrdreg s26  }
.Ltmp0:
0x13: {  	s30 =	sadd.s32 s7, s28;
	[dreg:$0xd] =	wrdreg s1;
	(pc) =	sbr.rel .LBB2_1-.Ltmp0, $4  }
0x14: {  	s24 =	simm.s32 $0xC000;
	s9 =	sadd.s32 s8, s28;
	[dreg:$0xb] =	wrdreg s30  }
0x15: {  	s20 =	sshrl.u32 s15, $0x2;
	s0 =	sadd.s32 $0x7A200, s0;
	[dreg:$0xc] =	wrdreg s9  }
0x16: {  	s1 =	simm.s32 $0x0;
	s11 =	sadd.s32 s20, s3;
	[dreg:$0xe] =	wrdreg s0  }
0x17: {  	v0 =	vimm.s32 $0xF;
	s0 =	simm.s32 $0xA;
	[dreg:$0x5] =	wrdreg s11;
	s11 =	sor.u32 $0x1C0D, s21  }
.LBB2_10:
0x18: {  	s10 =	simm.s32 $0x7  }
0x19: {  	_ =	swait.ge [sflag:s10], $0x2000  }
0x1a: {  	[sflag:s10] =	ssyncset.done $0x0  }
0x1b: {  	s22 =	simm.s32 $0x8;
	[sflag:s10] =	ssyncadd.s32 $0xFFFFE000  }
0x1c: {  	_ =	swait.ge [sflag:s22], $0x2000  }
0x1d: {  	[sflag:s22] =	ssyncset.done $0x0  }
0x1e: {  	s25 =	simm.s32 $0x6;
	[sflag:s22] =	ssyncadd.s32 $0xFFFFE000  }
0x1f: {  	_ =	swait.ge [sflag:s25], $0x2000  }
0x20: {  	[sflag:s25] =	ssyncset.done $0x0  }
0x21: {  	s26 =	simm.s32 $0x9;
	[sflag:s25] =	ssyncadd.s32 $0xFFFFE000  }
0x22: {  	_ =	swait.ge [sflag:s26], $0x40  }
0x23: {  	[sflag:s26] =	ssyncset.done $0x0  }
0x24: {  	[sflag:s26] =	ssyncadd.s32 $0xFFFFFFC0  }
0x25: {  	_ =	swait.ge [sflag:s0], $0x40  }
0x26: {  	[sflag:s0] =	ssyncset.done $0x0  }
0x27: {  	[sflag:s0] =	ssyncadd.s32 $0xFFFFFFC0  }
0x28: {  	[bflag:$0x0] =	sbarrier.arrive $0xFFFF  }
0x29: {  	s28 =	rddreg [dreg:$0xd]  }
0x2a: {  	[hbm:s28], [sflag:s11] =	dma.local [spmem:s2], $0x2780  }
0x2b: {  	_ =	swait.ge [sflag:s23], $0x2780  }
0x2c: {  	[sflag:s23] =	ssyncset.done $0x0  }
0x2d: {  	s30 =	rddreg [dreg:$0xe];
	[sflag:s23] =	ssyncadd.s32 $0xFFFFD880  }
0x2e: {  	[hbm:s30], [sflag:s11] =	dma.local [spmem:s9], $0x50  }
0x2f: {  	_ =	swait.ge [sflag:s23], $0x50  }
0x30: {  	s1 =	sadd.s32 $0x1, s1;
	s31 =	rddreg [dreg:$0xf]  }
0x31: {  	p0 =	sne.s32 s1, s31  }
.Ltmp1:
0x32: {  	_ = 	snop;
	(pc) =	sbr.rel @!p0 .LBB2_11-.Ltmp1, $3  }
0x33: {  	_ =	sdelay $0x1  }
0x34: {  	[sflag:s23] =	ssyncset.done $0x0  }
0x35: {  	[sflag:s23] =	ssyncadd.s32 $0xFFFFFFB0  }
.LBB2_1:
0x36: {  	s2 =	rddreg [dreg:$0x5]  }
0x37: {  	s9 =	rddreg [dreg:$0x6];
	s2 =	sshrl.u32 s2, $0x3  }
0x38: {  	[spmem:s2], [sflag:s11] =	dma.local [hbm:s9], $0x2780  }
0x39: {  	_ =	swait.ge [sflag:s23], $0x2780  }
0x3a: {  	[sflag:s23] =	ssyncset.done $0x0;
	s13 =	rddreg [dreg:$0x7]  }
0x3b: {  	s10 =	rddreg [dreg:$0x8];
	[sflag:s23] =	ssyncadd.s32 $0xFFFFD880;
	s9 =	sshrl.u32 s13, $0x3  }
0x3c: {  	[spmem:s9], [sflag:s11] =	dma.local [hbm:s10], $0x50  }
0x3d: {  	_ =	swait.ge [sflag:s23], $0x50  }
0x3e: {  	[sflag:s23] =	ssyncset.done $0x0  }
0x3f: {  	[sflag:s23] =	ssyncadd.s32 $0xFFFFFFB0  }
0x40: {  	s12 =	simm.s32 $0xC100;
	s14 =	rddreg [dreg:$0x1]  }
0x41: {  	[tilespmem:s12], [sflag:$0xD] =	stream.linear.gather [hbm4b:s14+s5], $0x80, $0x38;
	v63 =	vld [tilespmem:$0x0]  }
0x42: {  	_ =	swait.ge [sflag:s23], $0x80  }
0x43: {  	[sflag:s23] =	ssyncset.done $0x0  }
0x44: {  	[sflag:s23] =	ssyncadd.s32 $0xFFFFFF80  }
0x45: {  	v1 =	vld [tilespmem:$0xC100]  }
0x46: {  	v2 =	vld [tilespmem:$0xC110]  }
0x47: {  	v3 =	vld [tilespmem:$0xC120]  }
0x48: {  	v4 =	vld [tilespmem:$0xC130]  }
0x49: {  	v5 =	vld [tilespmem:$0xC140]  }
0x4a: {  	v6 =	vld [tilespmem:$0xC150]  }
0x4b: {  	v7 =	vld [tilespmem:$0xC160]  }
0x4c: {  	v8 =	vld [tilespmem:$0xC170];
	[bflag:$0x0] =	sbarrier.arrive $0xFFFF  }
0x4d: {  	s15 =	rddreg [dreg:$0x9]  }
0x4e: {  	[tilespmem:s5], [sflag:$0xD] =	stream.linear.gather [hbm4b:s15+s5], $0x800, $0x38;
	v63 =	vld [tilespmem:$0x0]  }
0x4f: {  	_ =	swait.ge [sflag:s23], $0x800  }
0x50: {  	[sflag:s23] =	ssyncset.done $0x0  }
0x51: {  	s18 =	simm.s32 $0x1000;
	s17 =	rddreg [dreg:$0xa];
	[sflag:s23] =	ssyncadd.s32 $0xFFFFF800  }
0x52: {  	[tilespmem:s18], [sflag:$0xD] =	stream.linear.gather [hbm4b:s17+s5], $0x800, $0x38;
	v63 =	vld [tilespmem:$0x0]  }
0x53: {  	_ =	swait.ge [sflag:s23], $0x800  }
0x54: {  	[sflag:s23] =	ssyncset.done $0x0  }
0x55: {  	s13 =	simm.s32 $0x800;
	s20 =	rddreg [dreg:$0xb];
	[sflag:s23] =	ssyncadd.s32 $0xFFFFF800  }
0x56: {  	[tilespmem:s13], [sflag:$0xB] =	stream.linear.gather [hbm4b:s20+s5], $0x800, $0x38;
	v63 =	vld [tilespmem:$0x0]  }
0x57: {  	s22 =	simm.s32 $0x1800;
	s21 =	rddreg [dreg:$0xc]  }
0x58: {  	[tilespmem:s22], [sflag:$0xC] =	stream.linear.gather [hbm4b:s21+s5], $0x800, $0x38;
	v63 =	vld [tilespmem:$0x0]  }
0x59: {  	s25 =	simm.s32 $0x2000  }
0x5a: {  	[tilespmem:s25], [sflag:$0x1] =	stream.indirect.gather [hbm4b:s6+s29], $0x80, s5, s29, $0xb8;
	v63 =	vld [tilespmem:$0x0]  }
0x5b: {  	s10 =	simm.s32 $0x6000  }
0x5c: {  	[tilespmem:s10], [sflag:$0x3] =	stream.indirect.gather [hbm4b:s6+s29], $0x80, s18, s29, $0xb8;
	v63 =	vld [tilespmem:$0x0]  }
.Ltmp2:
0x5d: {  	_ = 	snop;
	(pc) =	sbr.rel .LBB2_2-.Ltmp2, $4  }
0x5e: {  	s26 =	simm.s32 $0x80;
	s28 =	simm.s32 $0x4000;
	s30 =	simm.s32 $0x1080  }
0x5f: {  	[tilespmem:s28], [sflag:$0x2] =	stream.indirect.gather [hbm4b:s6+s29], $0x80, s26, s29, $0xb8;
	v63 =	vld [tilespmem:$0x0]  }
0x60: {  	s31 =	simm.s32 $0x8000;
	p0 =	por $0x0, $0x0;
	s12 =	simm.s32 $0x0  }
0x61: {  	[tilespmem:s31], [sflag:$0x4] =	stream.indirect.gather [hbm4b:s6+s29], $0x80, s30, s29, $0xb8;
	v63 =	vld [tilespmem:$0x0]  }
.LBB2_9:
0x62: {  	s13 =	sadd.s32 $0x2, s12  }
0x63: {  	s14 =	sshll.u32 s13, $0x6  }
0x64: {  	p2 =	sgt.u32 s12, $0x9D;
	s14 =	sadd.s32 s19, s14  }
0x65: {  	p4 =	sgt.u32 @!p2 s14, $0x4E1FF  }
0x66: {  	p1 =	por p4, p2  }
0x67: {  	p5 =	seq.s32 @!p1 s12, $0x0  }
0x68: {  	p3 =	por @!p2 p5, p4  }
0x69: {  	p3 =	por p3, p2  }
0x6a: {  	s14 =	smul.u32 @!p3 $0xAB, s13;
	_ =	sdelay $0x1  }
0x6b: {  	s17 =	sshll.u32 @!p1 s15, $0xD;
	s18 =	sshll.u32 @!p1 s13, $0x7;
	s14 =	sshrl.u32 @!p3 s14, $0x9  }
0x6c: {  	s15 =	sadd.s32 @!p1 $0x1, s15;
	s20 =	simm.s32 @!p1 $0x40;
	s14 =	sand.u32 @!p3 $0x7F, s14  }
0x6d: {  	s17 =	sadd.s32 @!p1 $0x2000, s17;
	s18 =	sand.u32 @!p1 $0xF80, s18;
	s14 =	smul.u32 @!p3 $0x3, s14  }
0x6e: {  	[tilespmem:s17], [sflag:s15] =	stream.indirect.gather @!p1 [hbm4b:s6+s20], $0x80, s18, s20, $0xb8;
	v63 =	vld [tilespmem:$0x0]  }
0x6f: {  	s13 =	ssub.s32 @!p3 s13, s14  }
0x70: {  	s13 =	sand.u32 @!p3 $0xFF, s13  }
0x71: {  	p4 =	por @!p2 !p5, p4;
	s14 =	sadd.s32 @!p3 $0x6, s13  }
0x72: {  	p2 =	por !p4, p2;
	_ =	swait.ge @!p3 [sflag:s14], $0x2000  }
0x73: {  	s13 =	simm.s32 @p2 $0x2;
	[sflag:s14] =	ssyncset.done @!p3 $0x0  }
0x74: {  	s12 =	sadd.s32 $0x1, s12;
	[sflag:s14] =	ssyncadd.s32 @!p3 $0xFFFFE000;
	s14 =	sshll.u32 @!p1 s13, $0xD  }
0x75: {  	s15 =	sor.u32 @!p1 $0x1000, s18;
	s13 =	sadd.s32 @!p1 $0x3, s13;
	s14 =	sadd.s32 @!p1 $0x6000, s14  }
0x76: {  	[tilespmem:s14], [sflag:s13] =	stream.indirect.gather @!p1 [hbm4b:s6+s20], $0x80, s15, s20, $0xb8;
	v63 =	vld [tilespmem:$0x0]  }
0x77: {  	p1 =	sne.s32 s12, $0xA0  }
.Ltmp3:
0x78: {  	_ = 	snop;
	(pc) =	sbr.rel @!p1 .LBB2_10-.Ltmp3, $2  }
0x79: {  	_ =	sdelay $0x2  }
0x7a: {  	s10 =	sadd.s32 $0x2000, s10;
	p0 =	por !p0, !p0  }
.LBB2_2:
0x7b: {  	s14 =	sshrl.u32 s12, $0x4;
	s13 =	sand.u32 $0xF, s12  }
0x7c: {  	p1 =	sne.s32 s13, $0x0;
	s15 =	sadd.s32 $0xFFFFFFFF, s14  }
0x7d: {  	p2 =	sgt.u32 @!p1 s15, $0x7  }
0x7e: {  	p1 =	por p1, p2  }
.Ltmp4:
0x7f: {  	_ = 	snop;
	(pc) =	sbr.rel @p1 .LBB2_4-.Ltmp4, $2  }
0x80: {  	_ =	sdelay $0x2  }
0x81: {  	s14 =	sshll.u32 s14, $0xB  }
0x82: {  	s15 =	sadd.s32 $0x800, s14  }
0x83: {  	s17 =	sadd.s32 s16, s15  }
.Ltmp5:
0x84: {  	s17 =	sshrl.u32 s17, $0x3;
	(pc) =	sbr.rel .LBB2_5-.Ltmp5, $4  }
0x85: {  	s15 =	sand.u32 $0x800, s15;
	s18 =	sadd.s32 s7, s17  }
0x86: {  	[tilespmem:s15], [sflag:$0xB] =	stream.linear.gather [hbm4b:s18+s5], $0x800, $0x38;
	v63 =	vld [tilespmem:$0x0]  }
0x87: {  	s17 =	sadd.s32 s8, s17;
	s15 =	sor.u32 $0x1000, s15  }
0x88: {  	[tilespmem:s15], [sflag:$0xC] =	stream.linear.gather [hbm4b:s17+s5], $0x800, $0x38;
	v63 =	vld [tilespmem:$0x0]  }
.LBB2_4:
0x89: {  	p1 =	sgt.u32 s12, $0x8F  }
0x8a: {  	p2 =	sne.s32 @!p1 s13, $0xE  }
0x8b: {  	p1 =	por p2, p1  }
0x8c: {  	s15 =	simm.s32 @!p1 $0xB  }
0x8d: {  	_ =	swait.ge @!p1 [sflag:s15], $0x800  }
0x8e: {  	[sflag:s15] =	ssyncset.done @!p1 $0x0  }
0x8f: {  	[sflag:s15] =	ssyncadd.s32 @!p1 $0xFFFFF800;
	s15 =	simm.s32 @!p1 $0xC  }
0x90: {  	_ =	swait.ge @!p1 [sflag:s15], $0x800  }
0x91: {  	[sflag:s15] =	ssyncset.done @!p1 $0x0  }
0x92: {  	[sflag:s15] =	ssyncadd.s32 @!p1 $0xFFFFF800  }
.LBB2_5:
0x93: {  	s15 =	sshll.u32 s12, $0x6  }
0x94: {  	s15 =	sadd.s32 s19, s15  }
0x95: {  	p1 =	sgt.u32 s15, $0x4E1FF  }
.Ltmp6:
0x96: {  	_ = 	snop;
	(pc) =	sbr.rel @p1 .LBB2_9-.Ltmp6, $2  }
0x97: {  	_ =	sdelay $0x2  }
0x98: {  	s15 =	sand.u32 $0x1, s12  }
0x99: {  	s17 =	smul.u32 $0xAB, s12;
	_ =	sdelay $0x1  }
0x9a: {  	s17 =	sshrl.u32 s17, $0x9  }
0x9b: {  	s18 =	smulhi.u32 $0xAAAAAAAB, s12;
	s17 =	sand.u32 $0x7F, s17  }
0x9c: {  	s20 =	sadd.s32 $0x1, s15;
	s17 =	smul.u32 $0x3, s17  }
0x9d: {  	s21 =	simm.s32 $0x1;
	_ =	swait.ge [sflag:s20], $0x2000  }
0x9e: {  	s21 =	simm.s32 @!p0 $0x0;
	s18 =	sshrl.u32 s18, $0x1;
	s17 =	ssub.s32 s12, s17  }
0x9f: {  	[sflag:s20] =	ssyncset.done $0x0;
	s18 =	smul.u32 $0xFFFE8000, s18;
	s25 =	sand.u32 $0xFF, s17  }
0xa0: {  	s28 =	sshll.u32 s21, $0xD;
	[sflag:s20] =	ssyncadd.s32 $0xFFFFE000;
	s30 =	sadd.s32 $0x3, s25  }
0xa1: {  	s18 =	sshra.s32 s18, $0x2;
	s17 =	sadd.s32 $0x20F0, s28;
	_ =	swait.ge [sflag:s30], $0x2000  }
0xa2: {  	p1 =	slt.u32 s12, $0x2;
	s18 =	sadd.s32 s18, s10;
	v10 =	vmov s17;
	[sflag:s30] =	ssyncset.done $0x0  }
0xa3: {  	v9 =	vmov s18;
	s17 =	sadd.s32 @!p1 $0x9, s15;
	[sflag:s30] =	ssyncadd.s32 $0xFFFFE000  }
0xa4: {  	_ =	swait.ge @!p1 [sflag:s17], $0x40  }
0xa5: {  	[sflag:s17] =	ssyncset.done @!p1 $0x0  }
0xa6: {  	[sflag:s17] =	ssyncadd.s32 @!p1 $0xFFFFFFC0;
	s17 =	simm.s32 $0x0  }
0xa7: {  	v13 =	vld.idx.msk [tilespmem:v10+s17+$0xFFFFFF10 ss:$0x1], $0xffff  }
0xa8: {  	v11 =	vld.idx.msk [tilespmem:v9+s17+$0x0 ss:$0x1], $0xffff  }
0xa9: {  	v12 =	vld.idx.msk [tilespmem:v9+s17+$0x10 ss:$0x1], $0xffff  }
0xaa: {  	v14 =	vld.idx.msk [tilespmem:v10+s17+$0xFFFFFF20 ss:$0x1], $0xffff  }
0xab: {  	v18 =	vld.idx.msk [tilespmem:v9+s17+$0x20 ss:$0x1], $0xffff  }
0xac: {  	v15 =	vld.idx.msk [tilespmem:v10+s17+$0xFFFFFF30 ss:$0x1], $0xffff  }
0xad: {  	v19 =	vld.idx.msk [tilespmem:v9+s17+$0x30 ss:$0x1], $0xffff;
	v11 =	vadd.f32 v11, v13  }
0xae: {  	v16 =	vld.idx.msk [tilespmem:v10+s17+$0xFFFFFF40 ss:$0x1], $0xffff  }
0xaf: {  	v20 =	vld.idx.msk [tilespmem:v9+s17+$0x40 ss:$0x1], $0xffff;
	v12 =	vadd.f32 v12, v14;
	v21 =	vmul.f32 $2.000000030e-01, v11  }
0xb0: {  	v17 =	vld.idx.msk [tilespmem:v10+s17+$0xFFFFFF50 ss:$0x1], $0xffff  }
0xb1: {  	v22 =	vld.idx.msk [tilespmem:v9+s17+$0x50 ss:$0x1], $0xffff;
	v23 =	vadd.f32 v18, v15;
	v11 =	vmax.f32 v11, v21;
	v21 =	vmul.f32 $2.000000030e-01, v12  }
0xb2: {  	v18 =	vld.idx.msk [tilespmem:v10+s17+$0xFFFFFF60 ss:$0x1], $0xffff;
	v11 =	vmul.f32 v11, v1  }
0xb3: {  	v24 =	vld.idx.msk [tilespmem:v9+s17+$0x60 ss:$0x1], $0xffff;
	v25 =	vadd.f32 v19, v16;
	v12 =	vmax.f32 v12, v21;
	v21 =	vmul.f32 $2.000000030e-01, v23  }
0xb4: {  	v19 =	vld.idx.msk [tilespmem:v10+s17+$0xFFFFFF70 ss:$0x1], $0xffff;
	v11 =	vadd.f32 $0.0e+00, v11;
	v12 =	vmul.f32 v12, v2  }
0xb5: {  	v26 =	vld.idx.msk [tilespmem:v9+s17+$0x70 ss:$0x1], $0xffff;
	v27 =	vadd.f32 v20, v17;
	v21 =	vmax.f32 v23, v21;
	v23 =	vmul.f32 $2.000000030e-01, v25  }
0xb6: {  	v20 =	vld.idx.msk [tilespmem:v10+s17+$0xFFFFFF80 ss:$0x1], $0xffff;
	v11 =	vadd.f32 v12, v11;
	v12 =	vmul.f32 v21, v3  }
0xb7: {  	v22 =	vadd.f32 v22, v18;
	v21 =	vmax.f32 v25, v23;
	v23 =	vmul.f32 $2.000000030e-01, v27  }
0xb8: {  	v11 =	vadd.f32 v12, v11;
	v12 =	vmul.f32 v21, v4  }
0xb9: {  	v24 =	vadd.f32 v24, v19;
	v21 =	vmax.f32 v27, v23;
	v23 =	vmul.f32 $2.000000030e-01, v22  }
0xba: {  	v11 =	vadd.f32 v12, v11;
	v12 =	vmul.f32 v21, v5  }
0xbb: {  	v21 =	vmax.f32 v22, v23;
	v22 =	vmul.f32 $2.000000030e-01, v24;
	v23 =	vadd.f32 v26, v20  }
0xbc: {  	v11 =	vadd.f32 v12, v11;
	v12 =	vmul.f32 v21, v6  }
0xbd: {  	v21 =	vmax.f32 v24, v22;
	v22 =	vmul.f32 $2.000000030e-01, v23  }
0xbe: {  	v11 =	vadd.f32 v12, v11;
	v12 =	vmul.f32 v21, v7  }
0xbf: {  	v21 =	vmax.f32 v23, v22  }
0xc0: {  	v11 =	vadd.f32 v12, v11;
	v12 =	vmul.f32 v21, v8;
	_ =	sdelay $0x1  }
0xc1: {  	v11 =	vadd.f32 v12, v11;
	_ =	sdelay $0x1  }
0xc2: {  	(xrf2) =	vadd.scan.msk.f32 $0xffff, v11;
	_ =	sdelay $0x9  }
0xc3: {  	v11, _, _ =	vpop (xrf2)  }
0xc4: {  	v11 =	vperm.xlane v11, v0  }
0xc5: {  	s22 =	simm.s32 $0x0  }
0xc6: {  	s18 =	sshll.u32 s15, $0x7;
	v12 =	vmov s22;
	v21 =	vmul.f32 $1.442695020e+00, v11  }
0xc7: {  	s31 =	sshll.u32 s25, $0xD;
	v12 =	vand.u32 $0x7E, v12;
	v11 =	vmov s18  }
0xc8: {  	s26 =	simm.s32 $0x0;
	s21 =	simm.s32 $0xFFFFFFFE;
	s20 =	sadd.s32 $0x6000, s31;
	v12 =	vor.u32 v11, v12;
	(erf) = vpow2.f32 v21  }
.LBB2_7:
0xc9: {  	_ =	sdelay $0x2  }
0xca: {  	s26 =	sadd.s32 $0x400, s26;
	s30 =	smov.u32 s22;
	s22 =	sadd.s32 $0x2, s22  }
0xcb: {  	v22 =	vbroadcast v12, $0x0;
	v21 =	vmov s22;
	p1 =	slt.u32 s22, $0x3E  }
0xcc: {  	s28 =	sshra.s32 s26, $0x2;
	v12 =	vand.u32 $0x7E, v21  }
0xcd: {  	v12 =	vor.u32 v11, v12;
	_ =	sdelay $0x1  }
0xce: {  	v21 =	vpop (erf)  }
0xcf: {  	v13 =	vmul.f32 v21, v13  }
0xd0: {  	v14 =	vmul.f32 v21, v14;
	[tilespmem:v22+s24+$0x0] =	vst.idx.msk $0x1, v21  }
0xd1: {  	[tilespmem:v9+s17+$0x0 ss:$0x1] =	vst.idx.msk $0xffff, v13;
	v13 =	vmul.f32 v21, v15  }
0xd2: {  	[tilespmem:v9+s17+$0x10 ss:$0x1] =	vst.idx.msk $0xffff, v14;
	v14 =	vmul.f32 v21, v16  }
0xd3: {  	[tilespmem:v9+s17+$0x20 ss:$0x1] =	vst.idx.msk $0xffff, v13;
	v13 =	vmul.f32 v21, v17  }
0xd4: {  	[tilespmem:v9+s17+$0x30 ss:$0x1] =	vst.idx.msk $0xffff, v14;
	v14 =	vmul.f32 v21, v18  }
0xd5: {  	[tilespmem:v9+s17+$0x40 ss:$0x1] =	vst.idx.msk $0xffff, v13;
	v13 =	vmul.f32 v21, v19  }
0xd6: {  	[tilespmem:v9+s17+$0x50 ss:$0x1] =	vst.idx.msk $0xffff, v14;
	v14 =	vmul.f32 v21, v20  }
0xd7: {  	[tilespmem:v9+s17+$0x60 ss:$0x1] =	vst.idx.msk $0xffff, v13  }
0xd8: {  	[tilespmem:v9+s17+$0x70 ss:$0x1] =	vst.idx.msk $0xffff, v14  }
0xd9: {  	v13 =	vld.idx.msk [tilespmem:v10+s17+$0xFFFFFF90 ss:$0x1], $0xffff  }
0xda: {  	v14 =	vld.idx.msk [tilespmem:v9+s17+$0x80 ss:$0x1], $0xffff  }
0xdb: {  	v15 =	vld.idx.msk [tilespmem:v9+s17+$0x90 ss:$0x1], $0xffff  }
0xdc: {  	v16 =	vld.idx.msk [tilespmem:v10+s17+$0xFFFFFFA0 ss:$0x1], $0xffff  }
0xdd: {  	v17 =	vld.idx.msk [tilespmem:v9+s17+$0xA0 ss:$0x1], $0xffff  }
0xde: {  	v18 =	vld.idx.msk [tilespmem:v10+s17+$0xFFFFFFB0 ss:$0x1], $0xffff  }
0xdf: {  	v19 =	vld.idx.msk [tilespmem:v9+s17+$0xB0 ss:$0x1], $0xffff  }
0xe0: {  	v14 =	vadd.f32 v14, v13;
	v20 =	vld.idx.msk [tilespmem:v10+s17+$0xFFFFFFC0 ss:$0x1], $0xffff  }
0xe1: {  	v21 =	vld.idx.msk [tilespmem:v9+s17+$0xC0 ss:$0x1], $0xffff  }
0xe2: {  	v23 =	vmul.f32 $2.000000030e-01, v14;
	v15 =	vadd.f32 v15, v16;
	v22 =	vld.idx.msk [tilespmem:v10+s17+$0xFFFFFFD0 ss:$0x1], $0xffff  }
0xe3: {  	v24 =	vld.idx.msk [tilespmem:v9+s17+$0xD0 ss:$0x1], $0xffff  }
0xe4: {  	v14 =	vmax.f32 v14, v23;
	v23 =	vmul.f32 $2.000000030e-01, v15;
	v17 =	vadd.f32 v17, v18;
	v25 =	vld.idx.msk [tilespmem:v10+s17+$0xFFFFFFE0 ss:$0x1], $0xffff  }
0xe5: {  	v14 =	vmul.f32 v14, v1;
	v26 =	vld.idx.msk [tilespmem:v9+s17+$0xE0 ss:$0x1], $0xffff  }
0xe6: {  	v15 =	vmax.f32 v15, v23;
	v23 =	vmul.f32 $2.000000030e-01, v17;
	v19 =	vadd.f32 v19, v20;
	v27 =	vld.idx.msk [tilespmem:v10+s17+$0xFFFFFFF0 ss:$0x1], $0xffff  }
0xe7: {  	v14 =	vadd.f32 $0.0e+00, v14;
	v15 =	vmul.f32 v15, v2;
	v28 =	vld.idx.msk [tilespmem:v9+s17+$0xF0 ss:$0x1], $0xffff  }
0xe8: {  	v17 =	vmax.f32 v17, v23;
	v23 =	vmul.f32 $2.000000030e-01, v19;
	v21 =	vadd.f32 v21, v22;
	v29 =	vld.idx.msk [tilespmem:v10+s17+$0x0 ss:$0x1], $0xffff  }
0xe9: {  	v14 =	vadd.f32 v15, v14;
	v15 =	vmul.f32 v17, v3  }
0xea: {  	v17 =	vmax.f32 v19, v23;
	v19 =	vmul.f32 $2.000000030e-01, v21;
	v23 =	vadd.f32 v24, v25  }
0xeb: {  	v14 =	vadd.f32 v15, v14;
	v15 =	vmul.f32 v17, v4  }
0xec: {  	v17 =	vmax.f32 v21, v19;
	v19 =	vmul.f32 $2.000000030e-01, v23;
	v21 =	vadd.f32 v26, v27  }
0xed: {  	v14 =	vadd.f32 v15, v14;
	v15 =	vmul.f32 v17, v5  }
0xee: {  	v17 =	vmax.f32 v23, v19;
	v19 =	vmul.f32 $2.000000030e-01, v21;
	v23 =	vadd.f32 v28, v29  }
0xef: {  	v14 =	vadd.f32 v15, v14;
	v15 =	vmul.f32 v17, v6  }
0xf0: {  	v17 =	vmax.f32 v21, v19;
	v19 =	vmul.f32 $2.000000030e-01, v23  }
0xf1: {  	v14 =	vadd.f32 v15, v14;
	v15 =	vmul.f32 v17, v7  }
0xf2: {  	v17 =	vmax.f32 v23, v19  }
0xf3: {  	v14 =	vadd.f32 v15, v14;
	v15 =	vmul.f32 v17, v8;
	_ =	sdelay $0x1  }
0xf4: {  	v14 =	vadd.f32 v15, v14;
	_ =	sdelay $0x1  }
0xf5: {  	(xrf2) =	vadd.scan.msk.f32 $0xffff, v14;
	_ =	sdelay $0x9  }
0xf6: {  	v14, _, _ =	vpop (xrf2)  }
0xf7: {  	v14 =	vperm.xlane v14, v0;
	_ =	sdelay $0x1  }
0xf8: {  	v14 =	vmul.f32 $1.442695020e+00, v14;
	_ =	sdelay $0x1  }
0xf9: {  	s31 =	sadd.s32 $0x3, s21;
	s21 =	smov.u32 s30;
	(erf) = vpow2.f32 v14  }
0xfa: {  	v14 =	vmov s31  }
0xfb: {  	v14 =	vand.u32 $0x7F, v14  }
0xfc: {  	v14 =	vor.u32 v11, v14  }
0xfd: {  	v14 =	vbroadcast v14, $0x0;
	_ =	sdelay $0x4  }
0xfe: {  	v15 =	vpop (erf)  }
0xff: {  	[tilespmem:v14+s24+$0x0] =	vst.idx.msk $0x1, v15;
	v13 =	vmul.f32 v15, v13;
	v14 =	vmul.f32 v15, v16;
	_ =	sdelay $0x1  }
0x100: {  	v16 =	vmul.f32 v15, v20;
	[tilespmem:v9+s17+$0x80 ss:$0x1] =	vst.idx.msk $0xffff, v13;
	v13 =	vmul.f32 v15, v18  }
0x101: {  	[tilespmem:v9+s17+$0x90 ss:$0x1] =	vst.idx.msk $0xffff, v14;
	v14 =	vmul.f32 v15, v22  }
0x102: {  	[tilespmem:v9+s17+$0xA0 ss:$0x1] =	vst.idx.msk $0xffff, v13;
	v13 =	vmul.f32 v15, v25  }
0x103: {  	[tilespmem:v9+s17+$0xB0 ss:$0x1] =	vst.idx.msk $0xffff, v16;
	v16 =	vmul.f32 v15, v27  }
0x104: {  	[tilespmem:v9+s17+$0xC0 ss:$0x1] =	vst.idx.msk $0xffff, v14  }
0x105: {  	[tilespmem:v9+s17+$0xD0 ss:$0x1] =	vst.idx.msk $0xffff, v13;
	v13 =	vmul.f32 v15, v29  }
0x106: {  	[tilespmem:v9+s17+$0xE0 ss:$0x1] =	vst.idx.msk $0xffff, v16  }
0x107: {  	[tilespmem:v9+s17+$0xF0 ss:$0x1] =	vst.idx.msk $0xffff, v13;
	s17 =	smov.u32 s28  }
0x108: {  	v13 =	vld.idx.msk [tilespmem:v10+s17+$0xFFFFFF10 ss:$0x1], $0xffff  }
0x109: {  	v17 =	vld.idx.msk [tilespmem:v9+s17+$0x0 ss:$0x1], $0xffff  }
0x10a: {  	v18 =	vld.idx.msk [tilespmem:v9+s17+$0x10 ss:$0x1], $0xffff  }
0x10b: {  	v14 =	vld.idx.msk [tilespmem:v10+s17+$0xFFFFFF20 ss:$0x1], $0xffff  }
0x10c: {  	v19 =	vld.idx.msk [tilespmem:v9+s17+$0x20 ss:$0x1], $0xffff  }
0x10d: {  	v15 =	vld.idx.msk [tilespmem:v10+s17+$0xFFFFFF30 ss:$0x1], $0xffff  }
0x10e: {  	v20 =	vld.idx.msk [tilespmem:v9+s17+$0x30 ss:$0x1], $0xffff  }
0x10f: {  	v21 =	vadd.f32 v17, v13;
	v16 =	vld.idx.msk [tilespmem:v10+s17+$0xFFFFFF40 ss:$0x1], $0xffff  }
0x110: {  	v22 =	vld.idx.msk [tilespmem:v9+s17+$0x40 ss:$0x1], $0xffff  }
0x111: {  	v23 =	vmul.f32 $2.000000030e-01, v21;
	v24 =	vadd.f32 v18, v14;
	v17 =	vld.idx.msk [tilespmem:v10+s17+$0xFFFFFF50 ss:$0x1], $0xffff  }
0x112: {  	v25 =	vld.idx.msk [tilespmem:v9+s17+$0x50 ss:$0x1], $0xffff  }
0x113: {  	v21 =	vmax.f32 v21, v23;
	v23 =	vmul.f32 $2.000000030e-01, v24;
	v26 =	vadd.f32 v19, v15;
	v18 =	vld.idx.msk [tilespmem:v10+s17+$0xFFFFFF60 ss:$0x1], $0xffff  }
0x114: {  	v21 =	vmul.f32 v21, v1;
	v27 =	vld.idx.msk [tilespmem:v9+s17+$0x60 ss:$0x1], $0xffff  }
0x115: {  	v23 =	vmax.f32 v24, v23;
	v24 =	vmul.f32 $2.000000030e-01, v26;
	v28 =	vadd.f32 v20, v16;
	v19 =	vld.idx.msk [tilespmem:v10+s17+$0xFFFFFF70 ss:$0x1], $0xffff  }
0x116: {  	v21 =	vadd.f32 $0.0e+00, v21;
	v23 =	vmul.f32 v23, v2;
	v29 =	vld.idx.msk [tilespmem:v9+s17+$0x70 ss:$0x1], $0xffff  }
0x117: {  	v24 =	vmax.f32 v26, v24;
	v26 =	vmul.f32 $2.000000030e-01, v28;
	v22 =	vadd.f32 v22, v17;
	v20 =	vld.idx.msk [tilespmem:v10+s17+$0xFFFFFF80 ss:$0x1], $0xffff  }
0x118: {  	v21 =	vadd.f32 v23, v21;
	v23 =	vmul.f32 v24, v3  }
0x119: {  	v24 =	vmax.f32 v28, v26;
	v26 =	vmul.f32 $2.000000030e-01, v22;
	v25 =	vadd.f32 v25, v18  }
0x11a: {  	v21 =	vadd.f32 v23, v21;
	v23 =	vmul.f32 v24, v4  }
0x11b: {  	v22 =	vmax.f32 v22, v26;
	v24 =	vmul.f32 $2.000000030e-01, v25;
	v26 =	vadd.f32 v27, v19  }
0x11c: {  	v21 =	vadd.f32 v23, v21;
	v22 =	vmul.f32 v22, v5  }
0x11d: {  	v23 =	vmax.f32 v25, v24;
	v24 =	vmul.f32 $2.000000030e-01, v26;
	v25 =	vadd.f32 v29, v20  }
0x11e: {  	v21 =	vadd.f32 v22, v21;
	v22 =	vmul.f32 v23, v6  }
0x11f: {  	v23 =	vmax.f32 v26, v24;
	v24 =	vmul.f32 $2.000000030e-01, v25  }
0x120: {  	v21 =	vadd.f32 v22, v21;
	v22 =	vmul.f32 v23, v7  }
0x121: {  	v23 =	vmax.f32 v25, v24  }
0x122: {  	v21 =	vadd.f32 v22, v21;
	v22 =	vmul.f32 v23, v8;
	_ =	sdelay $0x1  }
0x123: {  	v21 =	vadd.f32 v22, v21;
	_ =	sdelay $0x1  }
0x124: {  	(xrf2) =	vadd.scan.msk.f32 $0xffff, v21;
	_ =	sdelay $0x9  }
0x125: {  	v21, _, _ =	vpop (xrf2)  }
.Ltmp7:
0x126: {  	v21 =	vperm.xlane v21, v0;
	(pc) =	sbr.rel @p1 .LBB2_7-.Ltmp7, $3  }
0x127: {  	_ = 	snop  }
0x128: {  	v21 =	vmul.f32 $1.442695020e+00, v21;
	_ =	sdelay $0x1  }
0x129: {  	(erf) = vpow2.f32 v21  }
0x12a: {  	_ =	sdelay $0x3  }
0x12b: {  	v12 =	vbroadcast v12, $0x0;
	_ =	sdelay $0x3  }
0x12c: {  	v21 =	vpop (erf)  }
0x12d: {  	v13 =	vmul.f32 v21, v13  }
0x12e: {  	[tilespmem:v12+s24+$0x0] =	vst.idx.msk $0x1, v21;
	v54 =	vmul.f32 v21, v14  }
0x12f: {  	v55 =	vmul.f32 v21, v15;
	[tilespmem:v9+s17+$0x0 ss:$0x1] =	vst.idx.msk $0xffff, v13  }
0x130: {  	v56 =	vmul.f32 v21, v16;
	[tilespmem:v9+s17+$0x10 ss:$0x1] =	vst.idx.msk $0xffff, v54  }
0x131: {  	v57 =	vmul.f32 v21, v17;
	[tilespmem:v9+s17+$0x20 ss:$0x1] =	vst.idx.msk $0xffff, v55  }
0x132: {  	v58 =	vmul.f32 v21, v18;
	[tilespmem:v9+s17+$0x30 ss:$0x1] =	vst.idx.msk $0xffff, v56  }
0x133: {  	v59 =	vmul.f32 v21, v19;
	[tilespmem:v9+s17+$0x40 ss:$0x1] =	vst.idx.msk $0xffff, v57  }
0x134: {  	v60 =	vmul.f32 v21, v20;
	[tilespmem:v9+s17+$0x50 ss:$0x1] =	vst.idx.msk $0xffff, v58  }
0x135: {  	[tilespmem:v9+s17+$0x60 ss:$0x1] =	vst.idx.msk $0xffff, v59  }
0x136: {  	[tilespmem:v9+s17+$0x70 ss:$0x1] =	vst.idx.msk $0xffff, v60  }
0x137: {  	v12 =	vld.idx.msk [tilespmem:v10+s17+$0xFFFFFF90 ss:$0x1], $0xffff  }
0x138: {  	v13 =	vld.idx.msk [tilespmem:v9+s17+$0x80 ss:$0x1], $0xffff  }
0x139: {  	v61 =	vld.idx.msk [tilespmem:v9+s17+$0x90 ss:$0x1], $0xffff  }
0x13a: {  	v62 =	vld.idx.msk [tilespmem:v10+s17+$0xFFFFFFA0 ss:$0x1], $0xffff  }
0x13b: {  	v30 =	vld.idx.msk [tilespmem:v9+s17+$0xA0 ss:$0x1], $0xffff  }
0x13c: {  	v31 =	vld.idx.msk [tilespmem:v10+s17+$0xFFFFFFB0 ss:$0x1], $0xffff  }
0x13d: {  	v32 =	vld.idx.msk [tilespmem:v9+s17+$0xB0 ss:$0x1], $0xffff;
	v13 =	vadd.f32 v13, v12  }
0x13e: {  	v33 =	vld.idx.msk [tilespmem:v10+s17+$0xFFFFFFC0 ss:$0x1], $0xffff  }
0x13f: {  	v34 =	vld.idx.msk [tilespmem:v9+s17+$0xC0 ss:$0x1], $0xffff;
	v14 =	vadd.f32 v61, v62;
	v35 =	vmul.f32 $2.000000030e-01, v13  }
0x140: {  	v22 =	vld.idx.msk [tilespmem:v10+s17+$0xFFFFFFD0 ss:$0x1], $0xffff  }
0x141: {  	v23 =	vld.idx.msk [tilespmem:v9+s17+$0xD0 ss:$0x1], $0xffff;
	v16 =	vadd.f32 v30, v31;
	v36 =	vmul.f32 $2.000000030e-01, v14;
	v13 =	vmax.f32 v13, v35  }
0x142: {  	v24 =	vld.idx.msk [tilespmem:v10+s17+$0xFFFFFFE0 ss:$0x1], $0xffff;
	v13 =	vmul.f32 v13, v1  }
0x143: {  	v25 =	vld.idx.msk [tilespmem:v9+s17+$0xE0 ss:$0x1], $0xffff;
	v18 =	vadd.f32 v32, v33;
	v37 =	vmul.f32 $2.000000030e-01, v16;
	v14 =	vmax.f32 v14, v36  }
0x144: {  	v26 =	vld.idx.msk [tilespmem:v10+s17+$0xFFFFFFF0 ss:$0x1], $0xffff;
	v14 =	vmul.f32 v14, v2;
	v13 =	vadd.f32 $0.0e+00, v13  }
0x145: {  	v27 =	vld.idx.msk [tilespmem:v9+s17+$0xF0 ss:$0x1], $0xffff;
	v20 =	vadd.f32 v34, v22;
	v38 =	vmul.f32 $2.000000030e-01, v18;
	v16 =	vmax.f32 v16, v37  }
0x146: {  	v10 =	vld.idx.msk [tilespmem:v10+s17+$0x0 ss:$0x1], $0xffff;
	v39 =	vmul.f32 v16, v3;
	v13 =	vadd.f32 v14, v13  }
0x147: {  	v42 =	vadd.f32 v23, v24;
	v41 =	vmul.f32 $2.000000030e-01, v20;
	v40 =	vmax.f32 v18, v38  }
0x148: {  	v43 =	vmul.f32 v40, v4;
	v13 =	vadd.f32 v39, v13  }
0x149: {  	v46 =	vadd.f32 v25, v26;
	v45 =	vmul.f32 $2.000000030e-01, v42;
	v44 =	vmax.f32 v20, v41  }
0x14a: {  	v47 =	vmul.f32 v44, v5;
	v13 =	vadd.f32 v43, v13  }
0x14b: {  	v50 =	vadd.f32 v27, v10;
	v49 =	vmul.f32 $2.000000030e-01, v46;
	v48 =	vmax.f32 v42, v45  }
0x14c: {  	v51 =	vmul.f32 v48, v6;
	v13 =	vadd.f32 v47, v13  }
0x14d: {  	v53 =	vmul.f32 $2.000000030e-01, v50;
	v52 =	vmax.f32 v46, v49  }
0x14e: {  	v54 =	vmul.f32 v52, v7;
	v13 =	vadd.f32 v51, v13  }
0x14f: {  	v55 =	vmax.f32 v50, v53  }
0x150: {  	v56 =	vmul.f32 v55, v8;
	v13 =	vadd.f32 v54, v13;
	_ =	sdelay $0x1  }
0x151: {  	v13 =	vadd.f32 v56, v13;
	_ =	sdelay $0x1  }
0x152: {  	(xrf2) =	vadd.scan.msk.f32 $0xffff, v13;
	_ =	sdelay $0x9  }
0x153: {  	v13, _, _ =	vpop (xrf2)  }
0x154: {  	v13 =	vperm.xlane v13, v0;
	_ =	sdelay $0x1  }
0x155: {  	v13 =	vmul.f32 $1.442695020e+00, v13;
	_ =	sdelay $0x1  }
0x156: {  	(erf) = vpow2.f32 v13  }
0x157: {  	s21 =	sadd.s32 $0x3, s21  }
0x158: {  	v57 =	vmov s21  }
0x159: {  	v13 =	vand.u32 $0x7F, v57  }
0x15a: {  	v11 =	vor.u32 v11, v13  }
0x15b: {  	v11 =	vbroadcast v11, $0x0;
	_ =	sdelay $0x3  }
0x15c: {  	v58 =	vpop (erf)  }
0x15d: {  	v12 =	vmul.f32 v58, v12  }
0x15e: {  	[tilespmem:v11+s24+$0x0] =	vst.idx.msk $0x1, v58;
	v11 =	vmul.f32 v58, v62  }
0x15f: {  	v59 =	vmul.f32 v58, v31;
	[tilespmem:v9+s17+$0x80 ss:$0x1] =	vst.idx.msk $0xffff, v12  }
0x160: {  	v60 =	vmul.f32 v58, v33;
	[tilespmem:v9+s17+$0x90 ss:$0x1] =	vst.idx.msk $0xffff, v11  }
0x161: {  	v11 =	vmul.f32 v58, v22;
	[tilespmem:v9+s17+$0xA0 ss:$0x1] =	vst.idx.msk $0xffff, v59  }
0x162: {  	v61 =	vmul.f32 v58, v24;
	[tilespmem:v9+s17+$0xB0 ss:$0x1] =	vst.idx.msk $0xffff, v60  }
0x163: {  	v62 =	vmul.f32 v58, v26;
	[tilespmem:v9+s17+$0xC0 ss:$0x1] =	vst.idx.msk $0xffff, v11  }
0x164: {  	s14 =	sand.u32 $0x800, s14;
	s13 =	sshll.u32 s13, $0x7;
	v10 =	vmul.f32 v58, v10;
	[tilespmem:v9+s17+$0xD0 ss:$0x1] =	vst.idx.msk $0xffff, v61  }
.Ltmp8:
0x165: {  	s13 =	sor.u32 s13, s14;
	[tilespmem:v9+s17+$0xE0 ss:$0x1] =	vst.idx.msk $0xffff, v62;
	(pc) =	sbr.rel .LBB2_9-.Ltmp8, $4  }
0x166: {  	s28 =	sadd.s32 $0x6, s25;
	s13 =	sor.u32 $0x1000, s13;
	[tilespmem:v9+s17+$0xF0 ss:$0x1] =	vst.idx.msk $0xffff, v10  }
0x167: {  	[spmem:s3] =	stream.indirect.scatter.add.f32 [tilespmem:s20], [sflag:s28], $0x80, s13, s29, $0xb8;
	v63 =	vld [tilespmem:$0x0]  }
0x168: {  	s30 =	sor.u32 $0xC000, s18;
	s31 =	sadd.s32 $0x9, s15  }
0x169: {  	[spmem:s4] =	stream.indirect.scatter.add.f32 [tilespmem:s30], [sflag:s31], $0x1, s13, s29, $0xb8;
	v63 =	vld [tilespmem:$0x0]  }
.LBB2_11:
0x16a: {  	_ =	sfence.sel $0x180000  }
0x16b: {  	[bflag:$0x0] =	sbarrier.arrive $0xFFFF  }
0x16c: {  	_ =	strace $0x9000004D  }
0x16d: {  	s0 =	stileid.u32;
	[bflag:$0x2] =	sbarrier.arrive $0xFFFF  }
0x16e: {  	p0 =	sne.s32 s0, $0x0;
	s0 =	rddreg [dreg:$0x4]  }
0x16f: {  	s0 =	sadd.s32 @!p0 $0x100000, s0  }
0x170: {  	[sflag:s0] =	ssyncadd.tile.s32 @!p0 $0x1;
	_ =	shalt  }
.Lfunc_end2:
_tile_overlayer_lowered:
.L_overlay_start_2:
0x171: {  	(tag) =	ssettag $0x2  }
0x172: {  	s0 =	rddreg [dreg:$0x0];
	s2 =	stileid.u32  }
0x173: {  	s1 =	rddreg [dreg:$0x1];
	p0 =	sne.s32 s2, $0x0  }
0x174: {  	s3 =	rddreg [dreg:$0x2];
	[bflag:$0x3] =	sbarrier.arrive $0xFFFF;
	s2 =	simm.s32 @!p0 $0x1C0D  }
0x175: {  	[timem:s3], [sflag:s2] =	dma.local @!p0 [hbm:s0], s1  }
0x176: {  	s0 =	simm.s32 @!p0 $0xD  }
0x177: {  	_ =	swait.ge @!p0 [sflag:s0], s1  }
0x178: {  	s1 =	ssub.s32 @!p0 $0x0, s1;
	[sflag:s0] =	ssyncset.done @!p0 $0x0  }
0x179: {  	[sflag:s0] =	ssyncadd.s32 @!p0 s1  }
0x17a: {  	[bflag:$0x3] =	sbarrier.arrive $0xFFFF  }
0x17b: {  	_ =	shalt  }

// kernel: kernel.9.cloned.1.call-start
scs
__scs_entry_jumppad:
0x0: {  	(pc) =	sbr.rel $0x88, $3  }
0x1: {  	(tag) =	ssettag $0x0;
	lr =	simm.s32 $0x1  }
0x2: {  	[smem:$0x3F99] =	sst lr;
	_ =	strace $0xD0000000  }
0x3: {  	_ = 	snop  }
0x4: {  	_ = 	snop  }
0x5: {  	_ = 	snop  }
0x6: {  	_ = 	snop  }
0x7: {  	_ = 	snop  }
__scs_overlays_trampoline_lowered:
0x8: {  	[smem:$0x3FA8] =	sst s0  }
0x9: {  	[smem:$0x3FA9] =	sst s1  }
0xa: {  	[smem:$0x3FAA] =	sst s2  }
0xb: {  	[smem:$0x3FAB] =	sst s3  }
0xc: {  	[smem:$0x3FAC] =	sst s4  }
0xd: {  	[smem:$0x3FAD] =	sst s5  }
0xe: {  	[smem:$0x3FAE] =	sst s6  }
0xf: {  	[smem:$0x3FAF] =	sst s7  }
0x10: {  	[smem:$0x3FB0] =	sst s8  }
0x11: {  	[smem:$0x3FB1] =	sst s9;
	s0 =	simm.s32 @!p0 $0x0  }
0x12: {  	s1 =	sld [smem:$0x3F97];
	s0 =	simm.s32 @p0 $0x1  }
0x13: {  	[smem:$0x3FB2] =	sst s0;
	s0 =	simm.s32 @!p1 $0x0  }
0x14: {  	s2 =	sld [smem:$0x3F96];
	s0 =	simm.s32 @p1 $0x1  }
0x15: {  	[smem:$0x3FB3] =	sst s0;
	s0 =	simm.s32 @!p2 $0x0  }
0x16: {  	s3 =	sld [smem:$0x3FDB];
	s0 =	simm.s32 @p2 $0x1  }
0x17: {  	s4 =	simm.s32 $0x1BF5;
	[smem:$0x3FB5] =	sst s0  }
0x18: {  	s0 =	sld [smem:$0x3F98];
	_ =	swait.ge [sflag:s4], $0x0  }
0x19: {  	s7 =	sld [smem:$0x3F99]  }
0x1a: {  	s8 =	sadd.s32 $0xFFFFE003, lr  }
0x1b: {  	s9 =	sadd.s32 $0xFFFFFEF7, lr;
	s5 =	simm.s32 $0xFFFFFFFF;
	p2 =	slt.u32 s8, $0xFFFFF086  }
0x1c: {  	p1 =	slt.u32 s9, $0xF7A;
	s5 =	simm.s32 @!p2 $0x0  }
0x1d: {  	s5 =	simm.s32 @p1 $0x1;
	p0 =	seq.s32 s7, s2  }
0x1e: {  	s7 =	smul.u32 @!p0 $0xF7A, s2;
	p2 =	seq.s32 @!p0 s5, $0x0  }
0x1f: {  	s9 =	smul.u32 $0xF7A, s1;
	s8 =	simm.s32 @!p0 $0x1BF5;
	p2 =	por !p2, p0  }
0x20: {  	[sflag:s8] =	ssyncset.s32 @!p0 $0xFFFFF086;
	s6 =	sadd.s32 @!p0 s3, s7;
	s7 =	simm.s32 @!p0 $0x108  }
0x21: {  	s3 =	sadd.s32 s3, s9;
	s6 =	sadd.s32 @!p0 $0x88, s6;
	s7 =	simm.s32 @p2 $0x1082  }
0x22: {  	[simem:s7], [sflag:s8] =	dma.local @!p0 [hbm:s6], $0xF7A  }
0x23: {  	s9 =	sor.u32 $0xD0000000, s2;
	s6 =	simm.s32 $0x108;
	_ =	swait.ge @!p0 [sflag:s8], $0x0  }
0x24: {  	s3 =	sadd.s32 $0x88, s3;
	s6 =	simm.s32 @!p1 $0x1082;
	[sflag:s4] =	ssyncset.s32 $0xFFFFF086  }
0x25: {  	[simem:s6], [sflag:s4] =	dma.local [hbm:s3], $0xF7A  }
0x26: {  	[smem:$0x3F99] =	sst s1;
	(tag) =	ssettag s2;
	_ =	strace s9  }
0x27: {  	s1 =	sld [smem:$0x3FA9]  }
0x28: {  	s2 =	sld [smem:$0x3FAA]  }
0x29: {  	s4 =	sld [smem:$0x3FAC]  }
0x2a: {  	p0 =	seq.s32 s5, $0x0;
	s5 =	sld [smem:$0x3FAD]  }
0x2b: {  	s6 =	sld [smem:$0x3FAE]  }
0x2c: {  	s7 =	sld [smem:$0x3FAF]  }
0x2d: {  	s3 =	simm.s32 $0x108;
	s8 =	sld [smem:$0x3FB0]  }
0x2e: {  	s3 =	simm.s32 @!p0 $0x1082;
	s9 =	sld [smem:$0x3FB1]  }
0x2f: {  	lr =	sadd.s32 s0, s3;
	s0 =	sld [smem:$0x3FA8]  }
0x30: {  	s3 =	sld [smem:$0x3FAB]  }
0x31: {  	[smem:$0x3FB4] =	sst s10  }
0x32: {  	s10 =	sld [smem:$0x3FB2];
	_ =	sdelay $0x3  }
0x33: {  	p0 =	seq.s32 s10, $0x1;
	s10 =	sld [smem:$0x3FB4];
	_ =	sdelay $0x3  }
0x34: {  	[smem:$0x3FB4] =	sst s10  }
0x35: {  	s10 =	sld [smem:$0x3FB3];
	_ =	sdelay $0x3  }
0x36: {  	p1 =	seq.s32 s10, $0x1;
	s10 =	sld [smem:$0x3FB4];
	_ =	sdelay $0x3  }
0x37: {  	[smem:$0x3FB4] =	sst s10  }
0x38: {  	s10 =	sld [smem:$0x3FB5]  }
0x39: {  	_ = 	snop;
	(pc) =	sbr.ind lr, $3  }
0x3a: {  	_ = 	snop  }
0x3b: {  	_ = 	snop  }
0x3c: {  	p2 =	seq.s32 s10, $0x1;
	s10 =	sld [smem:$0x3FB4]  }
0x3d: {  	_ =	shalt  }
0x3e: {  	_ =	shalt  }
0x3f: {  	_ =	shalt  }
0x40: {  	_ =	shalt  }
0x41: {  	_ =	shalt  }
0x42: {  	_ =	shalt  }
0x43: {  	_ =	shalt  }
0x44: {  	_ =	shalt  }
0x45: {  	_ =	shalt  }
0x46: {  	_ =	shalt  }
0x47: {  	_ =	shalt  }
0x48: {  	_ =	shalt  }
0x49: {  	_ =	shalt  }
0x4a: {  	_ =	shalt  }
0x4b: {  	_ =	shalt  }
0x4c: {  	_ =	shalt  }
0x4d: {  	_ =	shalt  }
0x4e: {  	_ =	shalt  }
0x4f: {  	_ =	shalt  }
0x50: {  	_ =	shalt  }
0x51: {  	_ =	shalt  }
0x52: {  	_ =	shalt  }
0x53: {  	_ =	shalt  }
0x54: {  	_ =	shalt  }
0x55: {  	_ =	shalt  }
0x56: {  	_ =	shalt  }
0x57: {  	_ =	shalt  }
0x58: {  	_ =	shalt  }
0x59: {  	_ =	shalt  }
0x5a: {  	_ =	shalt  }
0x5b: {  	_ =	shalt  }
0x5c: {  	_ =	shalt  }
0x5d: {  	_ =	shalt  }
0x5e: {  	_ =	shalt  }
0x5f: {  	_ =	shalt  }
0x60: {  	_ =	shalt  }
0x61: {  	_ =	shalt  }
0x62: {  	_ =	shalt  }
0x63: {  	_ =	shalt  }
0x64: {  	_ =	shalt  }
0x65: {  	_ =	shalt  }
0x66: {  	_ =	shalt  }
0x67: {  	_ =	shalt  }
0x68: {  	_ =	shalt  }
0x69: {  	_ =	shalt  }
0x6a: {  	_ =	shalt  }
0x6b: {  	_ =	shalt  }
0x6c: {  	_ =	shalt  }
0x6d: {  	_ =	shalt  }
0x6e: {  	_ =	shalt  }
0x6f: {  	_ =	shalt  }
0x70: {  	_ =	shalt  }
0x71: {  	_ =	shalt  }
0x72: {  	_ =	shalt  }
0x73: {  	_ =	shalt  }
0x74: {  	_ =	shalt  }
0x75: {  	_ =	shalt  }
0x76: {  	_ =	shalt  }
0x77: {  	_ =	shalt  }
0x78: {  	_ =	shalt  }
0x79: {  	_ =	shalt  }
0x7a: {  	_ =	shalt  }
0x7b: {  	_ =	shalt  }
0x7c: {  	_ =	shalt  }
0x7d: {  	_ =	shalt  }
0x7e: {  	_ =	shalt  }
0x7f: {  	_ =	shalt  }
0x80: {  	_ =	shalt  }
0x81: {  	_ =	shalt  }
0x82: {  	_ =	shalt  }
0x83: {  	_ =	shalt  }
0x84: {  	_ =	shalt  }
0x85: {  	_ =	shalt  }
0x86: {  	_ =	shalt  }
0x87: {  	_ =	shalt  }
.Lfunc_end0:
.L_simem_size_0:
called_computation_lowered:
.L_overlay_start_0:
0x88: {  	s2 =	sld [smem:$0x3FD9]  }
0x89: {  	s3 =	sld [smem:$0x3FFE];
	_ =	sdelay $0x1  }
0x8a: {  	s1 =	srdreg.scid  }
0x8b: {  	s0 =	sand.u32 $0x1, s1  }
0x8c: {  	s17 =	sshll.u32 s0, $0xA;
	s2 =	sadd.s32 s3, s2  }
0x8d: {  	s2 =	sadd.s32 s2, s17  }
0x8e: {  	[smem:$0x3FC0] =	sst s2  }
0x8f: {  	_ = 	snop  }
0x90: {  	s2 =	sld [smem:$0x3FC6];
	(tm) =	ssettm $0x1  }
0x91: {  	s18 =	sld [smem:$0x3FFB];
	_ =	sdelay $0x3  }
0x92: {  	_ =	strace s18  }
0x93: {  	s3 =	sld [smem:$0x3FFC];
	_ =	sdelay $0x3  }
0x94: {  	_ =	strace s3  }
0x95: {  	s3 =	sld [smem:$0x3FFD];
	_ =	sdelay $0x3  }
0x96: {  	_ =	strace s3  }
0x97: {  	_ =	strace $0x8FFFFFFF  }
0x98: {  	s19 =	sld [smem:$0x3FDB];
	_ =	sdelay $0x1  }
0x99: {  	s4 =	simm.s32 $_scs_section_size  }
0x9a: {  	s5 =	simm.s32 $_size__tile_overlayer_lowered;
	s6 =	simm.s32 $_tile_overlayer_lowered  }
0x9b: {  	s22 =	simm.s32 $0x1BFF;
	s21 =	sshll.u32 s6, $0x1;
	s3 =	sadd.s32 s4, s19  }
0x9c: {  	s7 =	simm.s32 $0x0;
	s20 =	sshll.u32 s5, $0x1;
	s5 =	sadd.s32 s21, s3  }
0x9d: {  	[timem:s7], [sflag:s22] =	dma.local [hbm:s5], s20  }
0x9e: {  	_ =	swait.ge [sflag:s22], s20  }
0x9f: {  	s4 =	ssub.s32 $0x0, s20;
	[sflag:s22] =	ssyncset.done $0x0  }
0xa0: {  	[sflag:s22] =	ssyncadd.s32 s4;
	_ =	sdelay $0x1  }
0xa1: {  	s23 =	simm.s32 $0x1B8B  }
0xa2: {  	_ =	swait.ge [sflag:s23], $0x1  }
0xa3: {  	[sflag:s23] =	ssyncset.done $0x0  }
0xa4: {  	s25 =	simm.s32 $0x1B8E;
	s24 =	sld [smem:$0x3FFE];
	[sflag:s23] =	ssyncadd.s32 $0xFFFFFFFF  }
0xa5: {  	s26 =	simm.s32 $execute0_lowered;
	[smem:$0x3FD2] =	sst s25  }
0xa6: {  	s5 =	sshll.u32 s26, $0x1;
	_ =	strace $0x80000046;
	[dreg:$0x1] =	wrdreg $0xFFFFFFFF  }
0xa7: {  	s28 =	simm.s32 $_size_execute0_lowered;
	s3 =	sadd.s32 s3, s5;
	[dreg:$0x0] =	wrdreg $0x0  }
0xa8: {  	s5 =	sshll.u32 s28, $0x1;
	[dreg:$0x2] =	wrdreg s3  }
0xa9: {  	[dreg:$0x3] =	wrdreg s5  }
0xaa: {  	[dreg:$0x4] =	wrdreg $0xC0  }
0xab: {  	_ =	task [dreg:s7], $0x5FFFF  }
0xac: {  	[dreg:$0x1] =	wrdreg $0xFFFFFFFF  }
0xad: {  	[dreg:$0x0] =	wrdreg $0x60  }
0xae: {  	[dreg:$0x2] =	wrdreg s24  }
0xaf: {  	[dreg:$0x3] =	wrdreg s2  }
0xb0: {  	[dreg:$0x4] =	wrdreg $0xC1800  }
0xb1: {  	[dreg:$0x5] =	wrdreg $0x1FD800  }
0xb2: {  	[dreg:$0x6] =	wrdreg $0x9  }
0xb3: {  	_ =	task.clear_ibuf [dreg:s7], $0x7FFFF;
	_ =	strace $0x90000046  }
0xb4: {  	s29 =	simm.s32 $0x9;
	_ =	strace $0x80000048  }
0xb5: {  	_ =	swait.ge [sflag:s29], $0x1  }
0xb6: {  	[sflag:s29] =	ssyncadd.s32 $0xFFFFFFFF  }
0xb7: {  	_ =	strace $0x90000048  }
0xb8: {  	_ =	sfence  }
0xb9: {  	s30 =	sld [smem:$0x0];
	_ =	sdelay $0x2  }
0xba: {  	s31 =	sshll.u32 s1, $0xD;
	s1 =	sshrl.u32 s1, $0x2  }
0xbb: {  	s3 =	sand.u32 $0x4000, s31;
	s1 =	sadd.s32 s1, s30  }
0xbc: {  	s0 =	sor.u32 s3, s0;
	s1 =	sshll.u32 s1, $0x11  }
0xbd: {  	s0 =	sor.u32 s1, s0  }
0xbe: {  	s0 =	sadd.s32 $0x8F2B, s0  }
0xbf: {  	[sflag:s0] =	ssyncadd.remote.s32 $0x1  }
0xc0: {  	_ =	sfence.sel $0xFFFF  }
0xc1: {  	[dreg:$0x0] =	wrdreg $0xFFFFFFFF;
	(pc) =	sbr.abs _section_cstart, $3  }
0xc2: {  	[dreg:$0x1] =	wrdreg $0xFFFFFFFF  }
0xc3: {  	_ =	task.clear_ibuf [dreg:s7], $0x2FFFF;
	_ =	strace $0x9FFFFFFF  }
0xc4: {  	(tm) =	ssettm $0x7FFFFFFF  }
0xc5: {  	_ =	shalt  }
tec
execute0_lowered:
.L_overlay_start_1:
0x0: {  	(tag) =	ssettag $0x1  }
0x1: {  	s0 =	rddreg [dreg:$0x0]  }
0x2: {  	s3 =	rddreg [dreg:$0x2]  }
0x3: {  	s4 =	rddreg [dreg:$0x3];
	s16 =	stileid.u32;
	s5 =	simm.s32 $0x0  }
0x4: {  	s2 =	srdreg.scid;
	s29 =	simm.s32 $0x40;
	s1 =	smul.u32 $0x2780, s16  }
0x5: {  	[smem:$0x7FF] =	sst s5;
	s9 =	smul.u32 $0x280, s16;
	s2 =	sand.u32 $0x1, s2  }
0x6: {  	s6 =	sadd.s32 $0x2AC00, s0;
	s7 =	sadd.s32 $0x16C00, s0;
	s8 =	sadd.s32 $0x2C00, s0  }
0x7: {  	s21 =	sshll.u32 s16, $0x6;
	_ =	strace $0x80000047;
	s10 =	smul.u32 $0x27800, s2  }
0x8: {  	s11 =	smul.u32 $0x2800, s2;
	s17 =	ssub.s32 $0x2, s2;
	s2 =	sshll.u32 s2, $0x4  }
0x9: {  	s12 =	sadd.s32 s1, s0;
	s13 =	sshrl.u32 s9, $0x3;
	s14 =	sshrl.u32 s17, $0x1  }
0xa: {  	s2 =	sor.u32 s16, s2;
	s13 =	sadd.s32 s13, s0;
	s1 =	sadd.s32 s1, s10  }
0xb: {  	s15 =	sadd.s32 s9, s11;
	s18 =	ssub.s32 s17, s14;
	s22 =	smul.u32 $0xA00, s2  }
0xc: {  	s23 =	sadd.s32 $0x52A00, s12;
	s9 =	sadd.s32 s9, s4;
	s19 =	smul.u32 $0x2800, s2  }
0xd: {  	s1 =	sadd.s32 s1, s0;
	s10 =	sshrl.u32 s15, $0x3;
	[dreg:$0x6] =	wrdreg s23  }
0xe: {  	s15 =	smul.u32 $0x4F000, s16;
	[dreg:$0x7] =	wrdreg s9;
	s24 =	sadd.s32 $0x52400, s13  }
0xf: {  	s16 =	smul.u32 $0x5000, s2;
	s31 =	smax.u32 s18, $0x1;
	[dreg:$0x8] =	wrdreg s24  }
0x10: {  	s23 =	simm.s32 $0xD;
	s25 =	sadd.s32 s7, s22;
	[dreg:$0xf] =	wrdreg s31  }
0x11: {  	s0 =	sadd.s32 s10, s0;
	s26 =	sadd.s32 s8, s22;
	[dreg:$0x9] =	wrdreg s25  }
0x12: {  	s28 =	sor.u32 $0x100, s22;
	s1 =	sadd.s32 $0x7AC00, s1;
	[dreg:$0xa] =	wrdreg s26  }
.Ltmp0:
0x13: {  	s30 =	sadd.s32 s7, s28;
	[dreg:$0xd] =	wrdreg s1;
	(pc) =	sbr.rel .LBB2_1-.Ltmp0, $4  }
0x14: {  	s24 =	simm.s32 $0xC000;
	s9 =	sadd.s32 s8, s28;
	[dreg:$0xb] =	wrdreg s30  }
0x15: {  	s20 =	sshrl.u32 s15, $0x2;
	s0 =	sadd.s32 $0x7A200, s0;
	[dreg:$0xc] =	wrdreg s9  }
0x16: {  	s1 =	simm.s32 $0x0;
	s11 =	sadd.s32 s20, s3;
	[dreg:$0xe] =	wrdreg s0  }
0x17: {  	v0 =	vimm.s32 $0xF;
	s0 =	simm.s32 $0xA;
	[dreg:$0x5] =	wrdreg s11;
	s11 =	sor.u32 $0x1C0D, s21  }
.LBB2_10:
0x18: {  	s10 =	simm.s32 $0x7  }
0x19: {  	_ =	swait.ge [sflag:s10], $0x2000  }
0x1a: {  	[sflag:s10] =	ssyncset.done $0x0  }
0x1b: {  	s22 =	simm.s32 $0x8;
	[sflag:s10] =	ssyncadd.s32 $0xFFFFE000  }
0x1c: {  	_ =	swait.ge [sflag:s22], $0x2000  }
0x1d: {  	[sflag:s22] =	ssyncset.done $0x0  }
0x1e: {  	s25 =	simm.s32 $0x6;
	[sflag:s22] =	ssyncadd.s32 $0xFFFFE000  }
0x1f: {  	_ =	swait.ge [sflag:s25], $0x2000  }
0x20: {  	[sflag:s25] =	ssyncset.done $0x0  }
0x21: {  	s26 =	simm.s32 $0x9;
	[sflag:s25] =	ssyncadd.s32 $0xFFFFE000  }
0x22: {  	_ =	swait.ge [sflag:s26], $0x40  }
0x23: {  	[sflag:s26] =	ssyncset.done $0x0  }
0x24: {  	[sflag:s26] =	ssyncadd.s32 $0xFFFFFFC0  }
0x25: {  	_ =	swait.ge [sflag:s0], $0x40  }
0x26: {  	[sflag:s0] =	ssyncset.done $0x0  }
0x27: {  	[sflag:s0] =	ssyncadd.s32 $0xFFFFFFC0  }
0x28: {  	[bflag:$0x0] =	sbarrier.arrive $0xFFFF  }
0x29: {  	s28 =	rddreg [dreg:$0xd]  }
0x2a: {  	[hbm:s28], [sflag:s11] =	dma.local [spmem:s2], $0x2780  }
0x2b: {  	_ =	swait.ge [sflag:s23], $0x2780  }
0x2c: {  	[sflag:s23] =	ssyncset.done $0x0  }
0x2d: {  	s30 =	rddreg [dreg:$0xe];
	[sflag:s23] =	ssyncadd.s32 $0xFFFFD880  }
0x2e: {  	[hbm:s30], [sflag:s11] =	dma.local [spmem:s9], $0x50  }
0x2f: {  	_ =	swait.ge [sflag:s23], $0x50  }
0x30: {  	s1 =	sadd.s32 $0x1, s1;
	s31 =	rddreg [dreg:$0xf]  }
0x31: {  	p0 =	sne.s32 s1, s31  }
.Ltmp1:
0x32: {  	_ = 	snop;
	(pc) =	sbr.rel @!p0 .LBB2_11-.Ltmp1, $3  }
0x33: {  	_ =	sdelay $0x1  }
0x34: {  	[sflag:s23] =	ssyncset.done $0x0  }
0x35: {  	[sflag:s23] =	ssyncadd.s32 $0xFFFFFFB0  }
.LBB2_1:
0x36: {  	s2 =	rddreg [dreg:$0x5]  }
0x37: {  	s9 =	rddreg [dreg:$0x6];
	s2 =	sshrl.u32 s2, $0x3  }
0x38: {  	[spmem:s2], [sflag:s11] =	dma.local [hbm:s9], $0x2780  }
0x39: {  	_ =	swait.ge [sflag:s23], $0x2780  }
0x3a: {  	[sflag:s23] =	ssyncset.done $0x0;
	s13 =	rddreg [dreg:$0x7]  }
0x3b: {  	s10 =	rddreg [dreg:$0x8];
	[sflag:s23] =	ssyncadd.s32 $0xFFFFD880;
	s9 =	sshrl.u32 s13, $0x3  }
0x3c: {  	[spmem:s9], [sflag:s11] =	dma.local [hbm:s10], $0x50  }
0x3d: {  	_ =	swait.ge [sflag:s23], $0x50  }
0x3e: {  	[sflag:s23] =	ssyncset.done $0x0  }
0x3f: {  	[sflag:s23] =	ssyncadd.s32 $0xFFFFFFB0  }
0x40: {  	s12 =	simm.s32 $0xC100;
	s14 =	rddreg [dreg:$0x1]  }
0x41: {  	[tilespmem:s12], [sflag:$0xD] =	stream.linear.gather [hbm4b:s14+s5], $0x80, $0x38;
	v63 =	vld [tilespmem:$0x0]  }
0x42: {  	_ =	swait.ge [sflag:s23], $0x80  }
0x43: {  	[sflag:s23] =	ssyncset.done $0x0  }
0x44: {  	[sflag:s23] =	ssyncadd.s32 $0xFFFFFF80  }
0x45: {  	v1 =	vld [tilespmem:$0xC100]  }
0x46: {  	v2 =	vld [tilespmem:$0xC110]  }
0x47: {  	v3 =	vld [tilespmem:$0xC120]  }
0x48: {  	v4 =	vld [tilespmem:$0xC130]  }
0x49: {  	v5 =	vld [tilespmem:$0xC140]  }
0x4a: {  	v6 =	vld [tilespmem:$0xC150]  }
0x4b: {  	v7 =	vld [tilespmem:$0xC160]  }
0x4c: {  	v8 =	vld [tilespmem:$0xC170];
	[bflag:$0x0] =	sbarrier.arrive $0xFFFF  }
0x4d: {  	s15 =	rddreg [dreg:$0x9]  }
0x4e: {  	[tilespmem:s5], [sflag:$0xD] =	stream.linear.gather [hbm4b:s15+s5], $0x800, $0x38;
	v63 =	vld [tilespmem:$0x0]  }
0x4f: {  	_ =	swait.ge [sflag:s23], $0x800  }
0x50: {  	[sflag:s23] =	ssyncset.done $0x0  }
0x51: {  	s18 =	simm.s32 $0x1000;
	s17 =	rddreg [dreg:$0xa];
	[sflag:s23] =	ssyncadd.s32 $0xFFFFF800  }
0x52: {  	[tilespmem:s18], [sflag:$0xD] =	stream.linear.gather [hbm4b:s17+s5], $0x800, $0x38;
	v63 =	vld [tilespmem:$0x0]  }
0x53: {  	_ =	swait.ge [sflag:s23], $0x800  }
0x54: {  	[sflag:s23] =	ssyncset.done $0x0  }
0x55: {  	s13 =	simm.s32 $0x800;
	s20 =	rddreg [dreg:$0xb];
	[sflag:s23] =	ssyncadd.s32 $0xFFFFF800  }
0x56: {  	[tilespmem:s13], [sflag:$0xB] =	stream.linear.gather [hbm4b:s20+s5], $0x800, $0x38;
	v63 =	vld [tilespmem:$0x0]  }
0x57: {  	s22 =	simm.s32 $0x1800;
	s21 =	rddreg [dreg:$0xc]  }
0x58: {  	[tilespmem:s22], [sflag:$0xC] =	stream.linear.gather [hbm4b:s21+s5], $0x800, $0x38;
	v63 =	vld [tilespmem:$0x0]  }
0x59: {  	s25 =	simm.s32 $0x2000  }
0x5a: {  	[tilespmem:s25], [sflag:$0x1] =	stream.indirect.gather [hbm4b:s6+s29], $0x80, s5, s29, $0xb8;
	v63 =	vld [tilespmem:$0x0]  }
0x5b: {  	s10 =	simm.s32 $0x6000  }
0x5c: {  	[tilespmem:s10], [sflag:$0x3] =	stream.indirect.gather [hbm4b:s6+s29], $0x80, s18, s29, $0xb8;
	v63 =	vld [tilespmem:$0x0]  }
.Ltmp2:
0x5d: {  	_ = 	snop;
	(pc) =	sbr.rel .LBB2_2-.Ltmp2, $4  }
0x5e: {  	s26 =	simm.s32 $0x80;
	s28 =	simm.s32 $0x4000;
	s30 =	simm.s32 $0x1080  }
0x5f: {  	[tilespmem:s28], [sflag:$0x2] =	stream.indirect.gather [hbm4b:s6+s29], $0x80, s26, s29, $0xb8;
	v63 =	vld [tilespmem:$0x0]  }
0x60: {  	s31 =	simm.s32 $0x8000;
	p0 =	por $0x0, $0x0;
	s12 =	simm.s32 $0x0  }
0x61: {  	[tilespmem:s31], [sflag:$0x4] =	stream.indirect.gather [hbm4b:s6+s29], $0x80, s30, s29, $0xb8;
	v63 =	vld [tilespmem:$0x0]  }
.LBB2_9:
0x62: {  	s13 =	sadd.s32 $0x2, s12  }
0x63: {  	s14 =	sshll.u32 s13, $0x6  }
0x64: {  	p2 =	sgt.u32 s12, $0x9D;
	s14 =	sadd.s32 s19, s14  }
0x65: {  	p4 =	sgt.u32 @!p2 s14, $0x4E1FF  }
0x66: {  	p1 =	por p4, p2  }
0x67: {  	p5 =	seq.s32 @!p1 s12, $0x0  }
0x68: {  	p3 =	por @!p2 p5, p4  }
0x69: {  	p3 =	por p3, p2  }
0x6a: {  	s14 =	smul.u32 @!p3 $0xAB, s13;
	_ =	sdelay $0x1  }
0x6b: {  	s17 =	sshll.u32 @!p1 s15, $0xD;
	s18 =	sshll.u32 @!p1 s13, $0x7;
	s14 =	sshrl.u32 @!p3 s14, $0x9  }
0x6c: {  	s15 =	sadd.s32 @!p1 $0x1, s15;
	s20 =	simm.s32 @!p1 $0x40;
	s14 =	sand.u32 @!p3 $0x7F, s14  }
0x6d: {  	s17 =	sadd.s32 @!p1 $0x2000, s17;
	s18 =	sand.u32 @!p1 $0xF80, s18;
	s14 =	smul.u32 @!p3 $0x3, s14  }
0x6e: {  	[tilespmem:s17], [sflag:s15] =	stream.indirect.gather @!p1 [hbm4b:s6+s20], $0x80, s18, s20, $0xb8;
	v63 =	vld [tilespmem:$0x0]  }
0x6f: {  	s13 =	ssub.s32 @!p3 s13, s14  }
0x70: {  	s13 =	sand.u32 @!p3 $0xFF, s13  }
0x71: {  	p4 =	por @!p2 !p5, p4;
	s14 =	sadd.s32 @!p3 $0x6, s13  }
0x72: {  	p2 =	por !p4, p2;
	_ =	swait.ge @!p3 [sflag:s14], $0x2000  }
0x73: {  	s13 =	simm.s32 @p2 $0x2;
	[sflag:s14] =	ssyncset.done @!p3 $0x0  }
0x74: {  	s12 =	sadd.s32 $0x1, s12;
	[sflag:s14] =	ssyncadd.s32 @!p3 $0xFFFFE000;
	s14 =	sshll.u32 @!p1 s13, $0xD  }
0x75: {  	s15 =	sor.u32 @!p1 $0x1000, s18;
	s13 =	sadd.s32 @!p1 $0x3, s13;
	s14 =	sadd.s32 @!p1 $0x6000, s14  }
0x76: {  	[tilespmem:s14], [sflag:s13] =	stream.indirect.gather @!p1 [hbm4b:s6+s20], $0x80, s15, s20, $0xb8;
	v63 =	vld [tilespmem:$0x0]  }
0x77: {  	p1 =	sne.s32 s12, $0xA0  }
.Ltmp3:
0x78: {  	_ = 	snop;
	(pc) =	sbr.rel @!p1 .LBB2_10-.Ltmp3, $2  }
0x79: {  	_ =	sdelay $0x2  }
0x7a: {  	s10 =	sadd.s32 $0x2000, s10;
	p0 =	por !p0, !p0  }
.LBB2_2:
0x7b: {  	s14 =	sshrl.u32 s12, $0x4;
	s13 =	sand.u32 $0xF, s12  }
0x7c: {  	p1 =	sne.s32 s13, $0x0;
	s15 =	sadd.s32 $0xFFFFFFFF, s14  }
0x7d: {  	p2 =	sgt.u32 @!p1 s15, $0x7  }
0x7e: {  	p1 =	por p1, p2  }
.Ltmp4:
0x7f: {  	_ = 	snop;
	(pc) =	sbr.rel @p1 .LBB2_4-.Ltmp4, $2  }
0x80: {  	_ =	sdelay $0x2  }
0x81: {  	s14 =	sshll.u32 s14, $0xB  }
0x82: {  	s15 =	sadd.s32 $0x800, s14  }
0x83: {  	s17 =	sadd.s32 s16, s15  }
.Ltmp5:
0x84: {  	s17 =	sshrl.u32 s17, $0x3;
	(pc) =	sbr.rel .LBB2_5-.Ltmp5, $4  }
0x85: {  	s15 =	sand.u32 $0x800, s15;
	s18 =	sadd.s32 s7, s17  }
0x86: {  	[tilespmem:s15], [sflag:$0xB] =	stream.linear.gather [hbm4b:s18+s5], $0x800, $0x38;
	v63 =	vld [tilespmem:$0x0]  }
0x87: {  	s17 =	sadd.s32 s8, s17;
	s15 =	sor.u32 $0x1000, s15  }
0x88: {  	[tilespmem:s15], [sflag:$0xC] =	stream.linear.gather [hbm4b:s17+s5], $0x800, $0x38;
	v63 =	vld [tilespmem:$0x0]  }
.LBB2_4:
0x89: {  	p1 =	sgt.u32 s12, $0x8F  }
0x8a: {  	p2 =	sne.s32 @!p1 s13, $0xE  }
0x8b: {  	p1 =	por p2, p1  }
0x8c: {  	s15 =	simm.s32 @!p1 $0xB  }
0x8d: {  	_ =	swait.ge @!p1 [sflag:s15], $0x800  }
0x8e: {  	[sflag:s15] =	ssyncset.done @!p1 $0x0  }
0x8f: {  	[sflag:s15] =	ssyncadd.s32 @!p1 $0xFFFFF800;
	s15 =	simm.s32 @!p1 $0xC  }
0x90: {  	_ =	swait.ge @!p1 [sflag:s15], $0x800  }
0x91: {  	[sflag:s15] =	ssyncset.done @!p1 $0x0  }
0x92: {  	[sflag:s15] =	ssyncadd.s32 @!p1 $0xFFFFF800  }
.LBB2_5:
0x93: {  	s15 =	sshll.u32 s12, $0x6  }
0x94: {  	s15 =	sadd.s32 s19, s15  }
0x95: {  	p1 =	sgt.u32 s15, $0x4E1FF  }
.Ltmp6:
0x96: {  	_ = 	snop;
	(pc) =	sbr.rel @p1 .LBB2_9-.Ltmp6, $2  }
0x97: {  	_ =	sdelay $0x2  }
0x98: {  	s15 =	sand.u32 $0x1, s12  }
0x99: {  	s17 =	smul.u32 $0xAB, s12;
	_ =	sdelay $0x1  }
0x9a: {  	s17 =	sshrl.u32 s17, $0x9  }
0x9b: {  	s18 =	smulhi.u32 $0xAAAAAAAB, s12;
	s17 =	sand.u32 $0x7F, s17  }
0x9c: {  	s20 =	sadd.s32 $0x1, s15;
	s17 =	smul.u32 $0x3, s17  }
0x9d: {  	s21 =	simm.s32 $0x1;
	_ =	swait.ge [sflag:s20], $0x2000  }
0x9e: {  	s21 =	simm.s32 @!p0 $0x0;
	s18 =	sshrl.u32 s18, $0x1;
	s17 =	ssub.s32 s12, s17  }
0x9f: {  	[sflag:s20] =	ssyncset.done $0x0;
	s18 =	smul.u32 $0xFFFE8000, s18;
	s25 =	sand.u32 $0xFF, s17  }
0xa0: {  	s28 =	sshll.u32 s21, $0xD;
	[sflag:s20] =	ssyncadd.s32 $0xFFFFE000;
	s30 =	sadd.s32 $0x3, s25  }
0xa1: {  	s18 =	sshra.s32 s18, $0x2;
	s17 =	sadd.s32 $0x20F0, s28;
	_ =	swait.ge [sflag:s30], $0x2000  }
0xa2: {  	p1 =	slt.u32 s12, $0x2;
	s18 =	sadd.s32 s18, s10;
	v10 =	vmov s17;
	[sflag:s30] =	ssyncset.done $0x0  }
0xa3: {  	v9 =	vmov s18;
	s17 =	sadd.s32 @!p1 $0x9, s15;
	[sflag:s30] =	ssyncadd.s32 $0xFFFFE000  }
0xa4: {  	_ =	swait.ge @!p1 [sflag:s17], $0x40  }
0xa5: {  	[sflag:s17] =	ssyncset.done @!p1 $0x0  }
0xa6: {  	[sflag:s17] =	ssyncadd.s32 @!p1 $0xFFFFFFC0;
	s17 =	simm.s32 $0x0  }
0xa7: {  	v13 =	vld.idx.msk [tilespmem:v10+s17+$0xFFFFFF10 ss:$0x1], $0xffff  }
0xa8: {  	v11 =	vld.idx.msk [tilespmem:v9+s17+$0x0 ss:$0x1], $0xffff  }
0xa9: {  	v12 =	vld.idx.msk [tilespmem:v9+s17+$0x10 ss:$0x1], $0xffff  }
0xaa: {  	v14 =	vld.idx.msk [tilespmem:v10+s17+$0xFFFFFF20 ss:$0x1], $0xffff  }
0xab: {  	v18 =	vld.idx.msk [tilespmem:v9+s17+$0x20 ss:$0x1], $0xffff  }
0xac: {  	v15 =	vld.idx.msk [tilespmem:v10+s17+$0xFFFFFF30 ss:$0x1], $0xffff  }
0xad: {  	v19 =	vld.idx.msk [tilespmem:v9+s17+$0x30 ss:$0x1], $0xffff;
	v11 =	vadd.f32 v11, v13  }
0xae: {  	v16 =	vld.idx.msk [tilespmem:v10+s17+$0xFFFFFF40 ss:$0x1], $0xffff  }
0xaf: {  	v20 =	vld.idx.msk [tilespmem:v9+s17+$0x40 ss:$0x1], $0xffff;
	v12 =	vadd.f32 v12, v14;
	v21 =	vmul.f32 $2.000000030e-01, v11  }
0xb0: {  	v17 =	vld.idx.msk [tilespmem:v10+s17+$0xFFFFFF50 ss:$0x1], $0xffff  }
0xb1: {  	v22 =	vld.idx.msk [tilespmem:v9+s17+$0x50 ss:$0x1], $0xffff;
	v23 =	vadd.f32 v18, v15;
	v11 =	vmax.f32 v11, v21;
	v21 =	vmul.f32 $2.000000030e-01, v12  }
0xb2: {  	v18 =	vld.idx.msk [tilespmem:v10+s17+$0xFFFFFF60 ss:$0x1], $0xffff;
	v11 =	vmul.f32 v11, v1  }
0xb3: {  	v24 =	vld.idx.msk [tilespmem:v9+s17+$0x60 ss:$0x1], $0xffff;
	v25 =	vadd.f32 v19, v16;
	v12 =	vmax.f32 v12, v21;
	v21 =	vmul.f32 $2.000000030e-01, v23  }
0xb4: {  	v19 =	vld.idx.msk [tilespmem:v10+s17+$0xFFFFFF70 ss:$0x1], $0xffff;
	v11 =	vadd.f32 $0.0e+00, v11;
	v12 =	vmul.f32 v12, v2  }
0xb5: {  	v26 =	vld.idx.msk [tilespmem:v9+s17+$0x70 ss:$0x1], $0xffff;
	v27 =	vadd.f32 v20, v17;
	v21 =	vmax.f32 v23, v21;
	v23 =	vmul.f32 $2.000000030e-01, v25  }
0xb6: {  	v20 =	vld.idx.msk [tilespmem:v10+s17+$0xFFFFFF80 ss:$0x1], $0xffff;
	v11 =	vadd.f32 v12, v11;
	v12 =	vmul.f32 v21, v3  }
0xb7: {  	v22 =	vadd.f32 v22, v18;
	v21 =	vmax.f32 v25, v23;
	v23 =	vmul.f32 $2.000000030e-01, v27  }
0xb8: {  	v11 =	vadd.f32 v12, v11;
	v12 =	vmul.f32 v21, v4  }
0xb9: {  	v24 =	vadd.f32 v24, v19;
	v21 =	vmax.f32 v27, v23;
	v23 =	vmul.f32 $2.000000030e-01, v22  }
0xba: {  	v11 =	vadd.f32 v12, v11;
	v12 =	vmul.f32 v21, v5  }
0xbb: {  	v21 =	vmax.f32 v22, v23;
	v22 =	vmul.f32 $2.000000030e-01, v24;
	v23 =	vadd.f32 v26, v20  }
0xbc: {  	v11 =	vadd.f32 v12, v11;
	v12 =	vmul.f32 v21, v6  }
0xbd: {  	v21 =	vmax.f32 v24, v22;
	v22 =	vmul.f32 $2.000000030e-01, v23  }
0xbe: {  	v11 =	vadd.f32 v12, v11;
	v12 =	vmul.f32 v21, v7  }
0xbf: {  	v21 =	vmax.f32 v23, v22  }
0xc0: {  	v11 =	vadd.f32 v12, v11;
	v12 =	vmul.f32 v21, v8;
	_ =	sdelay $0x1  }
0xc1: {  	v11 =	vadd.f32 v12, v11;
	_ =	sdelay $0x1  }
0xc2: {  	(xrf2) =	vadd.scan.msk.f32 $0xffff, v11;
	_ =	sdelay $0x9  }
0xc3: {  	v11, _, _ =	vpop (xrf2)  }
0xc4: {  	v11 =	vperm.xlane v11, v0  }
0xc5: {  	s22 =	simm.s32 $0x0  }
0xc6: {  	s18 =	sshll.u32 s15, $0x7;
	v12 =	vmov s22;
	v21 =	vmul.f32 $1.442695020e+00, v11  }
0xc7: {  	s31 =	sshll.u32 s25, $0xD;
	v12 =	vand.u32 $0x7E, v12;
	v11 =	vmov s18  }
0xc8: {  	s26 =	simm.s32 $0x0;
	s21 =	simm.s32 $0xFFFFFFFE;
	s20 =	sadd.s32 $0x6000, s31;
	v12 =	vor.u32 v11, v12;
	(erf) = vpow2.f32 v21  }
.LBB2_7:
0xc9: {  	_ =	sdelay $0x2  }
0xca: {  	s26 =	sadd.s32 $0x400, s26;
	s30 =	smov.u32 s22;
	s22 =	sadd.s32 $0x2, s22  }
0xcb: {  	v22 =	vbroadcast v12, $0x0;
	v21 =	vmov s22;
	p1 =	slt.u32 s22, $0x3E  }
0xcc: {  	s28 =	sshra.s32 s26, $0x2;
	v12 =	vand.u32 $0x7E, v21  }
0xcd: {  	v12 =	vor.u32 v11, v12;
	_ =	sdelay $0x1  }
0xce: {  	v21 =	vpop (erf)  }
0xcf: {  	v13 =	vmul.f32 v21, v13  }
0xd0: {  	v14 =	vmul.f32 v21, v14;
	[tilespmem:v22+s24+$0x0] =	vst.idx.msk $0x1, v21  }
0xd1: {  	[tilespmem:v9+s17+$0x0 ss:$0x1] =	vst.idx.msk $0xffff, v13;
	v13 =	vmul.f32 v21, v15  }
0xd2: {  	[tilespmem:v9+s17+$0x10 ss:$0x1] =	vst.idx.msk $0xffff, v14;
	v14 =	vmul.f32 v21, v16  }
0xd3: {  	[tilespmem:v9+s17+$0x20 ss:$0x1] =	vst.idx.msk $0xffff, v13;
	v13 =	vmul.f32 v21, v17  }
0xd4: {  	[tilespmem:v9+s17+$0x30 ss:$0x1] =	vst.idx.msk $0xffff, v14;
	v14 =	vmul.f32 v21, v18  }
0xd5: {  	[tilespmem:v9+s17+$0x40 ss:$0x1] =	vst.idx.msk $0xffff, v13;
	v13 =	vmul.f32 v21, v19  }
0xd6: {  	[tilespmem:v9+s17+$0x50 ss:$0x1] =	vst.idx.msk $0xffff, v14;
	v14 =	vmul.f32 v21, v20  }
0xd7: {  	[tilespmem:v9+s17+$0x60 ss:$0x1] =	vst.idx.msk $0xffff, v13  }
0xd8: {  	[tilespmem:v9+s17+$0x70 ss:$0x1] =	vst.idx.msk $0xffff, v14  }
0xd9: {  	v13 =	vld.idx.msk [tilespmem:v10+s17+$0xFFFFFF90 ss:$0x1], $0xffff  }
0xda: {  	v14 =	vld.idx.msk [tilespmem:v9+s17+$0x80 ss:$0x1], $0xffff  }
0xdb: {  	v15 =	vld.idx.msk [tilespmem:v9+s17+$0x90 ss:$0x1], $0xffff  }
0xdc: {  	v16 =	vld.idx.msk [tilespmem:v10+s17+$0xFFFFFFA0 ss:$0x1], $0xffff  }
0xdd: {  	v17 =	vld.idx.msk [tilespmem:v9+s17+$0xA0 ss:$0x1], $0xffff  }
0xde: {  	v18 =	vld.idx.msk [tilespmem:v10+s17+$0xFFFFFFB0 ss:$0x1], $0xffff  }
0xdf: {  	v19 =	vld.idx.msk [tilespmem:v9+s17+$0xB0 ss:$0x1], $0xffff  }
0xe0: {  	v14 =	vadd.f32 v14, v13;
	v20 =	vld.idx.msk [tilespmem:v10+s17+$0xFFFFFFC0 ss:$0x1], $0xffff  }
0xe1: {  	v21 =	vld.idx.msk [tilespmem:v9+s17+$0xC0 ss:$0x1], $0xffff  }
0xe2: {  	v23 =	vmul.f32 $2.000000030e-01, v14;
	v15 =	vadd.f32 v15, v16;
	v22 =	vld.idx.msk [tilespmem:v10+s17+$0xFFFFFFD0 ss:$0x1], $0xffff  }
0xe3: {  	v24 =	vld.idx.msk [tilespmem:v9+s17+$0xD0 ss:$0x1], $0xffff  }
0xe4: {  	v14 =	vmax.f32 v14, v23;
	v23 =	vmul.f32 $2.000000030e-01, v15;
	v17 =	vadd.f32 v17, v18;
	v25 =	vld.idx.msk [tilespmem:v10+s17+$0xFFFFFFE0 ss:$0x1], $0xffff  }
0xe5: {  	v14 =	vmul.f32 v14, v1;
	v26 =	vld.idx.msk [tilespmem:v9+s17+$0xE0 ss:$0x1], $0xffff  }
0xe6: {  	v15 =	vmax.f32 v15, v23;
	v23 =	vmul.f32 $2.000000030e-01, v17;
	v19 =	vadd.f32 v19, v20;
	v27 =	vld.idx.msk [tilespmem:v10+s17+$0xFFFFFFF0 ss:$0x1], $0xffff  }
0xe7: {  	v14 =	vadd.f32 $0.0e+00, v14;
	v15 =	vmul.f32 v15, v2;
	v28 =	vld.idx.msk [tilespmem:v9+s17+$0xF0 ss:$0x1], $0xffff  }
0xe8: {  	v17 =	vmax.f32 v17, v23;
	v23 =	vmul.f32 $2.000000030e-01, v19;
	v21 =	vadd.f32 v21, v22;
	v29 =	vld.idx.msk [tilespmem:v10+s17+$0x0 ss:$0x1], $0xffff  }
0xe9: {  	v14 =	vadd.f32 v15, v14;
	v15 =	vmul.f32 v17, v3  }
0xea: {  	v17 =	vmax.f32 v19, v23;
	v19 =	vmul.f32 $2.000000030e-01, v21;
	v23 =	vadd.f32 v24, v25  }
0xeb: {  	v14 =	vadd.f32 v15, v14;
	v15 =	vmul.f32 v17, v4  }
0xec: {  	v17 =	vmax.f32 v21, v19;
	v19 =	vmul.f32 $2.000000030e-01, v23;
	v21 =	vadd.f32 v26, v27  }
0xed: {  	v14 =	vadd.f32 v15, v14;
	v15 =	vmul.f32 v17, v5  }
0xee: {  	v17 =	vmax.f32 v23, v19;
	v19 =	vmul.f32 $2.000000030e-01, v21;
	v23 =	vadd.f32 v28, v29  }
0xef: {  	v14 =	vadd.f32 v15, v14;
	v15 =	vmul.f32 v17, v6  }
0xf0: {  	v17 =	vmax.f32 v21, v19;
	v19 =	vmul.f32 $2.000000030e-01, v23  }
0xf1: {  	v14 =	vadd.f32 v15, v14;
	v15 =	vmul.f32 v17, v7  }
0xf2: {  	v17 =	vmax.f32 v23, v19  }
0xf3: {  	v14 =	vadd.f32 v15, v14;
	v15 =	vmul.f32 v17, v8;
	_ =	sdelay $0x1  }
0xf4: {  	v14 =	vadd.f32 v15, v14;
	_ =	sdelay $0x1  }
0xf5: {  	(xrf2) =	vadd.scan.msk.f32 $0xffff, v14;
	_ =	sdelay $0x9  }
0xf6: {  	v14, _, _ =	vpop (xrf2)  }
0xf7: {  	v14 =	vperm.xlane v14, v0;
	_ =	sdelay $0x1  }
0xf8: {  	v14 =	vmul.f32 $1.442695020e+00, v14;
	_ =	sdelay $0x1  }
0xf9: {  	s31 =	sadd.s32 $0x3, s21;
	s21 =	smov.u32 s30;
	(erf) = vpow2.f32 v14  }
0xfa: {  	v14 =	vmov s31  }
0xfb: {  	v14 =	vand.u32 $0x7F, v14  }
0xfc: {  	v14 =	vor.u32 v11, v14  }
0xfd: {  	v14 =	vbroadcast v14, $0x0;
	_ =	sdelay $0x4  }
0xfe: {  	v15 =	vpop (erf)  }
0xff: {  	[tilespmem:v14+s24+$0x0] =	vst.idx.msk $0x1, v15;
	v13 =	vmul.f32 v15, v13;
	v14 =	vmul.f32 v15, v16;
	_ =	sdelay $0x1  }
0x100: {  	v16 =	vmul.f32 v15, v20;
	[tilespmem:v9+s17+$0x80 ss:$0x1] =	vst.idx.msk $0xffff, v13;
	v13 =	vmul.f32 v15, v18  }
0x101: {  	[tilespmem:v9+s17+$0x90 ss:$0x1] =	vst.idx.msk $0xffff, v14;
	v14 =	vmul.f32 v15, v22  }
0x102: {  	[tilespmem:v9+s17+$0xA0 ss:$0x1] =	vst.idx.msk $0xffff, v13;
	v13 =	vmul.f32 v15, v25  }
0x103: {  	[tilespmem:v9+s17+$0xB0 ss:$0x1] =	vst.idx.msk $0xffff, v16;
	v16 =	vmul.f32 v15, v27  }
0x104: {  	[tilespmem:v9+s17+$0xC0 ss:$0x1] =	vst.idx.msk $0xffff, v14  }
0x105: {  	[tilespmem:v9+s17+$0xD0 ss:$0x1] =	vst.idx.msk $0xffff, v13;
	v13 =	vmul.f32 v15, v29  }
0x106: {  	[tilespmem:v9+s17+$0xE0 ss:$0x1] =	vst.idx.msk $0xffff, v16  }
0x107: {  	[tilespmem:v9+s17+$0xF0 ss:$0x1] =	vst.idx.msk $0xffff, v13;
	s17 =	smov.u32 s28  }
0x108: {  	v13 =	vld.idx.msk [tilespmem:v10+s17+$0xFFFFFF10 ss:$0x1], $0xffff  }
0x109: {  	v17 =	vld.idx.msk [tilespmem:v9+s17+$0x0 ss:$0x1], $0xffff  }
0x10a: {  	v18 =	vld.idx.msk [tilespmem:v9+s17+$0x10 ss:$0x1], $0xffff  }
0x10b: {  	v14 =	vld.idx.msk [tilespmem:v10+s17+$0xFFFFFF20 ss:$0x1], $0xffff  }
0x10c: {  	v19 =	vld.idx.msk [tilespmem:v9+s17+$0x20 ss:$0x1], $0xffff  }
0x10d: {  	v15 =	vld.idx.msk [tilespmem:v10+s17+$0xFFFFFF30 ss:$0x1], $0xffff  }
0x10e: {  	v20 =	vld.idx.msk [tilespmem:v9+s17+$0x30 ss:$0x1], $0xffff  }
0x10f: {  	v21 =	vadd.f32 v17, v13;
	v16 =	vld.idx.msk [tilespmem:v10+s17+$0xFFFFFF40 ss:$0x1], $0xffff  }
0x110: {  	v22 =	vld.idx.msk [tilespmem:v9+s17+$0x40 ss:$0x1], $0xffff  }
0x111: {  	v23 =	vmul.f32 $2.000000030e-01, v21;
	v24 =	vadd.f32 v18, v14;
	v17 =	vld.idx.msk [tilespmem:v10+s17+$0xFFFFFF50 ss:$0x1], $0xffff  }
0x112: {  	v25 =	vld.idx.msk [tilespmem:v9+s17+$0x50 ss:$0x1], $0xffff  }
0x113: {  	v21 =	vmax.f32 v21, v23;
	v23 =	vmul.f32 $2.000000030e-01, v24;
	v26 =	vadd.f32 v19, v15;
	v18 =	vld.idx.msk [tilespmem:v10+s17+$0xFFFFFF60 ss:$0x1], $0xffff  }
0x114: {  	v21 =	vmul.f32 v21, v1;
	v27 =	vld.idx.msk [tilespmem:v9+s17+$0x60 ss:$0x1], $0xffff  }
0x115: {  	v23 =	vmax.f32 v24, v23;
	v24 =	vmul.f32 $2.000000030e-01, v26;
	v28 =	vadd.f32 v20, v16;
	v19 =	vld.idx.msk [tilespmem:v10+s17+$0xFFFFFF70 ss:$0x1], $0xffff  }
0x116: {  	v21 =	vadd.f32 $0.0e+00, v21;
	v23 =	vmul.f32 v23, v2;
	v29 =	vld.idx.msk [tilespmem:v9+s17+$0x70 ss:$0x1], $0xffff  }
0x117: {  	v24 =	vmax.f32 v26, v24;
	v26 =	vmul.f32 $2.000000030e-01, v28;
	v22 =	vadd.f32 v22, v17;
	v20 =	vld.idx.msk [tilespmem:v10+s17+$0xFFFFFF80 ss:$0x1], $0xffff  }
0x118: {  	v21 =	vadd.f32 v23, v21;
	v23 =	vmul.f32 v24, v3  }
0x119: {  	v24 =	vmax.f32 v28, v26;
	v26 =	vmul.f32 $2.000000030e-01, v22;
	v25 =	vadd.f32 v25, v18  }
0x11a: {  	v21 =	vadd.f32 v23, v21;
	v23 =	vmul.f32 v24, v4  }
0x11b: {  	v22 =	vmax.f32 v22, v26;
	v24 =	vmul.f32 $2.000000030e-01, v25;
	v26 =	vadd.f32 v27, v19  }
0x11c: {  	v21 =	vadd.f32 v23, v21;
	v22 =	vmul.f32 v22, v5  }
0x11d: {  	v23 =	vmax.f32 v25, v24;
	v24 =	vmul.f32 $2.000000030e-01, v26;
	v25 =	vadd.f32 v29, v20  }
0x11e: {  	v21 =	vadd.f32 v22, v21;
	v22 =	vmul.f32 v23, v6  }
0x11f: {  	v23 =	vmax.f32 v26, v24;
	v24 =	vmul.f32 $2.000000030e-01, v25  }
0x120: {  	v21 =	vadd.f32 v22, v21;
	v22 =	vmul.f32 v23, v7  }
0x121: {  	v23 =	vmax.f32 v25, v24  }
0x122: {  	v21 =	vadd.f32 v22, v21;
	v22 =	vmul.f32 v23, v8;
	_ =	sdelay $0x1  }
0x123: {  	v21 =	vadd.f32 v22, v21;
	_ =	sdelay $0x1  }
0x124: {  	(xrf2) =	vadd.scan.msk.f32 $0xffff, v21;
	_ =	sdelay $0x9  }
0x125: {  	v21, _, _ =	vpop (xrf2)  }
.Ltmp7:
0x126: {  	v21 =	vperm.xlane v21, v0;
	(pc) =	sbr.rel @p1 .LBB2_7-.Ltmp7, $3  }
0x127: {  	_ = 	snop  }
0x128: {  	v21 =	vmul.f32 $1.442695020e+00, v21;
	_ =	sdelay $0x1  }
0x129: {  	(erf) = vpow2.f32 v21  }
0x12a: {  	_ =	sdelay $0x3  }
0x12b: {  	v12 =	vbroadcast v12, $0x0;
	_ =	sdelay $0x3  }
0x12c: {  	v21 =	vpop (erf)  }
0x12d: {  	v13 =	vmul.f32 v21, v13  }
0x12e: {  	[tilespmem:v12+s24+$0x0] =	vst.idx.msk $0x1, v21;
	v54 =	vmul.f32 v21, v14  }
0x12f: {  	v55 =	vmul.f32 v21, v15;
	[tilespmem:v9+s17+$0x0 ss:$0x1] =	vst.idx.msk $0xffff, v13  }
0x130: {  	v56 =	vmul.f32 v21, v16;
	[tilespmem:v9+s17+$0x10 ss:$0x1] =	vst.idx.msk $0xffff, v54  }
0x131: {  	v57 =	vmul.f32 v21, v17;
	[tilespmem:v9+s17+$0x20 ss:$0x1] =	vst.idx.msk $0xffff, v55  }
0x132: {  	v58 =	vmul.f32 v21, v18;
	[tilespmem:v9+s17+$0x30 ss:$0x1] =	vst.idx.msk $0xffff, v56  }
0x133: {  	v59 =	vmul.f32 v21, v19;
	[tilespmem:v9+s17+$0x40 ss:$0x1] =	vst.idx.msk $0xffff, v57  }
0x134: {  	v60 =	vmul.f32 v21, v20;
	[tilespmem:v9+s17+$0x50 ss:$0x1] =	vst.idx.msk $0xffff, v58  }
0x135: {  	[tilespmem:v9+s17+$0x60 ss:$0x1] =	vst.idx.msk $0xffff, v59  }
0x136: {  	[tilespmem:v9+s17+$0x70 ss:$0x1] =	vst.idx.msk $0xffff, v60  }
0x137: {  	v12 =	vld.idx.msk [tilespmem:v10+s17+$0xFFFFFF90 ss:$0x1], $0xffff  }
0x138: {  	v13 =	vld.idx.msk [tilespmem:v9+s17+$0x80 ss:$0x1], $0xffff  }
0x139: {  	v61 =	vld.idx.msk [tilespmem:v9+s17+$0x90 ss:$0x1], $0xffff  }
0x13a: {  	v62 =	vld.idx.msk [tilespmem:v10+s17+$0xFFFFFFA0 ss:$0x1], $0xffff  }
0x13b: {  	v30 =	vld.idx.msk [tilespmem:v9+s17+$0xA0 ss:$0x1], $0xffff  }
0x13c: {  	v31 =	vld.idx.msk [tilespmem:v10+s17+$0xFFFFFFB0 ss:$0x1], $0xffff  }
0x13d: {  	v32 =	vld.idx.msk [tilespmem:v9+s17+$0xB0 ss:$0x1], $0xffff;
	v13 =	vadd.f32 v13, v12  }
0x13e: {  	v33 =	vld.idx.msk [tilespmem:v10+s17+$0xFFFFFFC0 ss:$0x1], $0xffff  }
0x13f: {  	v34 =	vld.idx.msk [tilespmem:v9+s17+$0xC0 ss:$0x1], $0xffff;
	v14 =	vadd.f32 v61, v62;
	v35 =	vmul.f32 $2.000000030e-01, v13  }
0x140: {  	v22 =	vld.idx.msk [tilespmem:v10+s17+$0xFFFFFFD0 ss:$0x1], $0xffff  }
0x141: {  	v23 =	vld.idx.msk [tilespmem:v9+s17+$0xD0 ss:$0x1], $0xffff;
	v16 =	vadd.f32 v30, v31;
	v36 =	vmul.f32 $2.000000030e-01, v14;
	v13 =	vmax.f32 v13, v35  }
0x142: {  	v24 =	vld.idx.msk [tilespmem:v10+s17+$0xFFFFFFE0 ss:$0x1], $0xffff;
	v13 =	vmul.f32 v13, v1  }
0x143: {  	v25 =	vld.idx.msk [tilespmem:v9+s17+$0xE0 ss:$0x1], $0xffff;
	v18 =	vadd.f32 v32, v33;
	v37 =	vmul.f32 $2.000000030e-01, v16;
	v14 =	vmax.f32 v14, v36  }
0x144: {  	v26 =	vld.idx.msk [tilespmem:v10+s17+$0xFFFFFFF0 ss:$0x1], $0xffff;
	v14 =	vmul.f32 v14, v2;
	v13 =	vadd.f32 $0.0e+00, v13  }
0x145: {  	v27 =	vld.idx.msk [tilespmem:v9+s17+$0xF0 ss:$0x1], $0xffff;
	v20 =	vadd.f32 v34, v22;
	v38 =	vmul.f32 $2.000000030e-01, v18;
	v16 =	vmax.f32 v16, v37  }
0x146: {  	v10 =	vld.idx.msk [tilespmem:v10+s17+$0x0 ss:$0x1], $0xffff;
	v39 =	vmul.f32 v16, v3;
	v13 =	vadd.f32 v14, v13  }
0x147: {  	v42 =	vadd.f32 v23, v24;
	v41 =	vmul.f32 $2.000000030e-01, v20;
	v40 =	vmax.f32 v18, v38  }
0x148: {  	v43 =	vmul.f32 v40, v4;
	v13 =	vadd.f32 v39, v13  }
0x149: {  	v46 =	vadd.f32 v25, v26;
	v45 =	vmul.f32 $2.000000030e-01, v42;
	v44 =	vmax.f32 v20, v41  }
0x14a: {  	v47 =	vmul.f32 v44, v5;
	v13 =	vadd.f32 v43, v13  }
0x14b: {  	v50 =	vadd.f32 v27, v10;
	v49 =	vmul.f32 $2.000000030e-01, v46;
	v48 =	vmax.f32 v42, v45  }
0x14c: {  	v51 =	vmul.f32 v48, v6;
	v13 =	vadd.f32 v47, v13  }
0x14d: {  	v53 =	vmul.f32 $2.000000030e-01, v50;
	v52 =	vmax.f32 v46, v49  }
0x14e: {  	v54 =	vmul.f32 v52, v7;
	v13 =	vadd.f32 v51, v13  }
0x14f: {  	v55 =	vmax.f32 v50, v53  }
0x150: {  	v56 =	vmul.f32 v55, v8;
	v13 =	vadd.f32 v54, v13;
	_ =	sdelay $0x1  }
0x151: {  	v13 =	vadd.f32 v56, v13;
	_ =	sdelay $0x1  }
0x152: {  	(xrf2) =	vadd.scan.msk.f32 $0xffff, v13;
	_ =	sdelay $0x9  }
0x153: {  	v13, _, _ =	vpop (xrf2)  }
0x154: {  	v13 =	vperm.xlane v13, v0;
	_ =	sdelay $0x1  }
0x155: {  	v13 =	vmul.f32 $1.442695020e+00, v13;
	_ =	sdelay $0x1  }
0x156: {  	(erf) = vpow2.f32 v13  }
0x157: {  	s21 =	sadd.s32 $0x3, s21  }
0x158: {  	v57 =	vmov s21  }
0x159: {  	v13 =	vand.u32 $0x7F, v57  }
0x15a: {  	v11 =	vor.u32 v11, v13  }
0x15b: {  	v11 =	vbroadcast v11, $0x0;
	_ =	sdelay $0x3  }
0x15c: {  	v58 =	vpop (erf)  }
0x15d: {  	v12 =	vmul.f32 v58, v12  }
0x15e: {  	[tilespmem:v11+s24+$0x0] =	vst.idx.msk $0x1, v58;
	v11 =	vmul.f32 v58, v62  }
0x15f: {  	v59 =	vmul.f32 v58, v31;
	[tilespmem:v9+s17+$0x80 ss:$0x1] =	vst.idx.msk $0xffff, v12  }
0x160: {  	v60 =	vmul.f32 v58, v33;
	[tilespmem:v9+s17+$0x90 ss:$0x1] =	vst.idx.msk $0xffff, v11  }
0x161: {  	v11 =	vmul.f32 v58, v22;
	[tilespmem:v9+s17+$0xA0 ss:$0x1] =	vst.idx.msk $0xffff, v59  }
0x162: {  	v61 =	vmul.f32 v58, v24;
	[tilespmem:v9+s17+$0xB0 ss:$0x1] =	vst.idx.msk $0xffff, v60  }
0x163: {  	v62 =	vmul.f32 v58, v26;
	[tilespmem:v9+s17+$0xC0 ss:$0x1] =	vst.idx.msk $0xffff, v11  }
0x164: {  	s14 =	sand.u32 $0x800, s14;
	s13 =	sshll.u32 s13, $0x7;
	v10 =	vmul.f32 v58, v10;
	[tilespmem:v9+s17+$0xD0 ss:$0x1] =	vst.idx.msk $0xffff, v61  }
.Ltmp8:
0x165: {  	s13 =	sor.u32 s13, s14;
	[tilespmem:v9+s17+$0xE0 ss:$0x1] =	vst.idx.msk $0xffff, v62;
	(pc) =	sbr.rel .LBB2_9-.Ltmp8, $4  }
0x166: {  	s28 =	sadd.s32 $0x6, s25;
	s13 =	sor.u32 $0x1000, s13;
	[tilespmem:v9+s17+$0xF0 ss:$0x1] =	vst.idx.msk $0xffff, v10  }
0x167: {  	[spmem:s3] =	stream.indirect.scatter.add.f32 [tilespmem:s20], [sflag:s28], $0x80, s13, s29, $0xb8;
	v63 =	vld [tilespmem:$0x0]  }
0x168: {  	s30 =	sor.u32 $0xC000, s18;
	s31 =	sadd.s32 $0x9, s15  }
0x169: {  	[spmem:s4] =	stream.indirect.scatter.add.f32 [tilespmem:s30], [sflag:s31], $0x1, s13, s29, $0xb8;
	v63 =	vld [tilespmem:$0x0]  }
.LBB2_11:
0x16a: {  	_ =	sfence.sel $0x180000  }
0x16b: {  	[bflag:$0x0] =	sbarrier.arrive $0xFFFF  }
0x16c: {  	_ =	strace $0x90000047  }
0x16d: {  	s0 =	stileid.u32;
	[bflag:$0x2] =	sbarrier.arrive $0xFFFF  }
0x16e: {  	p0 =	sne.s32 s0, $0x0;
	s0 =	rddreg [dreg:$0x4]  }
0x16f: {  	s0 =	sadd.s32 @!p0 $0x100000, s0  }
0x170: {  	[sflag:s0] =	ssyncadd.tile.s32 @!p0 $0x1;
	_ =	shalt  }
.Lfunc_end2:
_tile_overlayer_lowered:
.L_overlay_start_2:
0x171: {  	(tag) =	ssettag $0x2  }
0x172: {  	s0 =	rddreg [dreg:$0x0];
	s2 =	stileid.u32  }
0x173: {  	s1 =	rddreg [dreg:$0x1];
	p0 =	sne.s32 s2, $0x0  }
0x174: {  	s3 =	rddreg [dreg:$0x2];
	[bflag:$0x3] =	sbarrier.arrive $0xFFFF;
	s2 =	simm.s32 @!p0 $0x1C0D  }
0x175: {  	[timem:s3], [sflag:s2] =	dma.local @!p0 [hbm:s0], s1  }
0x176: {  	s0 =	simm.s32 @!p0 $0xD  }
0x177: {  	_ =	swait.ge @!p0 [sflag:s0], s1  }
0x178: {  	s1 =	ssub.s32 @!p0 $0x0, s1;
	[sflag:s0] =	ssyncset.done @!p0 $0x0  }
0x179: {  	[sflag:s0] =	ssyncadd.s32 @!p0 s1  }
0x17a: {  	[bflag:$0x3] =	sbarrier.arrive $0xFFFF  }
0x17b: {  	_ =	shalt  }

</sc_bundles>
